<compile_context>
chip_gen: v7x
topology: tpu7x:2x2x1
jax: 0.10.2.dev20260603
libtpu: 0.0.44.dev20260713+nightly
codegen_flags: <defaults>
</compile_context>

<pallas_src>
import functools

import jax
import jax.numpy as jnp
from jax import lax
from jax.experimental import pallas as pl
from jax.experimental.pallas import tpu as pltpu
from jax.experimental.pallas import tpu_sc as plsc

N_NODES = 10000
D = 128
E = 320000
CHUNK = 128
N_CHUNKS = E // CHUNK
N_TILES = 16
ROWS_PER_TILE = 624
LANES = 16


def _gcn_body(table, gidx, sidx, w, zeros, out_u, out_i,
              gidx_v, sidx_v, w_v, rows_v, acc, sem, si):
    c = lax.axis_index("c")
    s = lax.axis_index("s")

    r0 = pl.multiple_of(s * ROWS_PER_TILE, 8)
    n_rows = N_NODES - 15 * ROWS_PER_TILE

    @pl.when(s < N_TILES - 1)
    def _():
        pltpu.sync_copy(zeros.at[pl.ds(r0, ROWS_PER_TILE)],
                        acc.at[pl.ds(r0, ROWS_PER_TILE)])

    @pl.when(s == N_TILES - 1)
    def _():
        pltpu.sync_copy(zeros.at[pl.ds(r0, n_rows)],
                        acc.at[pl.ds(r0, n_rows)])

    plsc.subcore_barrier()

    base = N_CHUNKS // N_TILES
    rem = N_CHUNKS % N_TILES
    n_t = base + jnp.where(s < rem, 1, 0)
    start_t = s * base + jnp.minimum(s, rem)

    def chunk_body(k, carry):
        off = k * CHUNK
        goff = c * E + off
        a = pltpu.async_copy(gidx.at[pl.ds(goff, CHUNK)], gidx_v, si)
        b = pltpu.async_copy(sidx.at[pl.ds(goff, CHUNK)], sidx_v, si)
        d = pltpu.async_copy(w.at[pl.ds(off, CHUNK)], w_v, si)
        a.wait()
        b.wait()
        d.wait()
        pltpu.async_copy(table.at[gidx_v], rows_v, sem).wait()

        def scale_body(g, _):
            w_blk = w_v[pl.ds(g * LANES, LANES)]
            for j in range(LANES):
                wv = w_blk[j]
                e = g * LANES + j
                for d2 in range(D // LANES):
                    rows_v[e, pl.ds(d2 * LANES, LANES)] = (
                        rows_v[e, pl.ds(d2 * LANES, LANES)] * wv)
            return 0

        lax.fori_loop(0, CHUNK // LANES, scale_body, 0)

        pltpu.sync_copy(rows_v, acc.at[sidx_v], add=True)
        return carry

    lax.fori_loop(start_t, start_t + n_t, chunk_body, 0)
    plsc.subcore_barrier()

    @pl.when(jnp.logical_and(c == 0, s < N_TILES - 1))
    def _():
        pltpu.sync_copy(acc.at[pl.ds(r0, ROWS_PER_TILE)],
                        out_u.at[pl.ds(r0, ROWS_PER_TILE)])

    @pl.when(jnp.logical_and(c == 0, s == N_TILES - 1))
    def _():
        pltpu.sync_copy(acc.at[pl.ds(r0, n_rows)],
                        out_u.at[pl.ds(r0, n_rows)])

    @pl.when(jnp.logical_and(c == 1, s < N_TILES - 1))
    def _():
        pltpu.sync_copy(acc.at[pl.ds(r0, ROWS_PER_TILE)],
                        out_i.at[pl.ds(r0, ROWS_PER_TILE)])

    @pl.when(jnp.logical_and(c == 1, s == N_TILES - 1))
    def _():
        pltpu.sync_copy(acc.at[pl.ds(r0, n_rows)],
                        out_i.at[pl.ds(r0, n_rows)])


@jax.jit
def _gcn(table, gidx, sidx, w, zeros):
    mesh = plsc.VectorSubcoreMesh(core_axis_name="c", subcore_axis_name="s")
    f = functools.partial(
        pl.kernel,
        mesh=mesh,
        out_type=(jax.ShapeDtypeStruct((N_NODES, D), jnp.float32),
                  jax.ShapeDtypeStruct((N_NODES, D), jnp.float32)),
        scratch_types=[
            pltpu.VMEM((CHUNK,), jnp.int32),
            pltpu.VMEM((CHUNK,), jnp.int32),
            pltpu.VMEM((CHUNK,), jnp.float32),
            pltpu.VMEM((CHUNK, D), jnp.float32),
            pltpu.VMEM_SHARED((N_NODES, D), jnp.float32),
            pltpu.SemaphoreType.DMA,
            pltpu.SemaphoreType.DMA,
        ],
    )(_gcn_body)
    return f(table, gidx, sidx, w, zeros)


def kernel(user_emb, item_emb, edge_index, edge_weight):
    rows = edge_index[0].astype(jnp.int32)
    cols = edge_index[1].astype(jnp.int32)
    table = jnp.concatenate([item_emb, user_emb], axis=0)
    gidx = jnp.concatenate([cols, rows + N_NODES])
    sidx = jnp.concatenate([rows, cols])
    zeros = jnp.zeros((N_NODES, D), jnp.float32)
    return _gcn(table, gidx, sidx, edge_weight, zeros)

# --- scband reference (transcript-rebuilt; emitter-appended) ---
"""Pipeline reference for scband-light-gcnlayer-87866440942260 (READ-ONLY COPY).

The authoritative reference and input builder live on the scoring server;
editing this copy changes nothing except your own understanding.
"""

import jax, jax.numpy as jnp
import numpy as np

NUM_USERS = 10000
NUM_ITEMS = 10000
EMBED_DIM = 128
NUM_EDGES = 320000


def setup_inputs(seed: int = 0) -> dict:
    key = jax.random.key(seed)
    k1, k2, k3, k4, k5 = jax.random.split(key, 5)
    user_emb = jax.random.normal(k1, (NUM_USERS, EMBED_DIM), dtype=jnp.float32)
    item_emb = jax.random.normal(k2, (NUM_ITEMS, EMBED_DIM), dtype=jnp.float32)
    rows = jax.random.randint(k3, (NUM_EDGES,), 0, NUM_USERS)
    cols = jax.random.randint(k4, (NUM_EDGES,), 0, NUM_ITEMS)
    edge_index = jnp.stack([rows, cols], axis=0)
    edge_weight = jax.random.uniform(k5, (NUM_EDGES,), dtype=jnp.float32)
    return {
        "user_emb": user_emb,
        "item_emb": item_emb,
        "edge_index": edge_index,
        "edge_weight": edge_weight,
    }


def reference(user_emb, item_emb, edge_index, edge_weight):
    # LightGCN parameter-free propagation over the bipartite user-item graph.
    # ui_adj (sparse [num_users, num_items]) @ item_emb  -> updated_users
    # iu_adj (sparse [num_items, num_users]) @ user_emb  -> updated_items
    # iu_adj is the transpose of ui_adj (same edges, swapped roles).
    rows = edge_index[0]  # user indices per edge
    cols = edge_index[1]  # item indices per edge

    # gather item embeddings along edges, scale by sparse values, scatter-add to users
    gathered_items = jnp.take(item_emb, cols, axis=0) * edge_weight[:, None]
    updated_users = jax.ops.segment_sum(gathered_items, rows, num_segments=NUM_USERS)

    # gather user embeddings along edges, scale by sparse values, scatter-add to items
    gathered_users = jnp.take(user_emb, rows, axis=0) * edge_weight[:, None]
    updated_items = jax.ops.segment_sum(gathered_users, cols, num_segments=NUM_ITEMS)

    return (updated_users, updated_items)

if __name__ == "__main__":
    import jax
    _d = setup_inputs()
    print(jax.jit(kernel)(*tuple(_d.values())))

</pallas_src>

<mosaic_0001>
#map = affine_map<(d0, d1) -> (0, 0)>
#map1 = affine_map<(d0, d1) -> (0)>
module attributes {stable_mosaic.version = 14 : i64} {
  func.func @_gcn_body(%arg0: i32, %arg1: i32, %arg2: memref<20000x128xf32, #tpu.memory_space<hbm>>, %arg3: memref<640000xi32, #tpu.memory_space<hbm>>, %arg4: memref<640000xi32, #tpu.memory_space<hbm>>, %arg5: memref<320000xf32, #tpu.memory_space<hbm>>, %arg6: memref<10000x128xf32, #tpu.memory_space<hbm>>, %arg7: memref<10000x128xf32, #tpu.memory_space<hbm>>, %arg8: memref<10000x128xf32, #tpu.memory_space<hbm>>, %arg9: memref<128xi32, #tpu.memory_space<vmem>>, %arg10: memref<128xi32, #tpu.memory_space<vmem>>, %arg11: memref<128xf32, #tpu.memory_space<vmem>>, %arg12: memref<128x128xf32, #tpu.memory_space<vmem>>, %arg13: memref<10000x128xf32, #tpu.memory_space<vmem_shared>>, %arg14: memref<!tpu.dma_semaphore, #tpu.memory_space<semaphore_mem>>, %arg15: memref<!tpu.dma_semaphore, #tpu.memory_space<semaphore_mem>>) attributes {dimension_semantics = [#tpu.dimension_semantics<core_parallel>, #tpu.dimension_semantics<subcore_parallel>], iteration_bounds = array<i64: 2, 16>, scalar_prefetch = 0 : i64, scratch_operands = 7 : i64, tpu.core_type = #tpu.core_type<sc_vector_subcore>, window_params = [{transform_indices = #map}, {transform_indices = #map1}, {transform_indices = #map1}, {transform_indices = #map1}, {transform_indices = #map}, {transform_indices = #map}, {transform_indices = #map}]} {
    %mul3A = arith.constant 624 : i32
    %mul3A_0 = arith.muli %arg1, %mul3A : i32
    %multiple_of3A = tpu.assume_multiple %mul3A_0, 8 : i32
    %lt3A = arith.constant 15 : i32
    %lt3A_1 = arith.cmpi slt, %arg1, %lt3A : i32
    %convert_element_type3A = arith.extui %lt3A_1 : i1 to i32
    %cond3A = arith.constant 0 : i32
    %cond3A_2 = arith.cmpi ne, %convert_element_type3A, %cond3A : i32
    scf.if %cond3A_2 {
      "tpu.region"() ({
        %run_scoped3A = tpu.sem_alloc : memref<!tpu.dma_semaphore, #tpu.memory_space<semaphore_mem>>
        %dma_start3A = arith.constant 0 : i32
        %dma_start3A_56 = tpu.memref_slice %arg13[%multiple_of3A, %dma_start3A] : memref<10000x128xf32, #tpu.memory_space<vmem_shared>> -> memref<624x128xf32, #tpu.memory_space<vmem_shared>>
        %dma_start3A_57 = arith.constant 0 : i32
        %dma_start3A_58 = tpu.memref_slice %arg6[%multiple_of3A, %dma_start3A_57] : memref<10000x128xf32, #tpu.memory_space<hbm>> -> memref<624x128xf32, #tpu.memory_space<hbm>>
        tpu.enqueue_dma source(%dma_start3A_58 : memref<624x128xf32, #tpu.memory_space<hbm>>) target(%dma_start3A_56 : memref<624x128xf32, #tpu.memory_space<vmem_shared>>) target_semaphore(%run_scoped3A : memref<!tpu.dma_semaphore, #tpu.memory_space<semaphore_mem>>)
        %dma_wait3A = arith.constant 0 : i32
        %dma_wait3A_59 = tpu.memref_slice %arg13[%multiple_of3A, %dma_wait3A] : memref<10000x128xf32, #tpu.memory_space<vmem_shared>> -> memref<624x128xf32, #tpu.memory_space<vmem_shared>>
        %dma_wait3A_60 = arith.constant 0 : i32
        %dma_wait3A_61 = tpu.memref_slice %arg6[%multiple_of3A, %dma_wait3A_60] : memref<10000x128xf32, #tpu.memory_space<hbm>> -> memref<624x128xf32, #tpu.memory_space<hbm>>
        tpu.wait_dma2 semaphore(%run_scoped3A : memref<!tpu.dma_semaphore, #tpu.memory_space<semaphore_mem>>) src(%dma_wait3A_61 : memref<624x128xf32, #tpu.memory_space<hbm>>) dst(%dma_wait3A_59 : memref<624x128xf32, #tpu.memory_space<vmem_shared>>)
        tpu.yield
      }) : () -> ()
    } else {
    }
    %eq3A = arith.constant 15 : i32
    %eq3A_3 = arith.cmpi eq, %arg1, %eq3A : i32
    %convert_element_type3A_4 = arith.extui %eq3A_3 : i1 to i32
    %cond3A_5 = arith.constant 0 : i32
    %cond3A_6 = arith.cmpi ne, %convert_element_type3A_4, %cond3A_5 : i32
    scf.if %cond3A_6 {
      "tpu.region"() ({
        %run_scoped3A = tpu.sem_alloc : memref<!tpu.dma_semaphore, #tpu.memory_space<semaphore_mem>>
        %dma_start3A = arith.constant 0 : i32
        %dma_start3A_56 = tpu.memref_slice %arg13[%multiple_of3A, %dma_start3A] : memref<10000x128xf32, #tpu.memory_space<vmem_shared>> -> memref<640x128xf32, #tpu.memory_space<vmem_shared>>
        %dma_start3A_57 = arith.constant 0 : i32
        %dma_start3A_58 = tpu.memref_slice %arg6[%multiple_of3A, %dma_start3A_57] : memref<10000x128xf32, #tpu.memory_space<hbm>> -> memref<640x128xf32, #tpu.memory_space<hbm>>
        tpu.enqueue_dma source(%dma_start3A_58 : memref<640x128xf32, #tpu.memory_space<hbm>>) target(%dma_start3A_56 : memref<640x128xf32, #tpu.memory_space<vmem_shared>>) target_semaphore(%run_scoped3A : memref<!tpu.dma_semaphore, #tpu.memory_space<semaphore_mem>>)
        %dma_wait3A = arith.constant 0 : i32
        %dma_wait3A_59 = tpu.memref_slice %arg13[%multiple_of3A, %dma_wait3A] : memref<10000x128xf32, #tpu.memory_space<vmem_shared>> -> memref<640x128xf32, #tpu.memory_space<vmem_shared>>
        %dma_wait3A_60 = arith.constant 0 : i32
        %dma_wait3A_61 = tpu.memref_slice %arg6[%multiple_of3A, %dma_wait3A_60] : memref<10000x128xf32, #tpu.memory_space<hbm>> -> memref<640x128xf32, #tpu.memory_space<hbm>>
        tpu.wait_dma2 semaphore(%run_scoped3A : memref<!tpu.dma_semaphore, #tpu.memory_space<semaphore_mem>>) src(%dma_wait3A_61 : memref<640x128xf32, #tpu.memory_space<hbm>>) dst(%dma_wait3A_59 : memref<640x128xf32, #tpu.memory_space<vmem_shared>>)
        tpu.yield
      }) : () -> ()
    } else {
    }
    %barrier3A = arith.constant 0 : index
    tpu.barrier barrier_id(%barrier3A)
    %lt3A_7 = arith.constant 4 : i32
    %lt3A_8 = arith.cmpi slt, %arg1, %lt3A_7 : i32
    %jit3A = arith.constant 1 : i32
    %jit3A_9 = arith.constant 0 : i32
    %select_n3A = arith.select %lt3A_8, %jit3A, %jit3A_9 : i32
    %add3A = arith.constant 156 : i32
    %add3A_10 = arith.addi %add3A, %select_n3A : i32
    %mul3A_11 = arith.constant 156 : i32
    %mul3A_12 = arith.muli %arg1, %mul3A_11 : i32
    %min3A = arith.constant 4 : i32
    %min3A_13 = arith.minsi %arg1, %min3A : i32
    %add3A_14 = arith.addi %mul3A_12, %min3A_13 : i32
    %add3A_15 = arith.addi %add3A_14, %add3A_10 : i32
    %while3A = arith.constant 0 : i32
    %while3A_16 = arith.subi %add3A_15, %add3A_14 : i32
    %while3A_17 = arith.addi %add3A_14, %while3A_16 : i32
    %while3A_18 = arith.constant 1 : i32
    %while3A_19 = arith.divsi %while3A_16, %while3A_18 : i32
    %while3A_20 = arith.muli %while3A_19, %while3A_18 : i32
    %while3A_21 = arith.addi %add3A_14, %while3A_20 : i32
    %while3A_22 = arith.constant 1 : i32
    scf.for %while3A_56 = %add3A_14 to %while3A_21 step %while3A_22  : i32 {
      %mul3A_57 = arith.constant 128 : i32
      %mul3A_58 = arith.muli %while3A_56, %mul3A_57 : i32
      %mul3A_59 = arith.constant 320000 : i32
      %mul3A_60 = arith.muli %arg0, %mul3A_59 : i32
      %add3A_61 = arith.addi %mul3A_60, %mul3A_58 : i32
      %dma_start3A = tpu.memref_slice %arg3[%add3A_61] : memref<640000xi32, #tpu.memory_space<hbm>> -> memref<128xi32, #tpu.memory_space<hbm>>
      %dma_start3A_62 = tpu.memref_slice %arg3[%add3A_61] : memref<640000xi32, #tpu.memory_space<hbm>> -> memref<128xi32, #tpu.memory_space<hbm>>
      tpu.enqueue_dma source(%dma_start3A_62 : memref<128xi32, #tpu.memory_space<hbm>>) target(%arg9 : memref<128xi32, #tpu.memory_space<vmem>>) target_semaphore(%arg15 : memref<!tpu.dma_semaphore, #tpu.memory_space<semaphore_mem>>)
      %dma_start3A_63 = tpu.memref_slice %arg4[%add3A_61] : memref<640000xi32, #tpu.memory_space<hbm>> -> memref<128xi32, #tpu.memory_space<hbm>>
      %dma_start3A_64 = tpu.memref_slice %arg4[%add3A_61] : memref<640000xi32, #tpu.memory_space<hbm>> -> memref<128xi32, #tpu.memory_space<hbm>>
      tpu.enqueue_dma source(%dma_start3A_64 : memref<128xi32, #tpu.memory_space<hbm>>) target(%arg10 : memref<128xi32, #tpu.memory_space<vmem>>) target_semaphore(%arg15 : memref<!tpu.dma_semaphore, #tpu.memory_space<semaphore_mem>>)
      %dma_start3A_65 = tpu.memref_slice %arg5[%mul3A_58] : memref<320000xf32, #tpu.memory_space<hbm>> -> memref<128xf32, #tpu.memory_space<hbm>>
      %dma_start3A_66 = tpu.memref_slice %arg5[%mul3A_58] : memref<320000xf32, #tpu.memory_space<hbm>> -> memref<128xf32, #tpu.memory_space<hbm>>
      tpu.enqueue_dma source(%dma_start3A_66 : memref<128xf32, #tpu.memory_space<hbm>>) target(%arg11 : memref<128xf32, #tpu.memory_space<vmem>>) target_semaphore(%arg15 : memref<!tpu.dma_semaphore, #tpu.memory_space<semaphore_mem>>)
      %dma_wait3A = tpu.memref_slice %arg3[%add3A_61] : memref<640000xi32, #tpu.memory_space<hbm>> -> memref<128xi32, #tpu.memory_space<hbm>>
      %dma_wait3A_67 = tpu.memref_slice %arg3[%add3A_61] : memref<640000xi32, #tpu.memory_space<hbm>> -> memref<128xi32, #tpu.memory_space<hbm>>
      tpu.wait_dma2 semaphore(%arg15 : memref<!tpu.dma_semaphore, #tpu.memory_space<semaphore_mem>>) src(%dma_wait3A_67 : memref<128xi32, #tpu.memory_space<hbm>>) dst(%arg9 : memref<128xi32, #tpu.memory_space<vmem>>)
      %dma_wait3A_68 = tpu.memref_slice %arg4[%add3A_61] : memref<640000xi32, #tpu.memory_space<hbm>> -> memref<128xi32, #tpu.memory_space<hbm>>
      %dma_wait3A_69 = tpu.memref_slice %arg4[%add3A_61] : memref<640000xi32, #tpu.memory_space<hbm>> -> memref<128xi32, #tpu.memory_space<hbm>>
      tpu.wait_dma2 semaphore(%arg15 : memref<!tpu.dma_semaphore, #tpu.memory_space<semaphore_mem>>) src(%dma_wait3A_69 : memref<128xi32, #tpu.memory_space<hbm>>) dst(%arg10 : memref<128xi32, #tpu.memory_space<vmem>>)
      %dma_wait3A_70 = tpu.memref_slice %arg5[%mul3A_58] : memref<320000xf32, #tpu.memory_space<hbm>> -> memref<128xf32, #tpu.memory_space<hbm>>
      %dma_wait3A_71 = tpu.memref_slice %arg5[%mul3A_58] : memref<320000xf32, #tpu.memory_space<hbm>> -> memref<128xf32, #tpu.memory_space<hbm>>
      tpu.wait_dma2 semaphore(%arg15 : memref<!tpu.dma_semaphore, #tpu.memory_space<semaphore_mem>>) src(%dma_wait3A_71 : memref<128xf32, #tpu.memory_space<hbm>>) dst(%arg11 : memref<128xf32, #tpu.memory_space<vmem>>)
      %dma_start3A_72 = arith.constant 0 : i32
      %dma_start3A_73 = arith.constant 0 : i32
      %dma_start3A_74 = tpu.memref_slice %arg2[%dma_start3A_72, %dma_start3A_73] : memref<20000x128xf32, #tpu.memory_space<hbm>> -> memref<20000x128xf32, #tpu.memory_space<hbm>>
      tpu.enqueue_indirect_dma source(%dma_start3A_74 : memref<20000x128xf32, #tpu.memory_space<hbm>>) target(%arg12 : memref<128x128xf32, #tpu.memory_space<vmem>>) offsets(%arg9 : memref<128xi32, #tpu.memory_space<vmem>>) semaphore(%arg14 : memref<!tpu.dma_semaphore, #tpu.memory_space<semaphore_mem>>)
      %dma_wait3A_75 = arith.constant 0 : i32
      %dma_wait3A_76 = arith.constant 0 : i32
      %dma_wait3A_77 = tpu.memref_slice %arg2[%dma_wait3A_75, %dma_wait3A_76] : memref<20000x128xf32, #tpu.memory_space<hbm>> -> memref<20000x128xf32, #tpu.memory_space<hbm>>
      tpu.wait_indirect_dma semaphore(%arg14 : memref<!tpu.dma_semaphore, #tpu.memory_space<semaphore_mem>>) src(%dma_wait3A_77 : memref<20000x128xf32, #tpu.memory_space<hbm>>) dst(%arg12 : memref<128x128xf32, #tpu.memory_space<vmem>>)
      %scan3A = arith.constant 0 : i32
      %scan3A_78 = arith.constant 0 : i32
      %scan3A_79 = arith.constant 8 : i32
      %scan3A_80 = arith.addi %scan3A_78, %scan3A_79 : i32
      %scan3A_81 = arith.constant 1 : i32
      %scan3A_82 = scf.for %scan3A_84 = %scan3A_78 to %scan3A_80 step %scan3A_81 iter_args(%scan3A_85 = %scan3A) -> (i32)  : i32 {
        %mul3A_86 = arith.constant 16 : i32
        %mul3A_87 = arith.muli %scan3A_84, %mul3A_86 : i32
        %get3A = arith.index_cast %mul3A_87 : i32 to index
        %get3A_88 = tpu.vector_load %arg11[%get3A] {strides = array<i32>} : memref<128xf32, #tpu.memory_space<vmem>>, vector<16xf32>,
        %get3A_89 = vector.shape_cast %get3A_88 : vector<16xf32> to vector<16xf32>
        %slice3A = vector.extract_strided_slice %get3A_89 {offsets = [0], sizes = [1], strides = [1]} : vector<16xf32> to vector<1xf32>
        %squeeze3A = vector.extract %slice3A[0] : f32 from vector<1xf32>
        %mul3A_90 = arith.constant 16 : i32
        %mul3A_91 = arith.muli %scan3A_84, %mul3A_90 : i32
        %add3A_92 = arith.constant 0 : i32
        %add3A_93 = arith.addi %mul3A_91, %add3A_92 : i32
        %get3A_94 = arith.index_cast %add3A_93 : i32 to index
        %get3A_95 = arith.constant 0 : index
        %get3A_96 = tpu.vector_load %arg12[%get3A_94, %get3A_95] {strides = array<i32>} : memref<128x128xf32, #tpu.memory_space<vmem>>, vector<1x16xf32>,
        %get3A_97 = vector.shape_cast %get3A_96 : vector<1x16xf32> to vector<16xf32>
        %mul3A_98 = vector.broadcast %squeeze3A : f32 to vector<16xf32>
        %mul3A_99 = arith.mulf %get3A_97, %mul3A_98 : vector<16xf32>
        %swap3A = arith.index_cast %add3A_93 : i32 to index
        %swap3A_100 = arith.constant 0 : index
        %swap3A_101 = tpu.vector_load %arg12[%swap3A, %swap3A_100] {strides = array<i32>} : memref<128x128xf32, #tpu.memory_space<vmem>>, vector<1x16xf32>,
        %swap3A_102 = vector.shape_cast %swap3A_101 : vector<1x16xf32> to vector<16xf32>
        %swap3A_103 = vector.shape_cast %mul3A_99 : vector<16xf32> to vector<1x16xf32>
        tpu.vector_store %arg12[%swap3A, %swap3A_100], %swap3A_103 {strides = array<i32>} : memref<128x128xf32, #tpu.memory_space<vmem>>, vector<1x16xf32>,
        %get3A_104 = arith.index_cast %add3A_93 : i32 to index
        %get3A_105 = arith.constant 16 : index
        %get3A_106 = tpu.vector_load %arg12[%get3A_104, %get3A_105] {strides = array<i32>} : memref<128x128xf32, #tpu.memory_space<vmem>>, vector<1x16xf32>,
        %get3A_107 = vector.shape_cast %get3A_106 : vector<1x16xf32> to vector<16xf32>
        %mul3A_108 = vector.broadcast %squeeze3A : f32 to vector<16xf32>
        %mul3A_109 = arith.mulf %get3A_107, %mul3A_108 : vector<16xf32>
        %swap3A_110 = arith.index_cast %add3A_93 : i32 to index
        %swap3A_111 = arith.constant 16 : index
        %swap3A_112 = tpu.vector_load %arg12[%swap3A_110, %swap3A_111] {strides = array<i32>} : memref<128x128xf32, #tpu.memory_space<vmem>>, vector<1x16xf32>,
        %swap3A_113 = vector.shape_cast %swap3A_112 : vector<1x16xf32> to vector<16xf32>
        %swap3A_114 = vector.shape_cast %mul3A_109 : vector<16xf32> to vector<1x16xf32>
        tpu.vector_store %arg12[%swap3A_110, %swap3A_111], %swap3A_114 {strides = array<i32>} : memref<128x128xf32, #tpu.memory_space<vmem>>, vector<1x16xf32>,
        %get3A_115 = arith.index_cast %add3A_93 : i32 to index
        %get3A_116 = arith.constant 32 : index
        %get3A_117 = tpu.vector_load %arg12[%get3A_115, %get3A_116] {strides = array<i32>} : memref<128x128xf32, #tpu.memory_space<vmem>>, vector<1x16xf32>,
        %get3A_118 = vector.shape_cast %get3A_117 : vector<1x16xf32> to vector<16xf32>
        %mul3A_119 = vector.broadcast %squeeze3A : f32 to vector<16xf32>
        %mul3A_120 = arith.mulf %get3A_118, %mul3A_119 : vector<16xf32>
        %swap3A_121 = arith.index_cast %add3A_93 : i32 to index
        %swap3A_122 = arith.constant 32 : index
        %swap3A_123 = tpu.vector_load %arg12[%swap3A_121, %swap3A_122] {strides = array<i32>} : memref<128x128xf32, #tpu.memory_space<vmem>>, vector<1x16xf32>,
        %swap3A_124 = vector.shape_cast %swap3A_123 : vector<1x16xf32> to vector<16xf32>
        %swap3A_125 = vector.shape_cast %mul3A_120 : vector<16xf32> to vector<1x16xf32>
        tpu.vector_store %arg12[%swap3A_121, %swap3A_122], %swap3A_125 {strides = array<i32>} : memref<128x128xf32, #tpu.memory_space<vmem>>, vector<1x16xf32>,
        %get3A_126 = arith.index_cast %add3A_93 : i32 to index
        %get3A_127 = arith.constant 48 : index
        %get3A_128 = tpu.vector_load %arg12[%get3A_126, %get3A_127] {strides = array<i32>} : memref<128x128xf32, #tpu.memory_space<vmem>>, vector<1x16xf32>,
        %get3A_129 = vector.shape_cast %get3A_128 : vector<1x16xf32> to vector<16xf32>
        %mul3A_130 = vector.broadcast %squeeze3A : f32 to vector<16xf32>
        %mul3A_131 = arith.mulf %get3A_129, %mul3A_130 : vector<16xf32>
        %swap3A_132 = arith.index_cast %add3A_93 : i32 to index
        %swap3A_133 = arith.constant 48 : index
        %swap3A_134 = tpu.vector_load %arg12[%swap3A_132, %swap3A_133] {strides = array<i32>} : memref<128x128xf32, #tpu.memory_space<vmem>>, vector<1x16xf32>,
        %swap3A_135 = vector.shape_cast %swap3A_134 : vector<1x16xf32> to vector<16xf32>
        %swap3A_136 = vector.shape_cast %mul3A_131 : vector<16xf32> to vector<1x16xf32>
        tpu.vector_store %arg12[%swap3A_132, %swap3A_133], %swap3A_136 {strides = array<i32>} : memref<128x128xf32, #tpu.memory_space<vmem>>, vector<1x16xf32>,
        %get3A_137 = arith.index_cast %add3A_93 : i32 to index
        %get3A_138 = arith.constant 64 : index
        %get3A_139 = tpu.vector_load %arg12[%get3A_137, %get3A_138] {strides = array<i32>} : memref<128x128xf32, #tpu.memory_space<vmem>>, vector<1x16xf32>,
        %get3A_140 = vector.shape_cast %get3A_139 : vector<1x16xf32> to vector<16xf32>
        %mul3A_141 = vector.broadcast %squeeze3A : f32 to vector<16xf32>
        %mul3A_142 = arith.mulf %get3A_140, %mul3A_141 : vector<16xf32>
        %swap3A_143 = arith.index_cast %add3A_93 : i32 to index
        %swap3A_144 = arith.constant 64 : index
        %swap3A_145 = tpu.vector_load %arg12[%swap3A_143, %swap3A_144] {strides = array<i32>} : memref<128x128xf32, #tpu.memory_space<vmem>>, vector<1x16xf32>,
        %swap3A_146 = vector.shape_cast %swap3A_145 : vector<1x16xf32> to vector<16xf32>
        %swap3A_147 = vector.shape_cast %mul3A_142 : vector<16xf32> to vector<1x16xf32>
        tpu.vector_store %arg12[%swap3A_143, %swap3A_144], %swap3A_147 {strides = array<i32>} : memref<128x128xf32, #tpu.memory_space<vmem>>, vector<1x16xf32>,
        %get3A_148 = arith.index_cast %add3A_93 : i32 to index
        %get3A_149 = arith.constant 80 : index
        %get3A_150 = tpu.vector_load %arg12[%get3A_148, %get3A_149] {strides = array<i32>} : memref<128x128xf32, #tpu.memory_space<vmem>>, vector<1x16xf32>,
        %get3A_151 = vector.shape_cast %get3A_150 : vector<1x16xf32> to vector<16xf32>
        %mul3A_152 = vector.broadcast %squeeze3A : f32 to vector<16xf32>
        %mul3A_153 = arith.mulf %get3A_151, %mul3A_152 : vector<16xf32>
        %swap3A_154 = arith.index_cast %add3A_93 : i32 to index
        %swap3A_155 = arith.constant 80 : index
        %swap3A_156 = tpu.vector_load %arg12[%swap3A_154, %swap3A_155] {strides = array<i32>} : memref<128x128xf32, #tpu.memory_space<vmem>>, vector<1x16xf32>,
        %swap3A_157 = vector.shape_cast %swap3A_156 : vector<1x16xf32> to vector<16xf32>
        %swap3A_158 = vector.shape_cast %mul3A_153 : vector<16xf32> to vector<1x16xf32>
        tpu.vector_store %arg12[%swap3A_154, %swap3A_155], %swap3A_158 {strides = array<i32>} : memref<128x128xf32, #tpu.memory_space<vmem>>, vector<1x16xf32>,
        %get3A_159 = arith.index_cast %add3A_93 : i32 to index
        %get3A_160 = arith.constant 96 : index
        %get3A_161 = tpu.vector_load %arg12[%get3A_159, %get3A_160] {strides = array<i32>} : memref<128x128xf32, #tpu.memory_space<vmem>>, vector<1x16xf32>,
        %get3A_162 = vector.shape_cast %get3A_161 : vector<1x16xf32> to vector<16xf32>
        %mul3A_163 = vector.broadcast %squeeze3A : f32 to vector<16xf32>
        %mul3A_164 = arith.mulf %get3A_162, %mul3A_163 : vector<16xf32>
        %swap3A_165 = arith.index_cast %add3A_93 : i32 to index
        %swap3A_166 = arith.constant 96 : index
        %swap3A_167 = tpu.vector_load %arg12[%swap3A_165, %swap3A_166] {strides = array<i32>} : memref<128x128xf32, #tpu.memory_space<vmem>>, vector<1x16xf32>,
        %swap3A_168 = vector.shape_cast %swap3A_167 : vector<1x16xf32> to vector<16xf32>
        %swap3A_169 = vector.shape_cast %mul3A_164 : vector<16xf32> to vector<1x16xf32>
        tpu.vector_store %arg12[%swap3A_165, %swap3A_166], %swap3A_169 {strides = array<i32>} : memref<128x128xf32, #tpu.memory_space<vmem>>, vector<1x16xf32>,
        %get3A_170 = arith.index_cast %add3A_93 : i32 to index
        %get3A_171 = arith.constant 112 : index
        %get3A_172 = tpu.vector_load %arg12[%get3A_170, %get3A_171] {strides = array<i32>} : memref<128x128xf32, #tpu.memory_space<vmem>>, vector<1x16xf32>,
        %get3A_173 = vector.shape_cast %get3A_172 : vector<1x16xf32> to vector<16xf32>
        %mul3A_174 = vector.broadcast %squeeze3A : f32 to vector<16xf32>
        %mul3A_175 = arith.mulf %get3A_173, %mul3A_174 : vector<16xf32>
        %swap3A_176 = arith.index_cast %add3A_93 : i32 to index
        %swap3A_177 = arith.constant 112 : index
        %swap3A_178 = tpu.vector_load %arg12[%swap3A_176, %swap3A_177] {strides = array<i32>} : memref<128x128xf32, #tpu.memory_space<vmem>>, vector<1x16xf32>,
        %swap3A_179 = vector.shape_cast %swap3A_178 : vector<1x16xf32> to vector<16xf32>
        %swap3A_180 = vector.shape_cast %mul3A_175 : vector<16xf32> to vector<1x16xf32>
        tpu.vector_store %arg12[%swap3A_176, %swap3A_177], %swap3A_180 {strides = array<i32>} : memref<128x128xf32, #tpu.memory_space<vmem>>, vector<1x16xf32>,
        %slice3A_181 = vector.extract_strided_slice %get3A_89 {offsets = [1], sizes = [1], strides = [1]} : vector<16xf32> to vector<1xf32>
        %squeeze3A_182 = vector.extract %slice3A_181[0] : f32 from vector<1xf32>
        %mul3A_183 = arith.constant 16 : i32
        %mul3A_184 = arith.muli %scan3A_84, %mul3A_183 : i32
        %add3A_185 = arith.constant 1 : i32
        %add3A_186 = arith.addi %mul3A_184, %add3A_185 : i32
        %get3A_187 = arith.index_cast %add3A_186 : i32 to index
        %get3A_188 = arith.constant 0 : index
        %get3A_189 = tpu.vector_load %arg12[%get3A_187, %get3A_188] {strides = array<i32>} : memref<128x128xf32, #tpu.memory_space<vmem>>, vector<1x16xf32>,
        %get3A_190 = vector.shape_cast %get3A_189 : vector<1x16xf32> to vector<16xf32>
        %mul3A_191 = vector.broadcast %squeeze3A_182 : f32 to vector<16xf32>
        %mul3A_192 = arith.mulf %get3A_190, %mul3A_191 : vector<16xf32>
        %swap3A_193 = arith.index_cast %add3A_186 : i32 to index
        %swap3A_194 = arith.constant 0 : index
        %swap3A_195 = tpu.vector_load %arg12[%swap3A_193, %swap3A_194] {strides = array<i32>} : memref<128x128xf32, #tpu.memory_space<vmem>>, vector<1x16xf32>,
        %swap3A_196 = vector.shape_cast %swap3A_195 : vector<1x16xf32> to vector<16xf32>
        %swap3A_197 = vector.shape_cast %mul3A_192 : vector<16xf32> to vector<1x16xf32>
        tpu.vector_store %arg12[%swap3A_193, %swap3A_194], %swap3A_197 {strides = array<i32>} : memref<128x128xf32, #tpu.memory_space<vmem>>, vector<1x16xf32>,
        %get3A_198 = arith.index_cast %add3A_186 : i32 to index
        %get3A_199 = arith.constant 16 : index
        %get3A_200 = tpu.vector_load %arg12[%get3A_198, %get3A_199] {strides = array<i32>} : memref<128x128xf32, #tpu.memory_space<vmem>>, vector<1x16xf32>,
        %get3A_201 = vector.shape_cast %get3A_200 : vector<1x16xf32> to vector<16xf32>
        %mul3A_202 = vector.broadcast %squeeze3A_182 : f32 to vector<16xf32>
        %mul3A_203 = arith.mulf %get3A_201, %mul3A_202 : vector<16xf32>
        %swap3A_204 = arith.index_cast %add3A_186 : i32 to index
        %swap3A_205 = arith.constant 16 : index
        %swap3A_206 = tpu.vector_load %arg12[%swap3A_204, %swap3A_205] {strides = array<i32>} : memref<128x128xf32, #tpu.memory_space<vmem>>, vector<1x16xf32>,
        %swap3A_207 = vector.shape_cast %swap3A_206 : vector<1x16xf32> to vector<16xf32>
        %swap3A_208 = vector.shape_cast %mul3A_203 : vector<16xf32> to vector<1x16xf32>
        tpu.vector_store %arg12[%swap3A_204, %swap3A_205], %swap3A_208 {strides = array<i32>} : memref<128x128xf32, #tpu.memory_space<vmem>>, vector<1x16xf32>,
        %get3A_209 = arith.index_cast %add3A_186 : i32 to index
        %get3A_210 = arith.constant 32 : index
        %get3A_211 = tpu.vector_load %arg12[%get3A_209, %get3A_210] {strides = array<i32>} : memref<128x128xf32, #tpu.memory_space<vmem>>, vector<1x16xf32>,
        %get3A_212 = vector.shape_cast %get3A_211 : vector<1x16xf32> to vector<16xf32>
        %mul3A_213 = vector.broadcast %squeeze3A_182 : f32 to vector<16xf32>
        %mul3A_214 = arith.mulf %get3A_212, %mul3A_213 : vector<16xf32>
        %swap3A_215 = arith.index_cast %add3A_186 : i32 to index
        %swap3A_216 = arith.constant 32 : index
        %swap3A_217 = tpu.vector_load %arg12[%swap3A_215, %swap3A_216] {strides = array<i32>} : memref<128x128xf32, #tpu.memory_space<vmem>>, vector<1x16xf32>,
        %swap3A_218 = vector.shape_cast %swap3A_217 : vector<1x16xf32> to vector<16xf32>
        %swap3A_219 = vector.shape_cast %mul3A_214 : vector<16xf32> to vector<1x16xf32>
        tpu.vector_store %arg12[%swap3A_215, %swap3A_216], %swap3A_219 {strides = array<i32>} : memref<128x128xf32, #tpu.memory_space<vmem>>, vector<1x16xf32>,
        %get3A_220 = arith.index_cast %add3A_186 : i32 to index
        %get3A_221 = arith.constant 48 : index
        %get3A_222 = tpu.vector_load %arg12[%get3A_220, %get3A_221] {strides = array<i32>} : memref<128x128xf32, #tpu.memory_space<vmem>>, vector<1x16xf32>,
        %get3A_223 = vector.shape_cast %get3A_222 : vector<1x16xf32> to vector<16xf32>
        %mul3A_224 = vector.broadcast %squeeze3A_182 : f32 to vector<16xf32>
        %mul3A_225 = arith.mulf %get3A_223, %mul3A_224 : vector<16xf32>
        %swap3A_226 = arith.index_cast %add3A_186 : i32 to index
        %swap3A_227 = arith.constant 48 : index
        %swap3A_228 = tpu.vector_load %arg12[%swap3A_226, %swap3A_227] {strides = array<i32>} : memref<128x128xf32, #tpu.memory_space<vmem>>, vector<1x16xf32>,
        %swap3A_229 = vector.shape_cast %swap3A_228 : vector<1x16xf32> to vector<16xf32>
        %swap3A_230 = vector.shape_cast %mul3A_225 : vector<16xf32> to vector<1x16xf32>
        tpu.vector_store %arg12[%swap3A_226, %swap3A_227], %swap3A_230 {strides = array<i32>} : memref<128x128xf32, #tpu.memory_space<vmem>>, vector<1x16xf32>,
        %get3A_231 = arith.index_cast %add3A_186 : i32 to index
        %get3A_232 = arith.constant 64 : index
        %get3A_233 = tpu.vector_load %arg12[%get3A_231, %get3A_232] {strides = array<i32>} : memref<128x128xf32, #tpu.memory_space<vmem>>, vector<1x16xf32>,
        %get3A_234 = vector.shape_cast %get3A_233 : vector<1x16xf32> to vector<16xf32>
        %mul3A_235 = vector.broadcast %squeeze3A_182 : f32 to vector<16xf32>
        %mul3A_236 = arith.mulf %get3A_234, %mul3A_235 : vector<16xf32>
        %swap3A_237 = arith.index_cast %add3A_186 : i32 to index
        %swap3A_238 = arith.constant 64 : index
        %swap3A_239 = tpu.vector_load %arg12[%swap3A_237, %swap3A_238] {strides = array<i32>} : memref<128x128xf32, #tpu.memory_space<vmem>>, vector<1x16xf32>,
        %swap3A_240 = vector.shape_cast %swap3A_239 : vector<1x16xf32> to vector<16xf32>
        %swap3A_241 = vector.shape_cast %mul3A_236 : vector<16xf32> to vector<1x16xf32>
        tpu.vector_store %arg12[%swap3A_237, %swap3A_238], %swap3A_241 {strides = array<i32>} : memref<128x128xf32, #tpu.memory_space<vmem>>, vector<1x16xf32>,
        %get3A_242 = arith.index_cast %add3A_186 : i32 to index
        %get3A_243 = arith.constant 80 : index
        %get3A_244 = tpu.vector_load %arg12[%get3A_242, %get3A_243] {strides = array<i32>} : memref<128x128xf32, #tpu.memory_space<vmem>>, vector<1x16xf32>,
        %get3A_245 = vector.shape_cast %get3A_244 : vector<1x16xf32> to vector<16xf32>
        %mul3A_246 = vector.broadcast %squeeze3A_182 : f32 to vector<16xf32>
        %mul3A_247 = arith.mulf %get3A_245, %mul3A_246 : vector<16xf32>
        %swap3A_248 = arith.index_cast %add3A_186 : i32 to index
        %swap3A_249 = arith.constant 80 : index
        %swap3A_250 = tpu.vector_load %arg12[%swap3A_248, %swap3A_249] {strides = array<i32>} : memref<128x128xf32, #tpu.memory_space<vmem>>, vector<1x16xf32>,
        %swap3A_251 = vector.shape_cast %swap3A_250 : vector<1x16xf32> to vector<16xf32>
        %swap3A_252 = vector.shape_cast %mul3A_247 : vector<16xf32> to vector<1x16xf32>
        tpu.vector_store %arg12[%swap3A_248, %swap3A_249], %swap3A_252 {strides = array<i32>} : memref<128x128xf32, #tpu.memory_space<vmem>>, vector<1x16xf32>,
        %get3A_253 = arith.index_cast %add3A_186 : i32 to index
        %get3A_254 = arith.constant 96 : index
        %get3A_255 = tpu.vector_load %arg12[%get3A_253, %get3A_254] {strides = array<i32>} : memref<128x128xf32, #tpu.memory_space<vmem>>, vector<1x16xf32>,
        %get3A_256 = vector.shape_cast %get3A_255 : vector<1x16xf32> to vector<16xf32>
        %mul3A_257 = vector.broadcast %squeeze3A_182 : f32 to vector<16xf32>
        %mul3A_258 = arith.mulf %get3A_256, %mul3A_257 : vector<16xf32>
        %swap3A_259 = arith.index_cast %add3A_186 : i32 to index
        %swap3A_260 = arith.constant 96 : index
        %swap3A_261 = tpu.vector_load %arg12[%swap3A_259, %swap3A_260] {strides = array<i32>} : memref<128x128xf32, #tpu.memory_space<vmem>>, vector<1x16xf32>,
        %swap3A_262 = vector.shape_cast %swap3A_261 : vector<1x16xf32> to vector<16xf32>
        %swap3A_263 = vector.shape_cast %mul3A_258 : vector<16xf32> to vector<1x16xf32>
        tpu.vector_store %arg12[%swap3A_259, %swap3A_260], %swap3A_263 {strides = array<i32>} : memref<128x128xf32, #tpu.memory_space<vmem>>, vector<1x16xf32>,
        %get3A_264 = arith.index_cast %add3A_186 : i32 to index
        %get3A_265 = arith.constant 112 : index
        %get3A_266 = tpu.vector_load %arg12[%get3A_264, %get3A_265] {strides = array<i32>} : memref<128x128xf32, #tpu.memory_space<vmem>>, vector<1x16xf32>,
        %get3A_267 = vector.shape_cast %get3A_266 : vector<1x16xf32> to vector<16xf32>
        %mul3A_268 = vector.broadcast %squeeze3A_182 : f32 to vector<16xf32>
        %mul3A_269 = arith.mulf %get3A_267, %mul3A_268 : vector<16xf32>
        %swap3A_270 = arith.index_cast %add3A_186 : i32 to index
        %swap3A_271 = arith.constant 112 : index
        %swap3A_272 = tpu.vector_load %arg12[%swap3A_270, %swap3A_271] {strides = array<i32>} : memref<128x128xf32, #tpu.memory_space<vmem>>, vector<1x16xf32>,
        %swap3A_273 = vector.shape_cast %swap3A_272 : vector<1x16xf32> to vector<16xf32>
        %swap3A_274 = vector.shape_cast %mul3A_269 : vector<16xf32> to vector<1x16xf32>
        tpu.vector_store %arg12[%swap3A_270, %swap3A_271], %swap3A_274 {strides = array<i32>} : memref<128x128xf32, #tpu.memory_space<vmem>>, vector<1x16xf32>,
        %slice3A_275 = vector.extract_strided_slice %get3A_89 {offsets = [2], sizes = [1], strides = [1]} : vector<16xf32> to vector<1xf32>
        %squeeze3A_276 = vector.extract %slice3A_275[0] : f32 from vector<1xf32>
        %mul3A_277 = arith.constant 16 : i32
        %mul3A_278 = arith.muli %scan3A_84, %mul3A_277 : i32
        %add3A_279 = arith.constant 2 : i32
        %add3A_280 = arith.addi %mul3A_278, %add3A_279 : i32
        %get3A_281 = arith.index_cast %add3A_280 : i32 to index
        %get3A_282 = arith.constant 0 : index
        %get3A_283 = tpu.vector_load %arg12[%get3A_281, %get3A_282] {strides = array<i32>} : memref<128x128xf32, #tpu.memory_space<vmem>>, vector<1x16xf32>,
        %get3A_284 = vector.shape_cast %get3A_283 : vector<1x16xf32> to vector<16xf32>
        %mul3A_285 = vector.broadcast %squeeze3A_276 : f32 to vector<16xf32>
        %mul3A_286 = arith.mulf %get3A_284, %mul3A_285 : vector<16xf32>
        %swap3A_287 = arith.index_cast %add3A_280 : i32 to index
        %swap3A_288 = arith.constant 0 : index
        %swap3A_289 = tpu.vector_load %arg12[%swap3A_287, %swap3A_288] {strides = array<i32>} : memref<128x128xf32, #tpu.memory_space<vmem>>, vector<1x16xf32>,
        %swap3A_290 = vector.shape_cast %swap3A_289 : vector<1x16xf32> to vector<16xf32>
        %swap3A_291 = vector.shape_cast %mul3A_286 : vector<16xf32> to vector<1x16xf32>
        tpu.vector_store %arg12[%swap3A_287, %swap3A_288], %swap3A_291 {strides = array<i32>} : memref<128x128xf32, #tpu.memory_space<vmem>>, vector<1x16xf32>,
        %get3A_292 = arith.index_cast %add3A_280 : i32 to index
        %get3A_293 = arith.constant 16 : index
        %get3A_294 = tpu.vector_load %arg12[%get3A_292, %get3A_293] {strides = array<i32>} : memref<128x128xf32, #tpu.memory_space<vmem>>, vector<1x16xf32>,
        %get3A_295 = vector.shape_cast %get3A_294 : vector<1x16xf32> to vector<16xf32>
        %mul3A_296 = vector.broadcast %squeeze3A_276 : f32 to vector<16xf32>
        %mul3A_297 = arith.mulf %get3A_295, %mul3A_296 : vector<16xf32>
        %swap3A_298 = arith.index_cast %add3A_280 : i32 to index
        %swap3A_299 = arith.constant 16 : index
        %swap3A_300 = tpu.vector_load %arg12[%swap3A_298, %swap3A_299] {strides = array<i32>} : memref<128x128xf32, #tpu.memory_space<vmem>>, vector<1x16xf32>,
        %swap3A_301 = vector.shape_cast %swap3A_300 : vector<1x16xf32> to vector<16xf32>
        %swap3A_302 = vector.shape_cast %mul3A_297 : vector<16xf32> to vector<1x16xf32>
        tpu.vector_store %arg12[%swap3A_298, %swap3A_299], %swap3A_302 {strides = array<i32>} : memref<128x128xf32, #tpu.memory_space<vmem>>, vector<1x16xf32>,
        %get3A_303 = arith.index_cast %add3A_280 : i32 to index
        %get3A_304 = arith.constant 32 : index
        %get3A_305 = tpu.vector_load %arg12[%get3A_303, %get3A_304] {strides = array<i32>} : memref<128x128xf32, #tpu.memory_space<vmem>>, vector<1x16xf32>,
        %get3A_306 = vector.shape_cast %get3A_305 : vector<1x16xf32> to vector<16xf32>
        %mul3A_307 = vector.broadcast %squeeze3A_276 : f32 to vector<16xf32>
        %mul3A_308 = arith.mulf %get3A_306, %mul3A_307 : vector<16xf32>
        %swap3A_309 = arith.index_cast %add3A_280 : i32 to index
        %swap3A_310 = arith.constant 32 : index
        %swap3A_311 = tpu.vector_load %arg12[%swap3A_309, %swap3A_310] {strides = array<i32>} : memref<128x128xf32, #tpu.memory_space<vmem>>, vector<1x16xf32>,
        %swap3A_312 = vector.shape_cast %swap3A_311 : vector<1x16xf32> to vector<16xf32>
        %swap3A_313 = vector.shape_cast %mul3A_308 : vector<16xf32> to vector<1x16xf32>
        tpu.vector_store %arg12[%swap3A_309, %swap3A_310], %swap3A_313 {strides = array<i32>} : memref<128x128xf32, #tpu.memory_space<vmem>>, vector<1x16xf32>,
        %get3A_314 = arith.index_cast %add3A_280 : i32 to index
        %get3A_315 = arith.constant 48 : index
        %get3A_316 = tpu.vector_load %arg12[%get3A_314, %get3A_315] {strides = array<i32>} : memref<128x128xf32, #tpu.memory_space<vmem>>, vector<1x16xf32>,
        %get3A_317 = vector.shape_cast %get3A_316 : vector<1x16xf32> to vector<16xf32>
        %mul3A_318 = vector.broadcast %squeeze3A_276 : f32 to vector<16xf32>
        %mul3A_319 = arith.mulf %get3A_317, %mul3A_318 : vector<16xf32>
        %swap3A_320 = arith.index_cast %add3A_280 : i32 to index
        %swap3A_321 = arith.constant 48 : index
        %swap3A_322 = tpu.vector_load %arg12[%swap3A_320, %swap3A_321] {strides = array<i32>} : memref<128x128xf32, #tpu.memory_space<vmem>>, vector<1x16xf32>,
        %swap3A_323 = vector.shape_cast %swap3A_322 : vector<1x16xf32> to vector<16xf32>
        %swap3A_324 = vector.shape_cast %mul3A_319 : vector<16xf32> to vector<1x16xf32>
        tpu.vector_store %arg12[%swap3A_320, %swap3A_321], %swap3A_324 {strides = array<i32>} : memref<128x128xf32, #tpu.memory_space<vmem>>, vector<1x16xf32>,
        %get3A_325 = arith.index_cast %add3A_280 : i32 to index
        %get3A_326 = arith.constant 64 : index
        %get3A_327 = tpu.vector_load %arg12[%get3A_325, %get3A_326] {strides = array<i32>} : memref<128x128xf32, #tpu.memory_space<vmem>>, vector<1x16xf32>,
        %get3A_328 = vector.shape_cast %get3A_327 : vector<1x16xf32> to vector<16xf32>
        %mul3A_329 = vector.broadcast %squeeze3A_276 : f32 to vector<16xf32>
        %mul3A_330 = arith.mulf %get3A_328, %mul3A_329 : vector<16xf32>
        %swap3A_331 = arith.index_cast %add3A_280 : i32 to index
        %swap3A_332 = arith.constant 64 : index
        %swap3A_333 = tpu.vector_load %arg12[%swap3A_331, %swap3A_332] {strides = array<i32>} : memref<128x128xf32, #tpu.memory_space<vmem>>, vector<1x16xf32>,
        %swap3A_334 = vector.shape_cast %swap3A_333 : vector<1x16xf32> to vector<16xf32>
        %swap3A_335 = vector.shape_cast %mul3A_330 : vector<16xf32> to vector<1x16xf32>
        tpu.vector_store %arg12[%swap3A_331, %swap3A_332], %swap3A_335 {strides = array<i32>} : memref<128x128xf32, #tpu.memory_space<vmem>>, vector<1x16xf32>,
        %get3A_336 = arith.index_cast %add3A_280 : i32 to index
        %get3A_337 = arith.constant 80 : index
        %get3A_338 = tpu.vector_load %arg12[%get3A_336, %get3A_337] {strides = array<i32>} : memref<128x128xf32, #tpu.memory_space<vmem>>, vector<1x16xf32>,
        %get3A_339 = vector.shape_cast %get3A_338 : vector<1x16xf32> to vector<16xf32>
        %mul3A_340 = vector.broadcast %squeeze3A_276 : f32 to vector<16xf32>
        %mul3A_341 = arith.mulf %get3A_339, %mul3A_340 : vector<16xf32>
        %swap3A_342 = arith.index_cast %add3A_280 : i32 to index
        %swap3A_343 = arith.constant 80 : index
        %swap3A_344 = tpu.vector_load %arg12[%swap3A_342, %swap3A_343] {strides = array<i32>} : memref<128x128xf32, #tpu.memory_space<vmem>>, vector<1x16xf32>,
        %swap3A_345 = vector.shape_cast %swap3A_344 : vector<1x16xf32> to vector<16xf32>
        %swap3A_346 = vector.shape_cast %mul3A_341 : vector<16xf32> to vector<1x16xf32>
        tpu.vector_store %arg12[%swap3A_342, %swap3A_343], %swap3A_346 {strides = array<i32>} : memref<128x128xf32, #tpu.memory_space<vmem>>, vector<1x16xf32>,
        %get3A_347 = arith.index_cast %add3A_280 : i32 to index
        %get3A_348 = arith.constant 96 : index
        %get3A_349 = tpu.vector_load %arg12[%get3A_347, %get3A_348] {strides = array<i32>} : memref<128x128xf32, #tpu.memory_space<vmem>>, vector<1x16xf32>,
        %get3A_350 = vector.shape_cast %get3A_349 : vector<1x16xf32> to vector<16xf32>
        %mul3A_351 = vector.broadcast %squeeze3A_276 : f32 to vector<16xf32>
        %mul3A_352 = arith.mulf %get3A_350, %mul3A_351 : vector<16xf32>
        %swap3A_353 = arith.index_cast %add3A_280 : i32 to index
        %swap3A_354 = arith.constant 96 : index
        %swap3A_355 = tpu.vector_load %arg12[%swap3A_353, %swap3A_354] {strides = array<i32>} : memref<128x128xf32, #tpu.memory_space<vmem>>, vector<1x16xf32>,
        %swap3A_356 = vector.shape_cast %swap3A_355 : vector<1x16xf32> to vector<16xf32>
        %swap3A_357 = vector.shape_cast %mul3A_352 : vector<16xf32> to vector<1x16xf32>
        tpu.vector_store %arg12[%swap3A_353, %swap3A_354], %swap3A_357 {strides = array<i32>} : memref<128x128xf32, #tpu.memory_space<vmem>>, vector<1x16xf32>,
        %get3A_358 = arith.index_cast %add3A_280 : i32 to index
        %get3A_359 = arith.constant 112 : index
        %get3A_360 = tpu.vector_load %arg12[%get3A_358, %get3A_359] {strides = array<i32>} : memref<128x128xf32, #tpu.memory_space<vmem>>, vector<1x16xf32>,
        %get3A_361 = vector.shape_cast %get3A_360 : vector<1x16xf32> to vector<16xf32>
        %mul3A_362 = vector.broadcast %squeeze3A_276 : f32 to vector<16xf32>
        %mul3A_363 = arith.mulf %get3A_361, %mul3A_362 : vector<16xf32>
        %swap3A_364 = arith.index_cast %add3A_280 : i32 to index
        %swap3A_365 = arith.constant 112 : index
        %swap3A_366 = tpu.vector_load %arg12[%swap3A_364, %swap3A_365] {strides = array<i32>} : memref<128x128xf32, #tpu.memory_space<vmem>>, vector<1x16xf32>,
        %swap3A_367 = vector.shape_cast %swap3A_366 : vector<1x16xf32> to vector<16xf32>
        %swap3A_368 = vector.shape_cast %mul3A_363 : vector<16xf32> to vector<1x16xf32>
        tpu.vector_store %arg12[%swap3A_364, %swap3A_365], %swap3A_368 {strides = array<i32>} : memref<128x128xf32, #tpu.memory_space<vmem>>, vector<1x16xf32>,
        %slice3A_369 = vector.extract_strided_slice %get3A_89 {offsets = [3], sizes = [1], strides = [1]} : vector<16xf32> to vector<1xf32>
        %squeeze3A_370 = vector.extract %slice3A_369[0] : f32 from vector<1xf32>
        %mul3A_371 = arith.constant 16 : i32
        %mul3A_372 = arith.muli %scan3A_84, %mul3A_371 : i32
        %add3A_373 = arith.constant 3 : i32
        %add3A_374 = arith.addi %mul3A_372, %add3A_373 : i32
        %get3A_375 = arith.index_cast %add3A_374 : i32 to index
        %get3A_376 = arith.constant 0 : index
        %get3A_377 = tpu.vector_load %arg12[%get3A_375, %get3A_376] {strides = array<i32>} : memref<128x128xf32, #tpu.memory_space<vmem>>, vector<1x16xf32>,
        %get3A_378 = vector.shape_cast %get3A_377 : vector<1x16xf32> to vector<16xf32>
        %mul3A_379 = vector.broadcast %squeeze3A_370 : f32 to vector<16xf32>
        %mul3A_380 = arith.mulf %get3A_378, %mul3A_379 : vector<16xf32>
        %swap3A_381 = arith.index_cast %add3A_374 : i32 to index
        %swap3A_382 = arith.constant 0 : index
        %swap3A_383 = tpu.vector_load %arg12[%swap3A_381, %swap3A_382] {strides = array<i32>} : memref<128x128xf32, #tpu.memory_space<vmem>>, vector<1x16xf32>,
        %swap3A_384 = vector.shape_cast %swap3A_383 : vector<1x16xf32> to vector<16xf32>
        %swap3A_385 = vector.shape_cast %mul3A_380 : vector<16xf32> to vector<1x16xf32>
        tpu.vector_store %arg12[%swap3A_381, %swap3A_382], %swap3A_385 {strides = array<i32>} : memref<128x128xf32, #tpu.memory_space<vmem>>, vector<1x16xf32>,
        %get3A_386 = arith.index_cast %add3A_374 : i32 to index
        %get3A_387 = arith.constant 16 : index
        %get3A_388 = tpu.vector_load %arg12[%get3A_386, %get3A_387] {strides = array<i32>} : memref<128x128xf32, #tpu.memory_space<vmem>>, vector<1x16xf32>,
        %get3A_389 = vector.shape_cast %get3A_388 : vector<1x16xf32> to vector<16xf32>
        %mul3A_390 = vector.broadcast %squeeze3A_370 : f32 to vector<16xf32>
        %mul3A_391 = arith.mulf %get3A_389, %mul3A_390 : vector<16xf32>
        %swap3A_392 = arith.index_cast %add3A_374 : i32 to index
        %swap3A_393 = arith.constant 16 : index
        %swap3A_394 = tpu.vector_load %arg12[%swap3A_392, %swap3A_393] {strides = array<i32>} : memref<128x128xf32, #tpu.memory_space<vmem>>, vector<1x16xf32>,
        %swap3A_395 = vector.shape_cast %swap3A_394 : vector<1x16xf32> to vector<16xf32>
        %swap3A_396 = vector.shape_cast %mul3A_391 : vector<16xf32> to vector<1x16xf32>
        tpu.vector_store %arg12[%swap3A_392, %swap3A_393], %swap3A_396 {strides = array<i32>} : memref<128x128xf32, #tpu.memory_space<vmem>>, vector<1x16xf32>,
        %get3A_397 = arith.index_cast %add3A_374 : i32 to index
        %get3A_398 = arith.constant 32 : index
        %get3A_399 = tpu.vector_load %arg12[%get3A_397, %get3A_398] {strides = array<i32>} : memref<128x128xf32, #tpu.memory_space<vmem>>, vector<1x16xf32>,
        %get3A_400 = vector.shape_cast %get3A_399 : vector<1x16xf32> to vector<16xf32>
        %mul3A_401 = vector.broadcast %squeeze3A_370 : f32 to vector<16xf32>
        %mul3A_402 = arith.mulf %get3A_400, %mul3A_401 : vector<16xf32>
        %swap3A_403 = arith.index_cast %add3A_374 : i32 to index
        %swap3A_404 = arith.constant 32 : index
        %swap3A_405 = tpu.vector_load %arg12[%swap3A_403, %swap3A_404] {strides = array<i32>} : memref<128x128xf32, #tpu.memory_space<vmem>>, vector<1x16xf32>,
        %swap3A_406 = vector.shape_cast %swap3A_405 : vector<1x16xf32> to vector<16xf32>
        %swap3A_407 = vector.shape_cast %mul3A_402 : vector<16xf32> to vector<1x16xf32>
        tpu.vector_store %arg12[%swap3A_403, %swap3A_404], %swap3A_407 {strides = array<i32>} : memref<128x128xf32, #tpu.memory_space<vmem>>, vector<1x16xf32>,
        %get3A_408 = arith.index_cast %add3A_374 : i32 to index
        %get3A_409 = arith.constant 48 : index
        %get3A_410 = tpu.vector_load %arg12[%get3A_408, %get3A_409] {strides = array<i32>} : memref<128x128xf32, #tpu.memory_space<vmem>>, vector<1x16xf32>,
        %get3A_411 = vector.shape_cast %get3A_410 : vector<1x16xf32> to vector<16xf32>
        %mul3A_412 = vector.broadcast %squeeze3A_370 : f32 to vector<16xf32>
        %mul3A_413 = arith.mulf %get3A_411, %mul3A_412 : vector<16xf32>
        %swap3A_414 = arith.index_cast %add3A_374 : i32 to index
        %swap3A_415 = arith.constant 48 : index
        %swap3A_416 = tpu.vector_load %arg12[%swap3A_414, %swap3A_415] {strides = array<i32>} : memref<128x128xf32, #tpu.memory_space<vmem>>, vector<1x16xf32>,
        %swap3A_417 = vector.shape_cast %swap3A_416 : vector<1x16xf32> to vector<16xf32>
        %swap3A_418 = vector.shape_cast %mul3A_413 : vector<16xf32> to vector<1x16xf32>
        tpu.vector_store %arg12[%swap3A_414, %swap3A_415], %swap3A_418 {strides = array<i32>} : memref<128x128xf32, #tpu.memory_space<vmem>>, vector<1x16xf32>,
        %get3A_419 = arith.index_cast %add3A_374 : i32 to index
        %get3A_420 = arith.constant 64 : index
        %get3A_421 = tpu.vector_load %arg12[%get3A_419, %get3A_420] {strides = array<i32>} : memref<128x128xf32, #tpu.memory_space<vmem>>, vector<1x16xf32>,
        %get3A_422 = vector.shape_cast %get3A_421 : vector<1x16xf32> to vector<16xf32>
        %mul3A_423 = vector.broadcast %squeeze3A_370 : f32 to vector<16xf32>
        %mul3A_424 = arith.mulf %get3A_422, %mul3A_423 : vector<16xf32>
        %swap3A_425 = arith.index_cast %add3A_374 : i32 to index
        %swap3A_426 = arith.constant 64 : index
        %swap3A_427 = tpu.vector_load %arg12[%swap3A_425, %swap3A_426] {strides = array<i32>} : memref<128x128xf32, #tpu.memory_space<vmem>>, vector<1x16xf32>,
        %swap3A_428 = vector.shape_cast %swap3A_427 : vector<1x16xf32> to vector<16xf32>
        %swap3A_429 = vector.shape_cast %mul3A_424 : vector<16xf32> to vector<1x16xf32>
        tpu.vector_store %arg12[%swap3A_425, %swap3A_426], %swap3A_429 {strides = array<i32>} : memref<128x128xf32, #tpu.memory_space<vmem>>, vector<1x16xf32>,
        %get3A_430 = arith.index_cast %add3A_374 : i32 to index
        %get3A_431 = arith.constant 80 : index
        %get3A_432 = tpu.vector_load %arg12[%get3A_430, %get3A_431] {strides = array<i32>} : memref<128x128xf32, #tpu.memory_space<vmem>>, vector<1x16xf32>,
        %get3A_433 = vector.shape_cast %get3A_432 : vector<1x16xf32> to vector<16xf32>
        %mul3A_434 = vector.broadcast %squeeze3A_370 : f32 to vector<16xf32>
        %mul3A_435 = arith.mulf %get3A_433, %mul3A_434 : vector<16xf32>
        %swap3A_436 = arith.index_cast %add3A_374 : i32 to index
        %swap3A_437 = arith.constant 80 : index
        %swap3A_438 = tpu.vector_load %arg12[%swap3A_436, %swap3A_437] {strides = array<i32>} : memref<128x128xf32, #tpu.memory_space<vmem>>, vector<1x16xf32>,
        %swap3A_439 = vector.shape_cast %swap3A_438 : vector<1x16xf32> to vector<16xf32>
        %swap3A_440 = vector.shape_cast %mul3A_435 : vector<16xf32> to vector<1x16xf32>
        tpu.vector_store %arg12[%swap3A_436, %swap3A_437], %swap3A_440 {strides = array<i32>} : memref<128x128xf32, #tpu.memory_space<vmem>>, vector<1x16xf32>,
        %get3A_441 = arith.index_cast %add3A_374 : i32 to index
        %get3A_442 = arith.constant 96 : index
        %get3A_443 = tpu.vector_load %arg12[%get3A_441, %get3A_442] {strides = array<i32>} : memref<128x128xf32, #tpu.memory_space<vmem>>, vector<1x16xf32>,
        %get3A_444 = vector.shape_cast %get3A_443 : vector<1x16xf32> to vector<16xf32>
        %mul3A_445 = vector.broadcast %squeeze3A_370 : f32 to vector<16xf32>
        %mul3A_446 = arith.mulf %get3A_444, %mul3A_445 : vector<16xf32>
        %swap3A_447 = arith.index_cast %add3A_374 : i32 to index
        %swap3A_448 = arith.constant 96 : index
        %swap3A_449 = tpu.vector_load %arg12[%swap3A_447, %swap3A_448] {strides = array<i32>} : memref<128x128xf32, #tpu.memory_space<vmem>>, vector<1x16xf32>,
        %swap3A_450 = vector.shape_cast %swap3A_449 : vector<1x16xf32> to vector<16xf32>
        %swap3A_451 = vector.shape_cast %mul3A_446 : vector<16xf32> to vector<1x16xf32>
        tpu.vector_store %arg12[%swap3A_447, %swap3A_448], %swap3A_451 {strides = array<i32>} : memref<128x128xf32, #tpu.memory_space<vmem>>, vector<1x16xf32>,
        %get3A_452 = arith.index_cast %add3A_374 : i32 to index
        %get3A_453 = arith.constant 112 : index
        %get3A_454 = tpu.vector_load %arg12[%get3A_452, %get3A_453] {strides = array<i32>} : memref<128x128xf32, #tpu.memory_space<vmem>>, vector<1x16xf32>,
        %get3A_455 = vector.shape_cast %get3A_454 : vector<1x16xf32> to vector<16xf32>
        %mul3A_456 = vector.broadcast %squeeze3A_370 : f32 to vector<16xf32>
        %mul3A_457 = arith.mulf %get3A_455, %mul3A_456 : vector<16xf32>
        %swap3A_458 = arith.index_cast %add3A_374 : i32 to index
        %swap3A_459 = arith.constant 112 : index
        %swap3A_460 = tpu.vector_load %arg12[%swap3A_458, %swap3A_459] {strides = array<i32>} : memref<128x128xf32, #tpu.memory_space<vmem>>, vector<1x16xf32>,
        %swap3A_461 = vector.shape_cast %swap3A_460 : vector<1x16xf32> to vector<16xf32>
        %swap3A_462 = vector.shape_cast %mul3A_457 : vector<16xf32> to vector<1x16xf32>
        tpu.vector_store %arg12[%swap3A_458, %swap3A_459], %swap3A_462 {strides = array<i32>} : memref<128x128xf32, #tpu.memory_space<vmem>>, vector<1x16xf32>,
        %slice3A_463 = vector.extract_strided_slice %get3A_89 {offsets = [4], sizes = [1], strides = [1]} : vector<16xf32> to vector<1xf32>
        %squeeze3A_464 = vector.extract %slice3A_463[0] : f32 from vector<1xf32>
        %mul3A_465 = arith.constant 16 : i32
        %mul3A_466 = arith.muli %scan3A_84, %mul3A_465 : i32
        %add3A_467 = arith.constant 4 : i32
        %add3A_468 = arith.addi %mul3A_466, %add3A_467 : i32
        %get3A_469 = arith.index_cast %add3A_468 : i32 to index
        %get3A_470 = arith.constant 0 : index
        %get3A_471 = tpu.vector_load %arg12[%get3A_469, %get3A_470] {strides = array<i32>} : memref<128x128xf32, #tpu.memory_space<vmem>>, vector<1x16xf32>,
        %get3A_472 = vector.shape_cast %get3A_471 : vector<1x16xf32> to vector<16xf32>
        %mul3A_473 = vector.broadcast %squeeze3A_464 : f32 to vector<16xf32>
        %mul3A_474 = arith.mulf %get3A_472, %mul3A_473 : vector<16xf32>
        %swap3A_475 = arith.index_cast %add3A_468 : i32 to index
        %swap3A_476 = arith.constant 0 : index
        %swap3A_477 = tpu.vector_load %arg12[%swap3A_475, %swap3A_476] {strides = array<i32>} : memref<128x128xf32, #tpu.memory_space<vmem>>, vector<1x16xf32>,
        %swap3A_478 = vector.shape_cast %swap3A_477 : vector<1x16xf32> to vector<16xf32>
        %swap3A_479 = vector.shape_cast %mul3A_474 : vector<16xf32> to vector<1x16xf32>
        tpu.vector_store %arg12[%swap3A_475, %swap3A_476], %swap3A_479 {strides = array<i32>} : memref<128x128xf32, #tpu.memory_space<vmem>>, vector<1x16xf32>,
        %get3A_480 = arith.index_cast %add3A_468 : i32 to index
        %get3A_481 = arith.constant 16 : index
        %get3A_482 = tpu.vector_load %arg12[%get3A_480, %get3A_481] {strides = array<i32>} : memref<128x128xf32, #tpu.memory_space<vmem>>, vector<1x16xf32>,
        %get3A_483 = vector.shape_cast %get3A_482 : vector<1x16xf32> to vector<16xf32>
        %mul3A_484 = vector.broadcast %squeeze3A_464 : f32 to vector<16xf32>
        %mul3A_485 = arith.mulf %get3A_483, %mul3A_484 : vector<16xf32>
        %swap3A_486 = arith.index_cast %add3A_468 : i32 to index
        %swap3A_487 = arith.constant 16 : index
        %swap3A_488 = tpu.vector_load %arg12[%swap3A_486, %swap3A_487] {strides = array<i32>} : memref<128x128xf32, #tpu.memory_space<vmem>>, vector<1x16xf32>,
        %swap3A_489 = vector.shape_cast %swap3A_488 : vector<1x16xf32> to vector<16xf32>
        %swap3A_490 = vector.shape_cast %mul3A_485 : vector<16xf32> to vector<1x16xf32>
        tpu.vector_store %arg12[%swap3A_486, %swap3A_487], %swap3A_490 {strides = array<i32>} : memref<128x128xf32, #tpu.memory_space<vmem>>, vector<1x16xf32>,
        %get3A_491 = arith.index_cast %add3A_468 : i32 to index
        %get3A_492 = arith.constant 32 : index
        %get3A_493 = tpu.vector_load %arg12[%get3A_491, %get3A_492] {strides = array<i32>} : memref<128x128xf32, #tpu.memory_space<vmem>>, vector<1x16xf32>,
        %get3A_494 = vector.shape_cast %get3A_493 : vector<1x16xf32> to vector<16xf32>
        %mul3A_495 = vector.broadcast %squeeze3A_464 : f32 to vector<16xf32>
        %mul3A_496 = arith.mulf %get3A_494, %mul3A_495 : vector<16xf32>
        %swap3A_497 = arith.index_cast %add3A_468 : i32 to index
        %swap3A_498 = arith.constant 32 : index
        %swap3A_499 = tpu.vector_load %arg12[%swap3A_497, %swap3A_498] {strides = array<i32>} : memref<128x128xf32, #tpu.memory_space<vmem>>, vector<1x16xf32>,
        %swap3A_500 = vector.shape_cast %swap3A_499 : vector<1x16xf32> to vector<16xf32>
        %swap3A_501 = vector.shape_cast %mul3A_496 : vector<16xf32> to vector<1x16xf32>
        tpu.vector_store %arg12[%swap3A_497, %swap3A_498], %swap3A_501 {strides = array<i32>} : memref<128x128xf32, #tpu.memory_space<vmem>>, vector<1x16xf32>,
        %get3A_502 = arith.index_cast %add3A_468 : i32 to index
        %get3A_503 = arith.constant 48 : index
        %get3A_504 = tpu.vector_load %arg12[%get3A_502, %get3A_503] {strides = array<i32>} : memref<128x128xf32, #tpu.memory_space<vmem>>, vector<1x16xf32>,
        %get3A_505 = vector.shape_cast %get3A_504 : vector<1x16xf32> to vector<16xf32>
        %mul3A_506 = vector.broadcast %squeeze3A_464 : f32 to vector<16xf32>
        %mul3A_507 = arith.mulf %get3A_505, %mul3A_506 : vector<16xf32>
        %swap3A_508 = arith.index_cast %add3A_468 : i32 to index
        %swap3A_509 = arith.constant 48 : index
        %swap3A_510 = tpu.vector_load %arg12[%swap3A_508, %swap3A_509] {strides = array<i32>} : memref<128x128xf32, #tpu.memory_space<vmem>>, vector<1x16xf32>,
        %swap3A_511 = vector.shape_cast %swap3A_510 : vector<1x16xf32> to vector<16xf32>
        %swap3A_512 = vector.shape_cast %mul3A_507 : vector<16xf32> to vector<1x16xf32>
        tpu.vector_store %arg12[%swap3A_508, %swap3A_509], %swap3A_512 {strides = array<i32>} : memref<128x128xf32, #tpu.memory_space<vmem>>, vector<1x16xf32>,
        %get3A_513 = arith.index_cast %add3A_468 : i32 to index
        %get3A_514 = arith.constant 64 : index
        %get3A_515 = tpu.vector_load %arg12[%get3A_513, %get3A_514] {strides = array<i32>} : memref<128x128xf32, #tpu.memory_space<vmem>>, vector<1x16xf32>,
        %get3A_516 = vector.shape_cast %get3A_515 : vector<1x16xf32> to vector<16xf32>
        %mul3A_517 = vector.broadcast %squeeze3A_464 : f32 to vector<16xf32>
        %mul3A_518 = arith.mulf %get3A_516, %mul3A_517 : vector<16xf32>
        %swap3A_519 = arith.index_cast %add3A_468 : i32 to index
        %swap3A_520 = arith.constant 64 : index
        %swap3A_521 = tpu.vector_load %arg12[%swap3A_519, %swap3A_520] {strides = array<i32>} : memref<128x128xf32, #tpu.memory_space<vmem>>, vector<1x16xf32>,
        %swap3A_522 = vector.shape_cast %swap3A_521 : vector<1x16xf32> to vector<16xf32>
        %swap3A_523 = vector.shape_cast %mul3A_518 : vector<16xf32> to vector<1x16xf32>
        tpu.vector_store %arg12[%swap3A_519, %swap3A_520], %swap3A_523 {strides = array<i32>} : memref<128x128xf32, #tpu.memory_space<vmem>>, vector<1x16xf32>,
        %get3A_524 = arith.index_cast %add3A_468 : i32 to index
        %get3A_525 = arith.constant 80 : index
        %get3A_526 = tpu.vector_load %arg12[%get3A_524, %get3A_525] {strides = array<i32>} : memref<128x128xf32, #tpu.memory_space<vmem>>, vector<1x16xf32>,
        %get3A_527 = vector.shape_cast %get3A_526 : vector<1x16xf32> to vector<16xf32>
        %mul3A_528 = vector.broadcast %squeeze3A_464 : f32 to vector<16xf32>
        %mul3A_529 = arith.mulf %get3A_527, %mul3A_528 : vector<16xf32>
        %swap3A_530 = arith.index_cast %add3A_468 : i32 to index
        %swap3A_531 = arith.constant 80 : index
        %swap3A_532 = tpu.vector_load %arg12[%swap3A_530, %swap3A_531] {strides = array<i32>} : memref<128x128xf32, #tpu.memory_space<vmem>>, vector<1x16xf32>,
        %swap3A_533 = vector.shape_cast %swap3A_532 : vector<1x16xf32> to vector<16xf32>
        %swap3A_534 = vector.shape_cast %mul3A_529 : vector<16xf32> to vector<1x16xf32>
        tpu.vector_store %arg12[%swap3A_530, %swap3A_531], %swap3A_534 {strides = array<i32>} : memref<128x128xf32, #tpu.memory_space<vmem>>, vector<1x16xf32>,
        %get3A_535 = arith.index_cast %add3A_468 : i32 to index
        %get3A_536 = arith.constant 96 : index
        %get3A_537 = tpu.vector_load %arg12[%get3A_535, %get3A_536] {strides = array<i32>} : memref<128x128xf32, #tpu.memory_space<vmem>>, vector<1x16xf32>,
        %get3A_538 = vector.shape_cast %get3A_537 : vector<1x16xf32> to vector<16xf32>
        %mul3A_539 = vector.broadcast %squeeze3A_464 : f32 to vector<16xf32>
        %mul3A_540 = arith.mulf %get3A_538, %mul3A_539 : vector<16xf32>
        %swap3A_541 = arith.index_cast %add3A_468 : i32 to index
        %swap3A_542 = arith.constant 96 : index
        %swap3A_543 = tpu.vector_load %arg12[%swap3A_541, %swap3A_542] {strides = array<i32>} : memref<128x128xf32, #tpu.memory_space<vmem>>, vector<1x16xf32>,
        %swap3A_544 = vector.shape_cast %swap3A_543 : vector<1x16xf32> to vector<16xf32>
        %swap3A_545 = vector.shape_cast %mul3A_540 : vector<16xf32> to vector<1x16xf32>
        tpu.vector_store %arg12[%swap3A_541, %swap3A_542], %swap3A_545 {strides = array<i32>} : memref<128x128xf32, #tpu.memory_space<vmem>>, vector<1x16xf32>,
        %get3A_546 = arith.index_cast %add3A_468 : i32 to index
        %get3A_547 = arith.constant 112 : index
        %get3A_548 = tpu.vector_load %arg12[%get3A_546, %get3A_547] {strides = array<i32>} : memref<128x128xf32, #tpu.memory_space<vmem>>, vector<1x16xf32>,
        %get3A_549 = vector.shape_cast %get3A_548 : vector<1x16xf32> to vector<16xf32>
        %mul3A_550 = vector.broadcast %squeeze3A_464 : f32 to vector<16xf32>
        %mul3A_551 = arith.mulf %get3A_549, %mul3A_550 : vector<16xf32>
        %swap3A_552 = arith.index_cast %add3A_468 : i32 to index
        %swap3A_553 = arith.constant 112 : index
        %swap3A_554 = tpu.vector_load %arg12[%swap3A_552, %swap3A_553] {strides = array<i32>} : memref<128x128xf32, #tpu.memory_space<vmem>>, vector<1x16xf32>,
        %swap3A_555 = vector.shape_cast %swap3A_554 : vector<1x16xf32> to vector<16xf32>
        %swap3A_556 = vector.shape_cast %mul3A_551 : vector<16xf32> to vector<1x16xf32>
        tpu.vector_store %arg12[%swap3A_552, %swap3A_553], %swap3A_556 {strides = array<i32>} : memref<128x128xf32, #tpu.memory_space<vmem>>, vector<1x16xf32>,
        %slice3A_557 = vector.extract_strided_slice %get3A_89 {offsets = [5], sizes = [1], strides = [1]} : vector<16xf32> to vector<1xf32>
        %squeeze3A_558 = vector.extract %slice3A_557[0] : f32 from vector<1xf32>
        %mul3A_559 = arith.constant 16 : i32
        %mul3A_560 = arith.muli %scan3A_84, %mul3A_559 : i32
        %add3A_561 = arith.constant 5 : i32
        %add3A_562 = arith.addi %mul3A_560, %add3A_561 : i32
        %get3A_563 = arith.index_cast %add3A_562 : i32 to index
        %get3A_564 = arith.constant 0 : index
        %get3A_565 = tpu.vector_load %arg12[%get3A_563, %get3A_564] {strides = array<i32>} : memref<128x128xf32, #tpu.memory_space<vmem>>, vector<1x16xf32>,
        %get3A_566 = vector.shape_cast %get3A_565 : vector<1x16xf32> to vector<16xf32>
        %mul3A_567 = vector.broadcast %squeeze3A_558 : f32 to vector<16xf32>
        %mul3A_568 = arith.mulf %get3A_566, %mul3A_567 : vector<16xf32>
        %swap3A_569 = arith.index_cast %add3A_562 : i32 to index
        %swap3A_570 = arith.constant 0 : index
        %swap3A_571 = tpu.vector_load %arg12[%swap3A_569, %swap3A_570] {strides = array<i32>} : memref<128x128xf32, #tpu.memory_space<vmem>>, vector<1x16xf32>,
        %swap3A_572 = vector.shape_cast %swap3A_571 : vector<1x16xf32> to vector<16xf32>
        %swap3A_573 = vector.shape_cast %mul3A_568 : vector<16xf32> to vector<1x16xf32>
        tpu.vector_store %arg12[%swap3A_569, %swap3A_570], %swap3A_573 {strides = array<i32>} : memref<128x128xf32, #tpu.memory_space<vmem>>, vector<1x16xf32>,
        %get3A_574 = arith.index_cast %add3A_562 : i32 to index
        %get3A_575 = arith.constant 16 : index
        %get3A_576 = tpu.vector_load %arg12[%get3A_574, %get3A_575] {strides = array<i32>} : memref<128x128xf32, #tpu.memory_space<vmem>>, vector<1x16xf32>,
        %get3A_577 = vector.shape_cast %get3A_576 : vector<1x16xf32> to vector<16xf32>
        %mul3A_578 = vector.broadcast %squeeze3A_558 : f32 to vector<16xf32>
        %mul3A_579 = arith.mulf %get3A_577, %mul3A_578 : vector<16xf32>
        %swap3A_580 = arith.index_cast %add3A_562 : i32 to index
        %swap3A_581 = arith.constant 16 : index
        %swap3A_582 = tpu.vector_load %arg12[%swap3A_580, %swap3A_581] {strides = array<i32>} : memref<128x128xf32, #tpu.memory_space<vmem>>, vector<1x16xf32>,
        %swap3A_583 = vector.shape_cast %swap3A_582 : vector<1x16xf32> to vector<16xf32>
        %swap3A_584 = vector.shape_cast %mul3A_579 : vector<16xf32> to vector<1x16xf32>
        tpu.vector_store %arg12[%swap3A_580, %swap3A_581], %swap3A_584 {strides = array<i32>} : memref<128x128xf32, #tpu.memory_space<vmem>>, vector<1x16xf32>,
        %get3A_585 = arith.index_cast %add3A_562 : i32 to index
        %get3A_586 = arith.constant 32 : index
        %get3A_587 = tpu.vector_load %arg12[%get3A_585, %get3A_586] {strides = array<i32>} : memref<128x128xf32, #tpu.memory_space<vmem>>, vector<1x16xf32>,
        %get3A_588 = vector.shape_cast %get3A_587 : vector<1x16xf32> to vector<16xf32>
        %mul3A_589 = vector.broadcast %squeeze3A_558 : f32 to vector<16xf32>
        %mul3A_590 = arith.mulf %get3A_588, %mul3A_589 : vector<16xf32>
        %swap3A_591 = arith.index_cast %add3A_562 : i32 to index
        %swap3A_592 = arith.constant 32 : index
        %swap3A_593 = tpu.vector_load %arg12[%swap3A_591, %swap3A_592] {strides = array<i32>} : memref<128x128xf32, #tpu.memory_space<vmem>>, vector<1x16xf32>,
        %swap3A_594 = vector.shape_cast %swap3A_593 : vector<1x16xf32> to vector<16xf32>
        %swap3A_595 = vector.shape_cast %mul3A_590 : vector<16xf32> to vector<1x16xf32>
        tpu.vector_store %arg12[%swap3A_591, %swap3A_592], %swap3A_595 {strides = array<i32>} : memref<128x128xf32, #tpu.memory_space<vmem>>, vector<1x16xf32>,
        %get3A_596 = arith.index_cast %add3A_562 : i32 to index
        %get3A_597 = arith.constant 48 : index
        %get3A_598 = tpu.vector_load %arg12[%get3A_596, %get3A_597] {strides = array<i32>} : memref<128x128xf32, #tpu.memory_space<vmem>>, vector<1x16xf32>,
        %get3A_599 = vector.shape_cast %get3A_598 : vector<1x16xf32> to vector<16xf32>
        %mul3A_600 = vector.broadcast %squeeze3A_558 : f32 to vector<16xf32>
        %mul3A_601 = arith.mulf %get3A_599, %mul3A_600 : vector<16xf32>
        %swap3A_602 = arith.index_cast %add3A_562 : i32 to index
        %swap3A_603 = arith.constant 48 : index
        %swap3A_604 = tpu.vector_load %arg12[%swap3A_602, %swap3A_603] {strides = array<i32>} : memref<128x128xf32, #tpu.memory_space<vmem>>, vector<1x16xf32>,
        %swap3A_605 = vector.shape_cast %swap3A_604 : vector<1x16xf32> to vector<16xf32>
        %swap3A_606 = vector.shape_cast %mul3A_601 : vector<16xf32> to vector<1x16xf32>
        tpu.vector_store %arg12[%swap3A_602, %swap3A_603], %swap3A_606 {strides = array<i32>} : memref<128x128xf32, #tpu.memory_space<vmem>>, vector<1x16xf32>,
        %get3A_607 = arith.index_cast %add3A_562 : i32 to index
        %get3A_608 = arith.constant 64 : index
        %get3A_609 = tpu.vector_load %arg12[%get3A_607, %get3A_608] {strides = array<i32>} : memref<128x128xf32, #tpu.memory_space<vmem>>, vector<1x16xf32>,
        %get3A_610 = vector.shape_cast %get3A_609 : vector<1x16xf32> to vector<16xf32>
        %mul3A_611 = vector.broadcast %squeeze3A_558 : f32 to vector<16xf32>
        %mul3A_612 = arith.mulf %get3A_610, %mul3A_611 : vector<16xf32>
        %swap3A_613 = arith.index_cast %add3A_562 : i32 to index
        %swap3A_614 = arith.constant 64 : index
        %swap3A_615 = tpu.vector_load %arg12[%swap3A_613, %swap3A_614] {strides = array<i32>} : memref<128x128xf32, #tpu.memory_space<vmem>>, vector<1x16xf32>,
        %swap3A_616 = vector.shape_cast %swap3A_615 : vector<1x16xf32> to vector<16xf32>
        %swap3A_617 = vector.shape_cast %mul3A_612 : vector<16xf32> to vector<1x16xf32>
        tpu.vector_store %arg12[%swap3A_613, %swap3A_614], %swap3A_617 {strides = array<i32>} : memref<128x128xf32, #tpu.memory_space<vmem>>, vector<1x16xf32>,
        %get3A_618 = arith.index_cast %add3A_562 : i32 to index
        %get3A_619 = arith.constant 80 : index
        %get3A_620 = tpu.vector_load %arg12[%get3A_618, %get3A_619] {strides = array<i32>} : memref<128x128xf32, #tpu.memory_space<vmem>>, vector<1x16xf32>,
        %get3A_621 = vector.shape_cast %get3A_620 : vector<1x16xf32> to vector<16xf32>
        %mul3A_622 = vector.broadcast %squeeze3A_558 : f32 to vector<16xf32>
        %mul3A_623 = arith.mulf %get3A_621, %mul3A_622 : vector<16xf32>
        %swap3A_624 = arith.index_cast %add3A_562 : i32 to index
        %swap3A_625 = arith.constant 80 : index
        %swap3A_626 = tpu.vector_load %arg12[%swap3A_624, %swap3A_625] {strides = array<i32>} : memref<128x128xf32, #tpu.memory_space<vmem>>, vector<1x16xf32>,
        %swap3A_627 = vector.shape_cast %swap3A_626 : vector<1x16xf32> to vector<16xf32>
        %swap3A_628 = vector.shape_cast %mul3A_623 : vector<16xf32> to vector<1x16xf32>
        tpu.vector_store %arg12[%swap3A_624, %swap3A_625], %swap3A_628 {strides = array<i32>} : memref<128x128xf32, #tpu.memory_space<vmem>>, vector<1x16xf32>,
        %get3A_629 = arith.index_cast %add3A_562 : i32 to index
        %get3A_630 = arith.constant 96 : index
        %get3A_631 = tpu.vector_load %arg12[%get3A_629, %get3A_630] {strides = array<i32>} : memref<128x128xf32, #tpu.memory_space<vmem>>, vector<1x16xf32>,
        %get3A_632 = vector.shape_cast %get3A_631 : vector<1x16xf32> to vector<16xf32>
        %mul3A_633 = vector.broadcast %squeeze3A_558 : f32 to vector<16xf32>
        %mul3A_634 = arith.mulf %get3A_632, %mul3A_633 : vector<16xf32>
        %swap3A_635 = arith.index_cast %add3A_562 : i32 to index
        %swap3A_636 = arith.constant 96 : index
        %swap3A_637 = tpu.vector_load %arg12[%swap3A_635, %swap3A_636] {strides = array<i32>} : memref<128x128xf32, #tpu.memory_space<vmem>>, vector<1x16xf32>,
        %swap3A_638 = vector.shape_cast %swap3A_637 : vector<1x16xf32> to vector<16xf32>
        %swap3A_639 = vector.shape_cast %mul3A_634 : vector<16xf32> to vector<1x16xf32>
        tpu.vector_store %arg12[%swap3A_635, %swap3A_636], %swap3A_639 {strides = array<i32>} : memref<128x128xf32, #tpu.memory_space<vmem>>, vector<1x16xf32>,
        %get3A_640 = arith.index_cast %add3A_562 : i32 to index
        %get3A_641 = arith.constant 112 : index
        %get3A_642 = tpu.vector_load %arg12[%get3A_640, %get3A_641] {strides = array<i32>} : memref<128x128xf32, #tpu.memory_space<vmem>>, vector<1x16xf32>,
        %get3A_643 = vector.shape_cast %get3A_642 : vector<1x16xf32> to vector<16xf32>
        %mul3A_644 = vector.broadcast %squeeze3A_558 : f32 to vector<16xf32>
        %mul3A_645 = arith.mulf %get3A_643, %mul3A_644 : vector<16xf32>
        %swap3A_646 = arith.index_cast %add3A_562 : i32 to index
        %swap3A_647 = arith.constant 112 : index
        %swap3A_648 = tpu.vector_load %arg12[%swap3A_646, %swap3A_647] {strides = array<i32>} : memref<128x128xf32, #tpu.memory_space<vmem>>, vector<1x16xf32>,
        %swap3A_649 = vector.shape_cast %swap3A_648 : vector<1x16xf32> to vector<16xf32>
        %swap3A_650 = vector.shape_cast %mul3A_645 : vector<16xf32> to vector<1x16xf32>
        tpu.vector_store %arg12[%swap3A_646, %swap3A_647], %swap3A_650 {strides = array<i32>} : memref<128x128xf32, #tpu.memory_space<vmem>>, vector<1x16xf32>,
        %slice3A_651 = vector.extract_strided_slice %get3A_89 {offsets = [6], sizes = [1], strides = [1]} : vector<16xf32> to vector<1xf32>
        %squeeze3A_652 = vector.extract %slice3A_651[0] : f32 from vector<1xf32>
        %mul3A_653 = arith.constant 16 : i32
        %mul3A_654 = arith.muli %scan3A_84, %mul3A_653 : i32
        %add3A_655 = arith.constant 6 : i32
        %add3A_656 = arith.addi %mul3A_654, %add3A_655 : i32
        %get3A_657 = arith.index_cast %add3A_656 : i32 to index
        %get3A_658 = arith.constant 0 : index
        %get3A_659 = tpu.vector_load %arg12[%get3A_657, %get3A_658] {strides = array<i32>} : memref<128x128xf32, #tpu.memory_space<vmem>>, vector<1x16xf32>,
        %get3A_660 = vector.shape_cast %get3A_659 : vector<1x16xf32> to vector<16xf32>
        %mul3A_661 = vector.broadcast %squeeze3A_652 : f32 to vector<16xf32>
        %mul3A_662 = arith.mulf %get3A_660, %mul3A_661 : vector<16xf32>
        %swap3A_663 = arith.index_cast %add3A_656 : i32 to index
        %swap3A_664 = arith.constant 0 : index
        %swap3A_665 = tpu.vector_load %arg12[%swap3A_663, %swap3A_664] {strides = array<i32>} : memref<128x128xf32, #tpu.memory_space<vmem>>, vector<1x16xf32>,
        %swap3A_666 = vector.shape_cast %swap3A_665 : vector<1x16xf32> to vector<16xf32>
        %swap3A_667 = vector.shape_cast %mul3A_662 : vector<16xf32> to vector<1x16xf32>
        tpu.vector_store %arg12[%swap3A_663, %swap3A_664], %swap3A_667 {strides = array<i32>} : memref<128x128xf32, #tpu.memory_space<vmem>>, vector<1x16xf32>,
        %get3A_668 = arith.index_cast %add3A_656 : i32 to index
        %get3A_669 = arith.constant 16 : index
        %get3A_670 = tpu.vector_load %arg12[%get3A_668, %get3A_669] {strides = array<i32>} : memref<128x128xf32, #tpu.memory_space<vmem>>, vector<1x16xf32>,
        %get3A_671 = vector.shape_cast %get3A_670 : vector<1x16xf32> to vector<16xf32>
        %mul3A_672 = vector.broadcast %squeeze3A_652 : f32 to vector<16xf32>
        %mul3A_673 = arith.mulf %get3A_671, %mul3A_672 : vector<16xf32>
        %swap3A_674 = arith.index_cast %add3A_656 : i32 to index
        %swap3A_675 = arith.constant 16 : index
        %swap3A_676 = tpu.vector_load %arg12[%swap3A_674, %swap3A_675] {strides = array<i32>} : memref<128x128xf32, #tpu.memory_space<vmem>>, vector<1x16xf32>,
        %swap3A_677 = vector.shape_cast %swap3A_676 : vector<1x16xf32> to vector<16xf32>
        %swap3A_678 = vector.shape_cast %mul3A_673 : vector<16xf32> to vector<1x16xf32>
        tpu.vector_store %arg12[%swap3A_674, %swap3A_675], %swap3A_678 {strides = array<i32>} : memref<128x128xf32, #tpu.memory_space<vmem>>, vector<1x16xf32>,
        %get3A_679 = arith.index_cast %add3A_656 : i32 to index
        %get3A_680 = arith.constant 32 : index
        %get3A_681 = tpu.vector_load %arg12[%get3A_679, %get3A_680] {strides = array<i32>} : memref<128x128xf32, #tpu.memory_space<vmem>>, vector<1x16xf32>,
        %get3A_682 = vector.shape_cast %get3A_681 : vector<1x16xf32> to vector<16xf32>
        %mul3A_683 = vector.broadcast %squeeze3A_652 : f32 to vector<16xf32>
        %mul3A_684 = arith.mulf %get3A_682, %mul3A_683 : vector<16xf32>
        %swap3A_685 = arith.index_cast %add3A_656 : i32 to index
        %swap3A_686 = arith.constant 32 : index
        %swap3A_687 = tpu.vector_load %arg12[%swap3A_685, %swap3A_686] {strides = array<i32>} : memref<128x128xf32, #tpu.memory_space<vmem>>, vector<1x16xf32>,
        %swap3A_688 = vector.shape_cast %swap3A_687 : vector<1x16xf32> to vector<16xf32>
        %swap3A_689 = vector.shape_cast %mul3A_684 : vector<16xf32> to vector<1x16xf32>
        tpu.vector_store %arg12[%swap3A_685, %swap3A_686], %swap3A_689 {strides = array<i32>} : memref<128x128xf32, #tpu.memory_space<vmem>>, vector<1x16xf32>,
        %get3A_690 = arith.index_cast %add3A_656 : i32 to index
        %get3A_691 = arith.constant 48 : index
        %get3A_692 = tpu.vector_load %arg12[%get3A_690, %get3A_691] {strides = array<i32>} : memref<128x128xf32, #tpu.memory_space<vmem>>, vector<1x16xf32>,
        %get3A_693 = vector.shape_cast %get3A_692 : vector<1x16xf32> to vector<16xf32>
        %mul3A_694 = vector.broadcast %squeeze3A_652 : f32 to vector<16xf32>
        %mul3A_695 = arith.mulf %get3A_693, %mul3A_694 : vector<16xf32>
        %swap3A_696 = arith.index_cast %add3A_656 : i32 to index
        %swap3A_697 = arith.constant 48 : index
        %swap3A_698 = tpu.vector_load %arg12[%swap3A_696, %swap3A_697] {strides = array<i32>} : memref<128x128xf32, #tpu.memory_space<vmem>>, vector<1x16xf32>,
        %swap3A_699 = vector.shape_cast %swap3A_698 : vector<1x16xf32> to vector<16xf32>
        %swap3A_700 = vector.shape_cast %mul3A_695 : vector<16xf32> to vector<1x16xf32>
        tpu.vector_store %arg12[%swap3A_696, %swap3A_697], %swap3A_700 {strides = array<i32>} : memref<128x128xf32, #tpu.memory_space<vmem>>, vector<1x16xf32>,
        %get3A_701 = arith.index_cast %add3A_656 : i32 to index
        %get3A_702 = arith.constant 64 : index
        %get3A_703 = tpu.vector_load %arg12[%get3A_701, %get3A_702] {strides = array<i32>} : memref<128x128xf32, #tpu.memory_space<vmem>>, vector<1x16xf32>,
        %get3A_704 = vector.shape_cast %get3A_703 : vector<1x16xf32> to vector<16xf32>
        %mul3A_705 = vector.broadcast %squeeze3A_652 : f32 to vector<16xf32>
        %mul3A_706 = arith.mulf %get3A_704, %mul3A_705 : vector<16xf32>
        %swap3A_707 = arith.index_cast %add3A_656 : i32 to index
        %swap3A_708 = arith.constant 64 : index
        %swap3A_709 = tpu.vector_load %arg12[%swap3A_707, %swap3A_708] {strides = array<i32>} : memref<128x128xf32, #tpu.memory_space<vmem>>, vector<1x16xf32>,
        %swap3A_710 = vector.shape_cast %swap3A_709 : vector<1x16xf32> to vector<16xf32>
        %swap3A_711 = vector.shape_cast %mul3A_706 : vector<16xf32> to vector<1x16xf32>
        tpu.vector_store %arg12[%swap3A_707, %swap3A_708], %swap3A_711 {strides = array<i32>} : memref<128x128xf32, #tpu.memory_space<vmem>>, vector<1x16xf32>,
        %get3A_712 = arith.index_cast %add3A_656 : i32 to index
        %get3A_713 = arith.constant 80 : index
        %get3A_714 = tpu.vector_load %arg12[%get3A_712, %get3A_713] {strides = array<i32>} : memref<128x128xf32, #tpu.memory_space<vmem>>, vector<1x16xf32>,
        %get3A_715 = vector.shape_cast %get3A_714 : vector<1x16xf32> to vector<16xf32>
        %mul3A_716 = vector.broadcast %squeeze3A_652 : f32 to vector<16xf32>
        %mul3A_717 = arith.mulf %get3A_715, %mul3A_716 : vector<16xf32>
        %swap3A_718 = arith.index_cast %add3A_656 : i32 to index
        %swap3A_719 = arith.constant 80 : index
        %swap3A_720 = tpu.vector_load %arg12[%swap3A_718, %swap3A_719] {strides = array<i32>} : memref<128x128xf32, #tpu.memory_space<vmem>>, vector<1x16xf32>,
        %swap3A_721 = vector.shape_cast %swap3A_720 : vector<1x16xf32> to vector<16xf32>
        %swap3A_722 = vector.shape_cast %mul3A_717 : vector<16xf32> to vector<1x16xf32>
        tpu.vector_store %arg12[%swap3A_718, %swap3A_719], %swap3A_722 {strides = array<i32>} : memref<128x128xf32, #tpu.memory_space<vmem>>, vector<1x16xf32>,
        %get3A_723 = arith.index_cast %add3A_656 : i32 to index
        %get3A_724 = arith.constant 96 : index
        %get3A_725 = tpu.vector_load %arg12[%get3A_723, %get3A_724] {strides = array<i32>} : memref<128x128xf32, #tpu.memory_space<vmem>>, vector<1x16xf32>,
        %get3A_726 = vector.shape_cast %get3A_725 : vector<1x16xf32> to vector<16xf32>
        %mul3A_727 = vector.broadcast %squeeze3A_652 : f32 to vector<16xf32>
        %mul3A_728 = arith.mulf %get3A_726, %mul3A_727 : vector<16xf32>
        %swap3A_729 = arith.index_cast %add3A_656 : i32 to index
        %swap3A_730 = arith.constant 96 : index
        %swap3A_731 = tpu.vector_load %arg12[%swap3A_729, %swap3A_730] {strides = array<i32>} : memref<128x128xf32, #tpu.memory_space<vmem>>, vector<1x16xf32>,
        %swap3A_732 = vector.shape_cast %swap3A_731 : vector<1x16xf32> to vector<16xf32>
        %swap3A_733 = vector.shape_cast %mul3A_728 : vector<16xf32> to vector<1x16xf32>
        tpu.vector_store %arg12[%swap3A_729, %swap3A_730], %swap3A_733 {strides = array<i32>} : memref<128x128xf32, #tpu.memory_space<vmem>>, vector<1x16xf32>,
        %get3A_734 = arith.index_cast %add3A_656 : i32 to index
        %get3A_735 = arith.constant 112 : index
        %get3A_736 = tpu.vector_load %arg12[%get3A_734, %get3A_735] {strides = array<i32>} : memref<128x128xf32, #tpu.memory_space<vmem>>, vector<1x16xf32>,
        %get3A_737 = vector.shape_cast %get3A_736 : vector<1x16xf32> to vector<16xf32>
        %mul3A_738 = vector.broadcast %squeeze3A_652 : f32 to vector<16xf32>
        %mul3A_739 = arith.mulf %get3A_737, %mul3A_738 : vector<16xf32>
        %swap3A_740 = arith.index_cast %add3A_656 : i32 to index
        %swap3A_741 = arith.constant 112 : index
        %swap3A_742 = tpu.vector_load %arg12[%swap3A_740, %swap3A_741] {strides = array<i32>} : memref<128x128xf32, #tpu.memory_space<vmem>>, vector<1x16xf32>,
        %swap3A_743 = vector.shape_cast %swap3A_742 : vector<1x16xf32> to vector<16xf32>
        %swap3A_744 = vector.shape_cast %mul3A_739 : vector<16xf32> to vector<1x16xf32>
        tpu.vector_store %arg12[%swap3A_740, %swap3A_741], %swap3A_744 {strides = array<i32>} : memref<128x128xf32, #tpu.memory_space<vmem>>, vector<1x16xf32>,
        %slice3A_745 = vector.extract_strided_slice %get3A_89 {offsets = [7], sizes = [1], strides = [1]} : vector<16xf32> to vector<1xf32>
        %squeeze3A_746 = vector.extract %slice3A_745[0] : f32 from vector<1xf32>
        %mul3A_747 = arith.constant 16 : i32
        %mul3A_748 = arith.muli %scan3A_84, %mul3A_747 : i32
        %add3A_749 = arith.constant 7 : i32
        %add3A_750 = arith.addi %mul3A_748, %add3A_749 : i32
        %get3A_751 = arith.index_cast %add3A_750 : i32 to index
        %get3A_752 = arith.constant 0 : index
        %get3A_753 = tpu.vector_load %arg12[%get3A_751, %get3A_752] {strides = array<i32>} : memref<128x128xf32, #tpu.memory_space<vmem>>, vector<1x16xf32>,
        %get3A_754 = vector.shape_cast %get3A_753 : vector<1x16xf32> to vector<16xf32>
        %mul3A_755 = vector.broadcast %squeeze3A_746 : f32 to vector<16xf32>
        %mul3A_756 = arith.mulf %get3A_754, %mul3A_755 : vector<16xf32>
        %swap3A_757 = arith.index_cast %add3A_750 : i32 to index
        %swap3A_758 = arith.constant 0 : index
        %swap3A_759 = tpu.vector_load %arg12[%swap3A_757, %swap3A_758] {strides = array<i32>} : memref<128x128xf32, #tpu.memory_space<vmem>>, vector<1x16xf32>,
        %swap3A_760 = vector.shape_cast %swap3A_759 : vector<1x16xf32> to vector<16xf32>
        %swap3A_761 = vector.shape_cast %mul3A_756 : vector<16xf32> to vector<1x16xf32>
        tpu.vector_store %arg12[%swap3A_757, %swap3A_758], %swap3A_761 {strides = array<i32>} : memref<128x128xf32, #tpu.memory_space<vmem>>, vector<1x16xf32>,
        %get3A_762 = arith.index_cast %add3A_750 : i32 to index
        %get3A_763 = arith.constant 16 : index
        %get3A_764 = tpu.vector_load %arg12[%get3A_762, %get3A_763] {strides = array<i32>} : memref<128x128xf32, #tpu.memory_space<vmem>>, vector<1x16xf32>,
        %get3A_765 = vector.shape_cast %get3A_764 : vector<1x16xf32> to vector<16xf32>
        %mul3A_766 = vector.broadcast %squeeze3A_746 : f32 to vector<16xf32>
        %mul3A_767 = arith.mulf %get3A_765, %mul3A_766 : vector<16xf32>
        %swap3A_768 = arith.index_cast %add3A_750 : i32 to index
        %swap3A_769 = arith.constant 16 : index
        %swap3A_770 = tpu.vector_load %arg12[%swap3A_768, %swap3A_769] {strides = array<i32>} : memref<128x128xf32, #tpu.memory_space<vmem>>, vector<1x16xf32>,
        %swap3A_771 = vector.shape_cast %swap3A_770 : vector<1x16xf32> to vector<16xf32>
        %swap3A_772 = vector.shape_cast %mul3A_767 : vector<16xf32> to vector<1x16xf32>
        tpu.vector_store %arg12[%swap3A_768, %swap3A_769], %swap3A_772 {strides = array<i32>} : memref<128x128xf32, #tpu.memory_space<vmem>>, vector<1x16xf32>,
        %get3A_773 = arith.index_cast %add3A_750 : i32 to index
        %get3A_774 = arith.constant 32 : index
        %get3A_775 = tpu.vector_load %arg12[%get3A_773, %get3A_774] {strides = array<i32>} : memref<128x128xf32, #tpu.memory_space<vmem>>, vector<1x16xf32>,
        %get3A_776 = vector.shape_cast %get3A_775 : vector<1x16xf32> to vector<16xf32>
        %mul3A_777 = vector.broadcast %squeeze3A_746 : f32 to vector<16xf32>
        %mul3A_778 = arith.mulf %get3A_776, %mul3A_777 : vector<16xf32>
        %swap3A_779 = arith.index_cast %add3A_750 : i32 to index
        %swap3A_780 = arith.constant 32 : index
        %swap3A_781 = tpu.vector_load %arg12[%swap3A_779, %swap3A_780] {strides = array<i32>} : memref<128x128xf32, #tpu.memory_space<vmem>>, vector<1x16xf32>,
        %swap3A_782 = vector.shape_cast %swap3A_781 : vector<1x16xf32> to vector<16xf32>
        %swap3A_783 = vector.shape_cast %mul3A_778 : vector<16xf32> to vector<1x16xf32>
        tpu.vector_store %arg12[%swap3A_779, %swap3A_780], %swap3A_783 {strides = array<i32>} : memref<128x128xf32, #tpu.memory_space<vmem>>, vector<1x16xf32>,
        %get3A_784 = arith.index_cast %add3A_750 : i32 to index
        %get3A_785 = arith.constant 48 : index
        %get3A_786 = tpu.vector_load %arg12[%get3A_784, %get3A_785] {strides = array<i32>} : memref<128x128xf32, #tpu.memory_space<vmem>>, vector<1x16xf32>,
        %get3A_787 = vector.shape_cast %get3A_786 : vector<1x16xf32> to vector<16xf32>
        %mul3A_788 = vector.broadcast %squeeze3A_746 : f32 to vector<16xf32>
        %mul3A_789 = arith.mulf %get3A_787, %mul3A_788 : vector<16xf32>
        %swap3A_790 = arith.index_cast %add3A_750 : i32 to index
        %swap3A_791 = arith.constant 48 : index
        %swap3A_792 = tpu.vector_load %arg12[%swap3A_790, %swap3A_791] {strides = array<i32>} : memref<128x128xf32, #tpu.memory_space<vmem>>, vector<1x16xf32>,
        %swap3A_793 = vector.shape_cast %swap3A_792 : vector<1x16xf32> to vector<16xf32>
        %swap3A_794 = vector.shape_cast %mul3A_789 : vector<16xf32> to vector<1x16xf32>
        tpu.vector_store %arg12[%swap3A_790, %swap3A_791], %swap3A_794 {strides = array<i32>} : memref<128x128xf32, #tpu.memory_space<vmem>>, vector<1x16xf32>,
        %get3A_795 = arith.index_cast %add3A_750 : i32 to index
        %get3A_796 = arith.constant 64 : index
        %get3A_797 = tpu.vector_load %arg12[%get3A_795, %get3A_796] {strides = array<i32>} : memref<128x128xf32, #tpu.memory_space<vmem>>, vector<1x16xf32>,
        %get3A_798 = vector.shape_cast %get3A_797 : vector<1x16xf32> to vector<16xf32>
        %mul3A_799 = vector.broadcast %squeeze3A_746 : f32 to vector<16xf32>
        %mul3A_800 = arith.mulf %get3A_798, %mul3A_799 : vector<16xf32>
        %swap3A_801 = arith.index_cast %add3A_750 : i32 to index
        %swap3A_802 = arith.constant 64 : index
        %swap3A_803 = tpu.vector_load %arg12[%swap3A_801, %swap3A_802] {strides = array<i32>} : memref<128x128xf32, #tpu.memory_space<vmem>>, vector<1x16xf32>,
        %swap3A_804 = vector.shape_cast %swap3A_803 : vector<1x16xf32> to vector<16xf32>
        %swap3A_805 = vector.shape_cast %mul3A_800 : vector<16xf32> to vector<1x16xf32>
        tpu.vector_store %arg12[%swap3A_801, %swap3A_802], %swap3A_805 {strides = array<i32>} : memref<128x128xf32, #tpu.memory_space<vmem>>, vector<1x16xf32>,
        %get3A_806 = arith.index_cast %add3A_750 : i32 to index
        %get3A_807 = arith.constant 80 : index
        %get3A_808 = tpu.vector_load %arg12[%get3A_806, %get3A_807] {strides = array<i32>} : memref<128x128xf32, #tpu.memory_space<vmem>>, vector<1x16xf32>,
        %get3A_809 = vector.shape_cast %get3A_808 : vector<1x16xf32> to vector<16xf32>
        %mul3A_810 = vector.broadcast %squeeze3A_746 : f32 to vector<16xf32>
        %mul3A_811 = arith.mulf %get3A_809, %mul3A_810 : vector<16xf32>
        %swap3A_812 = arith.index_cast %add3A_750 : i32 to index
        %swap3A_813 = arith.constant 80 : index
        %swap3A_814 = tpu.vector_load %arg12[%swap3A_812, %swap3A_813] {strides = array<i32>} : memref<128x128xf32, #tpu.memory_space<vmem>>, vector<1x16xf32>,
        %swap3A_815 = vector.shape_cast %swap3A_814 : vector<1x16xf32> to vector<16xf32>
        %swap3A_816 = vector.shape_cast %mul3A_811 : vector<16xf32> to vector<1x16xf32>
        tpu.vector_store %arg12[%swap3A_812, %swap3A_813], %swap3A_816 {strides = array<i32>} : memref<128x128xf32, #tpu.memory_space<vmem>>, vector<1x16xf32>,
        %get3A_817 = arith.index_cast %add3A_750 : i32 to index
        %get3A_818 = arith.constant 96 : index
        %get3A_819 = tpu.vector_load %arg12[%get3A_817, %get3A_818] {strides = array<i32>} : memref<128x128xf32, #tpu.memory_space<vmem>>, vector<1x16xf32>,
        %get3A_820 = vector.shape_cast %get3A_819 : vector<1x16xf32> to vector<16xf32>
        %mul3A_821 = vector.broadcast %squeeze3A_746 : f32 to vector<16xf32>
        %mul3A_822 = arith.mulf %get3A_820, %mul3A_821 : vector<16xf32>
        %swap3A_823 = arith.index_cast %add3A_750 : i32 to index
        %swap3A_824 = arith.constant 96 : index
        %swap3A_825 = tpu.vector_load %arg12[%swap3A_823, %swap3A_824] {strides = array<i32>} : memref<128x128xf32, #tpu.memory_space<vmem>>, vector<1x16xf32>,
        %swap3A_826 = vector.shape_cast %swap3A_825 : vector<1x16xf32> to vector<16xf32>
        %swap3A_827 = vector.shape_cast %mul3A_822 : vector<16xf32> to vector<1x16xf32>
        tpu.vector_store %arg12[%swap3A_823, %swap3A_824], %swap3A_827 {strides = array<i32>} : memref<128x128xf32, #tpu.memory_space<vmem>>, vector<1x16xf32>,
        %get3A_828 = arith.index_cast %add3A_750 : i32 to index
        %get3A_829 = arith.constant 112 : index
        %get3A_830 = tpu.vector_load %arg12[%get3A_828, %get3A_829] {strides = array<i32>} : memref<128x128xf32, #tpu.memory_space<vmem>>, vector<1x16xf32>,
        %get3A_831 = vector.shape_cast %get3A_830 : vector<1x16xf32> to vector<16xf32>
        %mul3A_832 = vector.broadcast %squeeze3A_746 : f32 to vector<16xf32>
        %mul3A_833 = arith.mulf %get3A_831, %mul3A_832 : vector<16xf32>
        %swap3A_834 = arith.index_cast %add3A_750 : i32 to index
        %swap3A_835 = arith.constant 112 : index
        %swap3A_836 = tpu.vector_load %arg12[%swap3A_834, %swap3A_835] {strides = array<i32>} : memref<128x128xf32, #tpu.memory_space<vmem>>, vector<1x16xf32>,
        %swap3A_837 = vector.shape_cast %swap3A_836 : vector<1x16xf32> to vector<16xf32>
        %swap3A_838 = vector.shape_cast %mul3A_833 : vector<16xf32> to vector<1x16xf32>
        tpu.vector_store %arg12[%swap3A_834, %swap3A_835], %swap3A_838 {strides = array<i32>} : memref<128x128xf32, #tpu.memory_space<vmem>>, vector<1x16xf32>,
        %slice3A_839 = vector.extract_strided_slice %get3A_89 {offsets = [8], sizes = [1], strides = [1]} : vector<16xf32> to vector<1xf32>
        %squeeze3A_840 = vector.extract %slice3A_839[0] : f32 from vector<1xf32>
        %mul3A_841 = arith.constant 16 : i32
        %mul3A_842 = arith.muli %scan3A_84, %mul3A_841 : i32
        %add3A_843 = arith.constant 8 : i32
        %add3A_844 = arith.addi %mul3A_842, %add3A_843 : i32
        %get3A_845 = arith.index_cast %add3A_844 : i32 to index
        %get3A_846 = arith.constant 0 : index
        %get3A_847 = tpu.vector_load %arg12[%get3A_845, %get3A_846] {strides = array<i32>} : memref<128x128xf32, #tpu.memory_space<vmem>>, vector<1x16xf32>,
        %get3A_848 = vector.shape_cast %get3A_847 : vector<1x16xf32> to vector<16xf32>
        %mul3A_849 = vector.broadcast %squeeze3A_840 : f32 to vector<16xf32>
        %mul3A_850 = arith.mulf %get3A_848, %mul3A_849 : vector<16xf32>
        %swap3A_851 = arith.index_cast %add3A_844 : i32 to index
        %swap3A_852 = arith.constant 0 : index
        %swap3A_853 = tpu.vector_load %arg12[%swap3A_851, %swap3A_852] {strides = array<i32>} : memref<128x128xf32, #tpu.memory_space<vmem>>, vector<1x16xf32>,
        %swap3A_854 = vector.shape_cast %swap3A_853 : vector<1x16xf32> to vector<16xf32>
        %swap3A_855 = vector.shape_cast %mul3A_850 : vector<16xf32> to vector<1x16xf32>
        tpu.vector_store %arg12[%swap3A_851, %swap3A_852], %swap3A_855 {strides = array<i32>} : memref<128x128xf32, #tpu.memory_space<vmem>>, vector<1x16xf32>,
        %get3A_856 = arith.index_cast %add3A_844 : i32 to index
        %get3A_857 = arith.constant 16 : index
        %get3A_858 = tpu.vector_load %arg12[%get3A_856, %get3A_857] {strides = array<i32>} : memref<128x128xf32, #tpu.memory_space<vmem>>, vector<1x16xf32>,
        %get3A_859 = vector.shape_cast %get3A_858 : vector<1x16xf32> to vector<16xf32>
        %mul3A_860 = vector.broadcast %squeeze3A_840 : f32 to vector<16xf32>
        %mul3A_861 = arith.mulf %get3A_859, %mul3A_860 : vector<16xf32>
        %swap3A_862 = arith.index_cast %add3A_844 : i32 to index
        %swap3A_863 = arith.constant 16 : index
        %swap3A_864 = tpu.vector_load %arg12[%swap3A_862, %swap3A_863] {strides = array<i32>} : memref<128x128xf32, #tpu.memory_space<vmem>>, vector<1x16xf32>,
        %swap3A_865 = vector.shape_cast %swap3A_864 : vector<1x16xf32> to vector<16xf32>
        %swap3A_866 = vector.shape_cast %mul3A_861 : vector<16xf32> to vector<1x16xf32>
        tpu.vector_store %arg12[%swap3A_862, %swap3A_863], %swap3A_866 {strides = array<i32>} : memref<128x128xf32, #tpu.memory_space<vmem>>, vector<1x16xf32>,
        %get3A_867 = arith.index_cast %add3A_844 : i32 to index
        %get3A_868 = arith.constant 32 : index
        %get3A_869 = tpu.vector_load %arg12[%get3A_867, %get3A_868] {strides = array<i32>} : memref<128x128xf32, #tpu.memory_space<vmem>>, vector<1x16xf32>,
        %get3A_870 = vector.shape_cast %get3A_869 : vector<1x16xf32> to vector<16xf32>
        %mul3A_871 = vector.broadcast %squeeze3A_840 : f32 to vector<16xf32>
        %mul3A_872 = arith.mulf %get3A_870, %mul3A_871 : vector<16xf32>
        %swap3A_873 = arith.index_cast %add3A_844 : i32 to index
        %swap3A_874 = arith.constant 32 : index
        %swap3A_875 = tpu.vector_load %arg12[%swap3A_873, %swap3A_874] {strides = array<i32>} : memref<128x128xf32, #tpu.memory_space<vmem>>, vector<1x16xf32>,
        %swap3A_876 = vector.shape_cast %swap3A_875 : vector<1x16xf32> to vector<16xf32>
        %swap3A_877 = vector.shape_cast %mul3A_872 : vector<16xf32> to vector<1x16xf32>
        tpu.vector_store %arg12[%swap3A_873, %swap3A_874], %swap3A_877 {strides = array<i32>} : memref<128x128xf32, #tpu.memory_space<vmem>>, vector<1x16xf32>,
        %get3A_878 = arith.index_cast %add3A_844 : i32 to index
        %get3A_879 = arith.constant 48 : index
        %get3A_880 = tpu.vector_load %arg12[%get3A_878, %get3A_879] {strides = array<i32>} : memref<128x128xf32, #tpu.memory_space<vmem>>, vector<1x16xf32>,
        %get3A_881 = vector.shape_cast %get3A_880 : vector<1x16xf32> to vector<16xf32>
        %mul3A_882 = vector.broadcast %squeeze3A_840 : f32 to vector<16xf32>
        %mul3A_883 = arith.mulf %get3A_881, %mul3A_882 : vector<16xf32>
        %swap3A_884 = arith.index_cast %add3A_844 : i32 to index
        %swap3A_885 = arith.constant 48 : index
        %swap3A_886 = tpu.vector_load %arg12[%swap3A_884, %swap3A_885] {strides = array<i32>} : memref<128x128xf32, #tpu.memory_space<vmem>>, vector<1x16xf32>,
        %swap3A_887 = vector.shape_cast %swap3A_886 : vector<1x16xf32> to vector<16xf32>
        %swap3A_888 = vector.shape_cast %mul3A_883 : vector<16xf32> to vector<1x16xf32>
        tpu.vector_store %arg12[%swap3A_884, %swap3A_885], %swap3A_888 {strides = array<i32>} : memref<128x128xf32, #tpu.memory_space<vmem>>, vector<1x16xf32>,
        %get3A_889 = arith.index_cast %add3A_844 : i32 to index
        %get3A_890 = arith.constant 64 : index
        %get3A_891 = tpu.vector_load %arg12[%get3A_889, %get3A_890] {strides = array<i32>} : memref<128x128xf32, #tpu.memory_space<vmem>>, vector<1x16xf32>,
        %get3A_892 = vector.shape_cast %get3A_891 : vector<1x16xf32> to vector<16xf32>
        %mul3A_893 = vector.broadcast %squeeze3A_840 : f32 to vector<16xf32>
        %mul3A_894 = arith.mulf %get3A_892, %mul3A_893 : vector<16xf32>
        %swap3A_895 = arith.index_cast %add3A_844 : i32 to index
        %swap3A_896 = arith.constant 64 : index
        %swap3A_897 = tpu.vector_load %arg12[%swap3A_895, %swap3A_896] {strides = array<i32>} : memref<128x128xf32, #tpu.memory_space<vmem>>, vector<1x16xf32>,
        %swap3A_898 = vector.shape_cast %swap3A_897 : vector<1x16xf32> to vector<16xf32>
        %swap3A_899 = vector.shape_cast %mul3A_894 : vector<16xf32> to vector<1x16xf32>
        tpu.vector_store %arg12[%swap3A_895, %swap3A_896], %swap3A_899 {strides = array<i32>} : memref<128x128xf32, #tpu.memory_space<vmem>>, vector<1x16xf32>,
        %get3A_900 = arith.index_cast %add3A_844 : i32 to index
        %get3A_901 = arith.constant 80 : index
        %get3A_902 = tpu.vector_load %arg12[%get3A_900, %get3A_901] {strides = array<i32>} : memref<128x128xf32, #tpu.memory_space<vmem>>, vector<1x16xf32>,
        %get3A_903 = vector.shape_cast %get3A_902 : vector<1x16xf32> to vector<16xf32>
        %mul3A_904 = vector.broadcast %squeeze3A_840 : f32 to vector<16xf32>
        %mul3A_905 = arith.mulf %get3A_903, %mul3A_904 : vector<16xf32>
        %swap3A_906 = arith.index_cast %add3A_844 : i32 to index
        %swap3A_907 = arith.constant 80 : index
        %swap3A_908 = tpu.vector_load %arg12[%swap3A_906, %swap3A_907] {strides = array<i32>} : memref<128x128xf32, #tpu.memory_space<vmem>>, vector<1x16xf32>,
        %swap3A_909 = vector.shape_cast %swap3A_908 : vector<1x16xf32> to vector<16xf32>
        %swap3A_910 = vector.shape_cast %mul3A_905 : vector<16xf32> to vector<1x16xf32>
        tpu.vector_store %arg12[%swap3A_906, %swap3A_907], %swap3A_910 {strides = array<i32>} : memref<128x128xf32, #tpu.memory_space<vmem>>, vector<1x16xf32>,
        %get3A_911 = arith.index_cast %add3A_844 : i32 to index
        %get3A_912 = arith.constant 96 : index
        %get3A_913 = tpu.vector_load %arg12[%get3A_911, %get3A_912] {strides = array<i32>} : memref<128x128xf32, #tpu.memory_space<vmem>>, vector<1x16xf32>,
        %get3A_914 = vector.shape_cast %get3A_913 : vector<1x16xf32> to vector<16xf32>
        %mul3A_915 = vector.broadcast %squeeze3A_840 : f32 to vector<16xf32>
        %mul3A_916 = arith.mulf %get3A_914, %mul3A_915 : vector<16xf32>
        %swap3A_917 = arith.index_cast %add3A_844 : i32 to index
        %swap3A_918 = arith.constant 96 : index
        %swap3A_919 = tpu.vector_load %arg12[%swap3A_917, %swap3A_918] {strides = array<i32>} : memref<128x128xf32, #tpu.memory_space<vmem>>, vector<1x16xf32>,
        %swap3A_920 = vector.shape_cast %swap3A_919 : vector<1x16xf32> to vector<16xf32>
        %swap3A_921 = vector.shape_cast %mul3A_916 : vector<16xf32> to vector<1x16xf32>
        tpu.vector_store %arg12[%swap3A_917, %swap3A_918], %swap3A_921 {strides = array<i32>} : memref<128x128xf32, #tpu.memory_space<vmem>>, vector<1x16xf32>,
        %get3A_922 = arith.index_cast %add3A_844 : i32 to index
        %get3A_923 = arith.constant 112 : index
        %get3A_924 = tpu.vector_load %arg12[%get3A_922, %get3A_923] {strides = array<i32>} : memref<128x128xf32, #tpu.memory_space<vmem>>, vector<1x16xf32>,
        %get3A_925 = vector.shape_cast %get3A_924 : vector<1x16xf32> to vector<16xf32>
        %mul3A_926 = vector.broadcast %squeeze3A_840 : f32 to vector<16xf32>
        %mul3A_927 = arith.mulf %get3A_925, %mul3A_926 : vector<16xf32>
        %swap3A_928 = arith.index_cast %add3A_844 : i32 to index
        %swap3A_929 = arith.constant 112 : index
        %swap3A_930 = tpu.vector_load %arg12[%swap3A_928, %swap3A_929] {strides = array<i32>} : memref<128x128xf32, #tpu.memory_space<vmem>>, vector<1x16xf32>,
        %swap3A_931 = vector.shape_cast %swap3A_930 : vector<1x16xf32> to vector<16xf32>
        %swap3A_932 = vector.shape_cast %mul3A_927 : vector<16xf32> to vector<1x16xf32>
        tpu.vector_store %arg12[%swap3A_928, %swap3A_929], %swap3A_932 {strides = array<i32>} : memref<128x128xf32, #tpu.memory_space<vmem>>, vector<1x16xf32>,
        %slice3A_933 = vector.extract_strided_slice %get3A_89 {offsets = [9], sizes = [1], strides = [1]} : vector<16xf32> to vector<1xf32>
        %squeeze3A_934 = vector.extract %slice3A_933[0] : f32 from vector<1xf32>
        %mul3A_935 = arith.constant 16 : i32
        %mul3A_936 = arith.muli %scan3A_84, %mul3A_935 : i32
        %add3A_937 = arith.constant 9 : i32
        %add3A_938 = arith.addi %mul3A_936, %add3A_937 : i32
        %get3A_939 = arith.index_cast %add3A_938 : i32 to index
        %get3A_940 = arith.constant 0 : index
        %get3A_941 = tpu.vector_load %arg12[%get3A_939, %get3A_940] {strides = array<i32>} : memref<128x128xf32, #tpu.memory_space<vmem>>, vector<1x16xf32>,
        %get3A_942 = vector.shape_cast %get3A_941 : vector<1x16xf32> to vector<16xf32>
        %mul3A_943 = vector.broadcast %squeeze3A_934 : f32 to vector<16xf32>
        %mul3A_944 = arith.mulf %get3A_942, %mul3A_943 : vector<16xf32>
        %swap3A_945 = arith.index_cast %add3A_938 : i32 to index
        %swap3A_946 = arith.constant 0 : index
        %swap3A_947 = tpu.vector_load %arg12[%swap3A_945, %swap3A_946] {strides = array<i32>} : memref<128x128xf32, #tpu.memory_space<vmem>>, vector<1x16xf32>,
        %swap3A_948 = vector.shape_cast %swap3A_947 : vector<1x16xf32> to vector<16xf32>
        %swap3A_949 = vector.shape_cast %mul3A_944 : vector<16xf32> to vector<1x16xf32>
        tpu.vector_store %arg12[%swap3A_945, %swap3A_946], %swap3A_949 {strides = array<i32>} : memref<128x128xf32, #tpu.memory_space<vmem>>, vector<1x16xf32>,
        %get3A_950 = arith.index_cast %add3A_938 : i32 to index
        %get3A_951 = arith.constant 16 : index
        %get3A_952 = tpu.vector_load %arg12[%get3A_950, %get3A_951] {strides = array<i32>} : memref<128x128xf32, #tpu.memory_space<vmem>>, vector<1x16xf32>,
        %get3A_953 = vector.shape_cast %get3A_952 : vector<1x16xf32> to vector<16xf32>
        %mul3A_954 = vector.broadcast %squeeze3A_934 : f32 to vector<16xf32>
        %mul3A_955 = arith.mulf %get3A_953, %mul3A_954 : vector<16xf32>
        %swap3A_956 = arith.index_cast %add3A_938 : i32 to index
        %swap3A_957 = arith.constant 16 : index
        %swap3A_958 = tpu.vector_load %arg12[%swap3A_956, %swap3A_957] {strides = array<i32>} : memref<128x128xf32, #tpu.memory_space<vmem>>, vector<1x16xf32>,
        %swap3A_959 = vector.shape_cast %swap3A_958 : vector<1x16xf32> to vector<16xf32>
        %swap3A_960 = vector.shape_cast %mul3A_955 : vector<16xf32> to vector<1x16xf32>
        tpu.vector_store %arg12[%swap3A_956, %swap3A_957], %swap3A_960 {strides = array<i32>} : memref<128x128xf32, #tpu.memory_space<vmem>>, vector<1x16xf32>,
        %get3A_961 = arith.index_cast %add3A_938 : i32 to index
        %get3A_962 = arith.constant 32 : index
        %get3A_963 = tpu.vector_load %arg12[%get3A_961, %get3A_962] {strides = array<i32>} : memref<128x128xf32, #tpu.memory_space<vmem>>, vector<1x16xf32>,
        %get3A_964 = vector.shape_cast %get3A_963 : vector<1x16xf32> to vector<16xf32>
        %mul3A_965 = vector.broadcast %squeeze3A_934 : f32 to vector<16xf32>
        %mul3A_966 = arith.mulf %get3A_964, %mul3A_965 : vector<16xf32>
        %swap3A_967 = arith.index_cast %add3A_938 : i32 to index
        %swap3A_968 = arith.constant 32 : index
        %swap3A_969 = tpu.vector_load %arg12[%swap3A_967, %swap3A_968] {strides = array<i32>} : memref<128x128xf32, #tpu.memory_space<vmem>>, vector<1x16xf32>,
        %swap3A_970 = vector.shape_cast %swap3A_969 : vector<1x16xf32> to vector<16xf32>
        %swap3A_971 = vector.shape_cast %mul3A_966 : vector<16xf32> to vector<1x16xf32>
        tpu.vector_store %arg12[%swap3A_967, %swap3A_968], %swap3A_971 {strides = array<i32>} : memref<128x128xf32, #tpu.memory_space<vmem>>, vector<1x16xf32>,
        %get3A_972 = arith.index_cast %add3A_938 : i32 to index
        %get3A_973 = arith.constant 48 : index
        %get3A_974 = tpu.vector_load %arg12[%get3A_972, %get3A_973] {strides = array<i32>} : memref<128x128xf32, #tpu.memory_space<vmem>>, vector<1x16xf32>,
        %get3A_975 = vector.shape_cast %get3A_974 : vector<1x16xf32> to vector<16xf32>
        %mul3A_976 = vector.broadcast %squeeze3A_934 : f32 to vector<16xf32>
        %mul3A_977 = arith.mulf %get3A_975, %mul3A_976 : vector<16xf32>
        %swap3A_978 = arith.index_cast %add3A_938 : i32 to index
        %swap3A_979 = arith.constant 48 : index
        %swap3A_980 = tpu.vector_load %arg12[%swap3A_978, %swap3A_979] {strides = array<i32>} : memref<128x128xf32, #tpu.memory_space<vmem>>, vector<1x16xf32>,
        %swap3A_981 = vector.shape_cast %swap3A_980 : vector<1x16xf32> to vector<16xf32>
        %swap3A_982 = vector.shape_cast %mul3A_977 : vector<16xf32> to vector<1x16xf32>
        tpu.vector_store %arg12[%swap3A_978, %swap3A_979], %swap3A_982 {strides = array<i32>} : memref<128x128xf32, #tpu.memory_space<vmem>>, vector<1x16xf32>,
        %get3A_983 = arith.index_cast %add3A_938 : i32 to index
        %get3A_984 = arith.constant 64 : index
        %get3A_985 = tpu.vector_load %arg12[%get3A_983, %get3A_984] {strides = array<i32>} : memref<128x128xf32, #tpu.memory_space<vmem>>, vector<1x16xf32>,
        %get3A_986 = vector.shape_cast %get3A_985 : vector<1x16xf32> to vector<16xf32>
        %mul3A_987 = vector.broadcast %squeeze3A_934 : f32 to vector<16xf32>
        %mul3A_988 = arith.mulf %get3A_986, %mul3A_987 : vector<16xf32>
        %swap3A_989 = arith.index_cast %add3A_938 : i32 to index
        %swap3A_990 = arith.constant 64 : index
        %swap3A_991 = tpu.vector_load %arg12[%swap3A_989, %swap3A_990] {strides = array<i32>} : memref<128x128xf32, #tpu.memory_space<vmem>>, vector<1x16xf32>,
        %swap3A_992 = vector.shape_cast %swap3A_991 : vector<1x16xf32> to vector<16xf32>
        %swap3A_993 = vector.shape_cast %mul3A_988 : vector<16xf32> to vector<1x16xf32>
        tpu.vector_store %arg12[%swap3A_989, %swap3A_990], %swap3A_993 {strides = array<i32>} : memref<128x128xf32, #tpu.memory_space<vmem>>, vector<1x16xf32>,
        %get3A_994 = arith.index_cast %add3A_938 : i32 to index
        %get3A_995 = arith.constant 80 : index
        %get3A_996 = tpu.vector_load %arg12[%get3A_994, %get3A_995] {strides = array<i32>} : memref<128x128xf32, #tpu.memory_space<vmem>>, vector<1x16xf32>,
        %get3A_997 = vector.shape_cast %get3A_996 : vector<1x16xf32> to vector<16xf32>
        %mul3A_998 = vector.broadcast %squeeze3A_934 : f32 to vector<16xf32>
        %mul3A_999 = arith.mulf %get3A_997, %mul3A_998 : vector<16xf32>
        %swap3A_1000 = arith.index_cast %add3A_938 : i32 to index
        %swap3A_1001 = arith.constant 80 : index
        %swap3A_1002 = tpu.vector_load %arg12[%swap3A_1000, %swap3A_1001] {strides = array<i32>} : memref<128x128xf32, #tpu.memory_space<vmem>>, vector<1x16xf32>,
        %swap3A_1003 = vector.shape_cast %swap3A_1002 : vector<1x16xf32> to vector<16xf32>
        %swap3A_1004 = vector.shape_cast %mul3A_999 : vector<16xf32> to vector<1x16xf32>
        tpu.vector_store %arg12[%swap3A_1000, %swap3A_1001], %swap3A_1004 {strides = array<i32>} : memref<128x128xf32, #tpu.memory_space<vmem>>, vector<1x16xf32>,
        %get3A_1005 = arith.index_cast %add3A_938 : i32 to index
        %get3A_1006 = arith.constant 96 : index
        %get3A_1007 = tpu.vector_load %arg12[%get3A_1005, %get3A_1006] {strides = array<i32>} : memref<128x128xf32, #tpu.memory_space<vmem>>, vector<1x16xf32>,
        %get3A_1008 = vector.shape_cast %get3A_1007 : vector<1x16xf32> to vector<16xf32>
        %mul3A_1009 = vector.broadcast %squeeze3A_934 : f32 to vector<16xf32>
        %mul3A_1010 = arith.mulf %get3A_1008, %mul3A_1009 : vector<16xf32>
        %swap3A_1011 = arith.index_cast %add3A_938 : i32 to index
        %swap3A_1012 = arith.constant 96 : index
        %swap3A_1013 = tpu.vector_load %arg12[%swap3A_1011, %swap3A_1012] {strides = array<i32>} : memref<128x128xf32, #tpu.memory_space<vmem>>, vector<1x16xf32>,
        %swap3A_1014 = vector.shape_cast %swap3A_1013 : vector<1x16xf32> to vector<16xf32>
        %swap3A_1015 = vector.shape_cast %mul3A_1010 : vector<16xf32> to vector<1x16xf32>
        tpu.vector_store %arg12[%swap3A_1011, %swap3A_1012], %swap3A_1015 {strides = array<i32>} : memref<128x128xf32, #tpu.memory_space<vmem>>, vector<1x16xf32>,
        %get3A_1016 = arith.index_cast %add3A_938 : i32 to index
        %get3A_1017 = arith.constant 112 : index
        %get3A_1018 = tpu.vector_load %arg12[%get3A_1016, %get3A_1017] {strides = array<i32>} : memref<128x128xf32, #tpu.memory_space<vmem>>, vector<1x16xf32>,
        %get3A_1019 = vector.shape_cast %get3A_1018 : vector<1x16xf32> to vector<16xf32>
        %mul3A_1020 = vector.broadcast %squeeze3A_934 : f32 to vector<16xf32>
        %mul3A_1021 = arith.mulf %get3A_1019, %mul3A_1020 : vector<16xf32>
        %swap3A_1022 = arith.index_cast %add3A_938 : i32 to index
        %swap3A_1023 = arith.constant 112 : index
        %swap3A_1024 = tpu.vector_load %arg12[%swap3A_1022, %swap3A_1023] {strides = array<i32>} : memref<128x128xf32, #tpu.memory_space<vmem>>, vector<1x16xf32>,
        %swap3A_1025 = vector.shape_cast %swap3A_1024 : vector<1x16xf32> to vector<16xf32>
        %swap3A_1026 = vector.shape_cast %mul3A_1021 : vector<16xf32> to vector<1x16xf32>
        tpu.vector_store %arg12[%swap3A_1022, %swap3A_1023], %swap3A_1026 {strides = array<i32>} : memref<128x128xf32, #tpu.memory_space<vmem>>, vector<1x16xf32>,
        %slice3A_1027 = vector.extract_strided_slice %get3A_89 {offsets = [10], sizes = [1], strides = [1]} : vector<16xf32> to vector<1xf32>
        %squeeze3A_1028 = vector.extract %slice3A_1027[0] : f32 from vector<1xf32>
        %mul3A_1029 = arith.constant 16 : i32
        %mul3A_1030 = arith.muli %scan3A_84, %mul3A_1029 : i32
        %add3A_1031 = arith.constant 10 : i32
        %add3A_1032 = arith.addi %mul3A_1030, %add3A_1031 : i32
        %get3A_1033 = arith.index_cast %add3A_1032 : i32 to index
        %get3A_1034 = arith.constant 0 : index
        %get3A_1035 = tpu.vector_load %arg12[%get3A_1033, %get3A_1034] {strides = array<i32>} : memref<128x128xf32, #tpu.memory_space<vmem>>, vector<1x16xf32>,
        %get3A_1036 = vector.shape_cast %get3A_1035 : vector<1x16xf32> to vector<16xf32>
        %mul3A_1037 = vector.broadcast %squeeze3A_1028 : f32 to vector<16xf32>
        %mul3A_1038 = arith.mulf %get3A_1036, %mul3A_1037 : vector<16xf32>
        %swap3A_1039 = arith.index_cast %add3A_1032 : i32 to index
        %swap3A_1040 = arith.constant 0 : index
        %swap3A_1041 = tpu.vector_load %arg12[%swap3A_1039, %swap3A_1040] {strides = array<i32>} : memref<128x128xf32, #tpu.memory_space<vmem>>, vector<1x16xf32>,
        %swap3A_1042 = vector.shape_cast %swap3A_1041 : vector<1x16xf32> to vector<16xf32>
        %swap3A_1043 = vector.shape_cast %mul3A_1038 : vector<16xf32> to vector<1x16xf32>
        tpu.vector_store %arg12[%swap3A_1039, %swap3A_1040], %swap3A_1043 {strides = array<i32>} : memref<128x128xf32, #tpu.memory_space<vmem>>, vector<1x16xf32>,
        %get3A_1044 = arith.index_cast %add3A_1032 : i32 to index
        %get3A_1045 = arith.constant 16 : index
        %get3A_1046 = tpu.vector_load %arg12[%get3A_1044, %get3A_1045] {strides = array<i32>} : memref<128x128xf32, #tpu.memory_space<vmem>>, vector<1x16xf32>,
        %get3A_1047 = vector.shape_cast %get3A_1046 : vector<1x16xf32> to vector<16xf32>
        %mul3A_1048 = vector.broadcast %squeeze3A_1028 : f32 to vector<16xf32>
        %mul3A_1049 = arith.mulf %get3A_1047, %mul3A_1048 : vector<16xf32>
        %swap3A_1050 = arith.index_cast %add3A_1032 : i32 to index
        %swap3A_1051 = arith.constant 16 : index
        %swap3A_1052 = tpu.vector_load %arg12[%swap3A_1050, %swap3A_1051] {strides = array<i32>} : memref<128x128xf32, #tpu.memory_space<vmem>>, vector<1x16xf32>,
        %swap3A_1053 = vector.shape_cast %swap3A_1052 : vector<1x16xf32> to vector<16xf32>
        %swap3A_1054 = vector.shape_cast %mul3A_1049 : vector<16xf32> to vector<1x16xf32>
        tpu.vector_store %arg12[%swap3A_1050, %swap3A_1051], %swap3A_1054 {strides = array<i32>} : memref<128x128xf32, #tpu.memory_space<vmem>>, vector<1x16xf32>,
        %get3A_1055 = arith.index_cast %add3A_1032 : i32 to index
        %get3A_1056 = arith.constant 32 : index
        %get3A_1057 = tpu.vector_load %arg12[%get3A_1055, %get3A_1056] {strides = array<i32>} : memref<128x128xf32, #tpu.memory_space<vmem>>, vector<1x16xf32>,
        %get3A_1058 = vector.shape_cast %get3A_1057 : vector<1x16xf32> to vector<16xf32>
        %mul3A_1059 = vector.broadcast %squeeze3A_1028 : f32 to vector<16xf32>
        %mul3A_1060 = arith.mulf %get3A_1058, %mul3A_1059 : vector<16xf32>
        %swap3A_1061 = arith.index_cast %add3A_1032 : i32 to index
        %swap3A_1062 = arith.constant 32 : index
        %swap3A_1063 = tpu.vector_load %arg12[%swap3A_1061, %swap3A_1062] {strides = array<i32>} : memref<128x128xf32, #tpu.memory_space<vmem>>, vector<1x16xf32>,
        %swap3A_1064 = vector.shape_cast %swap3A_1063 : vector<1x16xf32> to vector<16xf32>
        %swap3A_1065 = vector.shape_cast %mul3A_1060 : vector<16xf32> to vector<1x16xf32>
        tpu.vector_store %arg12[%swap3A_1061, %swap3A_1062], %swap3A_1065 {strides = array<i32>} : memref<128x128xf32, #tpu.memory_space<vmem>>, vector<1x16xf32>,
        %get3A_1066 = arith.index_cast %add3A_1032 : i32 to index
        %get3A_1067 = arith.constant 48 : index
        %get3A_1068 = tpu.vector_load %arg12[%get3A_1066, %get3A_1067] {strides = array<i32>} : memref<128x128xf32, #tpu.memory_space<vmem>>, vector<1x16xf32>,
        %get3A_1069 = vector.shape_cast %get3A_1068 : vector<1x16xf32> to vector<16xf32>
        %mul3A_1070 = vector.broadcast %squeeze3A_1028 : f32 to vector<16xf32>
        %mul3A_1071 = arith.mulf %get3A_1069, %mul3A_1070 : vector<16xf32>
        %swap3A_1072 = arith.index_cast %add3A_1032 : i32 to index
        %swap3A_1073 = arith.constant 48 : index
        %swap3A_1074 = tpu.vector_load %arg12[%swap3A_1072, %swap3A_1073] {strides = array<i32>} : memref<128x128xf32, #tpu.memory_space<vmem>>, vector<1x16xf32>,
        %swap3A_1075 = vector.shape_cast %swap3A_1074 : vector<1x16xf32> to vector<16xf32>
        %swap3A_1076 = vector.shape_cast %mul3A_1071 : vector<16xf32> to vector<1x16xf32>
        tpu.vector_store %arg12[%swap3A_1072, %swap3A_1073], %swap3A_1076 {strides = array<i32>} : memref<128x128xf32, #tpu.memory_space<vmem>>, vector<1x16xf32>,
        %get3A_1077 = arith.index_cast %add3A_1032 : i32 to index
        %get3A_1078 = arith.constant 64 : index
        %get3A_1079 = tpu.vector_load %arg12[%get3A_1077, %get3A_1078] {strides = array<i32>} : memref<128x128xf32, #tpu.memory_space<vmem>>, vector<1x16xf32>,
        %get3A_1080 = vector.shape_cast %get3A_1079 : vector<1x16xf32> to vector<16xf32>
        %mul3A_1081 = vector.broadcast %squeeze3A_1028 : f32 to vector<16xf32>
        %mul3A_1082 = arith.mulf %get3A_1080, %mul3A_1081 : vector<16xf32>
        %swap3A_1083 = arith.index_cast %add3A_1032 : i32 to index
        %swap3A_1084 = arith.constant 64 : index
        %swap3A_1085 = tpu.vector_load %arg12[%swap3A_1083, %swap3A_1084] {strides = array<i32>} : memref<128x128xf32, #tpu.memory_space<vmem>>, vector<1x16xf32>,
        %swap3A_1086 = vector.shape_cast %swap3A_1085 : vector<1x16xf32> to vector<16xf32>
        %swap3A_1087 = vector.shape_cast %mul3A_1082 : vector<16xf32> to vector<1x16xf32>
        tpu.vector_store %arg12[%swap3A_1083, %swap3A_1084], %swap3A_1087 {strides = array<i32>} : memref<128x128xf32, #tpu.memory_space<vmem>>, vector<1x16xf32>,
        %get3A_1088 = arith.index_cast %add3A_1032 : i32 to index
        %get3A_1089 = arith.constant 80 : index
        %get3A_1090 = tpu.vector_load %arg12[%get3A_1088, %get3A_1089] {strides = array<i32>} : memref<128x128xf32, #tpu.memory_space<vmem>>, vector<1x16xf32>,
        %get3A_1091 = vector.shape_cast %get3A_1090 : vector<1x16xf32> to vector<16xf32>
        %mul3A_1092 = vector.broadcast %squeeze3A_1028 : f32 to vector<16xf32>
        %mul3A_1093 = arith.mulf %get3A_1091, %mul3A_1092 : vector<16xf32>
        %swap3A_1094 = arith.index_cast %add3A_1032 : i32 to index
        %swap3A_1095 = arith.constant 80 : index
        %swap3A_1096 = tpu.vector_load %arg12[%swap3A_1094, %swap3A_1095] {strides = array<i32>} : memref<128x128xf32, #tpu.memory_space<vmem>>, vector<1x16xf32>,
        %swap3A_1097 = vector.shape_cast %swap3A_1096 : vector<1x16xf32> to vector<16xf32>
        %swap3A_1098 = vector.shape_cast %mul3A_1093 : vector<16xf32> to vector<1x16xf32>
        tpu.vector_store %arg12[%swap3A_1094, %swap3A_1095], %swap3A_1098 {strides = array<i32>} : memref<128x128xf32, #tpu.memory_space<vmem>>, vector<1x16xf32>,
        %get3A_1099 = arith.index_cast %add3A_1032 : i32 to index
        %get3A_1100 = arith.constant 96 : index
        %get3A_1101 = tpu.vector_load %arg12[%get3A_1099, %get3A_1100] {strides = array<i32>} : memref<128x128xf32, #tpu.memory_space<vmem>>, vector<1x16xf32>,
        %get3A_1102 = vector.shape_cast %get3A_1101 : vector<1x16xf32> to vector<16xf32>
        %mul3A_1103 = vector.broadcast %squeeze3A_1028 : f32 to vector<16xf32>
        %mul3A_1104 = arith.mulf %get3A_1102, %mul3A_1103 : vector<16xf32>
        %swap3A_1105 = arith.index_cast %add3A_1032 : i32 to index
        %swap3A_1106 = arith.constant 96 : index
        %swap3A_1107 = tpu.vector_load %arg12[%swap3A_1105, %swap3A_1106] {strides = array<i32>} : memref<128x128xf32, #tpu.memory_space<vmem>>, vector<1x16xf32>,
        %swap3A_1108 = vector.shape_cast %swap3A_1107 : vector<1x16xf32> to vector<16xf32>
        %swap3A_1109 = vector.shape_cast %mul3A_1104 : vector<16xf32> to vector<1x16xf32>
        tpu.vector_store %arg12[%swap3A_1105, %swap3A_1106], %swap3A_1109 {strides = array<i32>} : memref<128x128xf32, #tpu.memory_space<vmem>>, vector<1x16xf32>,
        %get3A_1110 = arith.index_cast %add3A_1032 : i32 to index
        %get3A_1111 = arith.constant 112 : index
        %get3A_1112 = tpu.vector_load %arg12[%get3A_1110, %get3A_1111] {strides = array<i32>} : memref<128x128xf32, #tpu.memory_space<vmem>>, vector<1x16xf32>,
        %get3A_1113 = vector.shape_cast %get3A_1112 : vector<1x16xf32> to vector<16xf32>
        %mul3A_1114 = vector.broadcast %squeeze3A_1028 : f32 to vector<16xf32>
        %mul3A_1115 = arith.mulf %get3A_1113, %mul3A_1114 : vector<16xf32>
        %swap3A_1116 = arith.index_cast %add3A_1032 : i32 to index
        %swap3A_1117 = arith.constant 112 : index
        %swap3A_1118 = tpu.vector_load %arg12[%swap3A_1116, %swap3A_1117] {strides = array<i32>} : memref<128x128xf32, #tpu.memory_space<vmem>>, vector<1x16xf32>,
        %swap3A_1119 = vector.shape_cast %swap3A_1118 : vector<1x16xf32> to vector<16xf32>
        %swap3A_1120 = vector.shape_cast %mul3A_1115 : vector<16xf32> to vector<1x16xf32>
        tpu.vector_store %arg12[%swap3A_1116, %swap3A_1117], %swap3A_1120 {strides = array<i32>} : memref<128x128xf32, #tpu.memory_space<vmem>>, vector<1x16xf32>,
        %slice3A_1121 = vector.extract_strided_slice %get3A_89 {offsets = [11], sizes = [1], strides = [1]} : vector<16xf32> to vector<1xf32>
        %squeeze3A_1122 = vector.extract %slice3A_1121[0] : f32 from vector<1xf32>
        %mul3A_1123 = arith.constant 16 : i32
        %mul3A_1124 = arith.muli %scan3A_84, %mul3A_1123 : i32
        %add3A_1125 = arith.constant 11 : i32
        %add3A_1126 = arith.addi %mul3A_1124, %add3A_1125 : i32
        %get3A_1127 = arith.index_cast %add3A_1126 : i32 to index
        %get3A_1128 = arith.constant 0 : index
        %get3A_1129 = tpu.vector_load %arg12[%get3A_1127, %get3A_1128] {strides = array<i32>} : memref<128x128xf32, #tpu.memory_space<vmem>>, vector<1x16xf32>,
        %get3A_1130 = vector.shape_cast %get3A_1129 : vector<1x16xf32> to vector<16xf32>
        %mul3A_1131 = vector.broadcast %squeeze3A_1122 : f32 to vector<16xf32>
        %mul3A_1132 = arith.mulf %get3A_1130, %mul3A_1131 : vector<16xf32>
        %swap3A_1133 = arith.index_cast %add3A_1126 : i32 to index
        %swap3A_1134 = arith.constant 0 : index
        %swap3A_1135 = tpu.vector_load %arg12[%swap3A_1133, %swap3A_1134] {strides = array<i32>} : memref<128x128xf32, #tpu.memory_space<vmem>>, vector<1x16xf32>,
        %swap3A_1136 = vector.shape_cast %swap3A_1135 : vector<1x16xf32> to vector<16xf32>
        %swap3A_1137 = vector.shape_cast %mul3A_1132 : vector<16xf32> to vector<1x16xf32>
        tpu.vector_store %arg12[%swap3A_1133, %swap3A_1134], %swap3A_1137 {strides = array<i32>} : memref<128x128xf32, #tpu.memory_space<vmem>>, vector<1x16xf32>,
        %get3A_1138 = arith.index_cast %add3A_1126 : i32 to index
        %get3A_1139 = arith.constant 16 : index
        %get3A_1140 = tpu.vector_load %arg12[%get3A_1138, %get3A_1139] {strides = array<i32>} : memref<128x128xf32, #tpu.memory_space<vmem>>, vector<1x16xf32>,
        %get3A_1141 = vector.shape_cast %get3A_1140 : vector<1x16xf32> to vector<16xf32>
        %mul3A_1142 = vector.broadcast %squeeze3A_1122 : f32 to vector<16xf32>
        %mul3A_1143 = arith.mulf %get3A_1141, %mul3A_1142 : vector<16xf32>
        %swap3A_1144 = arith.index_cast %add3A_1126 : i32 to index
        %swap3A_1145 = arith.constant 16 : index
        %swap3A_1146 = tpu.vector_load %arg12[%swap3A_1144, %swap3A_1145] {strides = array<i32>} : memref<128x128xf32, #tpu.memory_space<vmem>>, vector<1x16xf32>,
        %swap3A_1147 = vector.shape_cast %swap3A_1146 : vector<1x16xf32> to vector<16xf32>
        %swap3A_1148 = vector.shape_cast %mul3A_1143 : vector<16xf32> to vector<1x16xf32>
        tpu.vector_store %arg12[%swap3A_1144, %swap3A_1145], %swap3A_1148 {strides = array<i32>} : memref<128x128xf32, #tpu.memory_space<vmem>>, vector<1x16xf32>,
        %get3A_1149 = arith.index_cast %add3A_1126 : i32 to index
        %get3A_1150 = arith.constant 32 : index
        %get3A_1151 = tpu.vector_load %arg12[%get3A_1149, %get3A_1150] {strides = array<i32>} : memref<128x128xf32, #tpu.memory_space<vmem>>, vector<1x16xf32>,
        %get3A_1152 = vector.shape_cast %get3A_1151 : vector<1x16xf32> to vector<16xf32>
        %mul3A_1153 = vector.broadcast %squeeze3A_1122 : f32 to vector<16xf32>
        %mul3A_1154 = arith.mulf %get3A_1152, %mul3A_1153 : vector<16xf32>
        %swap3A_1155 = arith.index_cast %add3A_1126 : i32 to index
        %swap3A_1156 = arith.constant 32 : index
        %swap3A_1157 = tpu.vector_load %arg12[%swap3A_1155, %swap3A_1156] {strides = array<i32>} : memref<128x128xf32, #tpu.memory_space<vmem>>, vector<1x16xf32>,
        %swap3A_1158 = vector.shape_cast %swap3A_1157 : vector<1x16xf32> to vector<16xf32>
        %swap3A_1159 = vector.shape_cast %mul3A_1154 : vector<16xf32> to vector<1x16xf32>
        tpu.vector_store %arg12[%swap3A_1155, %swap3A_1156], %swap3A_1159 {strides = array<i32>} : memref<128x128xf32, #tpu.memory_space<vmem>>, vector<1x16xf32>,
        %get3A_1160 = arith.index_cast %add3A_1126 : i32 to index
        %get3A_1161 = arith.constant 48 : index
        %get3A_1162 = tpu.vector_load %arg12[%get3A_1160, %get3A_1161] {strides = array<i32>} : memref<128x128xf32, #tpu.memory_space<vmem>>, vector<1x16xf32>,
        %get3A_1163 = vector.shape_cast %get3A_1162 : vector<1x16xf32> to vector<16xf32>
        %mul3A_1164 = vector.broadcast %squeeze3A_1122 : f32 to vector<16xf32>
        %mul3A_1165 = arith.mulf %get3A_1163, %mul3A_1164 : vector<16xf32>
        %swap3A_1166 = arith.index_cast %add3A_1126 : i32 to index
        %swap3A_1167 = arith.constant 48 : index
        %swap3A_1168 = tpu.vector_load %arg12[%swap3A_1166, %swap3A_1167] {strides = array<i32>} : memref<128x128xf32, #tpu.memory_space<vmem>>, vector<1x16xf32>,
        %swap3A_1169 = vector.shape_cast %swap3A_1168 : vector<1x16xf32> to vector<16xf32>
        %swap3A_1170 = vector.shape_cast %mul3A_1165 : vector<16xf32> to vector<1x16xf32>
        tpu.vector_store %arg12[%swap3A_1166, %swap3A_1167], %swap3A_1170 {strides = array<i32>} : memref<128x128xf32, #tpu.memory_space<vmem>>, vector<1x16xf32>,
        %get3A_1171 = arith.index_cast %add3A_1126 : i32 to index
        %get3A_1172 = arith.constant 64 : index
        %get3A_1173 = tpu.vector_load %arg12[%get3A_1171, %get3A_1172] {strides = array<i32>} : memref<128x128xf32, #tpu.memory_space<vmem>>, vector<1x16xf32>,
        %get3A_1174 = vector.shape_cast %get3A_1173 : vector<1x16xf32> to vector<16xf32>
        %mul3A_1175 = vector.broadcast %squeeze3A_1122 : f32 to vector<16xf32>
        %mul3A_1176 = arith.mulf %get3A_1174, %mul3A_1175 : vector<16xf32>
        %swap3A_1177 = arith.index_cast %add3A_1126 : i32 to index
        %swap3A_1178 = arith.constant 64 : index
        %swap3A_1179 = tpu.vector_load %arg12[%swap3A_1177, %swap3A_1178] {strides = array<i32>} : memref<128x128xf32, #tpu.memory_space<vmem>>, vector<1x16xf32>,
        %swap3A_1180 = vector.shape_cast %swap3A_1179 : vector<1x16xf32> to vector<16xf32>
        %swap3A_1181 = vector.shape_cast %mul3A_1176 : vector<16xf32> to vector<1x16xf32>
        tpu.vector_store %arg12[%swap3A_1177, %swap3A_1178], %swap3A_1181 {strides = array<i32>} : memref<128x128xf32, #tpu.memory_space<vmem>>, vector<1x16xf32>,
        %get3A_1182 = arith.index_cast %add3A_1126 : i32 to index
        %get3A_1183 = arith.constant 80 : index
        %get3A_1184 = tpu.vector_load %arg12[%get3A_1182, %get3A_1183] {strides = array<i32>} : memref<128x128xf32, #tpu.memory_space<vmem>>, vector<1x16xf32>,
        %get3A_1185 = vector.shape_cast %get3A_1184 : vector<1x16xf32> to vector<16xf32>
        %mul3A_1186 = vector.broadcast %squeeze3A_1122 : f32 to vector<16xf32>
        %mul3A_1187 = arith.mulf %get3A_1185, %mul3A_1186 : vector<16xf32>
        %swap3A_1188 = arith.index_cast %add3A_1126 : i32 to index
        %swap3A_1189 = arith.constant 80 : index
        %swap3A_1190 = tpu.vector_load %arg12[%swap3A_1188, %swap3A_1189] {strides = array<i32>} : memref<128x128xf32, #tpu.memory_space<vmem>>, vector<1x16xf32>,
        %swap3A_1191 = vector.shape_cast %swap3A_1190 : vector<1x16xf32> to vector<16xf32>
        %swap3A_1192 = vector.shape_cast %mul3A_1187 : vector<16xf32> to vector<1x16xf32>
        tpu.vector_store %arg12[%swap3A_1188, %swap3A_1189], %swap3A_1192 {strides = array<i32>} : memref<128x128xf32, #tpu.memory_space<vmem>>, vector<1x16xf32>,
        %get3A_1193 = arith.index_cast %add3A_1126 : i32 to index
        %get3A_1194 = arith.constant 96 : index
        %get3A_1195 = tpu.vector_load %arg12[%get3A_1193, %get3A_1194] {strides = array<i32>} : memref<128x128xf32, #tpu.memory_space<vmem>>, vector<1x16xf32>,
        %get3A_1196 = vector.shape_cast %get3A_1195 : vector<1x16xf32> to vector<16xf32>
        %mul3A_1197 = vector.broadcast %squeeze3A_1122 : f32 to vector<16xf32>
        %mul3A_1198 = arith.mulf %get3A_1196, %mul3A_1197 : vector<16xf32>
        %swap3A_1199 = arith.index_cast %add3A_1126 : i32 to index
        %swap3A_1200 = arith.constant 96 : index
        %swap3A_1201 = tpu.vector_load %arg12[%swap3A_1199, %swap3A_1200] {strides = array<i32>} : memref<128x128xf32, #tpu.memory_space<vmem>>, vector<1x16xf32>,
        %swap3A_1202 = vector.shape_cast %swap3A_1201 : vector<1x16xf32> to vector<16xf32>
        %swap3A_1203 = vector.shape_cast %mul3A_1198 : vector<16xf32> to vector<1x16xf32>
        tpu.vector_store %arg12[%swap3A_1199, %swap3A_1200], %swap3A_1203 {strides = array<i32>} : memref<128x128xf32, #tpu.memory_space<vmem>>, vector<1x16xf32>,
        %get3A_1204 = arith.index_cast %add3A_1126 : i32 to index
        %get3A_1205 = arith.constant 112 : index
        %get3A_1206 = tpu.vector_load %arg12[%get3A_1204, %get3A_1205] {strides = array<i32>} : memref<128x128xf32, #tpu.memory_space<vmem>>, vector<1x16xf32>,
        %get3A_1207 = vector.shape_cast %get3A_1206 : vector<1x16xf32> to vector<16xf32>
        %mul3A_1208 = vector.broadcast %squeeze3A_1122 : f32 to vector<16xf32>
        %mul3A_1209 = arith.mulf %get3A_1207, %mul3A_1208 : vector<16xf32>
        %swap3A_1210 = arith.index_cast %add3A_1126 : i32 to index
        %swap3A_1211 = arith.constant 112 : index
        %swap3A_1212 = tpu.vector_load %arg12[%swap3A_1210, %swap3A_1211] {strides = array<i32>} : memref<128x128xf32, #tpu.memory_space<vmem>>, vector<1x16xf32>,
        %swap3A_1213 = vector.shape_cast %swap3A_1212 : vector<1x16xf32> to vector<16xf32>
        %swap3A_1214 = vector.shape_cast %mul3A_1209 : vector<16xf32> to vector<1x16xf32>
        tpu.vector_store %arg12[%swap3A_1210, %swap3A_1211], %swap3A_1214 {strides = array<i32>} : memref<128x128xf32, #tpu.memory_space<vmem>>, vector<1x16xf32>,
        %slice3A_1215 = vector.extract_strided_slice %get3A_89 {offsets = [12], sizes = [1], strides = [1]} : vector<16xf32> to vector<1xf32>
        %squeeze3A_1216 = vector.extract %slice3A_1215[0] : f32 from vector<1xf32>
        %mul3A_1217 = arith.constant 16 : i32
        %mul3A_1218 = arith.muli %scan3A_84, %mul3A_1217 : i32
        %add3A_1219 = arith.constant 12 : i32
        %add3A_1220 = arith.addi %mul3A_1218, %add3A_1219 : i32
        %get3A_1221 = arith.index_cast %add3A_1220 : i32 to index
        %get3A_1222 = arith.constant 0 : index
        %get3A_1223 = tpu.vector_load %arg12[%get3A_1221, %get3A_1222] {strides = array<i32>} : memref<128x128xf32, #tpu.memory_space<vmem>>, vector<1x16xf32>,
        %get3A_1224 = vector.shape_cast %get3A_1223 : vector<1x16xf32> to vector<16xf32>
        %mul3A_1225 = vector.broadcast %squeeze3A_1216 : f32 to vector<16xf32>
        %mul3A_1226 = arith.mulf %get3A_1224, %mul3A_1225 : vector<16xf32>
        %swap3A_1227 = arith.index_cast %add3A_1220 : i32 to index
        %swap3A_1228 = arith.constant 0 : index
        %swap3A_1229 = tpu.vector_load %arg12[%swap3A_1227, %swap3A_1228] {strides = array<i32>} : memref<128x128xf32, #tpu.memory_space<vmem>>, vector<1x16xf32>,
        %swap3A_1230 = vector.shape_cast %swap3A_1229 : vector<1x16xf32> to vector<16xf32>
        %swap3A_1231 = vector.shape_cast %mul3A_1226 : vector<16xf32> to vector<1x16xf32>
        tpu.vector_store %arg12[%swap3A_1227, %swap3A_1228], %swap3A_1231 {strides = array<i32>} : memref<128x128xf32, #tpu.memory_space<vmem>>, vector<1x16xf32>,
        %get3A_1232 = arith.index_cast %add3A_1220 : i32 to index
        %get3A_1233 = arith.constant 16 : index
        %get3A_1234 = tpu.vector_load %arg12[%get3A_1232, %get3A_1233] {strides = array<i32>} : memref<128x128xf32, #tpu.memory_space<vmem>>, vector<1x16xf32>,
        %get3A_1235 = vector.shape_cast %get3A_1234 : vector<1x16xf32> to vector<16xf32>
        %mul3A_1236 = vector.broadcast %squeeze3A_1216 : f32 to vector<16xf32>
        %mul3A_1237 = arith.mulf %get3A_1235, %mul3A_1236 : vector<16xf32>
        %swap3A_1238 = arith.index_cast %add3A_1220 : i32 to index
        %swap3A_1239 = arith.constant 16 : index
        %swap3A_1240 = tpu.vector_load %arg12[%swap3A_1238, %swap3A_1239] {strides = array<i32>} : memref<128x128xf32, #tpu.memory_space<vmem>>, vector<1x16xf32>,
        %swap3A_1241 = vector.shape_cast %swap3A_1240 : vector<1x16xf32> to vector<16xf32>
        %swap3A_1242 = vector.shape_cast %mul3A_1237 : vector<16xf32> to vector<1x16xf32>
        tpu.vector_store %arg12[%swap3A_1238, %swap3A_1239], %swap3A_1242 {strides = array<i32>} : memref<128x128xf32, #tpu.memory_space<vmem>>, vector<1x16xf32>,
        %get3A_1243 = arith.index_cast %add3A_1220 : i32 to index
        %get3A_1244 = arith.constant 32 : index
        %get3A_1245 = tpu.vector_load %arg12[%get3A_1243, %get3A_1244] {strides = array<i32>} : memref<128x128xf32, #tpu.memory_space<vmem>>, vector<1x16xf32>,
        %get3A_1246 = vector.shape_cast %get3A_1245 : vector<1x16xf32> to vector<16xf32>
        %mul3A_1247 = vector.broadcast %squeeze3A_1216 : f32 to vector<16xf32>
        %mul3A_1248 = arith.mulf %get3A_1246, %mul3A_1247 : vector<16xf32>
        %swap3A_1249 = arith.index_cast %add3A_1220 : i32 to index
        %swap3A_1250 = arith.constant 32 : index
        %swap3A_1251 = tpu.vector_load %arg12[%swap3A_1249, %swap3A_1250] {strides = array<i32>} : memref<128x128xf32, #tpu.memory_space<vmem>>, vector<1x16xf32>,
        %swap3A_1252 = vector.shape_cast %swap3A_1251 : vector<1x16xf32> to vector<16xf32>
        %swap3A_1253 = vector.shape_cast %mul3A_1248 : vector<16xf32> to vector<1x16xf32>
        tpu.vector_store %arg12[%swap3A_1249, %swap3A_1250], %swap3A_1253 {strides = array<i32>} : memref<128x128xf32, #tpu.memory_space<vmem>>, vector<1x16xf32>,
        %get3A_1254 = arith.index_cast %add3A_1220 : i32 to index
        %get3A_1255 = arith.constant 48 : index
        %get3A_1256 = tpu.vector_load %arg12[%get3A_1254, %get3A_1255] {strides = array<i32>} : memref<128x128xf32, #tpu.memory_space<vmem>>, vector<1x16xf32>,
        %get3A_1257 = vector.shape_cast %get3A_1256 : vector<1x16xf32> to vector<16xf32>
        %mul3A_1258 = vector.broadcast %squeeze3A_1216 : f32 to vector<16xf32>
        %mul3A_1259 = arith.mulf %get3A_1257, %mul3A_1258 : vector<16xf32>
        %swap3A_1260 = arith.index_cast %add3A_1220 : i32 to index
        %swap3A_1261 = arith.constant 48 : index
        %swap3A_1262 = tpu.vector_load %arg12[%swap3A_1260, %swap3A_1261] {strides = array<i32>} : memref<128x128xf32, #tpu.memory_space<vmem>>, vector<1x16xf32>,
        %swap3A_1263 = vector.shape_cast %swap3A_1262 : vector<1x16xf32> to vector<16xf32>
        %swap3A_1264 = vector.shape_cast %mul3A_1259 : vector<16xf32> to vector<1x16xf32>
        tpu.vector_store %arg12[%swap3A_1260, %swap3A_1261], %swap3A_1264 {strides = array<i32>} : memref<128x128xf32, #tpu.memory_space<vmem>>, vector<1x16xf32>,
        %get3A_1265 = arith.index_cast %add3A_1220 : i32 to index
        %get3A_1266 = arith.constant 64 : index
        %get3A_1267 = tpu.vector_load %arg12[%get3A_1265, %get3A_1266] {strides = array<i32>} : memref<128x128xf32, #tpu.memory_space<vmem>>, vector<1x16xf32>,
        %get3A_1268 = vector.shape_cast %get3A_1267 : vector<1x16xf32> to vector<16xf32>
        %mul3A_1269 = vector.broadcast %squeeze3A_1216 : f32 to vector<16xf32>
        %mul3A_1270 = arith.mulf %get3A_1268, %mul3A_1269 : vector<16xf32>
        %swap3A_1271 = arith.index_cast %add3A_1220 : i32 to index
        %swap3A_1272 = arith.constant 64 : index
        %swap3A_1273 = tpu.vector_load %arg12[%swap3A_1271, %swap3A_1272] {strides = array<i32>} : memref<128x128xf32, #tpu.memory_space<vmem>>, vector<1x16xf32>,
        %swap3A_1274 = vector.shape_cast %swap3A_1273 : vector<1x16xf32> to vector<16xf32>
        %swap3A_1275 = vector.shape_cast %mul3A_1270 : vector<16xf32> to vector<1x16xf32>
        tpu.vector_store %arg12[%swap3A_1271, %swap3A_1272], %swap3A_1275 {strides = array<i32>} : memref<128x128xf32, #tpu.memory_space<vmem>>, vector<1x16xf32>,
        %get3A_1276 = arith.index_cast %add3A_1220 : i32 to index
        %get3A_1277 = arith.constant 80 : index
        %get3A_1278 = tpu.vector_load %arg12[%get3A_1276, %get3A_1277] {strides = array<i32>} : memref<128x128xf32, #tpu.memory_space<vmem>>, vector<1x16xf32>,
        %get3A_1279 = vector.shape_cast %get3A_1278 : vector<1x16xf32> to vector<16xf32>
        %mul3A_1280 = vector.broadcast %squeeze3A_1216 : f32 to vector<16xf32>
        %mul3A_1281 = arith.mulf %get3A_1279, %mul3A_1280 : vector<16xf32>
        %swap3A_1282 = arith.index_cast %add3A_1220 : i32 to index
        %swap3A_1283 = arith.constant 80 : index
        %swap3A_1284 = tpu.vector_load %arg12[%swap3A_1282, %swap3A_1283] {strides = array<i32>} : memref<128x128xf32, #tpu.memory_space<vmem>>, vector<1x16xf32>,
        %swap3A_1285 = vector.shape_cast %swap3A_1284 : vector<1x16xf32> to vector<16xf32>
        %swap3A_1286 = vector.shape_cast %mul3A_1281 : vector<16xf32> to vector<1x16xf32>
        tpu.vector_store %arg12[%swap3A_1282, %swap3A_1283], %swap3A_1286 {strides = array<i32>} : memref<128x128xf32, #tpu.memory_space<vmem>>, vector<1x16xf32>,
        %get3A_1287 = arith.index_cast %add3A_1220 : i32 to index
        %get3A_1288 = arith.constant 96 : index
        %get3A_1289 = tpu.vector_load %arg12[%get3A_1287, %get3A_1288] {strides = array<i32>} : memref<128x128xf32, #tpu.memory_space<vmem>>, vector<1x16xf32>,
        %get3A_1290 = vector.shape_cast %get3A_1289 : vector<1x16xf32> to vector<16xf32>
        %mul3A_1291 = vector.broadcast %squeeze3A_1216 : f32 to vector<16xf32>
        %mul3A_1292 = arith.mulf %get3A_1290, %mul3A_1291 : vector<16xf32>
        %swap3A_1293 = arith.index_cast %add3A_1220 : i32 to index
        %swap3A_1294 = arith.constant 96 : index
        %swap3A_1295 = tpu.vector_load %arg12[%swap3A_1293, %swap3A_1294] {strides = array<i32>} : memref<128x128xf32, #tpu.memory_space<vmem>>, vector<1x16xf32>,
        %swap3A_1296 = vector.shape_cast %swap3A_1295 : vector<1x16xf32> to vector<16xf32>
        %swap3A_1297 = vector.shape_cast %mul3A_1292 : vector<16xf32> to vector<1x16xf32>
        tpu.vector_store %arg12[%swap3A_1293, %swap3A_1294], %swap3A_1297 {strides = array<i32>} : memref<128x128xf32, #tpu.memory_space<vmem>>, vector<1x16xf32>,
        %get3A_1298 = arith.index_cast %add3A_1220 : i32 to index
        %get3A_1299 = arith.constant 112 : index
        %get3A_1300 = tpu.vector_load %arg12[%get3A_1298, %get3A_1299] {strides = array<i32>} : memref<128x128xf32, #tpu.memory_space<vmem>>, vector<1x16xf32>,
        %get3A_1301 = vector.shape_cast %get3A_1300 : vector<1x16xf32> to vector<16xf32>
        %mul3A_1302 = vector.broadcast %squeeze3A_1216 : f32 to vector<16xf32>
        %mul3A_1303 = arith.mulf %get3A_1301, %mul3A_1302 : vector<16xf32>
        %swap3A_1304 = arith.index_cast %add3A_1220 : i32 to index
        %swap3A_1305 = arith.constant 112 : index
        %swap3A_1306 = tpu.vector_load %arg12[%swap3A_1304, %swap3A_1305] {strides = array<i32>} : memref<128x128xf32, #tpu.memory_space<vmem>>, vector<1x16xf32>,
        %swap3A_1307 = vector.shape_cast %swap3A_1306 : vector<1x16xf32> to vector<16xf32>
        %swap3A_1308 = vector.shape_cast %mul3A_1303 : vector<16xf32> to vector<1x16xf32>
        tpu.vector_store %arg12[%swap3A_1304, %swap3A_1305], %swap3A_1308 {strides = array<i32>} : memref<128x128xf32, #tpu.memory_space<vmem>>, vector<1x16xf32>,
        %slice3A_1309 = vector.extract_strided_slice %get3A_89 {offsets = [13], sizes = [1], strides = [1]} : vector<16xf32> to vector<1xf32>
        %squeeze3A_1310 = vector.extract %slice3A_1309[0] : f32 from vector<1xf32>
        %mul3A_1311 = arith.constant 16 : i32
        %mul3A_1312 = arith.muli %scan3A_84, %mul3A_1311 : i32
        %add3A_1313 = arith.constant 13 : i32
        %add3A_1314 = arith.addi %mul3A_1312, %add3A_1313 : i32
        %get3A_1315 = arith.index_cast %add3A_1314 : i32 to index
        %get3A_1316 = arith.constant 0 : index
        %get3A_1317 = tpu.vector_load %arg12[%get3A_1315, %get3A_1316] {strides = array<i32>} : memref<128x128xf32, #tpu.memory_space<vmem>>, vector<1x16xf32>,
        %get3A_1318 = vector.shape_cast %get3A_1317 : vector<1x16xf32> to vector<16xf32>
        %mul3A_1319 = vector.broadcast %squeeze3A_1310 : f32 to vector<16xf32>
        %mul3A_1320 = arith.mulf %get3A_1318, %mul3A_1319 : vector<16xf32>
        %swap3A_1321 = arith.index_cast %add3A_1314 : i32 to index
        %swap3A_1322 = arith.constant 0 : index
        %swap3A_1323 = tpu.vector_load %arg12[%swap3A_1321, %swap3A_1322] {strides = array<i32>} : memref<128x128xf32, #tpu.memory_space<vmem>>, vector<1x16xf32>,
        %swap3A_1324 = vector.shape_cast %swap3A_1323 : vector<1x16xf32> to vector<16xf32>
        %swap3A_1325 = vector.shape_cast %mul3A_1320 : vector<16xf32> to vector<1x16xf32>
        tpu.vector_store %arg12[%swap3A_1321, %swap3A_1322], %swap3A_1325 {strides = array<i32>} : memref<128x128xf32, #tpu.memory_space<vmem>>, vector<1x16xf32>,
        %get3A_1326 = arith.index_cast %add3A_1314 : i32 to index
        %get3A_1327 = arith.constant 16 : index
        %get3A_1328 = tpu.vector_load %arg12[%get3A_1326, %get3A_1327] {strides = array<i32>} : memref<128x128xf32, #tpu.memory_space<vmem>>, vector<1x16xf32>,
        %get3A_1329 = vector.shape_cast %get3A_1328 : vector<1x16xf32> to vector<16xf32>
        %mul3A_1330 = vector.broadcast %squeeze3A_1310 : f32 to vector<16xf32>
        %mul3A_1331 = arith.mulf %get3A_1329, %mul3A_1330 : vector<16xf32>
        %swap3A_1332 = arith.index_cast %add3A_1314 : i32 to index
        %swap3A_1333 = arith.constant 16 : index
        %swap3A_1334 = tpu.vector_load %arg12[%swap3A_1332, %swap3A_1333] {strides = array<i32>} : memref<128x128xf32, #tpu.memory_space<vmem>>, vector<1x16xf32>,
        %swap3A_1335 = vector.shape_cast %swap3A_1334 : vector<1x16xf32> to vector<16xf32>
        %swap3A_1336 = vector.shape_cast %mul3A_1331 : vector<16xf32> to vector<1x16xf32>
        tpu.vector_store %arg12[%swap3A_1332, %swap3A_1333], %swap3A_1336 {strides = array<i32>} : memref<128x128xf32, #tpu.memory_space<vmem>>, vector<1x16xf32>,
        %get3A_1337 = arith.index_cast %add3A_1314 : i32 to index
        %get3A_1338 = arith.constant 32 : index
        %get3A_1339 = tpu.vector_load %arg12[%get3A_1337, %get3A_1338] {strides = array<i32>} : memref<128x128xf32, #tpu.memory_space<vmem>>, vector<1x16xf32>,
        %get3A_1340 = vector.shape_cast %get3A_1339 : vector<1x16xf32> to vector<16xf32>
        %mul3A_1341 = vector.broadcast %squeeze3A_1310 : f32 to vector<16xf32>
        %mul3A_1342 = arith.mulf %get3A_1340, %mul3A_1341 : vector<16xf32>
        %swap3A_1343 = arith.index_cast %add3A_1314 : i32 to index
        %swap3A_1344 = arith.constant 32 : index
        %swap3A_1345 = tpu.vector_load %arg12[%swap3A_1343, %swap3A_1344] {strides = array<i32>} : memref<128x128xf32, #tpu.memory_space<vmem>>, vector<1x16xf32>,
        %swap3A_1346 = vector.shape_cast %swap3A_1345 : vector<1x16xf32> to vector<16xf32>
        %swap3A_1347 = vector.shape_cast %mul3A_1342 : vector<16xf32> to vector<1x16xf32>
        tpu.vector_store %arg12[%swap3A_1343, %swap3A_1344], %swap3A_1347 {strides = array<i32>} : memref<128x128xf32, #tpu.memory_space<vmem>>, vector<1x16xf32>,
        %get3A_1348 = arith.index_cast %add3A_1314 : i32 to index
        %get3A_1349 = arith.constant 48 : index
        %get3A_1350 = tpu.vector_load %arg12[%get3A_1348, %get3A_1349] {strides = array<i32>} : memref<128x128xf32, #tpu.memory_space<vmem>>, vector<1x16xf32>,
        %get3A_1351 = vector.shape_cast %get3A_1350 : vector<1x16xf32> to vector<16xf32>
        %mul3A_1352 = vector.broadcast %squeeze3A_1310 : f32 to vector<16xf32>
        %mul3A_1353 = arith.mulf %get3A_1351, %mul3A_1352 : vector<16xf32>
        %swap3A_1354 = arith.index_cast %add3A_1314 : i32 to index
        %swap3A_1355 = arith.constant 48 : index
        %swap3A_1356 = tpu.vector_load %arg12[%swap3A_1354, %swap3A_1355] {strides = array<i32>} : memref<128x128xf32, #tpu.memory_space<vmem>>, vector<1x16xf32>,
        %swap3A_1357 = vector.shape_cast %swap3A_1356 : vector<1x16xf32> to vector<16xf32>
        %swap3A_1358 = vector.shape_cast %mul3A_1353 : vector<16xf32> to vector<1x16xf32>
        tpu.vector_store %arg12[%swap3A_1354, %swap3A_1355], %swap3A_1358 {strides = array<i32>} : memref<128x128xf32, #tpu.memory_space<vmem>>, vector<1x16xf32>,
        %get3A_1359 = arith.index_cast %add3A_1314 : i32 to index
        %get3A_1360 = arith.constant 64 : index
        %get3A_1361 = tpu.vector_load %arg12[%get3A_1359, %get3A_1360] {strides = array<i32>} : memref<128x128xf32, #tpu.memory_space<vmem>>, vector<1x16xf32>,
        %get3A_1362 = vector.shape_cast %get3A_1361 : vector<1x16xf32> to vector<16xf32>
        %mul3A_1363 = vector.broadcast %squeeze3A_1310 : f32 to vector<16xf32>
        %mul3A_1364 = arith.mulf %get3A_1362, %mul3A_1363 : vector<16xf32>
        %swap3A_1365 = arith.index_cast %add3A_1314 : i32 to index
        %swap3A_1366 = arith.constant 64 : index
        %swap3A_1367 = tpu.vector_load %arg12[%swap3A_1365, %swap3A_1366] {strides = array<i32>} : memref<128x128xf32, #tpu.memory_space<vmem>>, vector<1x16xf32>,
        %swap3A_1368 = vector.shape_cast %swap3A_1367 : vector<1x16xf32> to vector<16xf32>
        %swap3A_1369 = vector.shape_cast %mul3A_1364 : vector<16xf32> to vector<1x16xf32>
        tpu.vector_store %arg12[%swap3A_1365, %swap3A_1366], %swap3A_1369 {strides = array<i32>} : memref<128x128xf32, #tpu.memory_space<vmem>>, vector<1x16xf32>,
        %get3A_1370 = arith.index_cast %add3A_1314 : i32 to index
        %get3A_1371 = arith.constant 80 : index
        %get3A_1372 = tpu.vector_load %arg12[%get3A_1370, %get3A_1371] {strides = array<i32>} : memref<128x128xf32, #tpu.memory_space<vmem>>, vector<1x16xf32>,
        %get3A_1373 = vector.shape_cast %get3A_1372 : vector<1x16xf32> to vector<16xf32>
        %mul3A_1374 = vector.broadcast %squeeze3A_1310 : f32 to vector<16xf32>
        %mul3A_1375 = arith.mulf %get3A_1373, %mul3A_1374 : vector<16xf32>
        %swap3A_1376 = arith.index_cast %add3A_1314 : i32 to index
        %swap3A_1377 = arith.constant 80 : index
        %swap3A_1378 = tpu.vector_load %arg12[%swap3A_1376, %swap3A_1377] {strides = array<i32>} : memref<128x128xf32, #tpu.memory_space<vmem>>, vector<1x16xf32>,
        %swap3A_1379 = vector.shape_cast %swap3A_1378 : vector<1x16xf32> to vector<16xf32>
        %swap3A_1380 = vector.shape_cast %mul3A_1375 : vector<16xf32> to vector<1x16xf32>
        tpu.vector_store %arg12[%swap3A_1376, %swap3A_1377], %swap3A_1380 {strides = array<i32>} : memref<128x128xf32, #tpu.memory_space<vmem>>, vector<1x16xf32>,
        %get3A_1381 = arith.index_cast %add3A_1314 : i32 to index
        %get3A_1382 = arith.constant 96 : index
        %get3A_1383 = tpu.vector_load %arg12[%get3A_1381, %get3A_1382] {strides = array<i32>} : memref<128x128xf32, #tpu.memory_space<vmem>>, vector<1x16xf32>,
        %get3A_1384 = vector.shape_cast %get3A_1383 : vector<1x16xf32> to vector<16xf32>
        %mul3A_1385 = vector.broadcast %squeeze3A_1310 : f32 to vector<16xf32>
        %mul3A_1386 = arith.mulf %get3A_1384, %mul3A_1385 : vector<16xf32>
        %swap3A_1387 = arith.index_cast %add3A_1314 : i32 to index
        %swap3A_1388 = arith.constant 96 : index
        %swap3A_1389 = tpu.vector_load %arg12[%swap3A_1387, %swap3A_1388] {strides = array<i32>} : memref<128x128xf32, #tpu.memory_space<vmem>>, vector<1x16xf32>,
        %swap3A_1390 = vector.shape_cast %swap3A_1389 : vector<1x16xf32> to vector<16xf32>
        %swap3A_1391 = vector.shape_cast %mul3A_1386 : vector<16xf32> to vector<1x16xf32>
        tpu.vector_store %arg12[%swap3A_1387, %swap3A_1388], %swap3A_1391 {strides = array<i32>} : memref<128x128xf32, #tpu.memory_space<vmem>>, vector<1x16xf32>,
        %get3A_1392 = arith.index_cast %add3A_1314 : i32 to index
        %get3A_1393 = arith.constant 112 : index
        %get3A_1394 = tpu.vector_load %arg12[%get3A_1392, %get3A_1393] {strides = array<i32>} : memref<128x128xf32, #tpu.memory_space<vmem>>, vector<1x16xf32>,
        %get3A_1395 = vector.shape_cast %get3A_1394 : vector<1x16xf32> to vector<16xf32>
        %mul3A_1396 = vector.broadcast %squeeze3A_1310 : f32 to vector<16xf32>
        %mul3A_1397 = arith.mulf %get3A_1395, %mul3A_1396 : vector<16xf32>
        %swap3A_1398 = arith.index_cast %add3A_1314 : i32 to index
        %swap3A_1399 = arith.constant 112 : index
        %swap3A_1400 = tpu.vector_load %arg12[%swap3A_1398, %swap3A_1399] {strides = array<i32>} : memref<128x128xf32, #tpu.memory_space<vmem>>, vector<1x16xf32>,
        %swap3A_1401 = vector.shape_cast %swap3A_1400 : vector<1x16xf32> to vector<16xf32>
        %swap3A_1402 = vector.shape_cast %mul3A_1397 : vector<16xf32> to vector<1x16xf32>
        tpu.vector_store %arg12[%swap3A_1398, %swap3A_1399], %swap3A_1402 {strides = array<i32>} : memref<128x128xf32, #tpu.memory_space<vmem>>, vector<1x16xf32>,
        %slice3A_1403 = vector.extract_strided_slice %get3A_89 {offsets = [14], sizes = [1], strides = [1]} : vector<16xf32> to vector<1xf32>
        %squeeze3A_1404 = vector.extract %slice3A_1403[0] : f32 from vector<1xf32>
        %mul3A_1405 = arith.constant 16 : i32
        %mul3A_1406 = arith.muli %scan3A_84, %mul3A_1405 : i32
        %add3A_1407 = arith.constant 14 : i32
        %add3A_1408 = arith.addi %mul3A_1406, %add3A_1407 : i32
        %get3A_1409 = arith.index_cast %add3A_1408 : i32 to index
        %get3A_1410 = arith.constant 0 : index
        %get3A_1411 = tpu.vector_load %arg12[%get3A_1409, %get3A_1410] {strides = array<i32>} : memref<128x128xf32, #tpu.memory_space<vmem>>, vector<1x16xf32>,
        %get3A_1412 = vector.shape_cast %get3A_1411 : vector<1x16xf32> to vector<16xf32>
        %mul3A_1413 = vector.broadcast %squeeze3A_1404 : f32 to vector<16xf32>
        %mul3A_1414 = arith.mulf %get3A_1412, %mul3A_1413 : vector<16xf32>
        %swap3A_1415 = arith.index_cast %add3A_1408 : i32 to index
        %swap3A_1416 = arith.constant 0 : index
        %swap3A_1417 = tpu.vector_load %arg12[%swap3A_1415, %swap3A_1416] {strides = array<i32>} : memref<128x128xf32, #tpu.memory_space<vmem>>, vector<1x16xf32>,
        %swap3A_1418 = vector.shape_cast %swap3A_1417 : vector<1x16xf32> to vector<16xf32>
        %swap3A_1419 = vector.shape_cast %mul3A_1414 : vector<16xf32> to vector<1x16xf32>
        tpu.vector_store %arg12[%swap3A_1415, %swap3A_1416], %swap3A_1419 {strides = array<i32>} : memref<128x128xf32, #tpu.memory_space<vmem>>, vector<1x16xf32>,
        %get3A_1420 = arith.index_cast %add3A_1408 : i32 to index
        %get3A_1421 = arith.constant 16 : index
        %get3A_1422 = tpu.vector_load %arg12[%get3A_1420, %get3A_1421] {strides = array<i32>} : memref<128x128xf32, #tpu.memory_space<vmem>>, vector<1x16xf32>,
        %get3A_1423 = vector.shape_cast %get3A_1422 : vector<1x16xf32> to vector<16xf32>
        %mul3A_1424 = vector.broadcast %squeeze3A_1404 : f32 to vector<16xf32>
        %mul3A_1425 = arith.mulf %get3A_1423, %mul3A_1424 : vector<16xf32>
        %swap3A_1426 = arith.index_cast %add3A_1408 : i32 to index
        %swap3A_1427 = arith.constant 16 : index
        %swap3A_1428 = tpu.vector_load %arg12[%swap3A_1426, %swap3A_1427] {strides = array<i32>} : memref<128x128xf32, #tpu.memory_space<vmem>>, vector<1x16xf32>,
        %swap3A_1429 = vector.shape_cast %swap3A_1428 : vector<1x16xf32> to vector<16xf32>
        %swap3A_1430 = vector.shape_cast %mul3A_1425 : vector<16xf32> to vector<1x16xf32>
        tpu.vector_store %arg12[%swap3A_1426, %swap3A_1427], %swap3A_1430 {strides = array<i32>} : memref<128x128xf32, #tpu.memory_space<vmem>>, vector<1x16xf32>,
        %get3A_1431 = arith.index_cast %add3A_1408 : i32 to index
        %get3A_1432 = arith.constant 32 : index
        %get3A_1433 = tpu.vector_load %arg12[%get3A_1431, %get3A_1432] {strides = array<i32>} : memref<128x128xf32, #tpu.memory_space<vmem>>, vector<1x16xf32>,
        %get3A_1434 = vector.shape_cast %get3A_1433 : vector<1x16xf32> to vector<16xf32>
        %mul3A_1435 = vector.broadcast %squeeze3A_1404 : f32 to vector<16xf32>
        %mul3A_1436 = arith.mulf %get3A_1434, %mul3A_1435 : vector<16xf32>
        %swap3A_1437 = arith.index_cast %add3A_1408 : i32 to index
        %swap3A_1438 = arith.constant 32 : index
        %swap3A_1439 = tpu.vector_load %arg12[%swap3A_1437, %swap3A_1438] {strides = array<i32>} : memref<128x128xf32, #tpu.memory_space<vmem>>, vector<1x16xf32>,
        %swap3A_1440 = vector.shape_cast %swap3A_1439 : vector<1x16xf32> to vector<16xf32>
        %swap3A_1441 = vector.shape_cast %mul3A_1436 : vector<16xf32> to vector<1x16xf32>
        tpu.vector_store %arg12[%swap3A_1437, %swap3A_1438], %swap3A_1441 {strides = array<i32>} : memref<128x128xf32, #tpu.memory_space<vmem>>, vector<1x16xf32>,
        %get3A_1442 = arith.index_cast %add3A_1408 : i32 to index
        %get3A_1443 = arith.constant 48 : index
        %get3A_1444 = tpu.vector_load %arg12[%get3A_1442, %get3A_1443] {strides = array<i32>} : memref<128x128xf32, #tpu.memory_space<vmem>>, vector<1x16xf32>,
        %get3A_1445 = vector.shape_cast %get3A_1444 : vector<1x16xf32> to vector<16xf32>
        %mul3A_1446 = vector.broadcast %squeeze3A_1404 : f32 to vector<16xf32>
        %mul3A_1447 = arith.mulf %get3A_1445, %mul3A_1446 : vector<16xf32>
        %swap3A_1448 = arith.index_cast %add3A_1408 : i32 to index
        %swap3A_1449 = arith.constant 48 : index
        %swap3A_1450 = tpu.vector_load %arg12[%swap3A_1448, %swap3A_1449] {strides = array<i32>} : memref<128x128xf32, #tpu.memory_space<vmem>>, vector<1x16xf32>,
        %swap3A_1451 = vector.shape_cast %swap3A_1450 : vector<1x16xf32> to vector<16xf32>
        %swap3A_1452 = vector.shape_cast %mul3A_1447 : vector<16xf32> to vector<1x16xf32>
        tpu.vector_store %arg12[%swap3A_1448, %swap3A_1449], %swap3A_1452 {strides = array<i32>} : memref<128x128xf32, #tpu.memory_space<vmem>>, vector<1x16xf32>,
        %get3A_1453 = arith.index_cast %add3A_1408 : i32 to index
        %get3A_1454 = arith.constant 64 : index
        %get3A_1455 = tpu.vector_load %arg12[%get3A_1453, %get3A_1454] {strides = array<i32>} : memref<128x128xf32, #tpu.memory_space<vmem>>, vector<1x16xf32>,
        %get3A_1456 = vector.shape_cast %get3A_1455 : vector<1x16xf32> to vector<16xf32>
        %mul3A_1457 = vector.broadcast %squeeze3A_1404 : f32 to vector<16xf32>
        %mul3A_1458 = arith.mulf %get3A_1456, %mul3A_1457 : vector<16xf32>
        %swap3A_1459 = arith.index_cast %add3A_1408 : i32 to index
        %swap3A_1460 = arith.constant 64 : index
        %swap3A_1461 = tpu.vector_load %arg12[%swap3A_1459, %swap3A_1460] {strides = array<i32>} : memref<128x128xf32, #tpu.memory_space<vmem>>, vector<1x16xf32>,
        %swap3A_1462 = vector.shape_cast %swap3A_1461 : vector<1x16xf32> to vector<16xf32>
        %swap3A_1463 = vector.shape_cast %mul3A_1458 : vector<16xf32> to vector<1x16xf32>
        tpu.vector_store %arg12[%swap3A_1459, %swap3A_1460], %swap3A_1463 {strides = array<i32>} : memref<128x128xf32, #tpu.memory_space<vmem>>, vector<1x16xf32>,
        %get3A_1464 = arith.index_cast %add3A_1408 : i32 to index
        %get3A_1465 = arith.constant 80 : index
        %get3A_1466 = tpu.vector_load %arg12[%get3A_1464, %get3A_1465] {strides = array<i32>} : memref<128x128xf32, #tpu.memory_space<vmem>>, vector<1x16xf32>,
        %get3A_1467 = vector.shape_cast %get3A_1466 : vector<1x16xf32> to vector<16xf32>
        %mul3A_1468 = vector.broadcast %squeeze3A_1404 : f32 to vector<16xf32>
        %mul3A_1469 = arith.mulf %get3A_1467, %mul3A_1468 : vector<16xf32>
        %swap3A_1470 = arith.index_cast %add3A_1408 : i32 to index
        %swap3A_1471 = arith.constant 80 : index
        %swap3A_1472 = tpu.vector_load %arg12[%swap3A_1470, %swap3A_1471] {strides = array<i32>} : memref<128x128xf32, #tpu.memory_space<vmem>>, vector<1x16xf32>,
        %swap3A_1473 = vector.shape_cast %swap3A_1472 : vector<1x16xf32> to vector<16xf32>
        %swap3A_1474 = vector.shape_cast %mul3A_1469 : vector<16xf32> to vector<1x16xf32>
        tpu.vector_store %arg12[%swap3A_1470, %swap3A_1471], %swap3A_1474 {strides = array<i32>} : memref<128x128xf32, #tpu.memory_space<vmem>>, vector<1x16xf32>,
        %get3A_1475 = arith.index_cast %add3A_1408 : i32 to index
        %get3A_1476 = arith.constant 96 : index
        %get3A_1477 = tpu.vector_load %arg12[%get3A_1475, %get3A_1476] {strides = array<i32>} : memref<128x128xf32, #tpu.memory_space<vmem>>, vector<1x16xf32>,
        %get3A_1478 = vector.shape_cast %get3A_1477 : vector<1x16xf32> to vector<16xf32>
        %mul3A_1479 = vector.broadcast %squeeze3A_1404 : f32 to vector<16xf32>
        %mul3A_1480 = arith.mulf %get3A_1478, %mul3A_1479 : vector<16xf32>
        %swap3A_1481 = arith.index_cast %add3A_1408 : i32 to index
        %swap3A_1482 = arith.constant 96 : index
        %swap3A_1483 = tpu.vector_load %arg12[%swap3A_1481, %swap3A_1482] {strides = array<i32>} : memref<128x128xf32, #tpu.memory_space<vmem>>, vector<1x16xf32>,
        %swap3A_1484 = vector.shape_cast %swap3A_1483 : vector<1x16xf32> to vector<16xf32>
        %swap3A_1485 = vector.shape_cast %mul3A_1480 : vector<16xf32> to vector<1x16xf32>
        tpu.vector_store %arg12[%swap3A_1481, %swap3A_1482], %swap3A_1485 {strides = array<i32>} : memref<128x128xf32, #tpu.memory_space<vmem>>, vector<1x16xf32>,
        %get3A_1486 = arith.index_cast %add3A_1408 : i32 to index
        %get3A_1487 = arith.constant 112 : index
        %get3A_1488 = tpu.vector_load %arg12[%get3A_1486, %get3A_1487] {strides = array<i32>} : memref<128x128xf32, #tpu.memory_space<vmem>>, vector<1x16xf32>,
        %get3A_1489 = vector.shape_cast %get3A_1488 : vector<1x16xf32> to vector<16xf32>
        %mul3A_1490 = vector.broadcast %squeeze3A_1404 : f32 to vector<16xf32>
        %mul3A_1491 = arith.mulf %get3A_1489, %mul3A_1490 : vector<16xf32>
        %swap3A_1492 = arith.index_cast %add3A_1408 : i32 to index
        %swap3A_1493 = arith.constant 112 : index
        %swap3A_1494 = tpu.vector_load %arg12[%swap3A_1492, %swap3A_1493] {strides = array<i32>} : memref<128x128xf32, #tpu.memory_space<vmem>>, vector<1x16xf32>,
        %swap3A_1495 = vector.shape_cast %swap3A_1494 : vector<1x16xf32> to vector<16xf32>
        %swap3A_1496 = vector.shape_cast %mul3A_1491 : vector<16xf32> to vector<1x16xf32>
        tpu.vector_store %arg12[%swap3A_1492, %swap3A_1493], %swap3A_1496 {strides = array<i32>} : memref<128x128xf32, #tpu.memory_space<vmem>>, vector<1x16xf32>,
        %slice3A_1497 = vector.extract_strided_slice %get3A_89 {offsets = [15], sizes = [1], strides = [1]} : vector<16xf32> to vector<1xf32>
        %squeeze3A_1498 = vector.extract %slice3A_1497[0] : f32 from vector<1xf32>
        %mul3A_1499 = arith.constant 16 : i32
        %mul3A_1500 = arith.muli %scan3A_84, %mul3A_1499 : i32
        %add3A_1501 = arith.constant 15 : i32
        %add3A_1502 = arith.addi %mul3A_1500, %add3A_1501 : i32
        %get3A_1503 = arith.index_cast %add3A_1502 : i32 to index
        %get3A_1504 = arith.constant 0 : index
        %get3A_1505 = tpu.vector_load %arg12[%get3A_1503, %get3A_1504] {strides = array<i32>} : memref<128x128xf32, #tpu.memory_space<vmem>>, vector<1x16xf32>,
        %get3A_1506 = vector.shape_cast %get3A_1505 : vector<1x16xf32> to vector<16xf32>
        %mul3A_1507 = vector.broadcast %squeeze3A_1498 : f32 to vector<16xf32>
        %mul3A_1508 = arith.mulf %get3A_1506, %mul3A_1507 : vector<16xf32>
        %swap3A_1509 = arith.index_cast %add3A_1502 : i32 to index
        %swap3A_1510 = arith.constant 0 : index
        %swap3A_1511 = tpu.vector_load %arg12[%swap3A_1509, %swap3A_1510] {strides = array<i32>} : memref<128x128xf32, #tpu.memory_space<vmem>>, vector<1x16xf32>,
        %swap3A_1512 = vector.shape_cast %swap3A_1511 : vector<1x16xf32> to vector<16xf32>
        %swap3A_1513 = vector.shape_cast %mul3A_1508 : vector<16xf32> to vector<1x16xf32>
        tpu.vector_store %arg12[%swap3A_1509, %swap3A_1510], %swap3A_1513 {strides = array<i32>} : memref<128x128xf32, #tpu.memory_space<vmem>>, vector<1x16xf32>,
        %get3A_1514 = arith.index_cast %add3A_1502 : i32 to index
        %get3A_1515 = arith.constant 16 : index
        %get3A_1516 = tpu.vector_load %arg12[%get3A_1514, %get3A_1515] {strides = array<i32>} : memref<128x128xf32, #tpu.memory_space<vmem>>, vector<1x16xf32>,
        %get3A_1517 = vector.shape_cast %get3A_1516 : vector<1x16xf32> to vector<16xf32>
        %mul3A_1518 = vector.broadcast %squeeze3A_1498 : f32 to vector<16xf32>
        %mul3A_1519 = arith.mulf %get3A_1517, %mul3A_1518 : vector<16xf32>
        %swap3A_1520 = arith.index_cast %add3A_1502 : i32 to index
        %swap3A_1521 = arith.constant 16 : index
        %swap3A_1522 = tpu.vector_load %arg12[%swap3A_1520, %swap3A_1521] {strides = array<i32>} : memref<128x128xf32, #tpu.memory_space<vmem>>, vector<1x16xf32>,
        %swap3A_1523 = vector.shape_cast %swap3A_1522 : vector<1x16xf32> to vector<16xf32>
        %swap3A_1524 = vector.shape_cast %mul3A_1519 : vector<16xf32> to vector<1x16xf32>
        tpu.vector_store %arg12[%swap3A_1520, %swap3A_1521], %swap3A_1524 {strides = array<i32>} : memref<128x128xf32, #tpu.memory_space<vmem>>, vector<1x16xf32>,
        %get3A_1525 = arith.index_cast %add3A_1502 : i32 to index
        %get3A_1526 = arith.constant 32 : index
        %get3A_1527 = tpu.vector_load %arg12[%get3A_1525, %get3A_1526] {strides = array<i32>} : memref<128x128xf32, #tpu.memory_space<vmem>>, vector<1x16xf32>,
        %get3A_1528 = vector.shape_cast %get3A_1527 : vector<1x16xf32> to vector<16xf32>
        %mul3A_1529 = vector.broadcast %squeeze3A_1498 : f32 to vector<16xf32>
        %mul3A_1530 = arith.mulf %get3A_1528, %mul3A_1529 : vector<16xf32>
        %swap3A_1531 = arith.index_cast %add3A_1502 : i32 to index
        %swap3A_1532 = arith.constant 32 : index
        %swap3A_1533 = tpu.vector_load %arg12[%swap3A_1531, %swap3A_1532] {strides = array<i32>} : memref<128x128xf32, #tpu.memory_space<vmem>>, vector<1x16xf32>,
        %swap3A_1534 = vector.shape_cast %swap3A_1533 : vector<1x16xf32> to vector<16xf32>
        %swap3A_1535 = vector.shape_cast %mul3A_1530 : vector<16xf32> to vector<1x16xf32>
        tpu.vector_store %arg12[%swap3A_1531, %swap3A_1532], %swap3A_1535 {strides = array<i32>} : memref<128x128xf32, #tpu.memory_space<vmem>>, vector<1x16xf32>,
        %get3A_1536 = arith.index_cast %add3A_1502 : i32 to index
        %get3A_1537 = arith.constant 48 : index
        %get3A_1538 = tpu.vector_load %arg12[%get3A_1536, %get3A_1537] {strides = array<i32>} : memref<128x128xf32, #tpu.memory_space<vmem>>, vector<1x16xf32>,
        %get3A_1539 = vector.shape_cast %get3A_1538 : vector<1x16xf32> to vector<16xf32>
        %mul3A_1540 = vector.broadcast %squeeze3A_1498 : f32 to vector<16xf32>
        %mul3A_1541 = arith.mulf %get3A_1539, %mul3A_1540 : vector<16xf32>
        %swap3A_1542 = arith.index_cast %add3A_1502 : i32 to index
        %swap3A_1543 = arith.constant 48 : index
        %swap3A_1544 = tpu.vector_load %arg12[%swap3A_1542, %swap3A_1543] {strides = array<i32>} : memref<128x128xf32, #tpu.memory_space<vmem>>, vector<1x16xf32>,
        %swap3A_1545 = vector.shape_cast %swap3A_1544 : vector<1x16xf32> to vector<16xf32>
        %swap3A_1546 = vector.shape_cast %mul3A_1541 : vector<16xf32> to vector<1x16xf32>
        tpu.vector_store %arg12[%swap3A_1542, %swap3A_1543], %swap3A_1546 {strides = array<i32>} : memref<128x128xf32, #tpu.memory_space<vmem>>, vector<1x16xf32>,
        %get3A_1547 = arith.index_cast %add3A_1502 : i32 to index
        %get3A_1548 = arith.constant 64 : index
        %get3A_1549 = tpu.vector_load %arg12[%get3A_1547, %get3A_1548] {strides = array<i32>} : memref<128x128xf32, #tpu.memory_space<vmem>>, vector<1x16xf32>,
        %get3A_1550 = vector.shape_cast %get3A_1549 : vector<1x16xf32> to vector<16xf32>
        %mul3A_1551 = vector.broadcast %squeeze3A_1498 : f32 to vector<16xf32>
        %mul3A_1552 = arith.mulf %get3A_1550, %mul3A_1551 : vector<16xf32>
        %swap3A_1553 = arith.index_cast %add3A_1502 : i32 to index
        %swap3A_1554 = arith.constant 64 : index
        %swap3A_1555 = tpu.vector_load %arg12[%swap3A_1553, %swap3A_1554] {strides = array<i32>} : memref<128x128xf32, #tpu.memory_space<vmem>>, vector<1x16xf32>,
        %swap3A_1556 = vector.shape_cast %swap3A_1555 : vector<1x16xf32> to vector<16xf32>
        %swap3A_1557 = vector.shape_cast %mul3A_1552 : vector<16xf32> to vector<1x16xf32>
        tpu.vector_store %arg12[%swap3A_1553, %swap3A_1554], %swap3A_1557 {strides = array<i32>} : memref<128x128xf32, #tpu.memory_space<vmem>>, vector<1x16xf32>,
        %get3A_1558 = arith.index_cast %add3A_1502 : i32 to index
        %get3A_1559 = arith.constant 80 : index
        %get3A_1560 = tpu.vector_load %arg12[%get3A_1558, %get3A_1559] {strides = array<i32>} : memref<128x128xf32, #tpu.memory_space<vmem>>, vector<1x16xf32>,
        %get3A_1561 = vector.shape_cast %get3A_1560 : vector<1x16xf32> to vector<16xf32>
        %mul3A_1562 = vector.broadcast %squeeze3A_1498 : f32 to vector<16xf32>
        %mul3A_1563 = arith.mulf %get3A_1561, %mul3A_1562 : vector<16xf32>
        %swap3A_1564 = arith.index_cast %add3A_1502 : i32 to index
        %swap3A_1565 = arith.constant 80 : index
        %swap3A_1566 = tpu.vector_load %arg12[%swap3A_1564, %swap3A_1565] {strides = array<i32>} : memref<128x128xf32, #tpu.memory_space<vmem>>, vector<1x16xf32>,
        %swap3A_1567 = vector.shape_cast %swap3A_1566 : vector<1x16xf32> to vector<16xf32>
        %swap3A_1568 = vector.shape_cast %mul3A_1563 : vector<16xf32> to vector<1x16xf32>
        tpu.vector_store %arg12[%swap3A_1564, %swap3A_1565], %swap3A_1568 {strides = array<i32>} : memref<128x128xf32, #tpu.memory_space<vmem>>, vector<1x16xf32>,
        %get3A_1569 = arith.index_cast %add3A_1502 : i32 to index
        %get3A_1570 = arith.constant 96 : index
        %get3A_1571 = tpu.vector_load %arg12[%get3A_1569, %get3A_1570] {strides = array<i32>} : memref<128x128xf32, #tpu.memory_space<vmem>>, vector<1x16xf32>,
        %get3A_1572 = vector.shape_cast %get3A_1571 : vector<1x16xf32> to vector<16xf32>
        %mul3A_1573 = vector.broadcast %squeeze3A_1498 : f32 to vector<16xf32>
        %mul3A_1574 = arith.mulf %get3A_1572, %mul3A_1573 : vector<16xf32>
        %swap3A_1575 = arith.index_cast %add3A_1502 : i32 to index
        %swap3A_1576 = arith.constant 96 : index
        %swap3A_1577 = tpu.vector_load %arg12[%swap3A_1575, %swap3A_1576] {strides = array<i32>} : memref<128x128xf32, #tpu.memory_space<vmem>>, vector<1x16xf32>,
        %swap3A_1578 = vector.shape_cast %swap3A_1577 : vector<1x16xf32> to vector<16xf32>
        %swap3A_1579 = vector.shape_cast %mul3A_1574 : vector<16xf32> to vector<1x16xf32>
        tpu.vector_store %arg12[%swap3A_1575, %swap3A_1576], %swap3A_1579 {strides = array<i32>} : memref<128x128xf32, #tpu.memory_space<vmem>>, vector<1x16xf32>,
        %get3A_1580 = arith.index_cast %add3A_1502 : i32 to index
        %get3A_1581 = arith.constant 112 : index
        %get3A_1582 = tpu.vector_load %arg12[%get3A_1580, %get3A_1581] {strides = array<i32>} : memref<128x128xf32, #tpu.memory_space<vmem>>, vector<1x16xf32>,
        %get3A_1583 = vector.shape_cast %get3A_1582 : vector<1x16xf32> to vector<16xf32>
        %mul3A_1584 = vector.broadcast %squeeze3A_1498 : f32 to vector<16xf32>
        %mul3A_1585 = arith.mulf %get3A_1583, %mul3A_1584 : vector<16xf32>
        %swap3A_1586 = arith.index_cast %add3A_1502 : i32 to index
        %swap3A_1587 = arith.constant 112 : index
        %swap3A_1588 = tpu.vector_load %arg12[%swap3A_1586, %swap3A_1587] {strides = array<i32>} : memref<128x128xf32, #tpu.memory_space<vmem>>, vector<1x16xf32>,
        %swap3A_1589 = vector.shape_cast %swap3A_1588 : vector<1x16xf32> to vector<16xf32>
        %swap3A_1590 = vector.shape_cast %mul3A_1585 : vector<16xf32> to vector<1x16xf32>
        tpu.vector_store %arg12[%swap3A_1586, %swap3A_1587], %swap3A_1590 {strides = array<i32>} : memref<128x128xf32, #tpu.memory_space<vmem>>, vector<1x16xf32>,
        %scan3A_1591 = arith.constant 0 : i32
        scf.yield %scan3A_1591 : i32
      }
      %scan3A_83 = arith.constant 8 : i32
      "tpu.region"() ({
        %run_scoped3A = tpu.sem_alloc : memref<!tpu.dma_semaphore, #tpu.memory_space<semaphore_mem>>
        %dma_start3A_84 = arith.constant 0 : i32
        %dma_start3A_85 = arith.constant 0 : i32
        %dma_start3A_86 = tpu.memref_slice %arg13[%dma_start3A_84, %dma_start3A_85] : memref<10000x128xf32, #tpu.memory_space<vmem_shared>> -> memref<10000x128xf32, #tpu.memory_space<vmem_shared>>
        tpu.enqueue_indirect_dma source(%arg12 : memref<128x128xf32, #tpu.memory_space<vmem>>) target(%dma_start3A_86 : memref<10000x128xf32, #tpu.memory_space<vmem_shared>>) offsets(%arg10 : memref<128xi32, #tpu.memory_space<vmem>>) semaphore(%run_scoped3A : memref<!tpu.dma_semaphore, #tpu.memory_space<semaphore_mem>>) {add = true}
        %dma_wait3A_87 = arith.constant 0 : i32
        %dma_wait3A_88 = arith.constant 0 : i32
        %dma_wait3A_89 = tpu.memref_slice %arg13[%dma_wait3A_87, %dma_wait3A_88] : memref<10000x128xf32, #tpu.memory_space<vmem_shared>> -> memref<10000x128xf32, #tpu.memory_space<vmem_shared>>
        tpu.wait_indirect_dma semaphore(%run_scoped3A : memref<!tpu.dma_semaphore, #tpu.memory_space<semaphore_mem>>) src(%arg12 : memref<128x128xf32, #tpu.memory_space<vmem>>) dst(%dma_wait3A_89 : memref<10000x128xf32, #tpu.memory_space<vmem_shared>>)
        tpu.yield
      }) : () -> ()
    }
    %while3A_23 = arith.constant 1 : i32
    scf.for %while3A_56 = %while3A_21 to %while3A_17 step %while3A_23  : i32 {
      %mul3A_57 = arith.constant 128 : i32
      %mul3A_58 = arith.muli %while3A_56, %mul3A_57 : i32
      %mul3A_59 = arith.constant 320000 : i32
      %mul3A_60 = arith.muli %arg0, %mul3A_59 : i32
      %add3A_61 = arith.addi %mul3A_60, %mul3A_58 : i32
      %dma_start3A = tpu.memref_slice %arg3[%add3A_61] : memref<640000xi32, #tpu.memory_space<hbm>> -> memref<128xi32, #tpu.memory_space<hbm>>
      %dma_start3A_62 = tpu.memref_slice %arg3[%add3A_61] : memref<640000xi32, #tpu.memory_space<hbm>> -> memref<128xi32, #tpu.memory_space<hbm>>
      tpu.enqueue_dma source(%dma_start3A_62 : memref<128xi32, #tpu.memory_space<hbm>>) target(%arg9 : memref<128xi32, #tpu.memory_space<vmem>>) target_semaphore(%arg15 : memref<!tpu.dma_semaphore, #tpu.memory_space<semaphore_mem>>)
      %dma_start3A_63 = tpu.memref_slice %arg4[%add3A_61] : memref<640000xi32, #tpu.memory_space<hbm>> -> memref<128xi32, #tpu.memory_space<hbm>>
      %dma_start3A_64 = tpu.memref_slice %arg4[%add3A_61] : memref<640000xi32, #tpu.memory_space<hbm>> -> memref<128xi32, #tpu.memory_space<hbm>>
      tpu.enqueue_dma source(%dma_start3A_64 : memref<128xi32, #tpu.memory_space<hbm>>) target(%arg10 : memref<128xi32, #tpu.memory_space<vmem>>) target_semaphore(%arg15 : memref<!tpu.dma_semaphore, #tpu.memory_space<semaphore_mem>>)
      %dma_start3A_65 = tpu.memref_slice %arg5[%mul3A_58] : memref<320000xf32, #tpu.memory_space<hbm>> -> memref<128xf32, #tpu.memory_space<hbm>>
      %dma_start3A_66 = tpu.memref_slice %arg5[%mul3A_58] : memref<320000xf32, #tpu.memory_space<hbm>> -> memref<128xf32, #tpu.memory_space<hbm>>
      tpu.enqueue_dma source(%dma_start3A_66 : memref<128xf32, #tpu.memory_space<hbm>>) target(%arg11 : memref<128xf32, #tpu.memory_space<vmem>>) target_semaphore(%arg15 : memref<!tpu.dma_semaphore, #tpu.memory_space<semaphore_mem>>)
      %dma_wait3A = tpu.memref_slice %arg3[%add3A_61] : memref<640000xi32, #tpu.memory_space<hbm>> -> memref<128xi32, #tpu.memory_space<hbm>>
      %dma_wait3A_67 = tpu.memref_slice %arg3[%add3A_61] : memref<640000xi32, #tpu.memory_space<hbm>> -> memref<128xi32, #tpu.memory_space<hbm>>
      tpu.wait_dma2 semaphore(%arg15 : memref<!tpu.dma_semaphore, #tpu.memory_space<semaphore_mem>>) src(%dma_wait3A_67 : memref<128xi32, #tpu.memory_space<hbm>>) dst(%arg9 : memref<128xi32, #tpu.memory_space<vmem>>)
      %dma_wait3A_68 = tpu.memref_slice %arg4[%add3A_61] : memref<640000xi32, #tpu.memory_space<hbm>> -> memref<128xi32, #tpu.memory_space<hbm>>
      %dma_wait3A_69 = tpu.memref_slice %arg4[%add3A_61] : memref<640000xi32, #tpu.memory_space<hbm>> -> memref<128xi32, #tpu.memory_space<hbm>>
      tpu.wait_dma2 semaphore(%arg15 : memref<!tpu.dma_semaphore, #tpu.memory_space<semaphore_mem>>) src(%dma_wait3A_69 : memref<128xi32, #tpu.memory_space<hbm>>) dst(%arg10 : memref<128xi32, #tpu.memory_space<vmem>>)
      %dma_wait3A_70 = tpu.memref_slice %arg5[%mul3A_58] : memref<320000xf32, #tpu.memory_space<hbm>> -> memref<128xf32, #tpu.memory_space<hbm>>
      %dma_wait3A_71 = tpu.memref_slice %arg5[%mul3A_58] : memref<320000xf32, #tpu.memory_space<hbm>> -> memref<128xf32, #tpu.memory_space<hbm>>
      tpu.wait_dma2 semaphore(%arg15 : memref<!tpu.dma_semaphore, #tpu.memory_space<semaphore_mem>>) src(%dma_wait3A_71 : memref<128xf32, #tpu.memory_space<hbm>>) dst(%arg11 : memref<128xf32, #tpu.memory_space<vmem>>)
      %dma_start3A_72 = arith.constant 0 : i32
      %dma_start3A_73 = arith.constant 0 : i32
      %dma_start3A_74 = tpu.memref_slice %arg2[%dma_start3A_72, %dma_start3A_73] : memref<20000x128xf32, #tpu.memory_space<hbm>> -> memref<20000x128xf32, #tpu.memory_space<hbm>>
      tpu.enqueue_indirect_dma source(%dma_start3A_74 : memref<20000x128xf32, #tpu.memory_space<hbm>>) target(%arg12 : memref<128x128xf32, #tpu.memory_space<vmem>>) offsets(%arg9 : memref<128xi32, #tpu.memory_space<vmem>>) semaphore(%arg14 : memref<!tpu.dma_semaphore, #tpu.memory_space<semaphore_mem>>)
      %dma_wait3A_75 = arith.constant 0 : i32
      %dma_wait3A_76 = arith.constant 0 : i32
      %dma_wait3A_77 = tpu.memref_slice %arg2[%dma_wait3A_75, %dma_wait3A_76] : memref<20000x128xf32, #tpu.memory_space<hbm>> -> memref<20000x128xf32, #tpu.memory_space<hbm>>
      tpu.wait_indirect_dma semaphore(%arg14 : memref<!tpu.dma_semaphore, #tpu.memory_space<semaphore_mem>>) src(%dma_wait3A_77 : memref<20000x128xf32, #tpu.memory_space<hbm>>) dst(%arg12 : memref<128x128xf32, #tpu.memory_space<vmem>>)
      %scan3A = arith.constant 0 : i32
      %scan3A_78 = arith.constant 0 : i32
      %scan3A_79 = arith.constant 8 : i32
      %scan3A_80 = arith.addi %scan3A_78, %scan3A_79 : i32
      %scan3A_81 = arith.constant 1 : i32
      %scan3A_82 = scf.for %scan3A_84 = %scan3A_78 to %scan3A_80 step %scan3A_81 iter_args(%scan3A_85 = %scan3A) -> (i32)  : i32 {
        %mul3A_86 = arith.constant 16 : i32
        %mul3A_87 = arith.muli %scan3A_84, %mul3A_86 : i32
        %get3A = arith.index_cast %mul3A_87 : i32 to index
        %get3A_88 = tpu.vector_load %arg11[%get3A] {strides = array<i32>} : memref<128xf32, #tpu.memory_space<vmem>>, vector<16xf32>,
        %get3A_89 = vector.shape_cast %get3A_88 : vector<16xf32> to vector<16xf32>
        %slice3A = vector.extract_strided_slice %get3A_89 {offsets = [0], sizes = [1], strides = [1]} : vector<16xf32> to vector<1xf32>
        %squeeze3A = vector.extract %slice3A[0] : f32 from vector<1xf32>
        %mul3A_90 = arith.constant 16 : i32
        %mul3A_91 = arith.muli %scan3A_84, %mul3A_90 : i32
        %add3A_92 = arith.constant 0 : i32
        %add3A_93 = arith.addi %mul3A_91, %add3A_92 : i32
        %get3A_94 = arith.index_cast %add3A_93 : i32 to index
        %get3A_95 = arith.constant 0 : index
        %get3A_96 = tpu.vector_load %arg12[%get3A_94, %get3A_95] {strides = array<i32>} : memref<128x128xf32, #tpu.memory_space<vmem>>, vector<1x16xf32>,
        %get3A_97 = vector.shape_cast %get3A_96 : vector<1x16xf32> to vector<16xf32>
        %mul3A_98 = vector.broadcast %squeeze3A : f32 to vector<16xf32>
        %mul3A_99 = arith.mulf %get3A_97, %mul3A_98 : vector<16xf32>
        %swap3A = arith.index_cast %add3A_93 : i32 to index
        %swap3A_100 = arith.constant 0 : index
        %swap3A_101 = tpu.vector_load %arg12[%swap3A, %swap3A_100] {strides = array<i32>} : memref<128x128xf32, #tpu.memory_space<vmem>>, vector<1x16xf32>,
        %swap3A_102 = vector.shape_cast %swap3A_101 : vector<1x16xf32> to vector<16xf32>
        %swap3A_103 = vector.shape_cast %mul3A_99 : vector<16xf32> to vector<1x16xf32>
        tpu.vector_store %arg12[%swap3A, %swap3A_100], %swap3A_103 {strides = array<i32>} : memref<128x128xf32, #tpu.memory_space<vmem>>, vector<1x16xf32>,
        %get3A_104 = arith.index_cast %add3A_93 : i32 to index
        %get3A_105 = arith.constant 16 : index
        %get3A_106 = tpu.vector_load %arg12[%get3A_104, %get3A_105] {strides = array<i32>} : memref<128x128xf32, #tpu.memory_space<vmem>>, vector<1x16xf32>,
        %get3A_107 = vector.shape_cast %get3A_106 : vector<1x16xf32> to vector<16xf32>
        %mul3A_108 = vector.broadcast %squeeze3A : f32 to vector<16xf32>
        %mul3A_109 = arith.mulf %get3A_107, %mul3A_108 : vector<16xf32>
        %swap3A_110 = arith.index_cast %add3A_93 : i32 to index
        %swap3A_111 = arith.constant 16 : index
        %swap3A_112 = tpu.vector_load %arg12[%swap3A_110, %swap3A_111] {strides = array<i32>} : memref<128x128xf32, #tpu.memory_space<vmem>>, vector<1x16xf32>,
        %swap3A_113 = vector.shape_cast %swap3A_112 : vector<1x16xf32> to vector<16xf32>
        %swap3A_114 = vector.shape_cast %mul3A_109 : vector<16xf32> to vector<1x16xf32>
        tpu.vector_store %arg12[%swap3A_110, %swap3A_111], %swap3A_114 {strides = array<i32>} : memref<128x128xf32, #tpu.memory_space<vmem>>, vector<1x16xf32>,
        %get3A_115 = arith.index_cast %add3A_93 : i32 to index
        %get3A_116 = arith.constant 32 : index
        %get3A_117 = tpu.vector_load %arg12[%get3A_115, %get3A_116] {strides = array<i32>} : memref<128x128xf32, #tpu.memory_space<vmem>>, vector<1x16xf32>,
        %get3A_118 = vector.shape_cast %get3A_117 : vector<1x16xf32> to vector<16xf32>
        %mul3A_119 = vector.broadcast %squeeze3A : f32 to vector<16xf32>
        %mul3A_120 = arith.mulf %get3A_118, %mul3A_119 : vector<16xf32>
        %swap3A_121 = arith.index_cast %add3A_93 : i32 to index
        %swap3A_122 = arith.constant 32 : index
        %swap3A_123 = tpu.vector_load %arg12[%swap3A_121, %swap3A_122] {strides = array<i32>} : memref<128x128xf32, #tpu.memory_space<vmem>>, vector<1x16xf32>,
        %swap3A_124 = vector.shape_cast %swap3A_123 : vector<1x16xf32> to vector<16xf32>
        %swap3A_125 = vector.shape_cast %mul3A_120 : vector<16xf32> to vector<1x16xf32>
        tpu.vector_store %arg12[%swap3A_121, %swap3A_122], %swap3A_125 {strides = array<i32>} : memref<128x128xf32, #tpu.memory_space<vmem>>, vector<1x16xf32>,
        %get3A_126 = arith.index_cast %add3A_93 : i32 to index
        %get3A_127 = arith.constant 48 : index
        %get3A_128 = tpu.vector_load %arg12[%get3A_126, %get3A_127] {strides = array<i32>} : memref<128x128xf32, #tpu.memory_space<vmem>>, vector<1x16xf32>,
        %get3A_129 = vector.shape_cast %get3A_128 : vector<1x16xf32> to vector<16xf32>
        %mul3A_130 = vector.broadcast %squeeze3A : f32 to vector<16xf32>
        %mul3A_131 = arith.mulf %get3A_129, %mul3A_130 : vector<16xf32>
        %swap3A_132 = arith.index_cast %add3A_93 : i32 to index
        %swap3A_133 = arith.constant 48 : index
        %swap3A_134 = tpu.vector_load %arg12[%swap3A_132, %swap3A_133] {strides = array<i32>} : memref<128x128xf32, #tpu.memory_space<vmem>>, vector<1x16xf32>,
        %swap3A_135 = vector.shape_cast %swap3A_134 : vector<1x16xf32> to vector<16xf32>
        %swap3A_136 = vector.shape_cast %mul3A_131 : vector<16xf32> to vector<1x16xf32>
        tpu.vector_store %arg12[%swap3A_132, %swap3A_133], %swap3A_136 {strides = array<i32>} : memref<128x128xf32, #tpu.memory_space<vmem>>, vector<1x16xf32>,
        %get3A_137 = arith.index_cast %add3A_93 : i32 to index
        %get3A_138 = arith.constant 64 : index
        %get3A_139 = tpu.vector_load %arg12[%get3A_137, %get3A_138] {strides = array<i32>} : memref<128x128xf32, #tpu.memory_space<vmem>>, vector<1x16xf32>,
        %get3A_140 = vector.shape_cast %get3A_139 : vector<1x16xf32> to vector<16xf32>
        %mul3A_141 = vector.broadcast %squeeze3A : f32 to vector<16xf32>
        %mul3A_142 = arith.mulf %get3A_140, %mul3A_141 : vector<16xf32>
        %swap3A_143 = arith.index_cast %add3A_93 : i32 to index
        %swap3A_144 = arith.constant 64 : index
        %swap3A_145 = tpu.vector_load %arg12[%swap3A_143, %swap3A_144] {strides = array<i32>} : memref<128x128xf32, #tpu.memory_space<vmem>>, vector<1x16xf32>,
        %swap3A_146 = vector.shape_cast %swap3A_145 : vector<1x16xf32> to vector<16xf32>
        %swap3A_147 = vector.shape_cast %mul3A_142 : vector<16xf32> to vector<1x16xf32>
        tpu.vector_store %arg12[%swap3A_143, %swap3A_144], %swap3A_147 {strides = array<i32>} : memref<128x128xf32, #tpu.memory_space<vmem>>, vector<1x16xf32>,
        %get3A_148 = arith.index_cast %add3A_93 : i32 to index
        %get3A_149 = arith.constant 80 : index
        %get3A_150 = tpu.vector_load %arg12[%get3A_148, %get3A_149] {strides = array<i32>} : memref<128x128xf32, #tpu.memory_space<vmem>>, vector<1x16xf32>,
        %get3A_151 = vector.shape_cast %get3A_150 : vector<1x16xf32> to vector<16xf32>
        %mul3A_152 = vector.broadcast %squeeze3A : f32 to vector<16xf32>
        %mul3A_153 = arith.mulf %get3A_151, %mul3A_152 : vector<16xf32>
        %swap3A_154 = arith.index_cast %add3A_93 : i32 to index
        %swap3A_155 = arith.constant 80 : index
        %swap3A_156 = tpu.vector_load %arg12[%swap3A_154, %swap3A_155] {strides = array<i32>} : memref<128x128xf32, #tpu.memory_space<vmem>>, vector<1x16xf32>,
        %swap3A_157 = vector.shape_cast %swap3A_156 : vector<1x16xf32> to vector<16xf32>
        %swap3A_158 = vector.shape_cast %mul3A_153 : vector<16xf32> to vector<1x16xf32>
        tpu.vector_store %arg12[%swap3A_154, %swap3A_155], %swap3A_158 {strides = array<i32>} : memref<128x128xf32, #tpu.memory_space<vmem>>, vector<1x16xf32>,
        %get3A_159 = arith.index_cast %add3A_93 : i32 to index
        %get3A_160 = arith.constant 96 : index
        %get3A_161 = tpu.vector_load %arg12[%get3A_159, %get3A_160] {strides = array<i32>} : memref<128x128xf32, #tpu.memory_space<vmem>>, vector<1x16xf32>,
        %get3A_162 = vector.shape_cast %get3A_161 : vector<1x16xf32> to vector<16xf32>
        %mul3A_163 = vector.broadcast %squeeze3A : f32 to vector<16xf32>
        %mul3A_164 = arith.mulf %get3A_162, %mul3A_163 : vector<16xf32>
        %swap3A_165 = arith.index_cast %add3A_93 : i32 to index
        %swap3A_166 = arith.constant 96 : index
        %swap3A_167 = tpu.vector_load %arg12[%swap3A_165, %swap3A_166] {strides = array<i32>} : memref<128x128xf32, #tpu.memory_space<vmem>>, vector<1x16xf32>,
        %swap3A_168 = vector.shape_cast %swap3A_167 : vector<1x16xf32> to vector<16xf32>
        %swap3A_169 = vector.shape_cast %mul3A_164 : vector<16xf32> to vector<1x16xf32>
        tpu.vector_store %arg12[%swap3A_165, %swap3A_166], %swap3A_169 {strides = array<i32>} : memref<128x128xf32, #tpu.memory_space<vmem>>, vector<1x16xf32>,
        %get3A_170 = arith.index_cast %add3A_93 : i32 to index
        %get3A_171 = arith.constant 112 : index
        %get3A_172 = tpu.vector_load %arg12[%get3A_170, %get3A_171] {strides = array<i32>} : memref<128x128xf32, #tpu.memory_space<vmem>>, vector<1x16xf32>,
        %get3A_173 = vector.shape_cast %get3A_172 : vector<1x16xf32> to vector<16xf32>
        %mul3A_174 = vector.broadcast %squeeze3A : f32 to vector<16xf32>
        %mul3A_175 = arith.mulf %get3A_173, %mul3A_174 : vector<16xf32>
        %swap3A_176 = arith.index_cast %add3A_93 : i32 to index
        %swap3A_177 = arith.constant 112 : index
        %swap3A_178 = tpu.vector_load %arg12[%swap3A_176, %swap3A_177] {strides = array<i32>} : memref<128x128xf32, #tpu.memory_space<vmem>>, vector<1x16xf32>,
        %swap3A_179 = vector.shape_cast %swap3A_178 : vector<1x16xf32> to vector<16xf32>
        %swap3A_180 = vector.shape_cast %mul3A_175 : vector<16xf32> to vector<1x16xf32>
        tpu.vector_store %arg12[%swap3A_176, %swap3A_177], %swap3A_180 {strides = array<i32>} : memref<128x128xf32, #tpu.memory_space<vmem>>, vector<1x16xf32>,
        %slice3A_181 = vector.extract_strided_slice %get3A_89 {offsets = [1], sizes = [1], strides = [1]} : vector<16xf32> to vector<1xf32>
        %squeeze3A_182 = vector.extract %slice3A_181[0] : f32 from vector<1xf32>
        %mul3A_183 = arith.constant 16 : i32
        %mul3A_184 = arith.muli %scan3A_84, %mul3A_183 : i32
        %add3A_185 = arith.constant 1 : i32
        %add3A_186 = arith.addi %mul3A_184, %add3A_185 : i32
        %get3A_187 = arith.index_cast %add3A_186 : i32 to index
        %get3A_188 = arith.constant 0 : index
        %get3A_189 = tpu.vector_load %arg12[%get3A_187, %get3A_188] {strides = array<i32>} : memref<128x128xf32, #tpu.memory_space<vmem>>, vector<1x16xf32>,
        %get3A_190 = vector.shape_cast %get3A_189 : vector<1x16xf32> to vector<16xf32>
        %mul3A_191 = vector.broadcast %squeeze3A_182 : f32 to vector<16xf32>
        %mul3A_192 = arith.mulf %get3A_190, %mul3A_191 : vector<16xf32>
        %swap3A_193 = arith.index_cast %add3A_186 : i32 to index
        %swap3A_194 = arith.constant 0 : index
        %swap3A_195 = tpu.vector_load %arg12[%swap3A_193, %swap3A_194] {strides = array<i32>} : memref<128x128xf32, #tpu.memory_space<vmem>>, vector<1x16xf32>,
        %swap3A_196 = vector.shape_cast %swap3A_195 : vector<1x16xf32> to vector<16xf32>
        %swap3A_197 = vector.shape_cast %mul3A_192 : vector<16xf32> to vector<1x16xf32>
        tpu.vector_store %arg12[%swap3A_193, %swap3A_194], %swap3A_197 {strides = array<i32>} : memref<128x128xf32, #tpu.memory_space<vmem>>, vector<1x16xf32>,
        %get3A_198 = arith.index_cast %add3A_186 : i32 to index
        %get3A_199 = arith.constant 16 : index
        %get3A_200 = tpu.vector_load %arg12[%get3A_198, %get3A_199] {strides = array<i32>} : memref<128x128xf32, #tpu.memory_space<vmem>>, vector<1x16xf32>,
        %get3A_201 = vector.shape_cast %get3A_200 : vector<1x16xf32> to vector<16xf32>
        %mul3A_202 = vector.broadcast %squeeze3A_182 : f32 to vector<16xf32>
        %mul3A_203 = arith.mulf %get3A_201, %mul3A_202 : vector<16xf32>
        %swap3A_204 = arith.index_cast %add3A_186 : i32 to index
        %swap3A_205 = arith.constant 16 : index
        %swap3A_206 = tpu.vector_load %arg12[%swap3A_204, %swap3A_205] {strides = array<i32>} : memref<128x128xf32, #tpu.memory_space<vmem>>, vector<1x16xf32>,
        %swap3A_207 = vector.shape_cast %swap3A_206 : vector<1x16xf32> to vector<16xf32>
        %swap3A_208 = vector.shape_cast %mul3A_203 : vector<16xf32> to vector<1x16xf32>
        tpu.vector_store %arg12[%swap3A_204, %swap3A_205], %swap3A_208 {strides = array<i32>} : memref<128x128xf32, #tpu.memory_space<vmem>>, vector<1x16xf32>,
        %get3A_209 = arith.index_cast %add3A_186 : i32 to index
        %get3A_210 = arith.constant 32 : index
        %get3A_211 = tpu.vector_load %arg12[%get3A_209, %get3A_210] {strides = array<i32>} : memref<128x128xf32, #tpu.memory_space<vmem>>, vector<1x16xf32>,
        %get3A_212 = vector.shape_cast %get3A_211 : vector<1x16xf32> to vector<16xf32>
        %mul3A_213 = vector.broadcast %squeeze3A_182 : f32 to vector<16xf32>
        %mul3A_214 = arith.mulf %get3A_212, %mul3A_213 : vector<16xf32>
        %swap3A_215 = arith.index_cast %add3A_186 : i32 to index
        %swap3A_216 = arith.constant 32 : index
        %swap3A_217 = tpu.vector_load %arg12[%swap3A_215, %swap3A_216] {strides = array<i32>} : memref<128x128xf32, #tpu.memory_space<vmem>>, vector<1x16xf32>,
        %swap3A_218 = vector.shape_cast %swap3A_217 : vector<1x16xf32> to vector<16xf32>
        %swap3A_219 = vector.shape_cast %mul3A_214 : vector<16xf32> to vector<1x16xf32>
        tpu.vector_store %arg12[%swap3A_215, %swap3A_216], %swap3A_219 {strides = array<i32>} : memref<128x128xf32, #tpu.memory_space<vmem>>, vector<1x16xf32>,
        %get3A_220 = arith.index_cast %add3A_186 : i32 to index
        %get3A_221 = arith.constant 48 : index
        %get3A_222 = tpu.vector_load %arg12[%get3A_220, %get3A_221] {strides = array<i32>} : memref<128x128xf32, #tpu.memory_space<vmem>>, vector<1x16xf32>,
        %get3A_223 = vector.shape_cast %get3A_222 : vector<1x16xf32> to vector<16xf32>
        %mul3A_224 = vector.broadcast %squeeze3A_182 : f32 to vector<16xf32>
        %mul3A_225 = arith.mulf %get3A_223, %mul3A_224 : vector<16xf32>
        %swap3A_226 = arith.index_cast %add3A_186 : i32 to index
        %swap3A_227 = arith.constant 48 : index
        %swap3A_228 = tpu.vector_load %arg12[%swap3A_226, %swap3A_227] {strides = array<i32>} : memref<128x128xf32, #tpu.memory_space<vmem>>, vector<1x16xf32>,
        %swap3A_229 = vector.shape_cast %swap3A_228 : vector<1x16xf32> to vector<16xf32>
        %swap3A_230 = vector.shape_cast %mul3A_225 : vector<16xf32> to vector<1x16xf32>
        tpu.vector_store %arg12[%swap3A_226, %swap3A_227], %swap3A_230 {strides = array<i32>} : memref<128x128xf32, #tpu.memory_space<vmem>>, vector<1x16xf32>,
        %get3A_231 = arith.index_cast %add3A_186 : i32 to index
        %get3A_232 = arith.constant 64 : index
        %get3A_233 = tpu.vector_load %arg12[%get3A_231, %get3A_232] {strides = array<i32>} : memref<128x128xf32, #tpu.memory_space<vmem>>, vector<1x16xf32>,
        %get3A_234 = vector.shape_cast %get3A_233 : vector<1x16xf32> to vector<16xf32>
        %mul3A_235 = vector.broadcast %squeeze3A_182 : f32 to vector<16xf32>
        %mul3A_236 = arith.mulf %get3A_234, %mul3A_235 : vector<16xf32>
        %swap3A_237 = arith.index_cast %add3A_186 : i32 to index
        %swap3A_238 = arith.constant 64 : index
        %swap3A_239 = tpu.vector_load %arg12[%swap3A_237, %swap3A_238] {strides = array<i32>} : memref<128x128xf32, #tpu.memory_space<vmem>>, vector<1x16xf32>,
        %swap3A_240 = vector.shape_cast %swap3A_239 : vector<1x16xf32> to vector<16xf32>
        %swap3A_241 = vector.shape_cast %mul3A_236 : vector<16xf32> to vector<1x16xf32>
        tpu.vector_store %arg12[%swap3A_237, %swap3A_238], %swap3A_241 {strides = array<i32>} : memref<128x128xf32, #tpu.memory_space<vmem>>, vector<1x16xf32>,
        %get3A_242 = arith.index_cast %add3A_186 : i32 to index
        %get3A_243 = arith.constant 80 : index
        %get3A_244 = tpu.vector_load %arg12[%get3A_242, %get3A_243] {strides = array<i32>} : memref<128x128xf32, #tpu.memory_space<vmem>>, vector<1x16xf32>,
        %get3A_245 = vector.shape_cast %get3A_244 : vector<1x16xf32> to vector<16xf32>
        %mul3A_246 = vector.broadcast %squeeze3A_182 : f32 to vector<16xf32>
        %mul3A_247 = arith.mulf %get3A_245, %mul3A_246 : vector<16xf32>
        %swap3A_248 = arith.index_cast %add3A_186 : i32 to index
        %swap3A_249 = arith.constant 80 : index
        %swap3A_250 = tpu.vector_load %arg12[%swap3A_248, %swap3A_249] {strides = array<i32>} : memref<128x128xf32, #tpu.memory_space<vmem>>, vector<1x16xf32>,
        %swap3A_251 = vector.shape_cast %swap3A_250 : vector<1x16xf32> to vector<16xf32>
        %swap3A_252 = vector.shape_cast %mul3A_247 : vector<16xf32> to vector<1x16xf32>
        tpu.vector_store %arg12[%swap3A_248, %swap3A_249], %swap3A_252 {strides = array<i32>} : memref<128x128xf32, #tpu.memory_space<vmem>>, vector<1x16xf32>,
        %get3A_253 = arith.index_cast %add3A_186 : i32 to index
        %get3A_254 = arith.constant 96 : index
        %get3A_255 = tpu.vector_load %arg12[%get3A_253, %get3A_254] {strides = array<i32>} : memref<128x128xf32, #tpu.memory_space<vmem>>, vector<1x16xf32>,
        %get3A_256 = vector.shape_cast %get3A_255 : vector<1x16xf32> to vector<16xf32>
        %mul3A_257 = vector.broadcast %squeeze3A_182 : f32 to vector<16xf32>
        %mul3A_258 = arith.mulf %get3A_256, %mul3A_257 : vector<16xf32>
        %swap3A_259 = arith.index_cast %add3A_186 : i32 to index
        %swap3A_260 = arith.constant 96 : index
        %swap3A_261 = tpu.vector_load %arg12[%swap3A_259, %swap3A_260] {strides = array<i32>} : memref<128x128xf32, #tpu.memory_space<vmem>>, vector<1x16xf32>,
        %swap3A_262 = vector.shape_cast %swap3A_261 : vector<1x16xf32> to vector<16xf32>
        %swap3A_263 = vector.shape_cast %mul3A_258 : vector<16xf32> to vector<1x16xf32>
        tpu.vector_store %arg12[%swap3A_259, %swap3A_260], %swap3A_263 {strides = array<i32>} : memref<128x128xf32, #tpu.memory_space<vmem>>, vector<1x16xf32>,
        %get3A_264 = arith.index_cast %add3A_186 : i32 to index
        %get3A_265 = arith.constant 112 : index
        %get3A_266 = tpu.vector_load %arg12[%get3A_264, %get3A_265] {strides = array<i32>} : memref<128x128xf32, #tpu.memory_space<vmem>>, vector<1x16xf32>,
        %get3A_267 = vector.shape_cast %get3A_266 : vector<1x16xf32> to vector<16xf32>
        %mul3A_268 = vector.broadcast %squeeze3A_182 : f32 to vector<16xf32>
        %mul3A_269 = arith.mulf %get3A_267, %mul3A_268 : vector<16xf32>
        %swap3A_270 = arith.index_cast %add3A_186 : i32 to index
        %swap3A_271 = arith.constant 112 : index
        %swap3A_272 = tpu.vector_load %arg12[%swap3A_270, %swap3A_271] {strides = array<i32>} : memref<128x128xf32, #tpu.memory_space<vmem>>, vector<1x16xf32>,
        %swap3A_273 = vector.shape_cast %swap3A_272 : vector<1x16xf32> to vector<16xf32>
        %swap3A_274 = vector.shape_cast %mul3A_269 : vector<16xf32> to vector<1x16xf32>
        tpu.vector_store %arg12[%swap3A_270, %swap3A_271], %swap3A_274 {strides = array<i32>} : memref<128x128xf32, #tpu.memory_space<vmem>>, vector<1x16xf32>,
        %slice3A_275 = vector.extract_strided_slice %get3A_89 {offsets = [2], sizes = [1], strides = [1]} : vector<16xf32> to vector<1xf32>
        %squeeze3A_276 = vector.extract %slice3A_275[0] : f32 from vector<1xf32>
        %mul3A_277 = arith.constant 16 : i32
        %mul3A_278 = arith.muli %scan3A_84, %mul3A_277 : i32
        %add3A_279 = arith.constant 2 : i32
        %add3A_280 = arith.addi %mul3A_278, %add3A_279 : i32
        %get3A_281 = arith.index_cast %add3A_280 : i32 to index
        %get3A_282 = arith.constant 0 : index
        %get3A_283 = tpu.vector_load %arg12[%get3A_281, %get3A_282] {strides = array<i32>} : memref<128x128xf32, #tpu.memory_space<vmem>>, vector<1x16xf32>,
        %get3A_284 = vector.shape_cast %get3A_283 : vector<1x16xf32> to vector<16xf32>
        %mul3A_285 = vector.broadcast %squeeze3A_276 : f32 to vector<16xf32>
        %mul3A_286 = arith.mulf %get3A_284, %mul3A_285 : vector<16xf32>
        %swap3A_287 = arith.index_cast %add3A_280 : i32 to index
        %swap3A_288 = arith.constant 0 : index
        %swap3A_289 = tpu.vector_load %arg12[%swap3A_287, %swap3A_288] {strides = array<i32>} : memref<128x128xf32, #tpu.memory_space<vmem>>, vector<1x16xf32>,
        %swap3A_290 = vector.shape_cast %swap3A_289 : vector<1x16xf32> to vector<16xf32>
        %swap3A_291 = vector.shape_cast %mul3A_286 : vector<16xf32> to vector<1x16xf32>
        tpu.vector_store %arg12[%swap3A_287, %swap3A_288], %swap3A_291 {strides = array<i32>} : memref<128x128xf32, #tpu.memory_space<vmem>>, vector<1x16xf32>,
        %get3A_292 = arith.index_cast %add3A_280 : i32 to index
        %get3A_293 = arith.constant 16 : index
        %get3A_294 = tpu.vector_load %arg12[%get3A_292, %get3A_293] {strides = array<i32>} : memref<128x128xf32, #tpu.memory_space<vmem>>, vector<1x16xf32>,
        %get3A_295 = vector.shape_cast %get3A_294 : vector<1x16xf32> to vector<16xf32>
        %mul3A_296 = vector.broadcast %squeeze3A_276 : f32 to vector<16xf32>
        %mul3A_297 = arith.mulf %get3A_295, %mul3A_296 : vector<16xf32>
        %swap3A_298 = arith.index_cast %add3A_280 : i32 to index
        %swap3A_299 = arith.constant 16 : index
        %swap3A_300 = tpu.vector_load %arg12[%swap3A_298, %swap3A_299] {strides = array<i32>} : memref<128x128xf32, #tpu.memory_space<vmem>>, vector<1x16xf32>,
        %swap3A_301 = vector.shape_cast %swap3A_300 : vector<1x16xf32> to vector<16xf32>
        %swap3A_302 = vector.shape_cast %mul3A_297 : vector<16xf32> to vector<1x16xf32>
        tpu.vector_store %arg12[%swap3A_298, %swap3A_299], %swap3A_302 {strides = array<i32>} : memref<128x128xf32, #tpu.memory_space<vmem>>, vector<1x16xf32>,
        %get3A_303 = arith.index_cast %add3A_280 : i32 to index
        %get3A_304 = arith.constant 32 : index
        %get3A_305 = tpu.vector_load %arg12[%get3A_303, %get3A_304] {strides = array<i32>} : memref<128x128xf32, #tpu.memory_space<vmem>>, vector<1x16xf32>,
        %get3A_306 = vector.shape_cast %get3A_305 : vector<1x16xf32> to vector<16xf32>
        %mul3A_307 = vector.broadcast %squeeze3A_276 : f32 to vector<16xf32>
        %mul3A_308 = arith.mulf %get3A_306, %mul3A_307 : vector<16xf32>
        %swap3A_309 = arith.index_cast %add3A_280 : i32 to index
        %swap3A_310 = arith.constant 32 : index
        %swap3A_311 = tpu.vector_load %arg12[%swap3A_309, %swap3A_310] {strides = array<i32>} : memref<128x128xf32, #tpu.memory_space<vmem>>, vector<1x16xf32>,
        %swap3A_312 = vector.shape_cast %swap3A_311 : vector<1x16xf32> to vector<16xf32>
        %swap3A_313 = vector.shape_cast %mul3A_308 : vector<16xf32> to vector<1x16xf32>
        tpu.vector_store %arg12[%swap3A_309, %swap3A_310], %swap3A_313 {strides = array<i32>} : memref<128x128xf32, #tpu.memory_space<vmem>>, vector<1x16xf32>,
        %get3A_314 = arith.index_cast %add3A_280 : i32 to index
        %get3A_315 = arith.constant 48 : index
        %get3A_316 = tpu.vector_load %arg12[%get3A_314, %get3A_315] {strides = array<i32>} : memref<128x128xf32, #tpu.memory_space<vmem>>, vector<1x16xf32>,
        %get3A_317 = vector.shape_cast %get3A_316 : vector<1x16xf32> to vector<16xf32>
        %mul3A_318 = vector.broadcast %squeeze3A_276 : f32 to vector<16xf32>
        %mul3A_319 = arith.mulf %get3A_317, %mul3A_318 : vector<16xf32>
        %swap3A_320 = arith.index_cast %add3A_280 : i32 to index
        %swap3A_321 = arith.constant 48 : index
        %swap3A_322 = tpu.vector_load %arg12[%swap3A_320, %swap3A_321] {strides = array<i32>} : memref<128x128xf32, #tpu.memory_space<vmem>>, vector<1x16xf32>,
        %swap3A_323 = vector.shape_cast %swap3A_322 : vector<1x16xf32> to vector<16xf32>
        %swap3A_324 = vector.shape_cast %mul3A_319 : vector<16xf32> to vector<1x16xf32>
        tpu.vector_store %arg12[%swap3A_320, %swap3A_321], %swap3A_324 {strides = array<i32>} : memref<128x128xf32, #tpu.memory_space<vmem>>, vector<1x16xf32>,
        %get3A_325 = arith.index_cast %add3A_280 : i32 to index
        %get3A_326 = arith.constant 64 : index
        %get3A_327 = tpu.vector_load %arg12[%get3A_325, %get3A_326] {strides = array<i32>} : memref<128x128xf32, #tpu.memory_space<vmem>>, vector<1x16xf32>,
        %get3A_328 = vector.shape_cast %get3A_327 : vector<1x16xf32> to vector<16xf32>
        %mul3A_329 = vector.broadcast %squeeze3A_276 : f32 to vector<16xf32>
        %mul3A_330 = arith.mulf %get3A_328, %mul3A_329 : vector<16xf32>
        %swap3A_331 = arith.index_cast %add3A_280 : i32 to index
        %swap3A_332 = arith.constant 64 : index
        %swap3A_333 = tpu.vector_load %arg12[%swap3A_331, %swap3A_332] {strides = array<i32>} : memref<128x128xf32, #tpu.memory_space<vmem>>, vector<1x16xf32>,
        %swap3A_334 = vector.shape_cast %swap3A_333 : vector<1x16xf32> to vector<16xf32>
        %swap3A_335 = vector.shape_cast %mul3A_330 : vector<16xf32> to vector<1x16xf32>
        tpu.vector_store %arg12[%swap3A_331, %swap3A_332], %swap3A_335 {strides = array<i32>} : memref<128x128xf32, #tpu.memory_space<vmem>>, vector<1x16xf32>,
        %get3A_336 = arith.index_cast %add3A_280 : i32 to index
        %get3A_337 = arith.constant 80 : index
        %get3A_338 = tpu.vector_load %arg12[%get3A_336, %get3A_337] {strides = array<i32>} : memref<128x128xf32, #tpu.memory_space<vmem>>, vector<1x16xf32>,
        %get3A_339 = vector.shape_cast %get3A_338 : vector<1x16xf32> to vector<16xf32>
        %mul3A_340 = vector.broadcast %squeeze3A_276 : f32 to vector<16xf32>
        %mul3A_341 = arith.mulf %get3A_339, %mul3A_340 : vector<16xf32>
        %swap3A_342 = arith.index_cast %add3A_280 : i32 to index
        %swap3A_343 = arith.constant 80 : index
        %swap3A_344 = tpu.vector_load %arg12[%swap3A_342, %swap3A_343] {strides = array<i32>} : memref<128x128xf32, #tpu.memory_space<vmem>>, vector<1x16xf32>,
        %swap3A_345 = vector.shape_cast %swap3A_344 : vector<1x16xf32> to vector<16xf32>
        %swap3A_346 = vector.shape_cast %mul3A_341 : vector<16xf32> to vector<1x16xf32>
        tpu.vector_store %arg12[%swap3A_342, %swap3A_343], %swap3A_346 {strides = array<i32>} : memref<128x128xf32, #tpu.memory_space<vmem>>, vector<1x16xf32>,
        %get3A_347 = arith.index_cast %add3A_280 : i32 to index
        %get3A_348 = arith.constant 96 : index
        %get3A_349 = tpu.vector_load %arg12[%get3A_347, %get3A_348] {strides = array<i32>} : memref<128x128xf32, #tpu.memory_space<vmem>>, vector<1x16xf32>,
        %get3A_350 = vector.shape_cast %get3A_349 : vector<1x16xf32> to vector<16xf32>
        %mul3A_351 = vector.broadcast %squeeze3A_276 : f32 to vector<16xf32>
        %mul3A_352 = arith.mulf %get3A_350, %mul3A_351 : vector<16xf32>
        %swap3A_353 = arith.index_cast %add3A_280 : i32 to index
        %swap3A_354 = arith.constant 96 : index
        %swap3A_355 = tpu.vector_load %arg12[%swap3A_353, %swap3A_354] {strides = array<i32>} : memref<128x128xf32, #tpu.memory_space<vmem>>, vector<1x16xf32>,
        %swap3A_356 = vector.shape_cast %swap3A_355 : vector<1x16xf32> to vector<16xf32>
        %swap3A_357 = vector.shape_cast %mul3A_352 : vector<16xf32> to vector<1x16xf32>
        tpu.vector_store %arg12[%swap3A_353, %swap3A_354], %swap3A_357 {strides = array<i32>} : memref<128x128xf32, #tpu.memory_space<vmem>>, vector<1x16xf32>,
        %get3A_358 = arith.index_cast %add3A_280 : i32 to index
        %get3A_359 = arith.constant 112 : index
        %get3A_360 = tpu.vector_load %arg12[%get3A_358, %get3A_359] {strides = array<i32>} : memref<128x128xf32, #tpu.memory_space<vmem>>, vector<1x16xf32>,
        %get3A_361 = vector.shape_cast %get3A_360 : vector<1x16xf32> to vector<16xf32>
        %mul3A_362 = vector.broadcast %squeeze3A_276 : f32 to vector<16xf32>
        %mul3A_363 = arith.mulf %get3A_361, %mul3A_362 : vector<16xf32>
        %swap3A_364 = arith.index_cast %add3A_280 : i32 to index
        %swap3A_365 = arith.constant 112 : index
        %swap3A_366 = tpu.vector_load %arg12[%swap3A_364, %swap3A_365] {strides = array<i32>} : memref<128x128xf32, #tpu.memory_space<vmem>>, vector<1x16xf32>,
        %swap3A_367 = vector.shape_cast %swap3A_366 : vector<1x16xf32> to vector<16xf32>
        %swap3A_368 = vector.shape_cast %mul3A_363 : vector<16xf32> to vector<1x16xf32>
        tpu.vector_store %arg12[%swap3A_364, %swap3A_365], %swap3A_368 {strides = array<i32>} : memref<128x128xf32, #tpu.memory_space<vmem>>, vector<1x16xf32>,
        %slice3A_369 = vector.extract_strided_slice %get3A_89 {offsets = [3], sizes = [1], strides = [1]} : vector<16xf32> to vector<1xf32>
        %squeeze3A_370 = vector.extract %slice3A_369[0] : f32 from vector<1xf32>
        %mul3A_371 = arith.constant 16 : i32
        %mul3A_372 = arith.muli %scan3A_84, %mul3A_371 : i32
        %add3A_373 = arith.constant 3 : i32
        %add3A_374 = arith.addi %mul3A_372, %add3A_373 : i32
        %get3A_375 = arith.index_cast %add3A_374 : i32 to index
        %get3A_376 = arith.constant 0 : index
        %get3A_377 = tpu.vector_load %arg12[%get3A_375, %get3A_376] {strides = array<i32>} : memref<128x128xf32, #tpu.memory_space<vmem>>, vector<1x16xf32>,
        %get3A_378 = vector.shape_cast %get3A_377 : vector<1x16xf32> to vector<16xf32>
        %mul3A_379 = vector.broadcast %squeeze3A_370 : f32 to vector<16xf32>
        %mul3A_380 = arith.mulf %get3A_378, %mul3A_379 : vector<16xf32>
        %swap3A_381 = arith.index_cast %add3A_374 : i32 to index
        %swap3A_382 = arith.constant 0 : index
        %swap3A_383 = tpu.vector_load %arg12[%swap3A_381, %swap3A_382] {strides = array<i32>} : memref<128x128xf32, #tpu.memory_space<vmem>>, vector<1x16xf32>,
        %swap3A_384 = vector.shape_cast %swap3A_383 : vector<1x16xf32> to vector<16xf32>
        %swap3A_385 = vector.shape_cast %mul3A_380 : vector<16xf32> to vector<1x16xf32>
        tpu.vector_store %arg12[%swap3A_381, %swap3A_382], %swap3A_385 {strides = array<i32>} : memref<128x128xf32, #tpu.memory_space<vmem>>, vector<1x16xf32>,
        %get3A_386 = arith.index_cast %add3A_374 : i32 to index
        %get3A_387 = arith.constant 16 : index
        %get3A_388 = tpu.vector_load %arg12[%get3A_386, %get3A_387] {strides = array<i32>} : memref<128x128xf32, #tpu.memory_space<vmem>>, vector<1x16xf32>,
        %get3A_389 = vector.shape_cast %get3A_388 : vector<1x16xf32> to vector<16xf32>
        %mul3A_390 = vector.broadcast %squeeze3A_370 : f32 to vector<16xf32>
        %mul3A_391 = arith.mulf %get3A_389, %mul3A_390 : vector<16xf32>
        %swap3A_392 = arith.index_cast %add3A_374 : i32 to index
        %swap3A_393 = arith.constant 16 : index
        %swap3A_394 = tpu.vector_load %arg12[%swap3A_392, %swap3A_393] {strides = array<i32>} : memref<128x128xf32, #tpu.memory_space<vmem>>, vector<1x16xf32>,
        %swap3A_395 = vector.shape_cast %swap3A_394 : vector<1x16xf32> to vector<16xf32>
        %swap3A_396 = vector.shape_cast %mul3A_391 : vector<16xf32> to vector<1x16xf32>
        tpu.vector_store %arg12[%swap3A_392, %swap3A_393], %swap3A_396 {strides = array<i32>} : memref<128x128xf32, #tpu.memory_space<vmem>>, vector<1x16xf32>,
        %get3A_397 = arith.index_cast %add3A_374 : i32 to index
        %get3A_398 = arith.constant 32 : index
        %get3A_399 = tpu.vector_load %arg12[%get3A_397, %get3A_398] {strides = array<i32>} : memref<128x128xf32, #tpu.memory_space<vmem>>, vector<1x16xf32>,
        %get3A_400 = vector.shape_cast %get3A_399 : vector<1x16xf32> to vector<16xf32>
        %mul3A_401 = vector.broadcast %squeeze3A_370 : f32 to vector<16xf32>
        %mul3A_402 = arith.mulf %get3A_400, %mul3A_401 : vector<16xf32>
        %swap3A_403 = arith.index_cast %add3A_374 : i32 to index
        %swap3A_404 = arith.constant 32 : index
        %swap3A_405 = tpu.vector_load %arg12[%swap3A_403, %swap3A_404] {strides = array<i32>} : memref<128x128xf32, #tpu.memory_space<vmem>>, vector<1x16xf32>,
        %swap3A_406 = vector.shape_cast %swap3A_405 : vector<1x16xf32> to vector<16xf32>
        %swap3A_407 = vector.shape_cast %mul3A_402 : vector<16xf32> to vector<1x16xf32>
        tpu.vector_store %arg12[%swap3A_403, %swap3A_404], %swap3A_407 {strides = array<i32>} : memref<128x128xf32, #tpu.memory_space<vmem>>, vector<1x16xf32>,
        %get3A_408 = arith.index_cast %add3A_374 : i32 to index
        %get3A_409 = arith.constant 48 : index
        %get3A_410 = tpu.vector_load %arg12[%get3A_408, %get3A_409] {strides = array<i32>} : memref<128x128xf32, #tpu.memory_space<vmem>>, vector<1x16xf32>,
        %get3A_411 = vector.shape_cast %get3A_410 : vector<1x16xf32> to vector<16xf32>
        %mul3A_412 = vector.broadcast %squeeze3A_370 : f32 to vector<16xf32>
        %mul3A_413 = arith.mulf %get3A_411, %mul3A_412 : vector<16xf32>
        %swap3A_414 = arith.index_cast %add3A_374 : i32 to index
        %swap3A_415 = arith.constant 48 : index
        %swap3A_416 = tpu.vector_load %arg12[%swap3A_414, %swap3A_415] {strides = array<i32>} : memref<128x128xf32, #tpu.memory_space<vmem>>, vector<1x16xf32>,
        %swap3A_417 = vector.shape_cast %swap3A_416 : vector<1x16xf32> to vector<16xf32>
        %swap3A_418 = vector.shape_cast %mul3A_413 : vector<16xf32> to vector<1x16xf32>
        tpu.vector_store %arg12[%swap3A_414, %swap3A_415], %swap3A_418 {strides = array<i32>} : memref<128x128xf32, #tpu.memory_space<vmem>>, vector<1x16xf32>,
        %get3A_419 = arith.index_cast %add3A_374 : i32 to index
        %get3A_420 = arith.constant 64 : index
        %get3A_421 = tpu.vector_load %arg12[%get3A_419, %get3A_420] {strides = array<i32>} : memref<128x128xf32, #tpu.memory_space<vmem>>, vector<1x16xf32>,
        %get3A_422 = vector.shape_cast %get3A_421 : vector<1x16xf32> to vector<16xf32>
        %mul3A_423 = vector.broadcast %squeeze3A_370 : f32 to vector<16xf32>
        %mul3A_424 = arith.mulf %get3A_422, %mul3A_423 : vector<16xf32>
        %swap3A_425 = arith.index_cast %add3A_374 : i32 to index
        %swap3A_426 = arith.constant 64 : index
        %swap3A_427 = tpu.vector_load %arg12[%swap3A_425, %swap3A_426] {strides = array<i32>} : memref<128x128xf32, #tpu.memory_space<vmem>>, vector<1x16xf32>,
        %swap3A_428 = vector.shape_cast %swap3A_427 : vector<1x16xf32> to vector<16xf32>
        %swap3A_429 = vector.shape_cast %mul3A_424 : vector<16xf32> to vector<1x16xf32>
        tpu.vector_store %arg12[%swap3A_425, %swap3A_426], %swap3A_429 {strides = array<i32>} : memref<128x128xf32, #tpu.memory_space<vmem>>, vector<1x16xf32>,
        %get3A_430 = arith.index_cast %add3A_374 : i32 to index
        %get3A_431 = arith.constant 80 : index
        %get3A_432 = tpu.vector_load %arg12[%get3A_430, %get3A_431] {strides = array<i32>} : memref<128x128xf32, #tpu.memory_space<vmem>>, vector<1x16xf32>,
        %get3A_433 = vector.shape_cast %get3A_432 : vector<1x16xf32> to vector<16xf32>
        %mul3A_434 = vector.broadcast %squeeze3A_370 : f32 to vector<16xf32>
        %mul3A_435 = arith.mulf %get3A_433, %mul3A_434 : vector<16xf32>
        %swap3A_436 = arith.index_cast %add3A_374 : i32 to index
        %swap3A_437 = arith.constant 80 : index
        %swap3A_438 = tpu.vector_load %arg12[%swap3A_436, %swap3A_437] {strides = array<i32>} : memref<128x128xf32, #tpu.memory_space<vmem>>, vector<1x16xf32>,
        %swap3A_439 = vector.shape_cast %swap3A_438 : vector<1x16xf32> to vector<16xf32>
        %swap3A_440 = vector.shape_cast %mul3A_435 : vector<16xf32> to vector<1x16xf32>
        tpu.vector_store %arg12[%swap3A_436, %swap3A_437], %swap3A_440 {strides = array<i32>} : memref<128x128xf32, #tpu.memory_space<vmem>>, vector<1x16xf32>,
        %get3A_441 = arith.index_cast %add3A_374 : i32 to index
        %get3A_442 = arith.constant 96 : index
        %get3A_443 = tpu.vector_load %arg12[%get3A_441, %get3A_442] {strides = array<i32>} : memref<128x128xf32, #tpu.memory_space<vmem>>, vector<1x16xf32>,
        %get3A_444 = vector.shape_cast %get3A_443 : vector<1x16xf32> to vector<16xf32>
        %mul3A_445 = vector.broadcast %squeeze3A_370 : f32 to vector<16xf32>
        %mul3A_446 = arith.mulf %get3A_444, %mul3A_445 : vector<16xf32>
        %swap3A_447 = arith.index_cast %add3A_374 : i32 to index
        %swap3A_448 = arith.constant 96 : index
        %swap3A_449 = tpu.vector_load %arg12[%swap3A_447, %swap3A_448] {strides = array<i32>} : memref<128x128xf32, #tpu.memory_space<vmem>>, vector<1x16xf32>,
        %swap3A_450 = vector.shape_cast %swap3A_449 : vector<1x16xf32> to vector<16xf32>
        %swap3A_451 = vector.shape_cast %mul3A_446 : vector<16xf32> to vector<1x16xf32>
        tpu.vector_store %arg12[%swap3A_447, %swap3A_448], %swap3A_451 {strides = array<i32>} : memref<128x128xf32, #tpu.memory_space<vmem>>, vector<1x16xf32>,
        %get3A_452 = arith.index_cast %add3A_374 : i32 to index
        %get3A_453 = arith.constant 112 : index
        %get3A_454 = tpu.vector_load %arg12[%get3A_452, %get3A_453] {strides = array<i32>} : memref<128x128xf32, #tpu.memory_space<vmem>>, vector<1x16xf32>,
        %get3A_455 = vector.shape_cast %get3A_454 : vector<1x16xf32> to vector<16xf32>
        %mul3A_456 = vector.broadcast %squeeze3A_370 : f32 to vector<16xf32>
        %mul3A_457 = arith.mulf %get3A_455, %mul3A_456 : vector<16xf32>
        %swap3A_458 = arith.index_cast %add3A_374 : i32 to index
        %swap3A_459 = arith.constant 112 : index
        %swap3A_460 = tpu.vector_load %arg12[%swap3A_458, %swap3A_459] {strides = array<i32>} : memref<128x128xf32, #tpu.memory_space<vmem>>, vector<1x16xf32>,
        %swap3A_461 = vector.shape_cast %swap3A_460 : vector<1x16xf32> to vector<16xf32>
        %swap3A_462 = vector.shape_cast %mul3A_457 : vector<16xf32> to vector<1x16xf32>
        tpu.vector_store %arg12[%swap3A_458, %swap3A_459], %swap3A_462 {strides = array<i32>} : memref<128x128xf32, #tpu.memory_space<vmem>>, vector<1x16xf32>,
        %slice3A_463 = vector.extract_strided_slice %get3A_89 {offsets = [4], sizes = [1], strides = [1]} : vector<16xf32> to vector<1xf32>
        %squeeze3A_464 = vector.extract %slice3A_463[0] : f32 from vector<1xf32>
        %mul3A_465 = arith.constant 16 : i32
        %mul3A_466 = arith.muli %scan3A_84, %mul3A_465 : i32
        %add3A_467 = arith.constant 4 : i32
        %add3A_468 = arith.addi %mul3A_466, %add3A_467 : i32
        %get3A_469 = arith.index_cast %add3A_468 : i32 to index
        %get3A_470 = arith.constant 0 : index
        %get3A_471 = tpu.vector_load %arg12[%get3A_469, %get3A_470] {strides = array<i32>} : memref<128x128xf32, #tpu.memory_space<vmem>>, vector<1x16xf32>,
        %get3A_472 = vector.shape_cast %get3A_471 : vector<1x16xf32> to vector<16xf32>
        %mul3A_473 = vector.broadcast %squeeze3A_464 : f32 to vector<16xf32>
        %mul3A_474 = arith.mulf %get3A_472, %mul3A_473 : vector<16xf32>
        %swap3A_475 = arith.index_cast %add3A_468 : i32 to index
        %swap3A_476 = arith.constant 0 : index
        %swap3A_477 = tpu.vector_load %arg12[%swap3A_475, %swap3A_476] {strides = array<i32>} : memref<128x128xf32, #tpu.memory_space<vmem>>, vector<1x16xf32>,
        %swap3A_478 = vector.shape_cast %swap3A_477 : vector<1x16xf32> to vector<16xf32>
        %swap3A_479 = vector.shape_cast %mul3A_474 : vector<16xf32> to vector<1x16xf32>
        tpu.vector_store %arg12[%swap3A_475, %swap3A_476], %swap3A_479 {strides = array<i32>} : memref<128x128xf32, #tpu.memory_space<vmem>>, vector<1x16xf32>,
        %get3A_480 = arith.index_cast %add3A_468 : i32 to index
        %get3A_481 = arith.constant 16 : index
        %get3A_482 = tpu.vector_load %arg12[%get3A_480, %get3A_481] {strides = array<i32>} : memref<128x128xf32, #tpu.memory_space<vmem>>, vector<1x16xf32>,
        %get3A_483 = vector.shape_cast %get3A_482 : vector<1x16xf32> to vector<16xf32>
        %mul3A_484 = vector.broadcast %squeeze3A_464 : f32 to vector<16xf32>
        %mul3A_485 = arith.mulf %get3A_483, %mul3A_484 : vector<16xf32>
        %swap3A_486 = arith.index_cast %add3A_468 : i32 to index
        %swap3A_487 = arith.constant 16 : index
        %swap3A_488 = tpu.vector_load %arg12[%swap3A_486, %swap3A_487] {strides = array<i32>} : memref<128x128xf32, #tpu.memory_space<vmem>>, vector<1x16xf32>,
        %swap3A_489 = vector.shape_cast %swap3A_488 : vector<1x16xf32> to vector<16xf32>
        %swap3A_490 = vector.shape_cast %mul3A_485 : vector<16xf32> to vector<1x16xf32>
        tpu.vector_store %arg12[%swap3A_486, %swap3A_487], %swap3A_490 {strides = array<i32>} : memref<128x128xf32, #tpu.memory_space<vmem>>, vector<1x16xf32>,
        %get3A_491 = arith.index_cast %add3A_468 : i32 to index
        %get3A_492 = arith.constant 32 : index
        %get3A_493 = tpu.vector_load %arg12[%get3A_491, %get3A_492] {strides = array<i32>} : memref<128x128xf32, #tpu.memory_space<vmem>>, vector<1x16xf32>,
        %get3A_494 = vector.shape_cast %get3A_493 : vector<1x16xf32> to vector<16xf32>
        %mul3A_495 = vector.broadcast %squeeze3A_464 : f32 to vector<16xf32>
        %mul3A_496 = arith.mulf %get3A_494, %mul3A_495 : vector<16xf32>
        %swap3A_497 = arith.index_cast %add3A_468 : i32 to index
        %swap3A_498 = arith.constant 32 : index
        %swap3A_499 = tpu.vector_load %arg12[%swap3A_497, %swap3A_498] {strides = array<i32>} : memref<128x128xf32, #tpu.memory_space<vmem>>, vector<1x16xf32>,
        %swap3A_500 = vector.shape_cast %swap3A_499 : vector<1x16xf32> to vector<16xf32>
        %swap3A_501 = vector.shape_cast %mul3A_496 : vector<16xf32> to vector<1x16xf32>
        tpu.vector_store %arg12[%swap3A_497, %swap3A_498], %swap3A_501 {strides = array<i32>} : memref<128x128xf32, #tpu.memory_space<vmem>>, vector<1x16xf32>,
        %get3A_502 = arith.index_cast %add3A_468 : i32 to index
        %get3A_503 = arith.constant 48 : index
        %get3A_504 = tpu.vector_load %arg12[%get3A_502, %get3A_503] {strides = array<i32>} : memref<128x128xf32, #tpu.memory_space<vmem>>, vector<1x16xf32>,
        %get3A_505 = vector.shape_cast %get3A_504 : vector<1x16xf32> to vector<16xf32>
        %mul3A_506 = vector.broadcast %squeeze3A_464 : f32 to vector<16xf32>
        %mul3A_507 = arith.mulf %get3A_505, %mul3A_506 : vector<16xf32>
        %swap3A_508 = arith.index_cast %add3A_468 : i32 to index
        %swap3A_509 = arith.constant 48 : index
        %swap3A_510 = tpu.vector_load %arg12[%swap3A_508, %swap3A_509] {strides = array<i32>} : memref<128x128xf32, #tpu.memory_space<vmem>>, vector<1x16xf32>,
        %swap3A_511 = vector.shape_cast %swap3A_510 : vector<1x16xf32> to vector<16xf32>
        %swap3A_512 = vector.shape_cast %mul3A_507 : vector<16xf32> to vector<1x16xf32>
        tpu.vector_store %arg12[%swap3A_508, %swap3A_509], %swap3A_512 {strides = array<i32>} : memref<128x128xf32, #tpu.memory_space<vmem>>, vector<1x16xf32>,
        %get3A_513 = arith.index_cast %add3A_468 : i32 to index
        %get3A_514 = arith.constant 64 : index
        %get3A_515 = tpu.vector_load %arg12[%get3A_513, %get3A_514] {strides = array<i32>} : memref<128x128xf32, #tpu.memory_space<vmem>>, vector<1x16xf32>,
        %get3A_516 = vector.shape_cast %get3A_515 : vector<1x16xf32> to vector<16xf32>
        %mul3A_517 = vector.broadcast %squeeze3A_464 : f32 to vector<16xf32>
        %mul3A_518 = arith.mulf %get3A_516, %mul3A_517 : vector<16xf32>
        %swap3A_519 = arith.index_cast %add3A_468 : i32 to index
        %swap3A_520 = arith.constant 64 : index
        %swap3A_521 = tpu.vector_load %arg12[%swap3A_519, %swap3A_520] {strides = array<i32>} : memref<128x128xf32, #tpu.memory_space<vmem>>, vector<1x16xf32>,
        %swap3A_522 = vector.shape_cast %swap3A_521 : vector<1x16xf32> to vector<16xf32>
        %swap3A_523 = vector.shape_cast %mul3A_518 : vector<16xf32> to vector<1x16xf32>
        tpu.vector_store %arg12[%swap3A_519, %swap3A_520], %swap3A_523 {strides = array<i32>} : memref<128x128xf32, #tpu.memory_space<vmem>>, vector<1x16xf32>,
        %get3A_524 = arith.index_cast %add3A_468 : i32 to index
        %get3A_525 = arith.constant 80 : index
        %get3A_526 = tpu.vector_load %arg12[%get3A_524, %get3A_525] {strides = array<i32>} : memref<128x128xf32, #tpu.memory_space<vmem>>, vector<1x16xf32>,
        %get3A_527 = vector.shape_cast %get3A_526 : vector<1x16xf32> to vector<16xf32>
        %mul3A_528 = vector.broadcast %squeeze3A_464 : f32 to vector<16xf32>
        %mul3A_529 = arith.mulf %get3A_527, %mul3A_528 : vector<16xf32>
        %swap3A_530 = arith.index_cast %add3A_468 : i32 to index
        %swap3A_531 = arith.constant 80 : index
        %swap3A_532 = tpu.vector_load %arg12[%swap3A_530, %swap3A_531] {strides = array<i32>} : memref<128x128xf32, #tpu.memory_space<vmem>>, vector<1x16xf32>,
        %swap3A_533 = vector.shape_cast %swap3A_532 : vector<1x16xf32> to vector<16xf32>
        %swap3A_534 = vector.shape_cast %mul3A_529 : vector<16xf32> to vector<1x16xf32>
        tpu.vector_store %arg12[%swap3A_530, %swap3A_531], %swap3A_534 {strides = array<i32>} : memref<128x128xf32, #tpu.memory_space<vmem>>, vector<1x16xf32>,
        %get3A_535 = arith.index_cast %add3A_468 : i32 to index
        %get3A_536 = arith.constant 96 : index
        %get3A_537 = tpu.vector_load %arg12[%get3A_535, %get3A_536] {strides = array<i32>} : memref<128x128xf32, #tpu.memory_space<vmem>>, vector<1x16xf32>,
        %get3A_538 = vector.shape_cast %get3A_537 : vector<1x16xf32> to vector<16xf32>
        %mul3A_539 = vector.broadcast %squeeze3A_464 : f32 to vector<16xf32>
        %mul3A_540 = arith.mulf %get3A_538, %mul3A_539 : vector<16xf32>
        %swap3A_541 = arith.index_cast %add3A_468 : i32 to index
        %swap3A_542 = arith.constant 96 : index
        %swap3A_543 = tpu.vector_load %arg12[%swap3A_541, %swap3A_542] {strides = array<i32>} : memref<128x128xf32, #tpu.memory_space<vmem>>, vector<1x16xf32>,
        %swap3A_544 = vector.shape_cast %swap3A_543 : vector<1x16xf32> to vector<16xf32>
        %swap3A_545 = vector.shape_cast %mul3A_540 : vector<16xf32> to vector<1x16xf32>
        tpu.vector_store %arg12[%swap3A_541, %swap3A_542], %swap3A_545 {strides = array<i32>} : memref<128x128xf32, #tpu.memory_space<vmem>>, vector<1x16xf32>,
        %get3A_546 = arith.index_cast %add3A_468 : i32 to index
        %get3A_547 = arith.constant 112 : index
        %get3A_548 = tpu.vector_load %arg12[%get3A_546, %get3A_547] {strides = array<i32>} : memref<128x128xf32, #tpu.memory_space<vmem>>, vector<1x16xf32>,
        %get3A_549 = vector.shape_cast %get3A_548 : vector<1x16xf32> to vector<16xf32>
        %mul3A_550 = vector.broadcast %squeeze3A_464 : f32 to vector<16xf32>
        %mul3A_551 = arith.mulf %get3A_549, %mul3A_550 : vector<16xf32>
        %swap3A_552 = arith.index_cast %add3A_468 : i32 to index
        %swap3A_553 = arith.constant 112 : index
        %swap3A_554 = tpu.vector_load %arg12[%swap3A_552, %swap3A_553] {strides = array<i32>} : memref<128x128xf32, #tpu.memory_space<vmem>>, vector<1x16xf32>,
        %swap3A_555 = vector.shape_cast %swap3A_554 : vector<1x16xf32> to vector<16xf32>
        %swap3A_556 = vector.shape_cast %mul3A_551 : vector<16xf32> to vector<1x16xf32>
        tpu.vector_store %arg12[%swap3A_552, %swap3A_553], %swap3A_556 {strides = array<i32>} : memref<128x128xf32, #tpu.memory_space<vmem>>, vector<1x16xf32>,
        %slice3A_557 = vector.extract_strided_slice %get3A_89 {offsets = [5], sizes = [1], strides = [1]} : vector<16xf32> to vector<1xf32>
        %squeeze3A_558 = vector.extract %slice3A_557[0] : f32 from vector<1xf32>
        %mul3A_559 = arith.constant 16 : i32
        %mul3A_560 = arith.muli %scan3A_84, %mul3A_559 : i32
        %add3A_561 = arith.constant 5 : i32
        %add3A_562 = arith.addi %mul3A_560, %add3A_561 : i32
        %get3A_563 = arith.index_cast %add3A_562 : i32 to index
        %get3A_564 = arith.constant 0 : index
        %get3A_565 = tpu.vector_load %arg12[%get3A_563, %get3A_564] {strides = array<i32>} : memref<128x128xf32, #tpu.memory_space<vmem>>, vector<1x16xf32>,
        %get3A_566 = vector.shape_cast %get3A_565 : vector<1x16xf32> to vector<16xf32>
        %mul3A_567 = vector.broadcast %squeeze3A_558 : f32 to vector<16xf32>
        %mul3A_568 = arith.mulf %get3A_566, %mul3A_567 : vector<16xf32>
        %swap3A_569 = arith.index_cast %add3A_562 : i32 to index
        %swap3A_570 = arith.constant 0 : index
        %swap3A_571 = tpu.vector_load %arg12[%swap3A_569, %swap3A_570] {strides = array<i32>} : memref<128x128xf32, #tpu.memory_space<vmem>>, vector<1x16xf32>,
        %swap3A_572 = vector.shape_cast %swap3A_571 : vector<1x16xf32> to vector<16xf32>
        %swap3A_573 = vector.shape_cast %mul3A_568 : vector<16xf32> to vector<1x16xf32>
        tpu.vector_store %arg12[%swap3A_569, %swap3A_570], %swap3A_573 {strides = array<i32>} : memref<128x128xf32, #tpu.memory_space<vmem>>, vector<1x16xf32>,
        %get3A_574 = arith.index_cast %add3A_562 : i32 to index
        %get3A_575 = arith.constant 16 : index
        %get3A_576 = tpu.vector_load %arg12[%get3A_574, %get3A_575] {strides = array<i32>} : memref<128x128xf32, #tpu.memory_space<vmem>>, vector<1x16xf32>,
        %get3A_577 = vector.shape_cast %get3A_576 : vector<1x16xf32> to vector<16xf32>
        %mul3A_578 = vector.broadcast %squeeze3A_558 : f32 to vector<16xf32>
        %mul3A_579 = arith.mulf %get3A_577, %mul3A_578 : vector<16xf32>
        %swap3A_580 = arith.index_cast %add3A_562 : i32 to index
        %swap3A_581 = arith.constant 16 : index
        %swap3A_582 = tpu.vector_load %arg12[%swap3A_580, %swap3A_581] {strides = array<i32>} : memref<128x128xf32, #tpu.memory_space<vmem>>, vector<1x16xf32>,
        %swap3A_583 = vector.shape_cast %swap3A_582 : vector<1x16xf32> to vector<16xf32>
        %swap3A_584 = vector.shape_cast %mul3A_579 : vector<16xf32> to vector<1x16xf32>
        tpu.vector_store %arg12[%swap3A_580, %swap3A_581], %swap3A_584 {strides = array<i32>} : memref<128x128xf32, #tpu.memory_space<vmem>>, vector<1x16xf32>,
        %get3A_585 = arith.index_cast %add3A_562 : i32 to index
        %get3A_586 = arith.constant 32 : index
        %get3A_587 = tpu.vector_load %arg12[%get3A_585, %get3A_586] {strides = array<i32>} : memref<128x128xf32, #tpu.memory_space<vmem>>, vector<1x16xf32>,
        %get3A_588 = vector.shape_cast %get3A_587 : vector<1x16xf32> to vector<16xf32>
        %mul3A_589 = vector.broadcast %squeeze3A_558 : f32 to vector<16xf32>
        %mul3A_590 = arith.mulf %get3A_588, %mul3A_589 : vector<16xf32>
        %swap3A_591 = arith.index_cast %add3A_562 : i32 to index
        %swap3A_592 = arith.constant 32 : index
        %swap3A_593 = tpu.vector_load %arg12[%swap3A_591, %swap3A_592] {strides = array<i32>} : memref<128x128xf32, #tpu.memory_space<vmem>>, vector<1x16xf32>,
        %swap3A_594 = vector.shape_cast %swap3A_593 : vector<1x16xf32> to vector<16xf32>
        %swap3A_595 = vector.shape_cast %mul3A_590 : vector<16xf32> to vector<1x16xf32>
        tpu.vector_store %arg12[%swap3A_591, %swap3A_592], %swap3A_595 {strides = array<i32>} : memref<128x128xf32, #tpu.memory_space<vmem>>, vector<1x16xf32>,
        %get3A_596 = arith.index_cast %add3A_562 : i32 to index
        %get3A_597 = arith.constant 48 : index
        %get3A_598 = tpu.vector_load %arg12[%get3A_596, %get3A_597] {strides = array<i32>} : memref<128x128xf32, #tpu.memory_space<vmem>>, vector<1x16xf32>,
        %get3A_599 = vector.shape_cast %get3A_598 : vector<1x16xf32> to vector<16xf32>
        %mul3A_600 = vector.broadcast %squeeze3A_558 : f32 to vector<16xf32>
        %mul3A_601 = arith.mulf %get3A_599, %mul3A_600 : vector<16xf32>
        %swap3A_602 = arith.index_cast %add3A_562 : i32 to index
        %swap3A_603 = arith.constant 48 : index
        %swap3A_604 = tpu.vector_load %arg12[%swap3A_602, %swap3A_603] {strides = array<i32>} : memref<128x128xf32, #tpu.memory_space<vmem>>, vector<1x16xf32>,
        %swap3A_605 = vector.shape_cast %swap3A_604 : vector<1x16xf32> to vector<16xf32>
        %swap3A_606 = vector.shape_cast %mul3A_601 : vector<16xf32> to vector<1x16xf32>
        tpu.vector_store %arg12[%swap3A_602, %swap3A_603], %swap3A_606 {strides = array<i32>} : memref<128x128xf32, #tpu.memory_space<vmem>>, vector<1x16xf32>,
        %get3A_607 = arith.index_cast %add3A_562 : i32 to index
        %get3A_608 = arith.constant 64 : index
        %get3A_609 = tpu.vector_load %arg12[%get3A_607, %get3A_608] {strides = array<i32>} : memref<128x128xf32, #tpu.memory_space<vmem>>, vector<1x16xf32>,
        %get3A_610 = vector.shape_cast %get3A_609 : vector<1x16xf32> to vector<16xf32>
        %mul3A_611 = vector.broadcast %squeeze3A_558 : f32 to vector<16xf32>
        %mul3A_612 = arith.mulf %get3A_610, %mul3A_611 : vector<16xf32>
        %swap3A_613 = arith.index_cast %add3A_562 : i32 to index
        %swap3A_614 = arith.constant 64 : index
        %swap3A_615 = tpu.vector_load %arg12[%swap3A_613, %swap3A_614] {strides = array<i32>} : memref<128x128xf32, #tpu.memory_space<vmem>>, vector<1x16xf32>,
        %swap3A_616 = vector.shape_cast %swap3A_615 : vector<1x16xf32> to vector<16xf32>
        %swap3A_617 = vector.shape_cast %mul3A_612 : vector<16xf32> to vector<1x16xf32>
        tpu.vector_store %arg12[%swap3A_613, %swap3A_614], %swap3A_617 {strides = array<i32>} : memref<128x128xf32, #tpu.memory_space<vmem>>, vector<1x16xf32>,
        %get3A_618 = arith.index_cast %add3A_562 : i32 to index
        %get3A_619 = arith.constant 80 : index
        %get3A_620 = tpu.vector_load %arg12[%get3A_618, %get3A_619] {strides = array<i32>} : memref<128x128xf32, #tpu.memory_space<vmem>>, vector<1x16xf32>,
        %get3A_621 = vector.shape_cast %get3A_620 : vector<1x16xf32> to vector<16xf32>
        %mul3A_622 = vector.broadcast %squeeze3A_558 : f32 to vector<16xf32>
        %mul3A_623 = arith.mulf %get3A_621, %mul3A_622 : vector<16xf32>
        %swap3A_624 = arith.index_cast %add3A_562 : i32 to index
        %swap3A_625 = arith.constant 80 : index
        %swap3A_626 = tpu.vector_load %arg12[%swap3A_624, %swap3A_625] {strides = array<i32>} : memref<128x128xf32, #tpu.memory_space<vmem>>, vector<1x16xf32>,
        %swap3A_627 = vector.shape_cast %swap3A_626 : vector<1x16xf32> to vector<16xf32>
        %swap3A_628 = vector.shape_cast %mul3A_623 : vector<16xf32> to vector<1x16xf32>
        tpu.vector_store %arg12[%swap3A_624, %swap3A_625], %swap3A_628 {strides = array<i32>} : memref<128x128xf32, #tpu.memory_space<vmem>>, vector<1x16xf32>,
        %get3A_629 = arith.index_cast %add3A_562 : i32 to index
        %get3A_630 = arith.constant 96 : index
        %get3A_631 = tpu.vector_load %arg12[%get3A_629, %get3A_630] {strides = array<i32>} : memref<128x128xf32, #tpu.memory_space<vmem>>, vector<1x16xf32>,
        %get3A_632 = vector.shape_cast %get3A_631 : vector<1x16xf32> to vector<16xf32>
        %mul3A_633 = vector.broadcast %squeeze3A_558 : f32 to vector<16xf32>
        %mul3A_634 = arith.mulf %get3A_632, %mul3A_633 : vector<16xf32>
        %swap3A_635 = arith.index_cast %add3A_562 : i32 to index
        %swap3A_636 = arith.constant 96 : index
        %swap3A_637 = tpu.vector_load %arg12[%swap3A_635, %swap3A_636] {strides = array<i32>} : memref<128x128xf32, #tpu.memory_space<vmem>>, vector<1x16xf32>,
        %swap3A_638 = vector.shape_cast %swap3A_637 : vector<1x16xf32> to vector<16xf32>
        %swap3A_639 = vector.shape_cast %mul3A_634 : vector<16xf32> to vector<1x16xf32>
        tpu.vector_store %arg12[%swap3A_635, %swap3A_636], %swap3A_639 {strides = array<i32>} : memref<128x128xf32, #tpu.memory_space<vmem>>, vector<1x16xf32>,
        %get3A_640 = arith.index_cast %add3A_562 : i32 to index
        %get3A_641 = arith.constant 112 : index
        %get3A_642 = tpu.vector_load %arg12[%get3A_640, %get3A_641] {strides = array<i32>} : memref<128x128xf32, #tpu.memory_space<vmem>>, vector<1x16xf32>,
        %get3A_643 = vector.shape_cast %get3A_642 : vector<1x16xf32> to vector<16xf32>
        %mul3A_644 = vector.broadcast %squeeze3A_558 : f32 to vector<16xf32>
        %mul3A_645 = arith.mulf %get3A_643, %mul3A_644 : vector<16xf32>
        %swap3A_646 = arith.index_cast %add3A_562 : i32 to index
        %swap3A_647 = arith.constant 112 : index
        %swap3A_648 = tpu.vector_load %arg12[%swap3A_646, %swap3A_647] {strides = array<i32>} : memref<128x128xf32, #tpu.memory_space<vmem>>, vector<1x16xf32>,
        %swap3A_649 = vector.shape_cast %swap3A_648 : vector<1x16xf32> to vector<16xf32>
        %swap3A_650 = vector.shape_cast %mul3A_645 : vector<16xf32> to vector<1x16xf32>
        tpu.vector_store %arg12[%swap3A_646, %swap3A_647], %swap3A_650 {strides = array<i32>} : memref<128x128xf32, #tpu.memory_space<vmem>>, vector<1x16xf32>,
        %slice3A_651 = vector.extract_strided_slice %get3A_89 {offsets = [6], sizes = [1], strides = [1]} : vector<16xf32> to vector<1xf32>
        %squeeze3A_652 = vector.extract %slice3A_651[0] : f32 from vector<1xf32>
        %mul3A_653 = arith.constant 16 : i32
        %mul3A_654 = arith.muli %scan3A_84, %mul3A_653 : i32
        %add3A_655 = arith.constant 6 : i32
        %add3A_656 = arith.addi %mul3A_654, %add3A_655 : i32
        %get3A_657 = arith.index_cast %add3A_656 : i32 to index
        %get3A_658 = arith.constant 0 : index
        %get3A_659 = tpu.vector_load %arg12[%get3A_657, %get3A_658] {strides = array<i32>} : memref<128x128xf32, #tpu.memory_space<vmem>>, vector<1x16xf32>,
        %get3A_660 = vector.shape_cast %get3A_659 : vector<1x16xf32> to vector<16xf32>
        %mul3A_661 = vector.broadcast %squeeze3A_652 : f32 to vector<16xf32>
        %mul3A_662 = arith.mulf %get3A_660, %mul3A_661 : vector<16xf32>
        %swap3A_663 = arith.index_cast %add3A_656 : i32 to index
        %swap3A_664 = arith.constant 0 : index
        %swap3A_665 = tpu.vector_load %arg12[%swap3A_663, %swap3A_664] {strides = array<i32>} : memref<128x128xf32, #tpu.memory_space<vmem>>, vector<1x16xf32>,
        %swap3A_666 = vector.shape_cast %swap3A_665 : vector<1x16xf32> to vector<16xf32>
        %swap3A_667 = vector.shape_cast %mul3A_662 : vector<16xf32> to vector<1x16xf32>
        tpu.vector_store %arg12[%swap3A_663, %swap3A_664], %swap3A_667 {strides = array<i32>} : memref<128x128xf32, #tpu.memory_space<vmem>>, vector<1x16xf32>,
        %get3A_668 = arith.index_cast %add3A_656 : i32 to index
        %get3A_669 = arith.constant 16 : index
        %get3A_670 = tpu.vector_load %arg12[%get3A_668, %get3A_669] {strides = array<i32>} : memref<128x128xf32, #tpu.memory_space<vmem>>, vector<1x16xf32>,
        %get3A_671 = vector.shape_cast %get3A_670 : vector<1x16xf32> to vector<16xf32>
        %mul3A_672 = vector.broadcast %squeeze3A_652 : f32 to vector<16xf32>
        %mul3A_673 = arith.mulf %get3A_671, %mul3A_672 : vector<16xf32>
        %swap3A_674 = arith.index_cast %add3A_656 : i32 to index
        %swap3A_675 = arith.constant 16 : index
        %swap3A_676 = tpu.vector_load %arg12[%swap3A_674, %swap3A_675] {strides = array<i32>} : memref<128x128xf32, #tpu.memory_space<vmem>>, vector<1x16xf32>,
        %swap3A_677 = vector.shape_cast %swap3A_676 : vector<1x16xf32> to vector<16xf32>
        %swap3A_678 = vector.shape_cast %mul3A_673 : vector<16xf32> to vector<1x16xf32>
        tpu.vector_store %arg12[%swap3A_674, %swap3A_675], %swap3A_678 {strides = array<i32>} : memref<128x128xf32, #tpu.memory_space<vmem>>, vector<1x16xf32>,
        %get3A_679 = arith.index_cast %add3A_656 : i32 to index
        %get3A_680 = arith.constant 32 : index
        %get3A_681 = tpu.vector_load %arg12[%get3A_679, %get3A_680] {strides = array<i32>} : memref<128x128xf32, #tpu.memory_space<vmem>>, vector<1x16xf32>,
        %get3A_682 = vector.shape_cast %get3A_681 : vector<1x16xf32> to vector<16xf32>
        %mul3A_683 = vector.broadcast %squeeze3A_652 : f32 to vector<16xf32>
        %mul3A_684 = arith.mulf %get3A_682, %mul3A_683 : vector<16xf32>
        %swap3A_685 = arith.index_cast %add3A_656 : i32 to index
        %swap3A_686 = arith.constant 32 : index
        %swap3A_687 = tpu.vector_load %arg12[%swap3A_685, %swap3A_686] {strides = array<i32>} : memref<128x128xf32, #tpu.memory_space<vmem>>, vector<1x16xf32>,
        %swap3A_688 = vector.shape_cast %swap3A_687 : vector<1x16xf32> to vector<16xf32>
        %swap3A_689 = vector.shape_cast %mul3A_684 : vector<16xf32> to vector<1x16xf32>
        tpu.vector_store %arg12[%swap3A_685, %swap3A_686], %swap3A_689 {strides = array<i32>} : memref<128x128xf32, #tpu.memory_space<vmem>>, vector<1x16xf32>,
        %get3A_690 = arith.index_cast %add3A_656 : i32 to index
        %get3A_691 = arith.constant 48 : index
        %get3A_692 = tpu.vector_load %arg12[%get3A_690, %get3A_691] {strides = array<i32>} : memref<128x128xf32, #tpu.memory_space<vmem>>, vector<1x16xf32>,
        %get3A_693 = vector.shape_cast %get3A_692 : vector<1x16xf32> to vector<16xf32>
        %mul3A_694 = vector.broadcast %squeeze3A_652 : f32 to vector<16xf32>
        %mul3A_695 = arith.mulf %get3A_693, %mul3A_694 : vector<16xf32>
        %swap3A_696 = arith.index_cast %add3A_656 : i32 to index
        %swap3A_697 = arith.constant 48 : index
        %swap3A_698 = tpu.vector_load %arg12[%swap3A_696, %swap3A_697] {strides = array<i32>} : memref<128x128xf32, #tpu.memory_space<vmem>>, vector<1x16xf32>,
        %swap3A_699 = vector.shape_cast %swap3A_698 : vector<1x16xf32> to vector<16xf32>
        %swap3A_700 = vector.shape_cast %mul3A_695 : vector<16xf32> to vector<1x16xf32>
        tpu.vector_store %arg12[%swap3A_696, %swap3A_697], %swap3A_700 {strides = array<i32>} : memref<128x128xf32, #tpu.memory_space<vmem>>, vector<1x16xf32>,
        %get3A_701 = arith.index_cast %add3A_656 : i32 to index
        %get3A_702 = arith.constant 64 : index
        %get3A_703 = tpu.vector_load %arg12[%get3A_701, %get3A_702] {strides = array<i32>} : memref<128x128xf32, #tpu.memory_space<vmem>>, vector<1x16xf32>,
        %get3A_704 = vector.shape_cast %get3A_703 : vector<1x16xf32> to vector<16xf32>
        %mul3A_705 = vector.broadcast %squeeze3A_652 : f32 to vector<16xf32>
        %mul3A_706 = arith.mulf %get3A_704, %mul3A_705 : vector<16xf32>
        %swap3A_707 = arith.index_cast %add3A_656 : i32 to index
        %swap3A_708 = arith.constant 64 : index
        %swap3A_709 = tpu.vector_load %arg12[%swap3A_707, %swap3A_708] {strides = array<i32>} : memref<128x128xf32, #tpu.memory_space<vmem>>, vector<1x16xf32>,
        %swap3A_710 = vector.shape_cast %swap3A_709 : vector<1x16xf32> to vector<16xf32>
        %swap3A_711 = vector.shape_cast %mul3A_706 : vector<16xf32> to vector<1x16xf32>
        tpu.vector_store %arg12[%swap3A_707, %swap3A_708], %swap3A_711 {strides = array<i32>} : memref<128x128xf32, #tpu.memory_space<vmem>>, vector<1x16xf32>,
        %get3A_712 = arith.index_cast %add3A_656 : i32 to index
        %get3A_713 = arith.constant 80 : index
        %get3A_714 = tpu.vector_load %arg12[%get3A_712, %get3A_713] {strides = array<i32>} : memref<128x128xf32, #tpu.memory_space<vmem>>, vector<1x16xf32>,
        %get3A_715 = vector.shape_cast %get3A_714 : vector<1x16xf32> to vector<16xf32>
        %mul3A_716 = vector.broadcast %squeeze3A_652 : f32 to vector<16xf32>
        %mul3A_717 = arith.mulf %get3A_715, %mul3A_716 : vector<16xf32>
        %swap3A_718 = arith.index_cast %add3A_656 : i32 to index
        %swap3A_719 = arith.constant 80 : index
        %swap3A_720 = tpu.vector_load %arg12[%swap3A_718, %swap3A_719] {strides = array<i32>} : memref<128x128xf32, #tpu.memory_space<vmem>>, vector<1x16xf32>,
        %swap3A_721 = vector.shape_cast %swap3A_720 : vector<1x16xf32> to vector<16xf32>
        %swap3A_722 = vector.shape_cast %mul3A_717 : vector<16xf32> to vector<1x16xf32>
        tpu.vector_store %arg12[%swap3A_718, %swap3A_719], %swap3A_722 {strides = array<i32>} : memref<128x128xf32, #tpu.memory_space<vmem>>, vector<1x16xf32>,
        %get3A_723 = arith.index_cast %add3A_656 : i32 to index
        %get3A_724 = arith.constant 96 : index
        %get3A_725 = tpu.vector_load %arg12[%get3A_723, %get3A_724] {strides = array<i32>} : memref<128x128xf32, #tpu.memory_space<vmem>>, vector<1x16xf32>,
        %get3A_726 = vector.shape_cast %get3A_725 : vector<1x16xf32> to vector<16xf32>
        %mul3A_727 = vector.broadcast %squeeze3A_652 : f32 to vector<16xf32>
        %mul3A_728 = arith.mulf %get3A_726, %mul3A_727 : vector<16xf32>
        %swap3A_729 = arith.index_cast %add3A_656 : i32 to index
        %swap3A_730 = arith.constant 96 : index
        %swap3A_731 = tpu.vector_load %arg12[%swap3A_729, %swap3A_730] {strides = array<i32>} : memref<128x128xf32, #tpu.memory_space<vmem>>, vector<1x16xf32>,
        %swap3A_732 = vector.shape_cast %swap3A_731 : vector<1x16xf32> to vector<16xf32>
        %swap3A_733 = vector.shape_cast %mul3A_728 : vector<16xf32> to vector<1x16xf32>
        tpu.vector_store %arg12[%swap3A_729, %swap3A_730], %swap3A_733 {strides = array<i32>} : memref<128x128xf32, #tpu.memory_space<vmem>>, vector<1x16xf32>,
        %get3A_734 = arith.index_cast %add3A_656 : i32 to index
        %get3A_735 = arith.constant 112 : index
        %get3A_736 = tpu.vector_load %arg12[%get3A_734, %get3A_735] {strides = array<i32>} : memref<128x128xf32, #tpu.memory_space<vmem>>, vector<1x16xf32>,
        %get3A_737 = vector.shape_cast %get3A_736 : vector<1x16xf32> to vector<16xf32>
        %mul3A_738 = vector.broadcast %squeeze3A_652 : f32 to vector<16xf32>
        %mul3A_739 = arith.mulf %get3A_737, %mul3A_738 : vector<16xf32>
        %swap3A_740 = arith.index_cast %add3A_656 : i32 to index
        %swap3A_741 = arith.constant 112 : index
        %swap3A_742 = tpu.vector_load %arg12[%swap3A_740, %swap3A_741] {strides = array<i32>} : memref<128x128xf32, #tpu.memory_space<vmem>>, vector<1x16xf32>,
        %swap3A_743 = vector.shape_cast %swap3A_742 : vector<1x16xf32> to vector<16xf32>
        %swap3A_744 = vector.shape_cast %mul3A_739 : vector<16xf32> to vector<1x16xf32>
        tpu.vector_store %arg12[%swap3A_740, %swap3A_741], %swap3A_744 {strides = array<i32>} : memref<128x128xf32, #tpu.memory_space<vmem>>, vector<1x16xf32>,
        %slice3A_745 = vector.extract_strided_slice %get3A_89 {offsets = [7], sizes = [1], strides = [1]} : vector<16xf32> to vector<1xf32>
        %squeeze3A_746 = vector.extract %slice3A_745[0] : f32 from vector<1xf32>
        %mul3A_747 = arith.constant 16 : i32
        %mul3A_748 = arith.muli %scan3A_84, %mul3A_747 : i32
        %add3A_749 = arith.constant 7 : i32
        %add3A_750 = arith.addi %mul3A_748, %add3A_749 : i32
        %get3A_751 = arith.index_cast %add3A_750 : i32 to index
        %get3A_752 = arith.constant 0 : index
        %get3A_753 = tpu.vector_load %arg12[%get3A_751, %get3A_752] {strides = array<i32>} : memref<128x128xf32, #tpu.memory_space<vmem>>, vector<1x16xf32>,
        %get3A_754 = vector.shape_cast %get3A_753 : vector<1x16xf32> to vector<16xf32>
        %mul3A_755 = vector.broadcast %squeeze3A_746 : f32 to vector<16xf32>
        %mul3A_756 = arith.mulf %get3A_754, %mul3A_755 : vector<16xf32>
        %swap3A_757 = arith.index_cast %add3A_750 : i32 to index
        %swap3A_758 = arith.constant 0 : index
        %swap3A_759 = tpu.vector_load %arg12[%swap3A_757, %swap3A_758] {strides = array<i32>} : memref<128x128xf32, #tpu.memory_space<vmem>>, vector<1x16xf32>,
        %swap3A_760 = vector.shape_cast %swap3A_759 : vector<1x16xf32> to vector<16xf32>
        %swap3A_761 = vector.shape_cast %mul3A_756 : vector<16xf32> to vector<1x16xf32>
        tpu.vector_store %arg12[%swap3A_757, %swap3A_758], %swap3A_761 {strides = array<i32>} : memref<128x128xf32, #tpu.memory_space<vmem>>, vector<1x16xf32>,
        %get3A_762 = arith.index_cast %add3A_750 : i32 to index
        %get3A_763 = arith.constant 16 : index
        %get3A_764 = tpu.vector_load %arg12[%get3A_762, %get3A_763] {strides = array<i32>} : memref<128x128xf32, #tpu.memory_space<vmem>>, vector<1x16xf32>,
        %get3A_765 = vector.shape_cast %get3A_764 : vector<1x16xf32> to vector<16xf32>
        %mul3A_766 = vector.broadcast %squeeze3A_746 : f32 to vector<16xf32>
        %mul3A_767 = arith.mulf %get3A_765, %mul3A_766 : vector<16xf32>
        %swap3A_768 = arith.index_cast %add3A_750 : i32 to index
        %swap3A_769 = arith.constant 16 : index
        %swap3A_770 = tpu.vector_load %arg12[%swap3A_768, %swap3A_769] {strides = array<i32>} : memref<128x128xf32, #tpu.memory_space<vmem>>, vector<1x16xf32>,
        %swap3A_771 = vector.shape_cast %swap3A_770 : vector<1x16xf32> to vector<16xf32>
        %swap3A_772 = vector.shape_cast %mul3A_767 : vector<16xf32> to vector<1x16xf32>
        tpu.vector_store %arg12[%swap3A_768, %swap3A_769], %swap3A_772 {strides = array<i32>} : memref<128x128xf32, #tpu.memory_space<vmem>>, vector<1x16xf32>,
        %get3A_773 = arith.index_cast %add3A_750 : i32 to index
        %get3A_774 = arith.constant 32 : index
        %get3A_775 = tpu.vector_load %arg12[%get3A_773, %get3A_774] {strides = array<i32>} : memref<128x128xf32, #tpu.memory_space<vmem>>, vector<1x16xf32>,
        %get3A_776 = vector.shape_cast %get3A_775 : vector<1x16xf32> to vector<16xf32>
        %mul3A_777 = vector.broadcast %squeeze3A_746 : f32 to vector<16xf32>
        %mul3A_778 = arith.mulf %get3A_776, %mul3A_777 : vector<16xf32>
        %swap3A_779 = arith.index_cast %add3A_750 : i32 to index
        %swap3A_780 = arith.constant 32 : index
        %swap3A_781 = tpu.vector_load %arg12[%swap3A_779, %swap3A_780] {strides = array<i32>} : memref<128x128xf32, #tpu.memory_space<vmem>>, vector<1x16xf32>,
        %swap3A_782 = vector.shape_cast %swap3A_781 : vector<1x16xf32> to vector<16xf32>
        %swap3A_783 = vector.shape_cast %mul3A_778 : vector<16xf32> to vector<1x16xf32>
        tpu.vector_store %arg12[%swap3A_779, %swap3A_780], %swap3A_783 {strides = array<i32>} : memref<128x128xf32, #tpu.memory_space<vmem>>, vector<1x16xf32>,
        %get3A_784 = arith.index_cast %add3A_750 : i32 to index
        %get3A_785 = arith.constant 48 : index
        %get3A_786 = tpu.vector_load %arg12[%get3A_784, %get3A_785] {strides = array<i32>} : memref<128x128xf32, #tpu.memory_space<vmem>>, vector<1x16xf32>,
        %get3A_787 = vector.shape_cast %get3A_786 : vector<1x16xf32> to vector<16xf32>
        %mul3A_788 = vector.broadcast %squeeze3A_746 : f32 to vector<16xf32>
        %mul3A_789 = arith.mulf %get3A_787, %mul3A_788 : vector<16xf32>
        %swap3A_790 = arith.index_cast %add3A_750 : i32 to index
        %swap3A_791 = arith.constant 48 : index
        %swap3A_792 = tpu.vector_load %arg12[%swap3A_790, %swap3A_791] {strides = array<i32>} : memref<128x128xf32, #tpu.memory_space<vmem>>, vector<1x16xf32>,
        %swap3A_793 = vector.shape_cast %swap3A_792 : vector<1x16xf32> to vector<16xf32>
        %swap3A_794 = vector.shape_cast %mul3A_789 : vector<16xf32> to vector<1x16xf32>
        tpu.vector_store %arg12[%swap3A_790, %swap3A_791], %swap3A_794 {strides = array<i32>} : memref<128x128xf32, #tpu.memory_space<vmem>>, vector<1x16xf32>,
        %get3A_795 = arith.index_cast %add3A_750 : i32 to index
        %get3A_796 = arith.constant 64 : index
        %get3A_797 = tpu.vector_load %arg12[%get3A_795, %get3A_796] {strides = array<i32>} : memref<128x128xf32, #tpu.memory_space<vmem>>, vector<1x16xf32>,
        %get3A_798 = vector.shape_cast %get3A_797 : vector<1x16xf32> to vector<16xf32>
        %mul3A_799 = vector.broadcast %squeeze3A_746 : f32 to vector<16xf32>
        %mul3A_800 = arith.mulf %get3A_798, %mul3A_799 : vector<16xf32>
        %swap3A_801 = arith.index_cast %add3A_750 : i32 to index
        %swap3A_802 = arith.constant 64 : index
        %swap3A_803 = tpu.vector_load %arg12[%swap3A_801, %swap3A_802] {strides = array<i32>} : memref<128x128xf32, #tpu.memory_space<vmem>>, vector<1x16xf32>,
        %swap3A_804 = vector.shape_cast %swap3A_803 : vector<1x16xf32> to vector<16xf32>
        %swap3A_805 = vector.shape_cast %mul3A_800 : vector<16xf32> to vector<1x16xf32>
        tpu.vector_store %arg12[%swap3A_801, %swap3A_802], %swap3A_805 {strides = array<i32>} : memref<128x128xf32, #tpu.memory_space<vmem>>, vector<1x16xf32>,
        %get3A_806 = arith.index_cast %add3A_750 : i32 to index
        %get3A_807 = arith.constant 80 : index
        %get3A_808 = tpu.vector_load %arg12[%get3A_806, %get3A_807] {strides = array<i32>} : memref<128x128xf32, #tpu.memory_space<vmem>>, vector<1x16xf32>,
        %get3A_809 = vector.shape_cast %get3A_808 : vector<1x16xf32> to vector<16xf32>
        %mul3A_810 = vector.broadcast %squeeze3A_746 : f32 to vector<16xf32>
        %mul3A_811 = arith.mulf %get3A_809, %mul3A_810 : vector<16xf32>
        %swap3A_812 = arith.index_cast %add3A_750 : i32 to index
        %swap3A_813 = arith.constant 80 : index
        %swap3A_814 = tpu.vector_load %arg12[%swap3A_812, %swap3A_813] {strides = array<i32>} : memref<128x128xf32, #tpu.memory_space<vmem>>, vector<1x16xf32>,
        %swap3A_815 = vector.shape_cast %swap3A_814 : vector<1x16xf32> to vector<16xf32>
        %swap3A_816 = vector.shape_cast %mul3A_811 : vector<16xf32> to vector<1x16xf32>
        tpu.vector_store %arg12[%swap3A_812, %swap3A_813], %swap3A_816 {strides = array<i32>} : memref<128x128xf32, #tpu.memory_space<vmem>>, vector<1x16xf32>,
        %get3A_817 = arith.index_cast %add3A_750 : i32 to index
        %get3A_818 = arith.constant 96 : index
        %get3A_819 = tpu.vector_load %arg12[%get3A_817, %get3A_818] {strides = array<i32>} : memref<128x128xf32, #tpu.memory_space<vmem>>, vector<1x16xf32>,
        %get3A_820 = vector.shape_cast %get3A_819 : vector<1x16xf32> to vector<16xf32>
        %mul3A_821 = vector.broadcast %squeeze3A_746 : f32 to vector<16xf32>
        %mul3A_822 = arith.mulf %get3A_820, %mul3A_821 : vector<16xf32>
        %swap3A_823 = arith.index_cast %add3A_750 : i32 to index
        %swap3A_824 = arith.constant 96 : index
        %swap3A_825 = tpu.vector_load %arg12[%swap3A_823, %swap3A_824] {strides = array<i32>} : memref<128x128xf32, #tpu.memory_space<vmem>>, vector<1x16xf32>,
        %swap3A_826 = vector.shape_cast %swap3A_825 : vector<1x16xf32> to vector<16xf32>
        %swap3A_827 = vector.shape_cast %mul3A_822 : vector<16xf32> to vector<1x16xf32>
        tpu.vector_store %arg12[%swap3A_823, %swap3A_824], %swap3A_827 {strides = array<i32>} : memref<128x128xf32, #tpu.memory_space<vmem>>, vector<1x16xf32>,
        %get3A_828 = arith.index_cast %add3A_750 : i32 to index
        %get3A_829 = arith.constant 112 : index
        %get3A_830 = tpu.vector_load %arg12[%get3A_828, %get3A_829] {strides = array<i32>} : memref<128x128xf32, #tpu.memory_space<vmem>>, vector<1x16xf32>,
        %get3A_831 = vector.shape_cast %get3A_830 : vector<1x16xf32> to vector<16xf32>
        %mul3A_832 = vector.broadcast %squeeze3A_746 : f32 to vector<16xf32>
        %mul3A_833 = arith.mulf %get3A_831, %mul3A_832 : vector<16xf32>
        %swap3A_834 = arith.index_cast %add3A_750 : i32 to index
        %swap3A_835 = arith.constant 112 : index
        %swap3A_836 = tpu.vector_load %arg12[%swap3A_834, %swap3A_835] {strides = array<i32>} : memref<128x128xf32, #tpu.memory_space<vmem>>, vector<1x16xf32>,
        %swap3A_837 = vector.shape_cast %swap3A_836 : vector<1x16xf32> to vector<16xf32>
        %swap3A_838 = vector.shape_cast %mul3A_833 : vector<16xf32> to vector<1x16xf32>
        tpu.vector_store %arg12[%swap3A_834, %swap3A_835], %swap3A_838 {strides = array<i32>} : memref<128x128xf32, #tpu.memory_space<vmem>>, vector<1x16xf32>,
        %slice3A_839 = vector.extract_strided_slice %get3A_89 {offsets = [8], sizes = [1], strides = [1]} : vector<16xf32> to vector<1xf32>
        %squeeze3A_840 = vector.extract %slice3A_839[0] : f32 from vector<1xf32>
        %mul3A_841 = arith.constant 16 : i32
        %mul3A_842 = arith.muli %scan3A_84, %mul3A_841 : i32
        %add3A_843 = arith.constant 8 : i32
        %add3A_844 = arith.addi %mul3A_842, %add3A_843 : i32
        %get3A_845 = arith.index_cast %add3A_844 : i32 to index
        %get3A_846 = arith.constant 0 : index
        %get3A_847 = tpu.vector_load %arg12[%get3A_845, %get3A_846] {strides = array<i32>} : memref<128x128xf32, #tpu.memory_space<vmem>>, vector<1x16xf32>,
        %get3A_848 = vector.shape_cast %get3A_847 : vector<1x16xf32> to vector<16xf32>
        %mul3A_849 = vector.broadcast %squeeze3A_840 : f32 to vector<16xf32>
        %mul3A_850 = arith.mulf %get3A_848, %mul3A_849 : vector<16xf32>
        %swap3A_851 = arith.index_cast %add3A_844 : i32 to index
        %swap3A_852 = arith.constant 0 : index
        %swap3A_853 = tpu.vector_load %arg12[%swap3A_851, %swap3A_852] {strides = array<i32>} : memref<128x128xf32, #tpu.memory_space<vmem>>, vector<1x16xf32>,
        %swap3A_854 = vector.shape_cast %swap3A_853 : vector<1x16xf32> to vector<16xf32>
        %swap3A_855 = vector.shape_cast %mul3A_850 : vector<16xf32> to vector<1x16xf32>
        tpu.vector_store %arg12[%swap3A_851, %swap3A_852], %swap3A_855 {strides = array<i32>} : memref<128x128xf32, #tpu.memory_space<vmem>>, vector<1x16xf32>,
        %get3A_856 = arith.index_cast %add3A_844 : i32 to index
        %get3A_857 = arith.constant 16 : index
        %get3A_858 = tpu.vector_load %arg12[%get3A_856, %get3A_857] {strides = array<i32>} : memref<128x128xf32, #tpu.memory_space<vmem>>, vector<1x16xf32>,
        %get3A_859 = vector.shape_cast %get3A_858 : vector<1x16xf32> to vector<16xf32>
        %mul3A_860 = vector.broadcast %squeeze3A_840 : f32 to vector<16xf32>
        %mul3A_861 = arith.mulf %get3A_859, %mul3A_860 : vector<16xf32>
        %swap3A_862 = arith.index_cast %add3A_844 : i32 to index
        %swap3A_863 = arith.constant 16 : index
        %swap3A_864 = tpu.vector_load %arg12[%swap3A_862, %swap3A_863] {strides = array<i32>} : memref<128x128xf32, #tpu.memory_space<vmem>>, vector<1x16xf32>,
        %swap3A_865 = vector.shape_cast %swap3A_864 : vector<1x16xf32> to vector<16xf32>
        %swap3A_866 = vector.shape_cast %mul3A_861 : vector<16xf32> to vector<1x16xf32>
        tpu.vector_store %arg12[%swap3A_862, %swap3A_863], %swap3A_866 {strides = array<i32>} : memref<128x128xf32, #tpu.memory_space<vmem>>, vector<1x16xf32>,
        %get3A_867 = arith.index_cast %add3A_844 : i32 to index
        %get3A_868 = arith.constant 32 : index
        %get3A_869 = tpu.vector_load %arg12[%get3A_867, %get3A_868] {strides = array<i32>} : memref<128x128xf32, #tpu.memory_space<vmem>>, vector<1x16xf32>,
        %get3A_870 = vector.shape_cast %get3A_869 : vector<1x16xf32> to vector<16xf32>
        %mul3A_871 = vector.broadcast %squeeze3A_840 : f32 to vector<16xf32>
        %mul3A_872 = arith.mulf %get3A_870, %mul3A_871 : vector<16xf32>
        %swap3A_873 = arith.index_cast %add3A_844 : i32 to index
        %swap3A_874 = arith.constant 32 : index
        %swap3A_875 = tpu.vector_load %arg12[%swap3A_873, %swap3A_874] {strides = array<i32>} : memref<128x128xf32, #tpu.memory_space<vmem>>, vector<1x16xf32>,
        %swap3A_876 = vector.shape_cast %swap3A_875 : vector<1x16xf32> to vector<16xf32>
        %swap3A_877 = vector.shape_cast %mul3A_872 : vector<16xf32> to vector<1x16xf32>
        tpu.vector_store %arg12[%swap3A_873, %swap3A_874], %swap3A_877 {strides = array<i32>} : memref<128x128xf32, #tpu.memory_space<vmem>>, vector<1x16xf32>,
        %get3A_878 = arith.index_cast %add3A_844 : i32 to index
        %get3A_879 = arith.constant 48 : index
        %get3A_880 = tpu.vector_load %arg12[%get3A_878, %get3A_879] {strides = array<i32>} : memref<128x128xf32, #tpu.memory_space<vmem>>, vector<1x16xf32>,
        %get3A_881 = vector.shape_cast %get3A_880 : vector<1x16xf32> to vector<16xf32>
        %mul3A_882 = vector.broadcast %squeeze3A_840 : f32 to vector<16xf32>
        %mul3A_883 = arith.mulf %get3A_881, %mul3A_882 : vector<16xf32>
        %swap3A_884 = arith.index_cast %add3A_844 : i32 to index
        %swap3A_885 = arith.constant 48 : index
        %swap3A_886 = tpu.vector_load %arg12[%swap3A_884, %swap3A_885] {strides = array<i32>} : memref<128x128xf32, #tpu.memory_space<vmem>>, vector<1x16xf32>,
        %swap3A_887 = vector.shape_cast %swap3A_886 : vector<1x16xf32> to vector<16xf32>
        %swap3A_888 = vector.shape_cast %mul3A_883 : vector<16xf32> to vector<1x16xf32>
        tpu.vector_store %arg12[%swap3A_884, %swap3A_885], %swap3A_888 {strides = array<i32>} : memref<128x128xf32, #tpu.memory_space<vmem>>, vector<1x16xf32>,
        %get3A_889 = arith.index_cast %add3A_844 : i32 to index
        %get3A_890 = arith.constant 64 : index
        %get3A_891 = tpu.vector_load %arg12[%get3A_889, %get3A_890] {strides = array<i32>} : memref<128x128xf32, #tpu.memory_space<vmem>>, vector<1x16xf32>,
        %get3A_892 = vector.shape_cast %get3A_891 : vector<1x16xf32> to vector<16xf32>
        %mul3A_893 = vector.broadcast %squeeze3A_840 : f32 to vector<16xf32>
        %mul3A_894 = arith.mulf %get3A_892, %mul3A_893 : vector<16xf32>
        %swap3A_895 = arith.index_cast %add3A_844 : i32 to index
        %swap3A_896 = arith.constant 64 : index
        %swap3A_897 = tpu.vector_load %arg12[%swap3A_895, %swap3A_896] {strides = array<i32>} : memref<128x128xf32, #tpu.memory_space<vmem>>, vector<1x16xf32>,
        %swap3A_898 = vector.shape_cast %swap3A_897 : vector<1x16xf32> to vector<16xf32>
        %swap3A_899 = vector.shape_cast %mul3A_894 : vector<16xf32> to vector<1x16xf32>
        tpu.vector_store %arg12[%swap3A_895, %swap3A_896], %swap3A_899 {strides = array<i32>} : memref<128x128xf32, #tpu.memory_space<vmem>>, vector<1x16xf32>,
        %get3A_900 = arith.index_cast %add3A_844 : i32 to index
        %get3A_901 = arith.constant 80 : index
        %get3A_902 = tpu.vector_load %arg12[%get3A_900, %get3A_901] {strides = array<i32>} : memref<128x128xf32, #tpu.memory_space<vmem>>, vector<1x16xf32>,
        %get3A_903 = vector.shape_cast %get3A_902 : vector<1x16xf32> to vector<16xf32>
        %mul3A_904 = vector.broadcast %squeeze3A_840 : f32 to vector<16xf32>
        %mul3A_905 = arith.mulf %get3A_903, %mul3A_904 : vector<16xf32>
        %swap3A_906 = arith.index_cast %add3A_844 : i32 to index
        %swap3A_907 = arith.constant 80 : index
        %swap3A_908 = tpu.vector_load %arg12[%swap3A_906, %swap3A_907] {strides = array<i32>} : memref<128x128xf32, #tpu.memory_space<vmem>>, vector<1x16xf32>,
        %swap3A_909 = vector.shape_cast %swap3A_908 : vector<1x16xf32> to vector<16xf32>
        %swap3A_910 = vector.shape_cast %mul3A_905 : vector<16xf32> to vector<1x16xf32>
        tpu.vector_store %arg12[%swap3A_906, %swap3A_907], %swap3A_910 {strides = array<i32>} : memref<128x128xf32, #tpu.memory_space<vmem>>, vector<1x16xf32>,
        %get3A_911 = arith.index_cast %add3A_844 : i32 to index
        %get3A_912 = arith.constant 96 : index
        %get3A_913 = tpu.vector_load %arg12[%get3A_911, %get3A_912] {strides = array<i32>} : memref<128x128xf32, #tpu.memory_space<vmem>>, vector<1x16xf32>,
        %get3A_914 = vector.shape_cast %get3A_913 : vector<1x16xf32> to vector<16xf32>
        %mul3A_915 = vector.broadcast %squeeze3A_840 : f32 to vector<16xf32>
        %mul3A_916 = arith.mulf %get3A_914, %mul3A_915 : vector<16xf32>
        %swap3A_917 = arith.index_cast %add3A_844 : i32 to index
        %swap3A_918 = arith.constant 96 : index
        %swap3A_919 = tpu.vector_load %arg12[%swap3A_917, %swap3A_918] {strides = array<i32>} : memref<128x128xf32, #tpu.memory_space<vmem>>, vector<1x16xf32>,
        %swap3A_920 = vector.shape_cast %swap3A_919 : vector<1x16xf32> to vector<16xf32>
        %swap3A_921 = vector.shape_cast %mul3A_916 : vector<16xf32> to vector<1x16xf32>
        tpu.vector_store %arg12[%swap3A_917, %swap3A_918], %swap3A_921 {strides = array<i32>} : memref<128x128xf32, #tpu.memory_space<vmem>>, vector<1x16xf32>,
        %get3A_922 = arith.index_cast %add3A_844 : i32 to index
        %get3A_923 = arith.constant 112 : index
        %get3A_924 = tpu.vector_load %arg12[%get3A_922, %get3A_923] {strides = array<i32>} : memref<128x128xf32, #tpu.memory_space<vmem>>, vector<1x16xf32>,
        %get3A_925 = vector.shape_cast %get3A_924 : vector<1x16xf32> to vector<16xf32>
        %mul3A_926 = vector.broadcast %squeeze3A_840 : f32 to vector<16xf32>
        %mul3A_927 = arith.mulf %get3A_925, %mul3A_926 : vector<16xf32>
        %swap3A_928 = arith.index_cast %add3A_844 : i32 to index
        %swap3A_929 = arith.constant 112 : index
        %swap3A_930 = tpu.vector_load %arg12[%swap3A_928, %swap3A_929] {strides = array<i32>} : memref<128x128xf32, #tpu.memory_space<vmem>>, vector<1x16xf32>,
        %swap3A_931 = vector.shape_cast %swap3A_930 : vector<1x16xf32> to vector<16xf32>
        %swap3A_932 = vector.shape_cast %mul3A_927 : vector<16xf32> to vector<1x16xf32>
        tpu.vector_store %arg12[%swap3A_928, %swap3A_929], %swap3A_932 {strides = array<i32>} : memref<128x128xf32, #tpu.memory_space<vmem>>, vector<1x16xf32>,
        %slice3A_933 = vector.extract_strided_slice %get3A_89 {offsets = [9], sizes = [1], strides = [1]} : vector<16xf32> to vector<1xf32>
        %squeeze3A_934 = vector.extract %slice3A_933[0] : f32 from vector<1xf32>
        %mul3A_935 = arith.constant 16 : i32
        %mul3A_936 = arith.muli %scan3A_84, %mul3A_935 : i32
        %add3A_937 = arith.constant 9 : i32
        %add3A_938 = arith.addi %mul3A_936, %add3A_937 : i32
        %get3A_939 = arith.index_cast %add3A_938 : i32 to index
        %get3A_940 = arith.constant 0 : index
        %get3A_941 = tpu.vector_load %arg12[%get3A_939, %get3A_940] {strides = array<i32>} : memref<128x128xf32, #tpu.memory_space<vmem>>, vector<1x16xf32>,
        %get3A_942 = vector.shape_cast %get3A_941 : vector<1x16xf32> to vector<16xf32>
        %mul3A_943 = vector.broadcast %squeeze3A_934 : f32 to vector<16xf32>
        %mul3A_944 = arith.mulf %get3A_942, %mul3A_943 : vector<16xf32>
        %swap3A_945 = arith.index_cast %add3A_938 : i32 to index
        %swap3A_946 = arith.constant 0 : index
        %swap3A_947 = tpu.vector_load %arg12[%swap3A_945, %swap3A_946] {strides = array<i32>} : memref<128x128xf32, #tpu.memory_space<vmem>>, vector<1x16xf32>,
        %swap3A_948 = vector.shape_cast %swap3A_947 : vector<1x16xf32> to vector<16xf32>
        %swap3A_949 = vector.shape_cast %mul3A_944 : vector<16xf32> to vector<1x16xf32>
        tpu.vector_store %arg12[%swap3A_945, %swap3A_946], %swap3A_949 {strides = array<i32>} : memref<128x128xf32, #tpu.memory_space<vmem>>, vector<1x16xf32>,
        %get3A_950 = arith.index_cast %add3A_938 : i32 to index
        %get3A_951 = arith.constant 16 : index
        %get3A_952 = tpu.vector_load %arg12[%get3A_950, %get3A_951] {strides = array<i32>} : memref<128x128xf32, #tpu.memory_space<vmem>>, vector<1x16xf32>,
        %get3A_953 = vector.shape_cast %get3A_952 : vector<1x16xf32> to vector<16xf32>
        %mul3A_954 = vector.broadcast %squeeze3A_934 : f32 to vector<16xf32>
        %mul3A_955 = arith.mulf %get3A_953, %mul3A_954 : vector<16xf32>
        %swap3A_956 = arith.index_cast %add3A_938 : i32 to index
        %swap3A_957 = arith.constant 16 : index
        %swap3A_958 = tpu.vector_load %arg12[%swap3A_956, %swap3A_957] {strides = array<i32>} : memref<128x128xf32, #tpu.memory_space<vmem>>, vector<1x16xf32>,
        %swap3A_959 = vector.shape_cast %swap3A_958 : vector<1x16xf32> to vector<16xf32>
        %swap3A_960 = vector.shape_cast %mul3A_955 : vector<16xf32> to vector<1x16xf32>
        tpu.vector_store %arg12[%swap3A_956, %swap3A_957], %swap3A_960 {strides = array<i32>} : memref<128x128xf32, #tpu.memory_space<vmem>>, vector<1x16xf32>,
        %get3A_961 = arith.index_cast %add3A_938 : i32 to index
        %get3A_962 = arith.constant 32 : index
        %get3A_963 = tpu.vector_load %arg12[%get3A_961, %get3A_962] {strides = array<i32>} : memref<128x128xf32, #tpu.memory_space<vmem>>, vector<1x16xf32>,
        %get3A_964 = vector.shape_cast %get3A_963 : vector<1x16xf32> to vector<16xf32>
        %mul3A_965 = vector.broadcast %squeeze3A_934 : f32 to vector<16xf32>
        %mul3A_966 = arith.mulf %get3A_964, %mul3A_965 : vector<16xf32>
        %swap3A_967 = arith.index_cast %add3A_938 : i32 to index
        %swap3A_968 = arith.constant 32 : index
        %swap3A_969 = tpu.vector_load %arg12[%swap3A_967, %swap3A_968] {strides = array<i32>} : memref<128x128xf32, #tpu.memory_space<vmem>>, vector<1x16xf32>,
        %swap3A_970 = vector.shape_cast %swap3A_969 : vector<1x16xf32> to vector<16xf32>
        %swap3A_971 = vector.shape_cast %mul3A_966 : vector<16xf32> to vector<1x16xf32>
        tpu.vector_store %arg12[%swap3A_967, %swap3A_968], %swap3A_971 {strides = array<i32>} : memref<128x128xf32, #tpu.memory_space<vmem>>, vector<1x16xf32>,
        %get3A_972 = arith.index_cast %add3A_938 : i32 to index
        %get3A_973 = arith.constant 48 : index
        %get3A_974 = tpu.vector_load %arg12[%get3A_972, %get3A_973] {strides = array<i32>} : memref<128x128xf32, #tpu.memory_space<vmem>>, vector<1x16xf32>,
        %get3A_975 = vector.shape_cast %get3A_974 : vector<1x16xf32> to vector<16xf32>
        %mul3A_976 = vector.broadcast %squeeze3A_934 : f32 to vector<16xf32>
        %mul3A_977 = arith.mulf %get3A_975, %mul3A_976 : vector<16xf32>
        %swap3A_978 = arith.index_cast %add3A_938 : i32 to index
        %swap3A_979 = arith.constant 48 : index
        %swap3A_980 = tpu.vector_load %arg12[%swap3A_978, %swap3A_979] {strides = array<i32>} : memref<128x128xf32, #tpu.memory_space<vmem>>, vector<1x16xf32>,
        %swap3A_981 = vector.shape_cast %swap3A_980 : vector<1x16xf32> to vector<16xf32>
        %swap3A_982 = vector.shape_cast %mul3A_977 : vector<16xf32> to vector<1x16xf32>
        tpu.vector_store %arg12[%swap3A_978, %swap3A_979], %swap3A_982 {strides = array<i32>} : memref<128x128xf32, #tpu.memory_space<vmem>>, vector<1x16xf32>,
        %get3A_983 = arith.index_cast %add3A_938 : i32 to index
        %get3A_984 = arith.constant 64 : index
        %get3A_985 = tpu.vector_load %arg12[%get3A_983, %get3A_984] {strides = array<i32>} : memref<128x128xf32, #tpu.memory_space<vmem>>, vector<1x16xf32>,
        %get3A_986 = vector.shape_cast %get3A_985 : vector<1x16xf32> to vector<16xf32>
        %mul3A_987 = vector.broadcast %squeeze3A_934 : f32 to vector<16xf32>
        %mul3A_988 = arith.mulf %get3A_986, %mul3A_987 : vector<16xf32>
        %swap3A_989 = arith.index_cast %add3A_938 : i32 to index
        %swap3A_990 = arith.constant 64 : index
        %swap3A_991 = tpu.vector_load %arg12[%swap3A_989, %swap3A_990] {strides = array<i32>} : memref<128x128xf32, #tpu.memory_space<vmem>>, vector<1x16xf32>,
        %swap3A_992 = vector.shape_cast %swap3A_991 : vector<1x16xf32> to vector<16xf32>
        %swap3A_993 = vector.shape_cast %mul3A_988 : vector<16xf32> to vector<1x16xf32>
        tpu.vector_store %arg12[%swap3A_989, %swap3A_990], %swap3A_993 {strides = array<i32>} : memref<128x128xf32, #tpu.memory_space<vmem>>, vector<1x16xf32>,
        %get3A_994 = arith.index_cast %add3A_938 : i32 to index
        %get3A_995 = arith.constant 80 : index
        %get3A_996 = tpu.vector_load %arg12[%get3A_994, %get3A_995] {strides = array<i32>} : memref<128x128xf32, #tpu.memory_space<vmem>>, vector<1x16xf32>,
        %get3A_997 = vector.shape_cast %get3A_996 : vector<1x16xf32> to vector<16xf32>
        %mul3A_998 = vector.broadcast %squeeze3A_934 : f32 to vector<16xf32>
        %mul3A_999 = arith.mulf %get3A_997, %mul3A_998 : vector<16xf32>
        %swap3A_1000 = arith.index_cast %add3A_938 : i32 to index
        %swap3A_1001 = arith.constant 80 : index
        %swap3A_1002 = tpu.vector_load %arg12[%swap3A_1000, %swap3A_1001] {strides = array<i32>} : memref<128x128xf32, #tpu.memory_space<vmem>>, vector<1x16xf32>,
        %swap3A_1003 = vector.shape_cast %swap3A_1002 : vector<1x16xf32> to vector<16xf32>
        %swap3A_1004 = vector.shape_cast %mul3A_999 : vector<16xf32> to vector<1x16xf32>
        tpu.vector_store %arg12[%swap3A_1000, %swap3A_1001], %swap3A_1004 {strides = array<i32>} : memref<128x128xf32, #tpu.memory_space<vmem>>, vector<1x16xf32>,
        %get3A_1005 = arith.index_cast %add3A_938 : i32 to index
        %get3A_1006 = arith.constant 96 : index
        %get3A_1007 = tpu.vector_load %arg12[%get3A_1005, %get3A_1006] {strides = array<i32>} : memref<128x128xf32, #tpu.memory_space<vmem>>, vector<1x16xf32>,
        %get3A_1008 = vector.shape_cast %get3A_1007 : vector<1x16xf32> to vector<16xf32>
        %mul3A_1009 = vector.broadcast %squeeze3A_934 : f32 to vector<16xf32>
        %mul3A_1010 = arith.mulf %get3A_1008, %mul3A_1009 : vector<16xf32>
        %swap3A_1011 = arith.index_cast %add3A_938 : i32 to index
        %swap3A_1012 = arith.constant 96 : index
        %swap3A_1013 = tpu.vector_load %arg12[%swap3A_1011, %swap3A_1012] {strides = array<i32>} : memref<128x128xf32, #tpu.memory_space<vmem>>, vector<1x16xf32>,
        %swap3A_1014 = vector.shape_cast %swap3A_1013 : vector<1x16xf32> to vector<16xf32>
        %swap3A_1015 = vector.shape_cast %mul3A_1010 : vector<16xf32> to vector<1x16xf32>
        tpu.vector_store %arg12[%swap3A_1011, %swap3A_1012], %swap3A_1015 {strides = array<i32>} : memref<128x128xf32, #tpu.memory_space<vmem>>, vector<1x16xf32>,
        %get3A_1016 = arith.index_cast %add3A_938 : i32 to index
        %get3A_1017 = arith.constant 112 : index
        %get3A_1018 = tpu.vector_load %arg12[%get3A_1016, %get3A_1017] {strides = array<i32>} : memref<128x128xf32, #tpu.memory_space<vmem>>, vector<1x16xf32>,
        %get3A_1019 = vector.shape_cast %get3A_1018 : vector<1x16xf32> to vector<16xf32>
        %mul3A_1020 = vector.broadcast %squeeze3A_934 : f32 to vector<16xf32>
        %mul3A_1021 = arith.mulf %get3A_1019, %mul3A_1020 : vector<16xf32>
        %swap3A_1022 = arith.index_cast %add3A_938 : i32 to index
        %swap3A_1023 = arith.constant 112 : index
        %swap3A_1024 = tpu.vector_load %arg12[%swap3A_1022, %swap3A_1023] {strides = array<i32>} : memref<128x128xf32, #tpu.memory_space<vmem>>, vector<1x16xf32>,
        %swap3A_1025 = vector.shape_cast %swap3A_1024 : vector<1x16xf32> to vector<16xf32>
        %swap3A_1026 = vector.shape_cast %mul3A_1021 : vector<16xf32> to vector<1x16xf32>
        tpu.vector_store %arg12[%swap3A_1022, %swap3A_1023], %swap3A_1026 {strides = array<i32>} : memref<128x128xf32, #tpu.memory_space<vmem>>, vector<1x16xf32>,
        %slice3A_1027 = vector.extract_strided_slice %get3A_89 {offsets = [10], sizes = [1], strides = [1]} : vector<16xf32> to vector<1xf32>
        %squeeze3A_1028 = vector.extract %slice3A_1027[0] : f32 from vector<1xf32>
        %mul3A_1029 = arith.constant 16 : i32
        %mul3A_1030 = arith.muli %scan3A_84, %mul3A_1029 : i32
        %add3A_1031 = arith.constant 10 : i32
        %add3A_1032 = arith.addi %mul3A_1030, %add3A_1031 : i32
        %get3A_1033 = arith.index_cast %add3A_1032 : i32 to index
        %get3A_1034 = arith.constant 0 : index
        %get3A_1035 = tpu.vector_load %arg12[%get3A_1033, %get3A_1034] {strides = array<i32>} : memref<128x128xf32, #tpu.memory_space<vmem>>, vector<1x16xf32>,
        %get3A_1036 = vector.shape_cast %get3A_1035 : vector<1x16xf32> to vector<16xf32>
        %mul3A_1037 = vector.broadcast %squeeze3A_1028 : f32 to vector<16xf32>
        %mul3A_1038 = arith.mulf %get3A_1036, %mul3A_1037 : vector<16xf32>
        %swap3A_1039 = arith.index_cast %add3A_1032 : i32 to index
        %swap3A_1040 = arith.constant 0 : index
        %swap3A_1041 = tpu.vector_load %arg12[%swap3A_1039, %swap3A_1040] {strides = array<i32>} : memref<128x128xf32, #tpu.memory_space<vmem>>, vector<1x16xf32>,
        %swap3A_1042 = vector.shape_cast %swap3A_1041 : vector<1x16xf32> to vector<16xf32>
        %swap3A_1043 = vector.shape_cast %mul3A_1038 : vector<16xf32> to vector<1x16xf32>
        tpu.vector_store %arg12[%swap3A_1039, %swap3A_1040], %swap3A_1043 {strides = array<i32>} : memref<128x128xf32, #tpu.memory_space<vmem>>, vector<1x16xf32>,
        %get3A_1044 = arith.index_cast %add3A_1032 : i32 to index
        %get3A_1045 = arith.constant 16 : index
        %get3A_1046 = tpu.vector_load %arg12[%get3A_1044, %get3A_1045] {strides = array<i32>} : memref<128x128xf32, #tpu.memory_space<vmem>>, vector<1x16xf32>,
        %get3A_1047 = vector.shape_cast %get3A_1046 : vector<1x16xf32> to vector<16xf32>
        %mul3A_1048 = vector.broadcast %squeeze3A_1028 : f32 to vector<16xf32>
        %mul3A_1049 = arith.mulf %get3A_1047, %mul3A_1048 : vector<16xf32>
        %swap3A_1050 = arith.index_cast %add3A_1032 : i32 to index
        %swap3A_1051 = arith.constant 16 : index
        %swap3A_1052 = tpu.vector_load %arg12[%swap3A_1050, %swap3A_1051] {strides = array<i32>} : memref<128x128xf32, #tpu.memory_space<vmem>>, vector<1x16xf32>,
        %swap3A_1053 = vector.shape_cast %swap3A_1052 : vector<1x16xf32> to vector<16xf32>
        %swap3A_1054 = vector.shape_cast %mul3A_1049 : vector<16xf32> to vector<1x16xf32>
        tpu.vector_store %arg12[%swap3A_1050, %swap3A_1051], %swap3A_1054 {strides = array<i32>} : memref<128x128xf32, #tpu.memory_space<vmem>>, vector<1x16xf32>,
        %get3A_1055 = arith.index_cast %add3A_1032 : i32 to index
        %get3A_1056 = arith.constant 32 : index
        %get3A_1057 = tpu.vector_load %arg12[%get3A_1055, %get3A_1056] {strides = array<i32>} : memref<128x128xf32, #tpu.memory_space<vmem>>, vector<1x16xf32>,
        %get3A_1058 = vector.shape_cast %get3A_1057 : vector<1x16xf32> to vector<16xf32>
        %mul3A_1059 = vector.broadcast %squeeze3A_1028 : f32 to vector<16xf32>
        %mul3A_1060 = arith.mulf %get3A_1058, %mul3A_1059 : vector<16xf32>
        %swap3A_1061 = arith.index_cast %add3A_1032 : i32 to index
        %swap3A_1062 = arith.constant 32 : index
        %swap3A_1063 = tpu.vector_load %arg12[%swap3A_1061, %swap3A_1062] {strides = array<i32>} : memref<128x128xf32, #tpu.memory_space<vmem>>, vector<1x16xf32>,
        %swap3A_1064 = vector.shape_cast %swap3A_1063 : vector<1x16xf32> to vector<16xf32>
        %swap3A_1065 = vector.shape_cast %mul3A_1060 : vector<16xf32> to vector<1x16xf32>
        tpu.vector_store %arg12[%swap3A_1061, %swap3A_1062], %swap3A_1065 {strides = array<i32>} : memref<128x128xf32, #tpu.memory_space<vmem>>, vector<1x16xf32>,
        %get3A_1066 = arith.index_cast %add3A_1032 : i32 to index
        %get3A_1067 = arith.constant 48 : index
        %get3A_1068 = tpu.vector_load %arg12[%get3A_1066, %get3A_1067] {strides = array<i32>} : memref<128x128xf32, #tpu.memory_space<vmem>>, vector<1x16xf32>,
        %get3A_1069 = vector.shape_cast %get3A_1068 : vector<1x16xf32> to vector<16xf32>
        %mul3A_1070 = vector.broadcast %squeeze3A_1028 : f32 to vector<16xf32>
        %mul3A_1071 = arith.mulf %get3A_1069, %mul3A_1070 : vector<16xf32>
        %swap3A_1072 = arith.index_cast %add3A_1032 : i32 to index
        %swap3A_1073 = arith.constant 48 : index
        %swap3A_1074 = tpu.vector_load %arg12[%swap3A_1072, %swap3A_1073] {strides = array<i32>} : memref<128x128xf32, #tpu.memory_space<vmem>>, vector<1x16xf32>,
        %swap3A_1075 = vector.shape_cast %swap3A_1074 : vector<1x16xf32> to vector<16xf32>
        %swap3A_1076 = vector.shape_cast %mul3A_1071 : vector<16xf32> to vector<1x16xf32>
        tpu.vector_store %arg12[%swap3A_1072, %swap3A_1073], %swap3A_1076 {strides = array<i32>} : memref<128x128xf32, #tpu.memory_space<vmem>>, vector<1x16xf32>,
        %get3A_1077 = arith.index_cast %add3A_1032 : i32 to index
        %get3A_1078 = arith.constant 64 : index
        %get3A_1079 = tpu.vector_load %arg12[%get3A_1077, %get3A_1078] {strides = array<i32>} : memref<128x128xf32, #tpu.memory_space<vmem>>, vector<1x16xf32>,
        %get3A_1080 = vector.shape_cast %get3A_1079 : vector<1x16xf32> to vector<16xf32>
        %mul3A_1081 = vector.broadcast %squeeze3A_1028 : f32 to vector<16xf32>
        %mul3A_1082 = arith.mulf %get3A_1080, %mul3A_1081 : vector<16xf32>
        %swap3A_1083 = arith.index_cast %add3A_1032 : i32 to index
        %swap3A_1084 = arith.constant 64 : index
        %swap3A_1085 = tpu.vector_load %arg12[%swap3A_1083, %swap3A_1084] {strides = array<i32>} : memref<128x128xf32, #tpu.memory_space<vmem>>, vector<1x16xf32>,
        %swap3A_1086 = vector.shape_cast %swap3A_1085 : vector<1x16xf32> to vector<16xf32>
        %swap3A_1087 = vector.shape_cast %mul3A_1082 : vector<16xf32> to vector<1x16xf32>
        tpu.vector_store %arg12[%swap3A_1083, %swap3A_1084], %swap3A_1087 {strides = array<i32>} : memref<128x128xf32, #tpu.memory_space<vmem>>, vector<1x16xf32>,
        %get3A_1088 = arith.index_cast %add3A_1032 : i32 to index
        %get3A_1089 = arith.constant 80 : index
        %get3A_1090 = tpu.vector_load %arg12[%get3A_1088, %get3A_1089] {strides = array<i32>} : memref<128x128xf32, #tpu.memory_space<vmem>>, vector<1x16xf32>,
        %get3A_1091 = vector.shape_cast %get3A_1090 : vector<1x16xf32> to vector<16xf32>
        %mul3A_1092 = vector.broadcast %squeeze3A_1028 : f32 to vector<16xf32>
        %mul3A_1093 = arith.mulf %get3A_1091, %mul3A_1092 : vector<16xf32>
        %swap3A_1094 = arith.index_cast %add3A_1032 : i32 to index
        %swap3A_1095 = arith.constant 80 : index
        %swap3A_1096 = tpu.vector_load %arg12[%swap3A_1094, %swap3A_1095] {strides = array<i32>} : memref<128x128xf32, #tpu.memory_space<vmem>>, vector<1x16xf32>,
        %swap3A_1097 = vector.shape_cast %swap3A_1096 : vector<1x16xf32> to vector<16xf32>
        %swap3A_1098 = vector.shape_cast %mul3A_1093 : vector<16xf32> to vector<1x16xf32>
        tpu.vector_store %arg12[%swap3A_1094, %swap3A_1095], %swap3A_1098 {strides = array<i32>} : memref<128x128xf32, #tpu.memory_space<vmem>>, vector<1x16xf32>,
        %get3A_1099 = arith.index_cast %add3A_1032 : i32 to index
        %get3A_1100 = arith.constant 96 : index
        %get3A_1101 = tpu.vector_load %arg12[%get3A_1099, %get3A_1100] {strides = array<i32>} : memref<128x128xf32, #tpu.memory_space<vmem>>, vector<1x16xf32>,
        %get3A_1102 = vector.shape_cast %get3A_1101 : vector<1x16xf32> to vector<16xf32>
        %mul3A_1103 = vector.broadcast %squeeze3A_1028 : f32 to vector<16xf32>
        %mul3A_1104 = arith.mulf %get3A_1102, %mul3A_1103 : vector<16xf32>
        %swap3A_1105 = arith.index_cast %add3A_1032 : i32 to index
        %swap3A_1106 = arith.constant 96 : index
        %swap3A_1107 = tpu.vector_load %arg12[%swap3A_1105, %swap3A_1106] {strides = array<i32>} : memref<128x128xf32, #tpu.memory_space<vmem>>, vector<1x16xf32>,
        %swap3A_1108 = vector.shape_cast %swap3A_1107 : vector<1x16xf32> to vector<16xf32>
        %swap3A_1109 = vector.shape_cast %mul3A_1104 : vector<16xf32> to vector<1x16xf32>
        tpu.vector_store %arg12[%swap3A_1105, %swap3A_1106], %swap3A_1109 {strides = array<i32>} : memref<128x128xf32, #tpu.memory_space<vmem>>, vector<1x16xf32>,
        %get3A_1110 = arith.index_cast %add3A_1032 : i32 to index
        %get3A_1111 = arith.constant 112 : index
        %get3A_1112 = tpu.vector_load %arg12[%get3A_1110, %get3A_1111] {strides = array<i32>} : memref<128x128xf32, #tpu.memory_space<vmem>>, vector<1x16xf32>,
        %get3A_1113 = vector.shape_cast %get3A_1112 : vector<1x16xf32> to vector<16xf32>
        %mul3A_1114 = vector.broadcast %squeeze3A_1028 : f32 to vector<16xf32>
        %mul3A_1115 = arith.mulf %get3A_1113, %mul3A_1114 : vector<16xf32>
        %swap3A_1116 = arith.index_cast %add3A_1032 : i32 to index
        %swap3A_1117 = arith.constant 112 : index
        %swap3A_1118 = tpu.vector_load %arg12[%swap3A_1116, %swap3A_1117] {strides = array<i32>} : memref<128x128xf32, #tpu.memory_space<vmem>>, vector<1x16xf32>,
        %swap3A_1119 = vector.shape_cast %swap3A_1118 : vector<1x16xf32> to vector<16xf32>
        %swap3A_1120 = vector.shape_cast %mul3A_1115 : vector<16xf32> to vector<1x16xf32>
        tpu.vector_store %arg12[%swap3A_1116, %swap3A_1117], %swap3A_1120 {strides = array<i32>} : memref<128x128xf32, #tpu.memory_space<vmem>>, vector<1x16xf32>,
        %slice3A_1121 = vector.extract_strided_slice %get3A_89 {offsets = [11], sizes = [1], strides = [1]} : vector<16xf32> to vector<1xf32>
        %squeeze3A_1122 = vector.extract %slice3A_1121[0] : f32 from vector<1xf32>
        %mul3A_1123 = arith.constant 16 : i32
        %mul3A_1124 = arith.muli %scan3A_84, %mul3A_1123 : i32
        %add3A_1125 = arith.constant 11 : i32
        %add3A_1126 = arith.addi %mul3A_1124, %add3A_1125 : i32
        %get3A_1127 = arith.index_cast %add3A_1126 : i32 to index
        %get3A_1128 = arith.constant 0 : index
        %get3A_1129 = tpu.vector_load %arg12[%get3A_1127, %get3A_1128] {strides = array<i32>} : memref<128x128xf32, #tpu.memory_space<vmem>>, vector<1x16xf32>,
        %get3A_1130 = vector.shape_cast %get3A_1129 : vector<1x16xf32> to vector<16xf32>
        %mul3A_1131 = vector.broadcast %squeeze3A_1122 : f32 to vector<16xf32>
        %mul3A_1132 = arith.mulf %get3A_1130, %mul3A_1131 : vector<16xf32>
        %swap3A_1133 = arith.index_cast %add3A_1126 : i32 to index
        %swap3A_1134 = arith.constant 0 : index
        %swap3A_1135 = tpu.vector_load %arg12[%swap3A_1133, %swap3A_1134] {strides = array<i32>} : memref<128x128xf32, #tpu.memory_space<vmem>>, vector<1x16xf32>,
        %swap3A_1136 = vector.shape_cast %swap3A_1135 : vector<1x16xf32> to vector<16xf32>
        %swap3A_1137 = vector.shape_cast %mul3A_1132 : vector<16xf32> to vector<1x16xf32>
        tpu.vector_store %arg12[%swap3A_1133, %swap3A_1134], %swap3A_1137 {strides = array<i32>} : memref<128x128xf32, #tpu.memory_space<vmem>>, vector<1x16xf32>,
        %get3A_1138 = arith.index_cast %add3A_1126 : i32 to index
        %get3A_1139 = arith.constant 16 : index
        %get3A_1140 = tpu.vector_load %arg12[%get3A_1138, %get3A_1139] {strides = array<i32>} : memref<128x128xf32, #tpu.memory_space<vmem>>, vector<1x16xf32>,
        %get3A_1141 = vector.shape_cast %get3A_1140 : vector<1x16xf32> to vector<16xf32>
        %mul3A_1142 = vector.broadcast %squeeze3A_1122 : f32 to vector<16xf32>
        %mul3A_1143 = arith.mulf %get3A_1141, %mul3A_1142 : vector<16xf32>
        %swap3A_1144 = arith.index_cast %add3A_1126 : i32 to index
        %swap3A_1145 = arith.constant 16 : index
        %swap3A_1146 = tpu.vector_load %arg12[%swap3A_1144, %swap3A_1145] {strides = array<i32>} : memref<128x128xf32, #tpu.memory_space<vmem>>, vector<1x16xf32>,
        %swap3A_1147 = vector.shape_cast %swap3A_1146 : vector<1x16xf32> to vector<16xf32>
        %swap3A_1148 = vector.shape_cast %mul3A_1143 : vector<16xf32> to vector<1x16xf32>
        tpu.vector_store %arg12[%swap3A_1144, %swap3A_1145], %swap3A_1148 {strides = array<i32>} : memref<128x128xf32, #tpu.memory_space<vmem>>, vector<1x16xf32>,
        %get3A_1149 = arith.index_cast %add3A_1126 : i32 to index
        %get3A_1150 = arith.constant 32 : index
        %get3A_1151 = tpu.vector_load %arg12[%get3A_1149, %get3A_1150] {strides = array<i32>} : memref<128x128xf32, #tpu.memory_space<vmem>>, vector<1x16xf32>,
        %get3A_1152 = vector.shape_cast %get3A_1151 : vector<1x16xf32> to vector<16xf32>
        %mul3A_1153 = vector.broadcast %squeeze3A_1122 : f32 to vector<16xf32>
        %mul3A_1154 = arith.mulf %get3A_1152, %mul3A_1153 : vector<16xf32>
        %swap3A_1155 = arith.index_cast %add3A_1126 : i32 to index
        %swap3A_1156 = arith.constant 32 : index
        %swap3A_1157 = tpu.vector_load %arg12[%swap3A_1155, %swap3A_1156] {strides = array<i32>} : memref<128x128xf32, #tpu.memory_space<vmem>>, vector<1x16xf32>,
        %swap3A_1158 = vector.shape_cast %swap3A_1157 : vector<1x16xf32> to vector<16xf32>
        %swap3A_1159 = vector.shape_cast %mul3A_1154 : vector<16xf32> to vector<1x16xf32>
        tpu.vector_store %arg12[%swap3A_1155, %swap3A_1156], %swap3A_1159 {strides = array<i32>} : memref<128x128xf32, #tpu.memory_space<vmem>>, vector<1x16xf32>,
        %get3A_1160 = arith.index_cast %add3A_1126 : i32 to index
        %get3A_1161 = arith.constant 48 : index
        %get3A_1162 = tpu.vector_load %arg12[%get3A_1160, %get3A_1161] {strides = array<i32>} : memref<128x128xf32, #tpu.memory_space<vmem>>, vector<1x16xf32>,
        %get3A_1163 = vector.shape_cast %get3A_1162 : vector<1x16xf32> to vector<16xf32>
        %mul3A_1164 = vector.broadcast %squeeze3A_1122 : f32 to vector<16xf32>
        %mul3A_1165 = arith.mulf %get3A_1163, %mul3A_1164 : vector<16xf32>
        %swap3A_1166 = arith.index_cast %add3A_1126 : i32 to index
        %swap3A_1167 = arith.constant 48 : index
        %swap3A_1168 = tpu.vector_load %arg12[%swap3A_1166, %swap3A_1167] {strides = array<i32>} : memref<128x128xf32, #tpu.memory_space<vmem>>, vector<1x16xf32>,
        %swap3A_1169 = vector.shape_cast %swap3A_1168 : vector<1x16xf32> to vector<16xf32>
        %swap3A_1170 = vector.shape_cast %mul3A_1165 : vector<16xf32> to vector<1x16xf32>
        tpu.vector_store %arg12[%swap3A_1166, %swap3A_1167], %swap3A_1170 {strides = array<i32>} : memref<128x128xf32, #tpu.memory_space<vmem>>, vector<1x16xf32>,
        %get3A_1171 = arith.index_cast %add3A_1126 : i32 to index
        %get3A_1172 = arith.constant 64 : index
        %get3A_1173 = tpu.vector_load %arg12[%get3A_1171, %get3A_1172] {strides = array<i32>} : memref<128x128xf32, #tpu.memory_space<vmem>>, vector<1x16xf32>,
        %get3A_1174 = vector.shape_cast %get3A_1173 : vector<1x16xf32> to vector<16xf32>
        %mul3A_1175 = vector.broadcast %squeeze3A_1122 : f32 to vector<16xf32>
        %mul3A_1176 = arith.mulf %get3A_1174, %mul3A_1175 : vector<16xf32>
        %swap3A_1177 = arith.index_cast %add3A_1126 : i32 to index
        %swap3A_1178 = arith.constant 64 : index
        %swap3A_1179 = tpu.vector_load %arg12[%swap3A_1177, %swap3A_1178] {strides = array<i32>} : memref<128x128xf32, #tpu.memory_space<vmem>>, vector<1x16xf32>,
        %swap3A_1180 = vector.shape_cast %swap3A_1179 : vector<1x16xf32> to vector<16xf32>
        %swap3A_1181 = vector.shape_cast %mul3A_1176 : vector<16xf32> to vector<1x16xf32>
        tpu.vector_store %arg12[%swap3A_1177, %swap3A_1178], %swap3A_1181 {strides = array<i32>} : memref<128x128xf32, #tpu.memory_space<vmem>>, vector<1x16xf32>,
        %get3A_1182 = arith.index_cast %add3A_1126 : i32 to index
        %get3A_1183 = arith.constant 80 : index
        %get3A_1184 = tpu.vector_load %arg12[%get3A_1182, %get3A_1183] {strides = array<i32>} : memref<128x128xf32, #tpu.memory_space<vmem>>, vector<1x16xf32>,
        %get3A_1185 = vector.shape_cast %get3A_1184 : vector<1x16xf32> to vector<16xf32>
        %mul3A_1186 = vector.broadcast %squeeze3A_1122 : f32 to vector<16xf32>
        %mul3A_1187 = arith.mulf %get3A_1185, %mul3A_1186 : vector<16xf32>
        %swap3A_1188 = arith.index_cast %add3A_1126 : i32 to index
        %swap3A_1189 = arith.constant 80 : index
        %swap3A_1190 = tpu.vector_load %arg12[%swap3A_1188, %swap3A_1189] {strides = array<i32>} : memref<128x128xf32, #tpu.memory_space<vmem>>, vector<1x16xf32>,
        %swap3A_1191 = vector.shape_cast %swap3A_1190 : vector<1x16xf32> to vector<16xf32>
        %swap3A_1192 = vector.shape_cast %mul3A_1187 : vector<16xf32> to vector<1x16xf32>
        tpu.vector_store %arg12[%swap3A_1188, %swap3A_1189], %swap3A_1192 {strides = array<i32>} : memref<128x128xf32, #tpu.memory_space<vmem>>, vector<1x16xf32>,
        %get3A_1193 = arith.index_cast %add3A_1126 : i32 to index
        %get3A_1194 = arith.constant 96 : index
        %get3A_1195 = tpu.vector_load %arg12[%get3A_1193, %get3A_1194] {strides = array<i32>} : memref<128x128xf32, #tpu.memory_space<vmem>>, vector<1x16xf32>,
        %get3A_1196 = vector.shape_cast %get3A_1195 : vector<1x16xf32> to vector<16xf32>
        %mul3A_1197 = vector.broadcast %squeeze3A_1122 : f32 to vector<16xf32>
        %mul3A_1198 = arith.mulf %get3A_1196, %mul3A_1197 : vector<16xf32>
        %swap3A_1199 = arith.index_cast %add3A_1126 : i32 to index
        %swap3A_1200 = arith.constant 96 : index
        %swap3A_1201 = tpu.vector_load %arg12[%swap3A_1199, %swap3A_1200] {strides = array<i32>} : memref<128x128xf32, #tpu.memory_space<vmem>>, vector<1x16xf32>,
        %swap3A_1202 = vector.shape_cast %swap3A_1201 : vector<1x16xf32> to vector<16xf32>
        %swap3A_1203 = vector.shape_cast %mul3A_1198 : vector<16xf32> to vector<1x16xf32>
        tpu.vector_store %arg12[%swap3A_1199, %swap3A_1200], %swap3A_1203 {strides = array<i32>} : memref<128x128xf32, #tpu.memory_space<vmem>>, vector<1x16xf32>,
        %get3A_1204 = arith.index_cast %add3A_1126 : i32 to index
        %get3A_1205 = arith.constant 112 : index
        %get3A_1206 = tpu.vector_load %arg12[%get3A_1204, %get3A_1205] {strides = array<i32>} : memref<128x128xf32, #tpu.memory_space<vmem>>, vector<1x16xf32>,
        %get3A_1207 = vector.shape_cast %get3A_1206 : vector<1x16xf32> to vector<16xf32>
        %mul3A_1208 = vector.broadcast %squeeze3A_1122 : f32 to vector<16xf32>
        %mul3A_1209 = arith.mulf %get3A_1207, %mul3A_1208 : vector<16xf32>
        %swap3A_1210 = arith.index_cast %add3A_1126 : i32 to index
        %swap3A_1211 = arith.constant 112 : index
        %swap3A_1212 = tpu.vector_load %arg12[%swap3A_1210, %swap3A_1211] {strides = array<i32>} : memref<128x128xf32, #tpu.memory_space<vmem>>, vector<1x16xf32>,
        %swap3A_1213 = vector.shape_cast %swap3A_1212 : vector<1x16xf32> to vector<16xf32>
        %swap3A_1214 = vector.shape_cast %mul3A_1209 : vector<16xf32> to vector<1x16xf32>
        tpu.vector_store %arg12[%swap3A_1210, %swap3A_1211], %swap3A_1214 {strides = array<i32>} : memref<128x128xf32, #tpu.memory_space<vmem>>, vector<1x16xf32>,
        %slice3A_1215 = vector.extract_strided_slice %get3A_89 {offsets = [12], sizes = [1], strides = [1]} : vector<16xf32> to vector<1xf32>
        %squeeze3A_1216 = vector.extract %slice3A_1215[0] : f32 from vector<1xf32>
        %mul3A_1217 = arith.constant 16 : i32
        %mul3A_1218 = arith.muli %scan3A_84, %mul3A_1217 : i32
        %add3A_1219 = arith.constant 12 : i32
        %add3A_1220 = arith.addi %mul3A_1218, %add3A_1219 : i32
        %get3A_1221 = arith.index_cast %add3A_1220 : i32 to index
        %get3A_1222 = arith.constant 0 : index
        %get3A_1223 = tpu.vector_load %arg12[%get3A_1221, %get3A_1222] {strides = array<i32>} : memref<128x128xf32, #tpu.memory_space<vmem>>, vector<1x16xf32>,
        %get3A_1224 = vector.shape_cast %get3A_1223 : vector<1x16xf32> to vector<16xf32>
        %mul3A_1225 = vector.broadcast %squeeze3A_1216 : f32 to vector<16xf32>
        %mul3A_1226 = arith.mulf %get3A_1224, %mul3A_1225 : vector<16xf32>
        %swap3A_1227 = arith.index_cast %add3A_1220 : i32 to index
        %swap3A_1228 = arith.constant 0 : index
        %swap3A_1229 = tpu.vector_load %arg12[%swap3A_1227, %swap3A_1228] {strides = array<i32>} : memref<128x128xf32, #tpu.memory_space<vmem>>, vector<1x16xf32>,
        %swap3A_1230 = vector.shape_cast %swap3A_1229 : vector<1x16xf32> to vector<16xf32>
        %swap3A_1231 = vector.shape_cast %mul3A_1226 : vector<16xf32> to vector<1x16xf32>
        tpu.vector_store %arg12[%swap3A_1227, %swap3A_1228], %swap3A_1231 {strides = array<i32>} : memref<128x128xf32, #tpu.memory_space<vmem>>, vector<1x16xf32>,
        %get3A_1232 = arith.index_cast %add3A_1220 : i32 to index
        %get3A_1233 = arith.constant 16 : index
        %get3A_1234 = tpu.vector_load %arg12[%get3A_1232, %get3A_1233] {strides = array<i32>} : memref<128x128xf32, #tpu.memory_space<vmem>>, vector<1x16xf32>,
        %get3A_1235 = vector.shape_cast %get3A_1234 : vector<1x16xf32> to vector<16xf32>
        %mul3A_1236 = vector.broadcast %squeeze3A_1216 : f32 to vector<16xf32>
        %mul3A_1237 = arith.mulf %get3A_1235, %mul3A_1236 : vector<16xf32>
        %swap3A_1238 = arith.index_cast %add3A_1220 : i32 to index
        %swap3A_1239 = arith.constant 16 : index
        %swap3A_1240 = tpu.vector_load %arg12[%swap3A_1238, %swap3A_1239] {strides = array<i32>} : memref<128x128xf32, #tpu.memory_space<vmem>>, vector<1x16xf32>,
        %swap3A_1241 = vector.shape_cast %swap3A_1240 : vector<1x16xf32> to vector<16xf32>
        %swap3A_1242 = vector.shape_cast %mul3A_1237 : vector<16xf32> to vector<1x16xf32>
        tpu.vector_store %arg12[%swap3A_1238, %swap3A_1239], %swap3A_1242 {strides = array<i32>} : memref<128x128xf32, #tpu.memory_space<vmem>>, vector<1x16xf32>,
        %get3A_1243 = arith.index_cast %add3A_1220 : i32 to index
        %get3A_1244 = arith.constant 32 : index
        %get3A_1245 = tpu.vector_load %arg12[%get3A_1243, %get3A_1244] {strides = array<i32>} : memref<128x128xf32, #tpu.memory_space<vmem>>, vector<1x16xf32>,
        %get3A_1246 = vector.shape_cast %get3A_1245 : vector<1x16xf32> to vector<16xf32>
        %mul3A_1247 = vector.broadcast %squeeze3A_1216 : f32 to vector<16xf32>
        %mul3A_1248 = arith.mulf %get3A_1246, %mul3A_1247 : vector<16xf32>
        %swap3A_1249 = arith.index_cast %add3A_1220 : i32 to index
        %swap3A_1250 = arith.constant 32 : index
        %swap3A_1251 = tpu.vector_load %arg12[%swap3A_1249, %swap3A_1250] {strides = array<i32>} : memref<128x128xf32, #tpu.memory_space<vmem>>, vector<1x16xf32>,
        %swap3A_1252 = vector.shape_cast %swap3A_1251 : vector<1x16xf32> to vector<16xf32>
        %swap3A_1253 = vector.shape_cast %mul3A_1248 : vector<16xf32> to vector<1x16xf32>
        tpu.vector_store %arg12[%swap3A_1249, %swap3A_1250], %swap3A_1253 {strides = array<i32>} : memref<128x128xf32, #tpu.memory_space<vmem>>, vector<1x16xf32>,
        %get3A_1254 = arith.index_cast %add3A_1220 : i32 to index
        %get3A_1255 = arith.constant 48 : index
        %get3A_1256 = tpu.vector_load %arg12[%get3A_1254, %get3A_1255] {strides = array<i32>} : memref<128x128xf32, #tpu.memory_space<vmem>>, vector<1x16xf32>,
        %get3A_1257 = vector.shape_cast %get3A_1256 : vector<1x16xf32> to vector<16xf32>
        %mul3A_1258 = vector.broadcast %squeeze3A_1216 : f32 to vector<16xf32>
        %mul3A_1259 = arith.mulf %get3A_1257, %mul3A_1258 : vector<16xf32>
        %swap3A_1260 = arith.index_cast %add3A_1220 : i32 to index
        %swap3A_1261 = arith.constant 48 : index
        %swap3A_1262 = tpu.vector_load %arg12[%swap3A_1260, %swap3A_1261] {strides = array<i32>} : memref<128x128xf32, #tpu.memory_space<vmem>>, vector<1x16xf32>,
        %swap3A_1263 = vector.shape_cast %swap3A_1262 : vector<1x16xf32> to vector<16xf32>
        %swap3A_1264 = vector.shape_cast %mul3A_1259 : vector<16xf32> to vector<1x16xf32>
        tpu.vector_store %arg12[%swap3A_1260, %swap3A_1261], %swap3A_1264 {strides = array<i32>} : memref<128x128xf32, #tpu.memory_space<vmem>>, vector<1x16xf32>,
        %get3A_1265 = arith.index_cast %add3A_1220 : i32 to index
        %get3A_1266 = arith.constant 64 : index
        %get3A_1267 = tpu.vector_load %arg12[%get3A_1265, %get3A_1266] {strides = array<i32>} : memref<128x128xf32, #tpu.memory_space<vmem>>, vector<1x16xf32>,
        %get3A_1268 = vector.shape_cast %get3A_1267 : vector<1x16xf32> to vector<16xf32>
        %mul3A_1269 = vector.broadcast %squeeze3A_1216 : f32 to vector<16xf32>
        %mul3A_1270 = arith.mulf %get3A_1268, %mul3A_1269 : vector<16xf32>
        %swap3A_1271 = arith.index_cast %add3A_1220 : i32 to index
        %swap3A_1272 = arith.constant 64 : index
        %swap3A_1273 = tpu.vector_load %arg12[%swap3A_1271, %swap3A_1272] {strides = array<i32>} : memref<128x128xf32, #tpu.memory_space<vmem>>, vector<1x16xf32>,
        %swap3A_1274 = vector.shape_cast %swap3A_1273 : vector<1x16xf32> to vector<16xf32>
        %swap3A_1275 = vector.shape_cast %mul3A_1270 : vector<16xf32> to vector<1x16xf32>
        tpu.vector_store %arg12[%swap3A_1271, %swap3A_1272], %swap3A_1275 {strides = array<i32>} : memref<128x128xf32, #tpu.memory_space<vmem>>, vector<1x16xf32>,
        %get3A_1276 = arith.index_cast %add3A_1220 : i32 to index
        %get3A_1277 = arith.constant 80 : index
        %get3A_1278 = tpu.vector_load %arg12[%get3A_1276, %get3A_1277] {strides = array<i32>} : memref<128x128xf32, #tpu.memory_space<vmem>>, vector<1x16xf32>,
        %get3A_1279 = vector.shape_cast %get3A_1278 : vector<1x16xf32> to vector<16xf32>
        %mul3A_1280 = vector.broadcast %squeeze3A_1216 : f32 to vector<16xf32>
        %mul3A_1281 = arith.mulf %get3A_1279, %mul3A_1280 : vector<16xf32>
        %swap3A_1282 = arith.index_cast %add3A_1220 : i32 to index
        %swap3A_1283 = arith.constant 80 : index
        %swap3A_1284 = tpu.vector_load %arg12[%swap3A_1282, %swap3A_1283] {strides = array<i32>} : memref<128x128xf32, #tpu.memory_space<vmem>>, vector<1x16xf32>,
        %swap3A_1285 = vector.shape_cast %swap3A_1284 : vector<1x16xf32> to vector<16xf32>
        %swap3A_1286 = vector.shape_cast %mul3A_1281 : vector<16xf32> to vector<1x16xf32>
        tpu.vector_store %arg12[%swap3A_1282, %swap3A_1283], %swap3A_1286 {strides = array<i32>} : memref<128x128xf32, #tpu.memory_space<vmem>>, vector<1x16xf32>,
        %get3A_1287 = arith.index_cast %add3A_1220 : i32 to index
        %get3A_1288 = arith.constant 96 : index
        %get3A_1289 = tpu.vector_load %arg12[%get3A_1287, %get3A_1288] {strides = array<i32>} : memref<128x128xf32, #tpu.memory_space<vmem>>, vector<1x16xf32>,
        %get3A_1290 = vector.shape_cast %get3A_1289 : vector<1x16xf32> to vector<16xf32>
        %mul3A_1291 = vector.broadcast %squeeze3A_1216 : f32 to vector<16xf32>
        %mul3A_1292 = arith.mulf %get3A_1290, %mul3A_1291 : vector<16xf32>
        %swap3A_1293 = arith.index_cast %add3A_1220 : i32 to index
        %swap3A_1294 = arith.constant 96 : index
        %swap3A_1295 = tpu.vector_load %arg12[%swap3A_1293, %swap3A_1294] {strides = array<i32>} : memref<128x128xf32, #tpu.memory_space<vmem>>, vector<1x16xf32>,
        %swap3A_1296 = vector.shape_cast %swap3A_1295 : vector<1x16xf32> to vector<16xf32>
        %swap3A_1297 = vector.shape_cast %mul3A_1292 : vector<16xf32> to vector<1x16xf32>
        tpu.vector_store %arg12[%swap3A_1293, %swap3A_1294], %swap3A_1297 {strides = array<i32>} : memref<128x128xf32, #tpu.memory_space<vmem>>, vector<1x16xf32>,
        %get3A_1298 = arith.index_cast %add3A_1220 : i32 to index
        %get3A_1299 = arith.constant 112 : index
        %get3A_1300 = tpu.vector_load %arg12[%get3A_1298, %get3A_1299] {strides = array<i32>} : memref<128x128xf32, #tpu.memory_space<vmem>>, vector<1x16xf32>,
        %get3A_1301 = vector.shape_cast %get3A_1300 : vector<1x16xf32> to vector<16xf32>
        %mul3A_1302 = vector.broadcast %squeeze3A_1216 : f32 to vector<16xf32>
        %mul3A_1303 = arith.mulf %get3A_1301, %mul3A_1302 : vector<16xf32>
        %swap3A_1304 = arith.index_cast %add3A_1220 : i32 to index
        %swap3A_1305 = arith.constant 112 : index
        %swap3A_1306 = tpu.vector_load %arg12[%swap3A_1304, %swap3A_1305] {strides = array<i32>} : memref<128x128xf32, #tpu.memory_space<vmem>>, vector<1x16xf32>,
        %swap3A_1307 = vector.shape_cast %swap3A_1306 : vector<1x16xf32> to vector<16xf32>
        %swap3A_1308 = vector.shape_cast %mul3A_1303 : vector<16xf32> to vector<1x16xf32>
        tpu.vector_store %arg12[%swap3A_1304, %swap3A_1305], %swap3A_1308 {strides = array<i32>} : memref<128x128xf32, #tpu.memory_space<vmem>>, vector<1x16xf32>,
        %slice3A_1309 = vector.extract_strided_slice %get3A_89 {offsets = [13], sizes = [1], strides = [1]} : vector<16xf32> to vector<1xf32>
        %squeeze3A_1310 = vector.extract %slice3A_1309[0] : f32 from vector<1xf32>
        %mul3A_1311 = arith.constant 16 : i32
        %mul3A_1312 = arith.muli %scan3A_84, %mul3A_1311 : i32
        %add3A_1313 = arith.constant 13 : i32
        %add3A_1314 = arith.addi %mul3A_1312, %add3A_1313 : i32
        %get3A_1315 = arith.index_cast %add3A_1314 : i32 to index
        %get3A_1316 = arith.constant 0 : index
        %get3A_1317 = tpu.vector_load %arg12[%get3A_1315, %get3A_1316] {strides = array<i32>} : memref<128x128xf32, #tpu.memory_space<vmem>>, vector<1x16xf32>,
        %get3A_1318 = vector.shape_cast %get3A_1317 : vector<1x16xf32> to vector<16xf32>
        %mul3A_1319 = vector.broadcast %squeeze3A_1310 : f32 to vector<16xf32>
        %mul3A_1320 = arith.mulf %get3A_1318, %mul3A_1319 : vector<16xf32>
        %swap3A_1321 = arith.index_cast %add3A_1314 : i32 to index
        %swap3A_1322 = arith.constant 0 : index
        %swap3A_1323 = tpu.vector_load %arg12[%swap3A_1321, %swap3A_1322] {strides = array<i32>} : memref<128x128xf32, #tpu.memory_space<vmem>>, vector<1x16xf32>,
        %swap3A_1324 = vector.shape_cast %swap3A_1323 : vector<1x16xf32> to vector<16xf32>
        %swap3A_1325 = vector.shape_cast %mul3A_1320 : vector<16xf32> to vector<1x16xf32>
        tpu.vector_store %arg12[%swap3A_1321, %swap3A_1322], %swap3A_1325 {strides = array<i32>} : memref<128x128xf32, #tpu.memory_space<vmem>>, vector<1x16xf32>,
        %get3A_1326 = arith.index_cast %add3A_1314 : i32 to index
        %get3A_1327 = arith.constant 16 : index
        %get3A_1328 = tpu.vector_load %arg12[%get3A_1326, %get3A_1327] {strides = array<i32>} : memref<128x128xf32, #tpu.memory_space<vmem>>, vector<1x16xf32>,
        %get3A_1329 = vector.shape_cast %get3A_1328 : vector<1x16xf32> to vector<16xf32>
        %mul3A_1330 = vector.broadcast %squeeze3A_1310 : f32 to vector<16xf32>
        %mul3A_1331 = arith.mulf %get3A_1329, %mul3A_1330 : vector<16xf32>
        %swap3A_1332 = arith.index_cast %add3A_1314 : i32 to index
        %swap3A_1333 = arith.constant 16 : index
        %swap3A_1334 = tpu.vector_load %arg12[%swap3A_1332, %swap3A_1333] {strides = array<i32>} : memref<128x128xf32, #tpu.memory_space<vmem>>, vector<1x16xf32>,
        %swap3A_1335 = vector.shape_cast %swap3A_1334 : vector<1x16xf32> to vector<16xf32>
        %swap3A_1336 = vector.shape_cast %mul3A_1331 : vector<16xf32> to vector<1x16xf32>
        tpu.vector_store %arg12[%swap3A_1332, %swap3A_1333], %swap3A_1336 {strides = array<i32>} : memref<128x128xf32, #tpu.memory_space<vmem>>, vector<1x16xf32>,
        %get3A_1337 = arith.index_cast %add3A_1314 : i32 to index
        %get3A_1338 = arith.constant 32 : index
        %get3A_1339 = tpu.vector_load %arg12[%get3A_1337, %get3A_1338] {strides = array<i32>} : memref<128x128xf32, #tpu.memory_space<vmem>>, vector<1x16xf32>,
        %get3A_1340 = vector.shape_cast %get3A_1339 : vector<1x16xf32> to vector<16xf32>
        %mul3A_1341 = vector.broadcast %squeeze3A_1310 : f32 to vector<16xf32>
        %mul3A_1342 = arith.mulf %get3A_1340, %mul3A_1341 : vector<16xf32>
        %swap3A_1343 = arith.index_cast %add3A_1314 : i32 to index
        %swap3A_1344 = arith.constant 32 : index
        %swap3A_1345 = tpu.vector_load %arg12[%swap3A_1343, %swap3A_1344] {strides = array<i32>} : memref<128x128xf32, #tpu.memory_space<vmem>>, vector<1x16xf32>,
        %swap3A_1346 = vector.shape_cast %swap3A_1345 : vector<1x16xf32> to vector<16xf32>
        %swap3A_1347 = vector.shape_cast %mul3A_1342 : vector<16xf32> to vector<1x16xf32>
        tpu.vector_store %arg12[%swap3A_1343, %swap3A_1344], %swap3A_1347 {strides = array<i32>} : memref<128x128xf32, #tpu.memory_space<vmem>>, vector<1x16xf32>,
        %get3A_1348 = arith.index_cast %add3A_1314 : i32 to index
        %get3A_1349 = arith.constant 48 : index
        %get3A_1350 = tpu.vector_load %arg12[%get3A_1348, %get3A_1349] {strides = array<i32>} : memref<128x128xf32, #tpu.memory_space<vmem>>, vector<1x16xf32>,
        %get3A_1351 = vector.shape_cast %get3A_1350 : vector<1x16xf32> to vector<16xf32>
        %mul3A_1352 = vector.broadcast %squeeze3A_1310 : f32 to vector<16xf32>
        %mul3A_1353 = arith.mulf %get3A_1351, %mul3A_1352 : vector<16xf32>
        %swap3A_1354 = arith.index_cast %add3A_1314 : i32 to index
        %swap3A_1355 = arith.constant 48 : index
        %swap3A_1356 = tpu.vector_load %arg12[%swap3A_1354, %swap3A_1355] {strides = array<i32>} : memref<128x128xf32, #tpu.memory_space<vmem>>, vector<1x16xf32>,
        %swap3A_1357 = vector.shape_cast %swap3A_1356 : vector<1x16xf32> to vector<16xf32>
        %swap3A_1358 = vector.shape_cast %mul3A_1353 : vector<16xf32> to vector<1x16xf32>
        tpu.vector_store %arg12[%swap3A_1354, %swap3A_1355], %swap3A_1358 {strides = array<i32>} : memref<128x128xf32, #tpu.memory_space<vmem>>, vector<1x16xf32>,
        %get3A_1359 = arith.index_cast %add3A_1314 : i32 to index
        %get3A_1360 = arith.constant 64 : index
        %get3A_1361 = tpu.vector_load %arg12[%get3A_1359, %get3A_1360] {strides = array<i32>} : memref<128x128xf32, #tpu.memory_space<vmem>>, vector<1x16xf32>,
        %get3A_1362 = vector.shape_cast %get3A_1361 : vector<1x16xf32> to vector<16xf32>
        %mul3A_1363 = vector.broadcast %squeeze3A_1310 : f32 to vector<16xf32>
        %mul3A_1364 = arith.mulf %get3A_1362, %mul3A_1363 : vector<16xf32>
        %swap3A_1365 = arith.index_cast %add3A_1314 : i32 to index
        %swap3A_1366 = arith.constant 64 : index
        %swap3A_1367 = tpu.vector_load %arg12[%swap3A_1365, %swap3A_1366] {strides = array<i32>} : memref<128x128xf32, #tpu.memory_space<vmem>>, vector<1x16xf32>,
        %swap3A_1368 = vector.shape_cast %swap3A_1367 : vector<1x16xf32> to vector<16xf32>
        %swap3A_1369 = vector.shape_cast %mul3A_1364 : vector<16xf32> to vector<1x16xf32>
        tpu.vector_store %arg12[%swap3A_1365, %swap3A_1366], %swap3A_1369 {strides = array<i32>} : memref<128x128xf32, #tpu.memory_space<vmem>>, vector<1x16xf32>,
        %get3A_1370 = arith.index_cast %add3A_1314 : i32 to index
        %get3A_1371 = arith.constant 80 : index
        %get3A_1372 = tpu.vector_load %arg12[%get3A_1370, %get3A_1371] {strides = array<i32>} : memref<128x128xf32, #tpu.memory_space<vmem>>, vector<1x16xf32>,
        %get3A_1373 = vector.shape_cast %get3A_1372 : vector<1x16xf32> to vector<16xf32>
        %mul3A_1374 = vector.broadcast %squeeze3A_1310 : f32 to vector<16xf32>
        %mul3A_1375 = arith.mulf %get3A_1373, %mul3A_1374 : vector<16xf32>
        %swap3A_1376 = arith.index_cast %add3A_1314 : i32 to index
        %swap3A_1377 = arith.constant 80 : index
        %swap3A_1378 = tpu.vector_load %arg12[%swap3A_1376, %swap3A_1377] {strides = array<i32>} : memref<128x128xf32, #tpu.memory_space<vmem>>, vector<1x16xf32>,
        %swap3A_1379 = vector.shape_cast %swap3A_1378 : vector<1x16xf32> to vector<16xf32>
        %swap3A_1380 = vector.shape_cast %mul3A_1375 : vector<16xf32> to vector<1x16xf32>
        tpu.vector_store %arg12[%swap3A_1376, %swap3A_1377], %swap3A_1380 {strides = array<i32>} : memref<128x128xf32, #tpu.memory_space<vmem>>, vector<1x16xf32>,
        %get3A_1381 = arith.index_cast %add3A_1314 : i32 to index
        %get3A_1382 = arith.constant 96 : index
        %get3A_1383 = tpu.vector_load %arg12[%get3A_1381, %get3A_1382] {strides = array<i32>} : memref<128x128xf32, #tpu.memory_space<vmem>>, vector<1x16xf32>,
        %get3A_1384 = vector.shape_cast %get3A_1383 : vector<1x16xf32> to vector<16xf32>
        %mul3A_1385 = vector.broadcast %squeeze3A_1310 : f32 to vector<16xf32>
        %mul3A_1386 = arith.mulf %get3A_1384, %mul3A_1385 : vector<16xf32>
        %swap3A_1387 = arith.index_cast %add3A_1314 : i32 to index
        %swap3A_1388 = arith.constant 96 : index
        %swap3A_1389 = tpu.vector_load %arg12[%swap3A_1387, %swap3A_1388] {strides = array<i32>} : memref<128x128xf32, #tpu.memory_space<vmem>>, vector<1x16xf32>,
        %swap3A_1390 = vector.shape_cast %swap3A_1389 : vector<1x16xf32> to vector<16xf32>
        %swap3A_1391 = vector.shape_cast %mul3A_1386 : vector<16xf32> to vector<1x16xf32>
        tpu.vector_store %arg12[%swap3A_1387, %swap3A_1388], %swap3A_1391 {strides = array<i32>} : memref<128x128xf32, #tpu.memory_space<vmem>>, vector<1x16xf32>,
        %get3A_1392 = arith.index_cast %add3A_1314 : i32 to index
        %get3A_1393 = arith.constant 112 : index
        %get3A_1394 = tpu.vector_load %arg12[%get3A_1392, %get3A_1393] {strides = array<i32>} : memref<128x128xf32, #tpu.memory_space<vmem>>, vector<1x16xf32>,
        %get3A_1395 = vector.shape_cast %get3A_1394 : vector<1x16xf32> to vector<16xf32>
        %mul3A_1396 = vector.broadcast %squeeze3A_1310 : f32 to vector<16xf32>
        %mul3A_1397 = arith.mulf %get3A_1395, %mul3A_1396 : vector<16xf32>
        %swap3A_1398 = arith.index_cast %add3A_1314 : i32 to index
        %swap3A_1399 = arith.constant 112 : index
        %swap3A_1400 = tpu.vector_load %arg12[%swap3A_1398, %swap3A_1399] {strides = array<i32>} : memref<128x128xf32, #tpu.memory_space<vmem>>, vector<1x16xf32>,
        %swap3A_1401 = vector.shape_cast %swap3A_1400 : vector<1x16xf32> to vector<16xf32>
        %swap3A_1402 = vector.shape_cast %mul3A_1397 : vector<16xf32> to vector<1x16xf32>
        tpu.vector_store %arg12[%swap3A_1398, %swap3A_1399], %swap3A_1402 {strides = array<i32>} : memref<128x128xf32, #tpu.memory_space<vmem>>, vector<1x16xf32>,
        %slice3A_1403 = vector.extract_strided_slice %get3A_89 {offsets = [14], sizes = [1], strides = [1]} : vector<16xf32> to vector<1xf32>
        %squeeze3A_1404 = vector.extract %slice3A_1403[0] : f32 from vector<1xf32>
        %mul3A_1405 = arith.constant 16 : i32
        %mul3A_1406 = arith.muli %scan3A_84, %mul3A_1405 : i32
        %add3A_1407 = arith.constant 14 : i32
        %add3A_1408 = arith.addi %mul3A_1406, %add3A_1407 : i32
        %get3A_1409 = arith.index_cast %add3A_1408 : i32 to index
        %get3A_1410 = arith.constant 0 : index
        %get3A_1411 = tpu.vector_load %arg12[%get3A_1409, %get3A_1410] {strides = array<i32>} : memref<128x128xf32, #tpu.memory_space<vmem>>, vector<1x16xf32>,
        %get3A_1412 = vector.shape_cast %get3A_1411 : vector<1x16xf32> to vector<16xf32>
        %mul3A_1413 = vector.broadcast %squeeze3A_1404 : f32 to vector<16xf32>
        %mul3A_1414 = arith.mulf %get3A_1412, %mul3A_1413 : vector<16xf32>
        %swap3A_1415 = arith.index_cast %add3A_1408 : i32 to index
        %swap3A_1416 = arith.constant 0 : index
        %swap3A_1417 = tpu.vector_load %arg12[%swap3A_1415, %swap3A_1416] {strides = array<i32>} : memref<128x128xf32, #tpu.memory_space<vmem>>, vector<1x16xf32>,
        %swap3A_1418 = vector.shape_cast %swap3A_1417 : vector<1x16xf32> to vector<16xf32>
        %swap3A_1419 = vector.shape_cast %mul3A_1414 : vector<16xf32> to vector<1x16xf32>
        tpu.vector_store %arg12[%swap3A_1415, %swap3A_1416], %swap3A_1419 {strides = array<i32>} : memref<128x128xf32, #tpu.memory_space<vmem>>, vector<1x16xf32>,
        %get3A_1420 = arith.index_cast %add3A_1408 : i32 to index
        %get3A_1421 = arith.constant 16 : index
        %get3A_1422 = tpu.vector_load %arg12[%get3A_1420, %get3A_1421] {strides = array<i32>} : memref<128x128xf32, #tpu.memory_space<vmem>>, vector<1x16xf32>,
        %get3A_1423 = vector.shape_cast %get3A_1422 : vector<1x16xf32> to vector<16xf32>
        %mul3A_1424 = vector.broadcast %squeeze3A_1404 : f32 to vector<16xf32>
        %mul3A_1425 = arith.mulf %get3A_1423, %mul3A_1424 : vector<16xf32>
        %swap3A_1426 = arith.index_cast %add3A_1408 : i32 to index
        %swap3A_1427 = arith.constant 16 : index
        %swap3A_1428 = tpu.vector_load %arg12[%swap3A_1426, %swap3A_1427] {strides = array<i32>} : memref<128x128xf32, #tpu.memory_space<vmem>>, vector<1x16xf32>,
        %swap3A_1429 = vector.shape_cast %swap3A_1428 : vector<1x16xf32> to vector<16xf32>
        %swap3A_1430 = vector.shape_cast %mul3A_1425 : vector<16xf32> to vector<1x16xf32>
        tpu.vector_store %arg12[%swap3A_1426, %swap3A_1427], %swap3A_1430 {strides = array<i32>} : memref<128x128xf32, #tpu.memory_space<vmem>>, vector<1x16xf32>,
        %get3A_1431 = arith.index_cast %add3A_1408 : i32 to index
        %get3A_1432 = arith.constant 32 : index
        %get3A_1433 = tpu.vector_load %arg12[%get3A_1431, %get3A_1432] {strides = array<i32>} : memref<128x128xf32, #tpu.memory_space<vmem>>, vector<1x16xf32>,
        %get3A_1434 = vector.shape_cast %get3A_1433 : vector<1x16xf32> to vector<16xf32>
        %mul3A_1435 = vector.broadcast %squeeze3A_1404 : f32 to vector<16xf32>
        %mul3A_1436 = arith.mulf %get3A_1434, %mul3A_1435 : vector<16xf32>
        %swap3A_1437 = arith.index_cast %add3A_1408 : i32 to index
        %swap3A_1438 = arith.constant 32 : index
        %swap3A_1439 = tpu.vector_load %arg12[%swap3A_1437, %swap3A_1438] {strides = array<i32>} : memref<128x128xf32, #tpu.memory_space<vmem>>, vector<1x16xf32>,
        %swap3A_1440 = vector.shape_cast %swap3A_1439 : vector<1x16xf32> to vector<16xf32>
        %swap3A_1441 = vector.shape_cast %mul3A_1436 : vector<16xf32> to vector<1x16xf32>
        tpu.vector_store %arg12[%swap3A_1437, %swap3A_1438], %swap3A_1441 {strides = array<i32>} : memref<128x128xf32, #tpu.memory_space<vmem>>, vector<1x16xf32>,
        %get3A_1442 = arith.index_cast %add3A_1408 : i32 to index
        %get3A_1443 = arith.constant 48 : index
        %get3A_1444 = tpu.vector_load %arg12[%get3A_1442, %get3A_1443] {strides = array<i32>} : memref<128x128xf32, #tpu.memory_space<vmem>>, vector<1x16xf32>,
        %get3A_1445 = vector.shape_cast %get3A_1444 : vector<1x16xf32> to vector<16xf32>
        %mul3A_1446 = vector.broadcast %squeeze3A_1404 : f32 to vector<16xf32>
        %mul3A_1447 = arith.mulf %get3A_1445, %mul3A_1446 : vector<16xf32>
        %swap3A_1448 = arith.index_cast %add3A_1408 : i32 to index
        %swap3A_1449 = arith.constant 48 : index
        %swap3A_1450 = tpu.vector_load %arg12[%swap3A_1448, %swap3A_1449] {strides = array<i32>} : memref<128x128xf32, #tpu.memory_space<vmem>>, vector<1x16xf32>,
        %swap3A_1451 = vector.shape_cast %swap3A_1450 : vector<1x16xf32> to vector<16xf32>
        %swap3A_1452 = vector.shape_cast %mul3A_1447 : vector<16xf32> to vector<1x16xf32>
        tpu.vector_store %arg12[%swap3A_1448, %swap3A_1449], %swap3A_1452 {strides = array<i32>} : memref<128x128xf32, #tpu.memory_space<vmem>>, vector<1x16xf32>,
        %get3A_1453 = arith.index_cast %add3A_1408 : i32 to index
        %get3A_1454 = arith.constant 64 : index
        %get3A_1455 = tpu.vector_load %arg12[%get3A_1453, %get3A_1454] {strides = array<i32>} : memref<128x128xf32, #tpu.memory_space<vmem>>, vector<1x16xf32>,
        %get3A_1456 = vector.shape_cast %get3A_1455 : vector<1x16xf32> to vector<16xf32>
        %mul3A_1457 = vector.broadcast %squeeze3A_1404 : f32 to vector<16xf32>
        %mul3A_1458 = arith.mulf %get3A_1456, %mul3A_1457 : vector<16xf32>
        %swap3A_1459 = arith.index_cast %add3A_1408 : i32 to index
        %swap3A_1460 = arith.constant 64 : index
        %swap3A_1461 = tpu.vector_load %arg12[%swap3A_1459, %swap3A_1460] {strides = array<i32>} : memref<128x128xf32, #tpu.memory_space<vmem>>, vector<1x16xf32>,
        %swap3A_1462 = vector.shape_cast %swap3A_1461 : vector<1x16xf32> to vector<16xf32>
        %swap3A_1463 = vector.shape_cast %mul3A_1458 : vector<16xf32> to vector<1x16xf32>
        tpu.vector_store %arg12[%swap3A_1459, %swap3A_1460], %swap3A_1463 {strides = array<i32>} : memref<128x128xf32, #tpu.memory_space<vmem>>, vector<1x16xf32>,
        %get3A_1464 = arith.index_cast %add3A_1408 : i32 to index
        %get3A_1465 = arith.constant 80 : index
        %get3A_1466 = tpu.vector_load %arg12[%get3A_1464, %get3A_1465] {strides = array<i32>} : memref<128x128xf32, #tpu.memory_space<vmem>>, vector<1x16xf32>,
        %get3A_1467 = vector.shape_cast %get3A_1466 : vector<1x16xf32> to vector<16xf32>
        %mul3A_1468 = vector.broadcast %squeeze3A_1404 : f32 to vector<16xf32>
        %mul3A_1469 = arith.mulf %get3A_1467, %mul3A_1468 : vector<16xf32>
        %swap3A_1470 = arith.index_cast %add3A_1408 : i32 to index
        %swap3A_1471 = arith.constant 80 : index
        %swap3A_1472 = tpu.vector_load %arg12[%swap3A_1470, %swap3A_1471] {strides = array<i32>} : memref<128x128xf32, #tpu.memory_space<vmem>>, vector<1x16xf32>,
        %swap3A_1473 = vector.shape_cast %swap3A_1472 : vector<1x16xf32> to vector<16xf32>
        %swap3A_1474 = vector.shape_cast %mul3A_1469 : vector<16xf32> to vector<1x16xf32>
        tpu.vector_store %arg12[%swap3A_1470, %swap3A_1471], %swap3A_1474 {strides = array<i32>} : memref<128x128xf32, #tpu.memory_space<vmem>>, vector<1x16xf32>,
        %get3A_1475 = arith.index_cast %add3A_1408 : i32 to index
        %get3A_1476 = arith.constant 96 : index
        %get3A_1477 = tpu.vector_load %arg12[%get3A_1475, %get3A_1476] {strides = array<i32>} : memref<128x128xf32, #tpu.memory_space<vmem>>, vector<1x16xf32>,
        %get3A_1478 = vector.shape_cast %get3A_1477 : vector<1x16xf32> to vector<16xf32>
        %mul3A_1479 = vector.broadcast %squeeze3A_1404 : f32 to vector<16xf32>
        %mul3A_1480 = arith.mulf %get3A_1478, %mul3A_1479 : vector<16xf32>
        %swap3A_1481 = arith.index_cast %add3A_1408 : i32 to index
        %swap3A_1482 = arith.constant 96 : index
        %swap3A_1483 = tpu.vector_load %arg12[%swap3A_1481, %swap3A_1482] {strides = array<i32>} : memref<128x128xf32, #tpu.memory_space<vmem>>, vector<1x16xf32>,
        %swap3A_1484 = vector.shape_cast %swap3A_1483 : vector<1x16xf32> to vector<16xf32>
        %swap3A_1485 = vector.shape_cast %mul3A_1480 : vector<16xf32> to vector<1x16xf32>
        tpu.vector_store %arg12[%swap3A_1481, %swap3A_1482], %swap3A_1485 {strides = array<i32>} : memref<128x128xf32, #tpu.memory_space<vmem>>, vector<1x16xf32>,
        %get3A_1486 = arith.index_cast %add3A_1408 : i32 to index
        %get3A_1487 = arith.constant 112 : index
        %get3A_1488 = tpu.vector_load %arg12[%get3A_1486, %get3A_1487] {strides = array<i32>} : memref<128x128xf32, #tpu.memory_space<vmem>>, vector<1x16xf32>,
        %get3A_1489 = vector.shape_cast %get3A_1488 : vector<1x16xf32> to vector<16xf32>
        %mul3A_1490 = vector.broadcast %squeeze3A_1404 : f32 to vector<16xf32>
        %mul3A_1491 = arith.mulf %get3A_1489, %mul3A_1490 : vector<16xf32>
        %swap3A_1492 = arith.index_cast %add3A_1408 : i32 to index
        %swap3A_1493 = arith.constant 112 : index
        %swap3A_1494 = tpu.vector_load %arg12[%swap3A_1492, %swap3A_1493] {strides = array<i32>} : memref<128x128xf32, #tpu.memory_space<vmem>>, vector<1x16xf32>,
        %swap3A_1495 = vector.shape_cast %swap3A_1494 : vector<1x16xf32> to vector<16xf32>
        %swap3A_1496 = vector.shape_cast %mul3A_1491 : vector<16xf32> to vector<1x16xf32>
        tpu.vector_store %arg12[%swap3A_1492, %swap3A_1493], %swap3A_1496 {strides = array<i32>} : memref<128x128xf32, #tpu.memory_space<vmem>>, vector<1x16xf32>,
        %slice3A_1497 = vector.extract_strided_slice %get3A_89 {offsets = [15], sizes = [1], strides = [1]} : vector<16xf32> to vector<1xf32>
        %squeeze3A_1498 = vector.extract %slice3A_1497[0] : f32 from vector<1xf32>
        %mul3A_1499 = arith.constant 16 : i32
        %mul3A_1500 = arith.muli %scan3A_84, %mul3A_1499 : i32
        %add3A_1501 = arith.constant 15 : i32
        %add3A_1502 = arith.addi %mul3A_1500, %add3A_1501 : i32
        %get3A_1503 = arith.index_cast %add3A_1502 : i32 to index
        %get3A_1504 = arith.constant 0 : index
        %get3A_1505 = tpu.vector_load %arg12[%get3A_1503, %get3A_1504] {strides = array<i32>} : memref<128x128xf32, #tpu.memory_space<vmem>>, vector<1x16xf32>,
        %get3A_1506 = vector.shape_cast %get3A_1505 : vector<1x16xf32> to vector<16xf32>
        %mul3A_1507 = vector.broadcast %squeeze3A_1498 : f32 to vector<16xf32>
        %mul3A_1508 = arith.mulf %get3A_1506, %mul3A_1507 : vector<16xf32>
        %swap3A_1509 = arith.index_cast %add3A_1502 : i32 to index
        %swap3A_1510 = arith.constant 0 : index
        %swap3A_1511 = tpu.vector_load %arg12[%swap3A_1509, %swap3A_1510] {strides = array<i32>} : memref<128x128xf32, #tpu.memory_space<vmem>>, vector<1x16xf32>,
        %swap3A_1512 = vector.shape_cast %swap3A_1511 : vector<1x16xf32> to vector<16xf32>
        %swap3A_1513 = vector.shape_cast %mul3A_1508 : vector<16xf32> to vector<1x16xf32>
        tpu.vector_store %arg12[%swap3A_1509, %swap3A_1510], %swap3A_1513 {strides = array<i32>} : memref<128x128xf32, #tpu.memory_space<vmem>>, vector<1x16xf32>,
        %get3A_1514 = arith.index_cast %add3A_1502 : i32 to index
        %get3A_1515 = arith.constant 16 : index
        %get3A_1516 = tpu.vector_load %arg12[%get3A_1514, %get3A_1515] {strides = array<i32>} : memref<128x128xf32, #tpu.memory_space<vmem>>, vector<1x16xf32>,
        %get3A_1517 = vector.shape_cast %get3A_1516 : vector<1x16xf32> to vector<16xf32>
        %mul3A_1518 = vector.broadcast %squeeze3A_1498 : f32 to vector<16xf32>
        %mul3A_1519 = arith.mulf %get3A_1517, %mul3A_1518 : vector<16xf32>
        %swap3A_1520 = arith.index_cast %add3A_1502 : i32 to index
        %swap3A_1521 = arith.constant 16 : index
        %swap3A_1522 = tpu.vector_load %arg12[%swap3A_1520, %swap3A_1521] {strides = array<i32>} : memref<128x128xf32, #tpu.memory_space<vmem>>, vector<1x16xf32>,
        %swap3A_1523 = vector.shape_cast %swap3A_1522 : vector<1x16xf32> to vector<16xf32>
        %swap3A_1524 = vector.shape_cast %mul3A_1519 : vector<16xf32> to vector<1x16xf32>
        tpu.vector_store %arg12[%swap3A_1520, %swap3A_1521], %swap3A_1524 {strides = array<i32>} : memref<128x128xf32, #tpu.memory_space<vmem>>, vector<1x16xf32>,
        %get3A_1525 = arith.index_cast %add3A_1502 : i32 to index
        %get3A_1526 = arith.constant 32 : index
        %get3A_1527 = tpu.vector_load %arg12[%get3A_1525, %get3A_1526] {strides = array<i32>} : memref<128x128xf32, #tpu.memory_space<vmem>>, vector<1x16xf32>,
        %get3A_1528 = vector.shape_cast %get3A_1527 : vector<1x16xf32> to vector<16xf32>
        %mul3A_1529 = vector.broadcast %squeeze3A_1498 : f32 to vector<16xf32>
        %mul3A_1530 = arith.mulf %get3A_1528, %mul3A_1529 : vector<16xf32>
        %swap3A_1531 = arith.index_cast %add3A_1502 : i32 to index
        %swap3A_1532 = arith.constant 32 : index
        %swap3A_1533 = tpu.vector_load %arg12[%swap3A_1531, %swap3A_1532] {strides = array<i32>} : memref<128x128xf32, #tpu.memory_space<vmem>>, vector<1x16xf32>,
        %swap3A_1534 = vector.shape_cast %swap3A_1533 : vector<1x16xf32> to vector<16xf32>
        %swap3A_1535 = vector.shape_cast %mul3A_1530 : vector<16xf32> to vector<1x16xf32>
        tpu.vector_store %arg12[%swap3A_1531, %swap3A_1532], %swap3A_1535 {strides = array<i32>} : memref<128x128xf32, #tpu.memory_space<vmem>>, vector<1x16xf32>,
        %get3A_1536 = arith.index_cast %add3A_1502 : i32 to index
        %get3A_1537 = arith.constant 48 : index
        %get3A_1538 = tpu.vector_load %arg12[%get3A_1536, %get3A_1537] {strides = array<i32>} : memref<128x128xf32, #tpu.memory_space<vmem>>, vector<1x16xf32>,
        %get3A_1539 = vector.shape_cast %get3A_1538 : vector<1x16xf32> to vector<16xf32>
        %mul3A_1540 = vector.broadcast %squeeze3A_1498 : f32 to vector<16xf32>
        %mul3A_1541 = arith.mulf %get3A_1539, %mul3A_1540 : vector<16xf32>
        %swap3A_1542 = arith.index_cast %add3A_1502 : i32 to index
        %swap3A_1543 = arith.constant 48 : index
        %swap3A_1544 = tpu.vector_load %arg12[%swap3A_1542, %swap3A_1543] {strides = array<i32>} : memref<128x128xf32, #tpu.memory_space<vmem>>, vector<1x16xf32>,
        %swap3A_1545 = vector.shape_cast %swap3A_1544 : vector<1x16xf32> to vector<16xf32>
        %swap3A_1546 = vector.shape_cast %mul3A_1541 : vector<16xf32> to vector<1x16xf32>
        tpu.vector_store %arg12[%swap3A_1542, %swap3A_1543], %swap3A_1546 {strides = array<i32>} : memref<128x128xf32, #tpu.memory_space<vmem>>, vector<1x16xf32>,
        %get3A_1547 = arith.index_cast %add3A_1502 : i32 to index
        %get3A_1548 = arith.constant 64 : index
        %get3A_1549 = tpu.vector_load %arg12[%get3A_1547, %get3A_1548] {strides = array<i32>} : memref<128x128xf32, #tpu.memory_space<vmem>>, vector<1x16xf32>,
        %get3A_1550 = vector.shape_cast %get3A_1549 : vector<1x16xf32> to vector<16xf32>
        %mul3A_1551 = vector.broadcast %squeeze3A_1498 : f32 to vector<16xf32>
        %mul3A_1552 = arith.mulf %get3A_1550, %mul3A_1551 : vector<16xf32>
        %swap3A_1553 = arith.index_cast %add3A_1502 : i32 to index
        %swap3A_1554 = arith.constant 64 : index
        %swap3A_1555 = tpu.vector_load %arg12[%swap3A_1553, %swap3A_1554] {strides = array<i32>} : memref<128x128xf32, #tpu.memory_space<vmem>>, vector<1x16xf32>,
        %swap3A_1556 = vector.shape_cast %swap3A_1555 : vector<1x16xf32> to vector<16xf32>
        %swap3A_1557 = vector.shape_cast %mul3A_1552 : vector<16xf32> to vector<1x16xf32>
        tpu.vector_store %arg12[%swap3A_1553, %swap3A_1554], %swap3A_1557 {strides = array<i32>} : memref<128x128xf32, #tpu.memory_space<vmem>>, vector<1x16xf32>,
        %get3A_1558 = arith.index_cast %add3A_1502 : i32 to index
        %get3A_1559 = arith.constant 80 : index
        %get3A_1560 = tpu.vector_load %arg12[%get3A_1558, %get3A_1559] {strides = array<i32>} : memref<128x128xf32, #tpu.memory_space<vmem>>, vector<1x16xf32>,
        %get3A_1561 = vector.shape_cast %get3A_1560 : vector<1x16xf32> to vector<16xf32>
        %mul3A_1562 = vector.broadcast %squeeze3A_1498 : f32 to vector<16xf32>
        %mul3A_1563 = arith.mulf %get3A_1561, %mul3A_1562 : vector<16xf32>
        %swap3A_1564 = arith.index_cast %add3A_1502 : i32 to index
        %swap3A_1565 = arith.constant 80 : index
        %swap3A_1566 = tpu.vector_load %arg12[%swap3A_1564, %swap3A_1565] {strides = array<i32>} : memref<128x128xf32, #tpu.memory_space<vmem>>, vector<1x16xf32>,
        %swap3A_1567 = vector.shape_cast %swap3A_1566 : vector<1x16xf32> to vector<16xf32>
        %swap3A_1568 = vector.shape_cast %mul3A_1563 : vector<16xf32> to vector<1x16xf32>
        tpu.vector_store %arg12[%swap3A_1564, %swap3A_1565], %swap3A_1568 {strides = array<i32>} : memref<128x128xf32, #tpu.memory_space<vmem>>, vector<1x16xf32>,
        %get3A_1569 = arith.index_cast %add3A_1502 : i32 to index
        %get3A_1570 = arith.constant 96 : index
        %get3A_1571 = tpu.vector_load %arg12[%get3A_1569, %get3A_1570] {strides = array<i32>} : memref<128x128xf32, #tpu.memory_space<vmem>>, vector<1x16xf32>,
        %get3A_1572 = vector.shape_cast %get3A_1571 : vector<1x16xf32> to vector<16xf32>
        %mul3A_1573 = vector.broadcast %squeeze3A_1498 : f32 to vector<16xf32>
        %mul3A_1574 = arith.mulf %get3A_1572, %mul3A_1573 : vector<16xf32>
        %swap3A_1575 = arith.index_cast %add3A_1502 : i32 to index
        %swap3A_1576 = arith.constant 96 : index
        %swap3A_1577 = tpu.vector_load %arg12[%swap3A_1575, %swap3A_1576] {strides = array<i32>} : memref<128x128xf32, #tpu.memory_space<vmem>>, vector<1x16xf32>,
        %swap3A_1578 = vector.shape_cast %swap3A_1577 : vector<1x16xf32> to vector<16xf32>
        %swap3A_1579 = vector.shape_cast %mul3A_1574 : vector<16xf32> to vector<1x16xf32>
        tpu.vector_store %arg12[%swap3A_1575, %swap3A_1576], %swap3A_1579 {strides = array<i32>} : memref<128x128xf32, #tpu.memory_space<vmem>>, vector<1x16xf32>,
        %get3A_1580 = arith.index_cast %add3A_1502 : i32 to index
        %get3A_1581 = arith.constant 112 : index
        %get3A_1582 = tpu.vector_load %arg12[%get3A_1580, %get3A_1581] {strides = array<i32>} : memref<128x128xf32, #tpu.memory_space<vmem>>, vector<1x16xf32>,
        %get3A_1583 = vector.shape_cast %get3A_1582 : vector<1x16xf32> to vector<16xf32>
        %mul3A_1584 = vector.broadcast %squeeze3A_1498 : f32 to vector<16xf32>
        %mul3A_1585 = arith.mulf %get3A_1583, %mul3A_1584 : vector<16xf32>
        %swap3A_1586 = arith.index_cast %add3A_1502 : i32 to index
        %swap3A_1587 = arith.constant 112 : index
        %swap3A_1588 = tpu.vector_load %arg12[%swap3A_1586, %swap3A_1587] {strides = array<i32>} : memref<128x128xf32, #tpu.memory_space<vmem>>, vector<1x16xf32>,
        %swap3A_1589 = vector.shape_cast %swap3A_1588 : vector<1x16xf32> to vector<16xf32>
        %swap3A_1590 = vector.shape_cast %mul3A_1585 : vector<16xf32> to vector<1x16xf32>
        tpu.vector_store %arg12[%swap3A_1586, %swap3A_1587], %swap3A_1590 {strides = array<i32>} : memref<128x128xf32, #tpu.memory_space<vmem>>, vector<1x16xf32>,
        %scan3A_1591 = arith.constant 0 : i32
        scf.yield %scan3A_1591 : i32
      }
      %scan3A_83 = arith.constant 8 : i32
      "tpu.region"() ({
        %run_scoped3A = tpu.sem_alloc : memref<!tpu.dma_semaphore, #tpu.memory_space<semaphore_mem>>
        %dma_start3A_84 = arith.constant 0 : i32
        %dma_start3A_85 = arith.constant 0 : i32
        %dma_start3A_86 = tpu.memref_slice %arg13[%dma_start3A_84, %dma_start3A_85] : memref<10000x128xf32, #tpu.memory_space<vmem_shared>> -> memref<10000x128xf32, #tpu.memory_space<vmem_shared>>
        tpu.enqueue_indirect_dma source(%arg12 : memref<128x128xf32, #tpu.memory_space<vmem>>) target(%dma_start3A_86 : memref<10000x128xf32, #tpu.memory_space<vmem_shared>>) offsets(%arg10 : memref<128xi32, #tpu.memory_space<vmem>>) semaphore(%run_scoped3A : memref<!tpu.dma_semaphore, #tpu.memory_space<semaphore_mem>>) {add = true}
        %dma_wait3A_87 = arith.constant 0 : i32
        %dma_wait3A_88 = arith.constant 0 : i32
        %dma_wait3A_89 = tpu.memref_slice %arg13[%dma_wait3A_87, %dma_wait3A_88] : memref<10000x128xf32, #tpu.memory_space<vmem_shared>> -> memref<10000x128xf32, #tpu.memory_space<vmem_shared>>
        tpu.wait_indirect_dma semaphore(%run_scoped3A : memref<!tpu.dma_semaphore, #tpu.memory_space<semaphore_mem>>) src(%arg12 : memref<128x128xf32, #tpu.memory_space<vmem>>) dst(%dma_wait3A_89 : memref<10000x128xf32, #tpu.memory_space<vmem_shared>>)
        tpu.yield
      }) : () -> ()
    }
    %barrier3A_24 = arith.constant 0 : index
    tpu.barrier barrier_id(%barrier3A_24)
    %eq3A_25 = arith.constant 0 : i32
    %eq3A_26 = arith.cmpi eq, %arg0, %eq3A_25 : i32
    %lt3A_27 = arith.constant 15 : i32
    %lt3A_28 = arith.cmpi slt, %arg1, %lt3A_27 : i32
    %and3A = arith.andi %eq3A_26, %lt3A_28 : i1
    %convert_element_type3A_29 = arith.extui %and3A : i1 to i32
    %cond3A_30 = arith.constant 0 : i32
    %cond3A_31 = arith.cmpi ne, %convert_element_type3A_29, %cond3A_30 : i32
    scf.if %cond3A_31 {
      "tpu.region"() ({
        %run_scoped3A = tpu.sem_alloc : memref<!tpu.dma_semaphore, #tpu.memory_space<semaphore_mem>>
        %dma_start3A = arith.constant 0 : i32
        %dma_start3A_56 = tpu.memref_slice %arg7[%multiple_of3A, %dma_start3A] : memref<10000x128xf32, #tpu.memory_space<hbm>> -> memref<624x128xf32, #tpu.memory_space<hbm>>
        %dma_start3A_57 = arith.constant 0 : i32
        %dma_start3A_58 = tpu.memref_slice %arg13[%multiple_of3A, %dma_start3A_57] : memref<10000x128xf32, #tpu.memory_space<vmem_shared>> -> memref<624x128xf32, #tpu.memory_space<vmem_shared>>
        tpu.enqueue_dma source(%dma_start3A_58 : memref<624x128xf32, #tpu.memory_space<vmem_shared>>) target(%dma_start3A_56 : memref<624x128xf32, #tpu.memory_space<hbm>>) target_semaphore(%run_scoped3A : memref<!tpu.dma_semaphore, #tpu.memory_space<semaphore_mem>>)
        %dma_wait3A = arith.constant 0 : i32
        %dma_wait3A_59 = tpu.memref_slice %arg7[%multiple_of3A, %dma_wait3A] : memref<10000x128xf32, #tpu.memory_space<hbm>> -> memref<624x128xf32, #tpu.memory_space<hbm>>
        %dma_wait3A_60 = arith.constant 0 : i32
        %dma_wait3A_61 = tpu.memref_slice %arg13[%multiple_of3A, %dma_wait3A_60] : memref<10000x128xf32, #tpu.memory_space<vmem_shared>> -> memref<624x128xf32, #tpu.memory_space<vmem_shared>>
        tpu.wait_dma2 semaphore(%run_scoped3A : memref<!tpu.dma_semaphore, #tpu.memory_space<semaphore_mem>>) src(%dma_wait3A_61 : memref<624x128xf32, #tpu.memory_space<vmem_shared>>) dst(%dma_wait3A_59 : memref<624x128xf32, #tpu.memory_space<hbm>>)
        tpu.yield
      }) : () -> ()
    } else {
    }
    %eq3A_32 = arith.constant 0 : i32
    %eq3A_33 = arith.cmpi eq, %arg0, %eq3A_32 : i32
    %eq3A_34 = arith.constant 15 : i32
    %eq3A_35 = arith.cmpi eq, %arg1, %eq3A_34 : i32
    %and3A_36 = arith.andi %eq3A_33, %eq3A_35 : i1
    %convert_element_type3A_37 = arith.extui %and3A_36 : i1 to i32
    %cond3A_38 = arith.constant 0 : i32
    %cond3A_39 = arith.cmpi ne, %convert_element_type3A_37, %cond3A_38 : i32
    scf.if %cond3A_39 {
      "tpu.region"() ({
        %run_scoped3A = tpu.sem_alloc : memref<!tpu.dma_semaphore, #tpu.memory_space<semaphore_mem>>
        %dma_start3A = arith.constant 0 : i32
        %dma_start3A_56 = tpu.memref_slice %arg7[%multiple_of3A, %dma_start3A] : memref<10000x128xf32, #tpu.memory_space<hbm>> -> memref<640x128xf32, #tpu.memory_space<hbm>>
        %dma_start3A_57 = arith.constant 0 : i32
        %dma_start3A_58 = tpu.memref_slice %arg13[%multiple_of3A, %dma_start3A_57] : memref<10000x128xf32, #tpu.memory_space<vmem_shared>> -> memref<640x128xf32, #tpu.memory_space<vmem_shared>>
        tpu.enqueue_dma source(%dma_start3A_58 : memref<640x128xf32, #tpu.memory_space<vmem_shared>>) target(%dma_start3A_56 : memref<640x128xf32, #tpu.memory_space<hbm>>) target_semaphore(%run_scoped3A : memref<!tpu.dma_semaphore, #tpu.memory_space<semaphore_mem>>)
        %dma_wait3A = arith.constant 0 : i32
        %dma_wait3A_59 = tpu.memref_slice %arg7[%multiple_of3A, %dma_wait3A] : memref<10000x128xf32, #tpu.memory_space<hbm>> -> memref<640x128xf32, #tpu.memory_space<hbm>>
        %dma_wait3A_60 = arith.constant 0 : i32
        %dma_wait3A_61 = tpu.memref_slice %arg13[%multiple_of3A, %dma_wait3A_60] : memref<10000x128xf32, #tpu.memory_space<vmem_shared>> -> memref<640x128xf32, #tpu.memory_space<vmem_shared>>
        tpu.wait_dma2 semaphore(%run_scoped3A : memref<!tpu.dma_semaphore, #tpu.memory_space<semaphore_mem>>) src(%dma_wait3A_61 : memref<640x128xf32, #tpu.memory_space<vmem_shared>>) dst(%dma_wait3A_59 : memref<640x128xf32, #tpu.memory_space<hbm>>)
        tpu.yield
      }) : () -> ()
    } else {
    }
    %eq3A_40 = arith.constant 1 : i32
    %eq3A_41 = arith.cmpi eq, %arg0, %eq3A_40 : i32
    %lt3A_42 = arith.constant 15 : i32
    %lt3A_43 = arith.cmpi slt, %arg1, %lt3A_42 : i32
    %and3A_44 = arith.andi %eq3A_41, %lt3A_43 : i1
    %convert_element_type3A_45 = arith.extui %and3A_44 : i1 to i32
    %cond3A_46 = arith.constant 0 : i32
    %cond3A_47 = arith.cmpi ne, %convert_element_type3A_45, %cond3A_46 : i32
    scf.if %cond3A_47 {
      "tpu.region"() ({
        %run_scoped3A = tpu.sem_alloc : memref<!tpu.dma_semaphore, #tpu.memory_space<semaphore_mem>>
        %dma_start3A = arith.constant 0 : i32
        %dma_start3A_56 = tpu.memref_slice %arg8[%multiple_of3A, %dma_start3A] : memref<10000x128xf32, #tpu.memory_space<hbm>> -> memref<624x128xf32, #tpu.memory_space<hbm>>
        %dma_start3A_57 = arith.constant 0 : i32
        %dma_start3A_58 = tpu.memref_slice %arg13[%multiple_of3A, %dma_start3A_57] : memref<10000x128xf32, #tpu.memory_space<vmem_shared>> -> memref<624x128xf32, #tpu.memory_space<vmem_shared>>
        tpu.enqueue_dma source(%dma_start3A_58 : memref<624x128xf32, #tpu.memory_space<vmem_shared>>) target(%dma_start3A_56 : memref<624x128xf32, #tpu.memory_space<hbm>>) target_semaphore(%run_scoped3A : memref<!tpu.dma_semaphore, #tpu.memory_space<semaphore_mem>>)
        %dma_wait3A = arith.constant 0 : i32
        %dma_wait3A_59 = tpu.memref_slice %arg8[%multiple_of3A, %dma_wait3A] : memref<10000x128xf32, #tpu.memory_space<hbm>> -> memref<624x128xf32, #tpu.memory_space<hbm>>
        %dma_wait3A_60 = arith.constant 0 : i32
        %dma_wait3A_61 = tpu.memref_slice %arg13[%multiple_of3A, %dma_wait3A_60] : memref<10000x128xf32, #tpu.memory_space<vmem_shared>> -> memref<624x128xf32, #tpu.memory_space<vmem_shared>>
        tpu.wait_dma2 semaphore(%run_scoped3A : memref<!tpu.dma_semaphore, #tpu.memory_space<semaphore_mem>>) src(%dma_wait3A_61 : memref<624x128xf32, #tpu.memory_space<vmem_shared>>) dst(%dma_wait3A_59 : memref<624x128xf32, #tpu.memory_space<hbm>>)
        tpu.yield
      }) : () -> ()
    } else {
    }
    %eq3A_48 = arith.constant 1 : i32
    %eq3A_49 = arith.cmpi eq, %arg0, %eq3A_48 : i32
    %eq3A_50 = arith.constant 15 : i32
    %eq3A_51 = arith.cmpi eq, %arg1, %eq3A_50 : i32
    %and3A_52 = arith.andi %eq3A_49, %eq3A_51 : i1
    %convert_element_type3A_53 = arith.extui %and3A_52 : i1 to i32
    %cond3A_54 = arith.constant 0 : i32
    %cond3A_55 = arith.cmpi ne, %convert_element_type3A_53, %cond3A_54 : i32
    scf.if %cond3A_55 {
      "tpu.region"() ({
        %run_scoped3A = tpu.sem_alloc : memref<!tpu.dma_semaphore, #tpu.memory_space<semaphore_mem>>
        %dma_start3A = arith.constant 0 : i32
        %dma_start3A_56 = tpu.memref_slice %arg8[%multiple_of3A, %dma_start3A] : memref<10000x128xf32, #tpu.memory_space<hbm>> -> memref<640x128xf32, #tpu.memory_space<hbm>>
        %dma_start3A_57 = arith.constant 0 : i32
        %dma_start3A_58 = tpu.memref_slice %arg13[%multiple_of3A, %dma_start3A_57] : memref<10000x128xf32, #tpu.memory_space<vmem_shared>> -> memref<640x128xf32, #tpu.memory_space<vmem_shared>>
        tpu.enqueue_dma source(%dma_start3A_58 : memref<640x128xf32, #tpu.memory_space<vmem_shared>>) target(%dma_start3A_56 : memref<640x128xf32, #tpu.memory_space<hbm>>) target_semaphore(%run_scoped3A : memref<!tpu.dma_semaphore, #tpu.memory_space<semaphore_mem>>)
        %dma_wait3A = arith.constant 0 : i32
        %dma_wait3A_59 = tpu.memref_slice %arg8[%multiple_of3A, %dma_wait3A] : memref<10000x128xf32, #tpu.memory_space<hbm>> -> memref<640x128xf32, #tpu.memory_space<hbm>>
        %dma_wait3A_60 = arith.constant 0 : i32
        %dma_wait3A_61 = tpu.memref_slice %arg13[%multiple_of3A, %dma_wait3A_60] : memref<10000x128xf32, #tpu.memory_space<vmem_shared>> -> memref<640x128xf32, #tpu.memory_space<vmem_shared>>
        tpu.wait_dma2 semaphore(%run_scoped3A : memref<!tpu.dma_semaphore, #tpu.memory_space<semaphore_mem>>) src(%dma_wait3A_61 : memref<640x128xf32, #tpu.memory_space<vmem_shared>>) dst(%dma_wait3A_59 : memref<640x128xf32, #tpu.memory_space<hbm>>)
        tpu.yield
      }) : () -> ()
    } else {
    }
    return
  }
}

</mosaic_0001>

<sc_bundles>
// kernel: _gcn.3.cloned.1.call-start
scs
__scs_entry_jumppad:
0x0: {  	(pc) =	sbr.rel $0x88, $3  }
0x1: {  	(tag) =	ssettag $0x0;
	lr =	simm.s32 $0x1  }
0x2: {  	[smem:$0x3F9C] =	sst lr;
	_ =	strace $0xD0000000  }
0x3: {  	_ = 	snop  }
0x4: {  	_ = 	snop  }
0x5: {  	_ = 	snop  }
0x6: {  	_ = 	snop  }
0x7: {  	_ = 	snop  }
__scs_overlays_trampoline_lowered:
0x8: {  	[smem:$0x3FAB] =	sst s0  }
0x9: {  	[smem:$0x3FAC] =	sst s1  }
0xa: {  	[smem:$0x3FAD] =	sst s2  }
0xb: {  	[smem:$0x3FAE] =	sst s3  }
0xc: {  	[smem:$0x3FAF] =	sst s4  }
0xd: {  	[smem:$0x3FB0] =	sst s5  }
0xe: {  	[smem:$0x3FB1] =	sst s6  }
0xf: {  	[smem:$0x3FB2] =	sst s7  }
0x10: {  	[smem:$0x3FB3] =	sst s8  }
0x11: {  	[smem:$0x3FB4] =	sst s9;
	s0 =	simm.s32 @!p0 $0x0  }
0x12: {  	s1 =	sld [smem:$0x3F9A];
	s0 =	simm.s32 @p0 $0x1  }
0x13: {  	[smem:$0x3FB5] =	sst s0;
	s0 =	simm.s32 @!p1 $0x0  }
0x14: {  	s2 =	sld [smem:$0x3F99];
	s0 =	simm.s32 @p1 $0x1  }
0x15: {  	[smem:$0x3FB6] =	sst s0;
	s0 =	simm.s32 @!p2 $0x0  }
0x16: {  	s3 =	sld [smem:$0x3FDB];
	s0 =	simm.s32 @p2 $0x1  }
0x17: {  	s4 =	simm.s32 $0x1BF5;
	[smem:$0x3FB8] =	sst s0  }
0x18: {  	s0 =	sld [smem:$0x3F9B];
	_ =	swait.ge [sflag:s4], $0x0  }
0x19: {  	s7 =	sld [smem:$0x3F9C]  }
0x1a: {  	s8 =	sadd.s32 $0xFFFFE003, lr  }
0x1b: {  	s9 =	sadd.s32 $0xFFFFFEF7, lr;
	s5 =	simm.s32 $0xFFFFFFFF;
	p2 =	slt.u32 s8, $0xFFFFF086  }
0x1c: {  	p1 =	slt.u32 s9, $0xF7A;
	s5 =	simm.s32 @!p2 $0x0  }
0x1d: {  	s5 =	simm.s32 @p1 $0x1;
	p0 =	seq.s32 s7, s2  }
0x1e: {  	s7 =	smul.u32 @!p0 $0xF7A, s2;
	p2 =	seq.s32 @!p0 s5, $0x0  }
0x1f: {  	s9 =	smul.u32 $0xF7A, s1;
	s8 =	simm.s32 @!p0 $0x1BF5;
	p2 =	por !p2, p0  }
0x20: {  	[sflag:s8] =	ssyncset.s32 @!p0 $0xFFFFF086;
	s6 =	sadd.s32 @!p0 s3, s7;
	s7 =	simm.s32 @!p0 $0x108  }
0x21: {  	s3 =	sadd.s32 s3, s9;
	s6 =	sadd.s32 @!p0 $0x88, s6;
	s7 =	simm.s32 @p2 $0x1082  }
0x22: {  	[simem:s7], [sflag:s8] =	dma.local @!p0 [hbm:s6], $0xF7A  }
0x23: {  	s9 =	sor.u32 $0xD0000000, s2;
	s6 =	simm.s32 $0x108;
	_ =	swait.ge @!p0 [sflag:s8], $0x0  }
0x24: {  	s3 =	sadd.s32 $0x88, s3;
	s6 =	simm.s32 @!p1 $0x1082;
	[sflag:s4] =	ssyncset.s32 $0xFFFFF086  }
0x25: {  	[simem:s6], [sflag:s4] =	dma.local [hbm:s3], $0xF7A  }
0x26: {  	[smem:$0x3F9C] =	sst s1;
	(tag) =	ssettag s2;
	_ =	strace s9  }
0x27: {  	s1 =	sld [smem:$0x3FAC]  }
0x28: {  	s2 =	sld [smem:$0x3FAD]  }
0x29: {  	s4 =	sld [smem:$0x3FAF]  }
0x2a: {  	p0 =	seq.s32 s5, $0x0;
	s5 =	sld [smem:$0x3FB0]  }
0x2b: {  	s6 =	sld [smem:$0x3FB1]  }
0x2c: {  	s7 =	sld [smem:$0x3FB2]  }
0x2d: {  	s3 =	simm.s32 $0x108;
	s8 =	sld [smem:$0x3FB3]  }
0x2e: {  	s3 =	simm.s32 @!p0 $0x1082;
	s9 =	sld [smem:$0x3FB4]  }
0x2f: {  	lr =	sadd.s32 s0, s3;
	s0 =	sld [smem:$0x3FAB]  }
0x30: {  	s3 =	sld [smem:$0x3FAE]  }
0x31: {  	[smem:$0x3FB7] =	sst s10  }
0x32: {  	s10 =	sld [smem:$0x3FB5];
	_ =	sdelay $0x3  }
0x33: {  	p0 =	seq.s32 s10, $0x1;
	s10 =	sld [smem:$0x3FB7];
	_ =	sdelay $0x3  }
0x34: {  	[smem:$0x3FB7] =	sst s10  }
0x35: {  	s10 =	sld [smem:$0x3FB6];
	_ =	sdelay $0x3  }
0x36: {  	p1 =	seq.s32 s10, $0x1;
	s10 =	sld [smem:$0x3FB7];
	_ =	sdelay $0x3  }
0x37: {  	[smem:$0x3FB7] =	sst s10  }
0x38: {  	s10 =	sld [smem:$0x3FB8]  }
0x39: {  	_ = 	snop;
	(pc) =	sbr.ind lr, $3  }
0x3a: {  	_ = 	snop  }
0x3b: {  	_ = 	snop  }
0x3c: {  	p2 =	seq.s32 s10, $0x1;
	s10 =	sld [smem:$0x3FB7]  }
0x3d: {  	_ =	shalt  }
0x3e: {  	_ =	shalt  }
0x3f: {  	_ =	shalt  }
0x40: {  	_ =	shalt  }
0x41: {  	_ =	shalt  }
0x42: {  	_ =	shalt  }
0x43: {  	_ =	shalt  }
0x44: {  	_ =	shalt  }
0x45: {  	_ =	shalt  }
0x46: {  	_ =	shalt  }
0x47: {  	_ =	shalt  }
0x48: {  	_ =	shalt  }
0x49: {  	_ =	shalt  }
0x4a: {  	_ =	shalt  }
0x4b: {  	_ =	shalt  }
0x4c: {  	_ =	shalt  }
0x4d: {  	_ =	shalt  }
0x4e: {  	_ =	shalt  }
0x4f: {  	_ =	shalt  }
0x50: {  	_ =	shalt  }
0x51: {  	_ =	shalt  }
0x52: {  	_ =	shalt  }
0x53: {  	_ =	shalt  }
0x54: {  	_ =	shalt  }
0x55: {  	_ =	shalt  }
0x56: {  	_ =	shalt  }
0x57: {  	_ =	shalt  }
0x58: {  	_ =	shalt  }
0x59: {  	_ =	shalt  }
0x5a: {  	_ =	shalt  }
0x5b: {  	_ =	shalt  }
0x5c: {  	_ =	shalt  }
0x5d: {  	_ =	shalt  }
0x5e: {  	_ =	shalt  }
0x5f: {  	_ =	shalt  }
0x60: {  	_ =	shalt  }
0x61: {  	_ =	shalt  }
0x62: {  	_ =	shalt  }
0x63: {  	_ =	shalt  }
0x64: {  	_ =	shalt  }
0x65: {  	_ =	shalt  }
0x66: {  	_ =	shalt  }
0x67: {  	_ =	shalt  }
0x68: {  	_ =	shalt  }
0x69: {  	_ =	shalt  }
0x6a: {  	_ =	shalt  }
0x6b: {  	_ =	shalt  }
0x6c: {  	_ =	shalt  }
0x6d: {  	_ =	shalt  }
0x6e: {  	_ =	shalt  }
0x6f: {  	_ =	shalt  }
0x70: {  	_ =	shalt  }
0x71: {  	_ =	shalt  }
0x72: {  	_ =	shalt  }
0x73: {  	_ =	shalt  }
0x74: {  	_ =	shalt  }
0x75: {  	_ =	shalt  }
0x76: {  	_ =	shalt  }
0x77: {  	_ =	shalt  }
0x78: {  	_ =	shalt  }
0x79: {  	_ =	shalt  }
0x7a: {  	_ =	shalt  }
0x7b: {  	_ =	shalt  }
0x7c: {  	_ =	shalt  }
0x7d: {  	_ =	shalt  }
0x7e: {  	_ =	shalt  }
0x7f: {  	_ =	shalt  }
0x80: {  	_ =	shalt  }
0x81: {  	_ =	shalt  }
0x82: {  	_ =	shalt  }
0x83: {  	_ =	shalt  }
0x84: {  	_ =	shalt  }
0x85: {  	_ =	shalt  }
0x86: {  	_ =	shalt  }
0x87: {  	_ =	shalt  }
.Lfunc_end0:
.L_simem_size_0:
called_computation_lowered:
.L_overlay_start_0:
0x88: {  	s2 =	sld [smem:$0x3FD9]  }
0x89: {  	s3 =	sld [smem:$0x3FFE];
	_ =	sdelay $0x1  }
0x8a: {  	s1 =	srdreg.scid  }
0x8b: {  	s0 =	sand.u32 $0x1, s1  }
0x8c: {  	s15 =	sshll.u32 s0, $0xA;
	s2 =	sadd.s32 s3, s2  }
0x8d: {  	s2 =	sadd.s32 s2, s15  }
0x8e: {  	[smem:$0x3FC3] =	sst s2  }
0x8f: {  	_ = 	snop  }
0x90: {  	s2 =	sld [smem:$0x3FC9]  }
0x91: {  	s16 =	sld [smem:$0x3FC8]  }
0x92: {  	s4 =	sld [smem:$0x3FD0]  }
0x93: {  	s5 =	sld [smem:$0x3FC7]  }
0x94: {  	s6 =	sld [smem:$0x3FC6]  }
0x95: {  	s8 =	simm.s32 $0xA;
	s9 =	simm.s32 $0x10;
	s7 =	sld [smem:$0x3FC5]  }
0x96: {  	[smem:s9], [sflag:s8] =	dma.local [hbm:s4], $0x1  }
0x97: {  	_ =	swait.eq [sflag:s8], $0x1  }
0x98: {  	[sflag:s8] =	ssyncset.done $0x0  }
0x99: {  	s17 =	sld [smem:$0x10];
	[sflag:s8] =	ssyncadd.s32 $0xFFFFFFFF  }
0x9a: {  	s18 =	sld [smem:$0x11];
	(tm) =	ssettm $0x1  }
0x9b: {  	s19 =	sld [smem:$0x3FFB];
	_ =	sdelay $0x3  }
0x9c: {  	_ =	strace s19  }
0x9d: {  	s9 =	sld [smem:$0x3FFC];
	_ =	sdelay $0x3  }
0x9e: {  	_ =	strace s9  }
0x9f: {  	s9 =	sld [smem:$0x3FFD];
	_ =	sdelay $0x3  }
0xa0: {  	_ =	strace s9  }
0xa1: {  	_ =	strace $0x8FFFFFFF  }
0xa2: {  	s20 =	sld [smem:$0x3FDB];
	_ =	sdelay $0x1  }
0xa3: {  	s10 =	simm.s32 $_scs_section_size  }
0xa4: {  	s11 =	simm.s32 $_size__tile_overlayer_lowered;
	s12 =	simm.s32 $_tile_overlayer_lowered  }
0xa5: {  	s23 =	simm.s32 $0x1BFF;
	s22 =	sshll.u32 s12, $0x1;
	s9 =	sadd.s32 s10, s20  }
0xa6: {  	s13 =	simm.s32 $0x0;
	s21 =	sshll.u32 s11, $0x1;
	s11 =	sadd.s32 s22, s9  }
0xa7: {  	[timem:s13], [sflag:s23] =	dma.local [hbm:s11], s21  }
0xa8: {  	_ =	swait.ge [sflag:s23], s21  }
0xa9: {  	s10 =	ssub.s32 $0x0, s21;
	[sflag:s23] =	ssyncset.done $0x0  }
0xaa: {  	[sflag:s23] =	ssyncadd.s32 s10;
	_ =	sdelay $0x1  }
0xab: {  	s24 =	simm.s32 $0x1B8B  }
0xac: {  	_ =	swait.ge [sflag:s24], $0x1  }
0xad: {  	[sflag:s24] =	ssyncset.done $0x0  }
0xae: {  	s25 =	simm.s32 $0x1B8E;
	[sflag:s24] =	ssyncadd.s32 $0xFFFFFFFF  }
0xaf: {  	s26 =	simm.s32 $execute0_lowered;
	[smem:$0x3FD2] =	sst s25  }
0xb0: {  	s10 =	sshll.u32 s26, $0x1;
	_ =	strace $0x80000046;
	[dreg:$0x1] =	wrdreg $0xFFFFFFFF  }
0xb1: {  	s28 =	simm.s32 $_size_execute0_lowered;
	s9 =	sadd.s32 s9, s10;
	[dreg:$0x0] =	wrdreg $0x0  }
0xb2: {  	s10 =	sshll.u32 s28, $0x1;
	[dreg:$0x2] =	wrdreg s9  }
0xb3: {  	[dreg:$0x3] =	wrdreg s10  }
0xb4: {  	[dreg:$0x4] =	wrdreg $0xC0  }
0xb5: {  	_ =	task [dreg:s13], $0x5FFFF  }
0xb6: {  	[dreg:$0x1] =	wrdreg $0xFFFFFFFF  }
0xb7: {  	[dreg:$0x0] =	wrdreg $0x60  }
0xb8: {  	[dreg:$0x2] =	wrdreg s2  }
0xb9: {  	[dreg:$0x3] =	wrdreg s16  }
0xba: {  	[dreg:$0x4] =	wrdreg s5  }
0xbb: {  	[dreg:$0x5] =	wrdreg s6  }
0xbc: {  	[dreg:$0x6] =	wrdreg s7  }
0xbd: {  	[dreg:$0x7] =	wrdreg s17  }
0xbe: {  	[dreg:$0x8] =	wrdreg s18  }
0xbf: {  	[dreg:$0x9] =	wrdreg $0x41800  }
0xc0: {  	[dreg:$0xa] =	wrdreg $0x9  }
0xc1: {  	_ =	task.clear_ibuf [dreg:s13], $0xBFFFF;
	_ =	strace $0x90000046  }
0xc2: {  	s29 =	simm.s32 $0x9;
	_ =	strace $0x80000048  }
0xc3: {  	_ =	swait.ge [sflag:s29], $0x1  }
0xc4: {  	[sflag:s29] =	ssyncadd.s32 $0xFFFFFFFF  }
0xc5: {  	_ =	strace $0x90000048  }
0xc6: {  	_ =	sfence  }
0xc7: {  	s30 =	sld [smem:$0x0];
	_ =	sdelay $0x2  }
0xc8: {  	s31 =	sshll.u32 s1, $0xD;
	s1 =	sshrl.u32 s1, $0x2  }
0xc9: {  	s3 =	sand.u32 $0x4000, s31;
	s1 =	sadd.s32 s1, s30  }
0xca: {  	s0 =	sor.u32 s3, s0;
	s1 =	sshll.u32 s1, $0x11  }
0xcb: {  	s0 =	sor.u32 s1, s0  }
0xcc: {  	s0 =	sadd.s32 $0x8F2B, s0  }
0xcd: {  	[sflag:s0] =	ssyncadd.remote.s32 $0x1  }
0xce: {  	_ =	sfence.sel $0xFFFF  }
0xcf: {  	[dreg:$0x0] =	wrdreg $0xFFFFFFFF;
	(pc) =	sbr.abs _section_cstart, $3  }
0xd0: {  	[dreg:$0x1] =	wrdreg $0xFFFFFFFF  }
0xd1: {  	_ =	task.clear_ibuf [dreg:s13], $0x2FFFF;
	_ =	strace $0x9FFFFFFF  }
0xd2: {  	(tm) =	ssettm $0x7FFFFFFF  }
0xd3: {  	_ =	shalt  }
tec
execute0_lowered:
.L_overlay_start_1:
0x0: {  	(tag) =	ssettag $0x1  }
0x1: {  	s0 =	rddreg [dreg:$0x0]  }
0x2: {  	s1 =	rddreg [dreg:$0x1]  }
0x3: {  	s2 =	rddreg [dreg:$0x2]  }
0x4: {  	s3 =	rddreg [dreg:$0x3]  }
0x5: {  	s4 =	rddreg [dreg:$0x4]  }
0x6: {  	s5 =	rddreg [dreg:$0x5]  }
0x7: {  	s6 =	rddreg [dreg:$0x6]  }
0x8: {  	s8 =	srdreg.scid;
	s7 =	rddreg [dreg:$0x7]  }
0x9: {  	s9 =	simm.s32 $0x0;
	s15 =	simm.s32 $0x9D;
	s23 =	simm.s32 $0x80  }
0xa: {  	s24 =	simm.s32 $0x100;
	s25 =	simm.s32 $0x2;
	s26 =	simm.s32 $0x180  }
0xb: {  	s28 =	simm.s32 $0x1;
	s17 =	sand.u32 $0x1, s8;
	s8 =	stileid.u32  }
0xc: {  	s29 =	simm.s32 $0x3;
	[smem:$0x7FF] =	sst s9;
	s12 =	smul.u32 $0x4E000, s8  }
0xd: {  	s10 =	ssub.s32 $0x2, s17;
	_ =	strace $0x80000047;
	s18 =	smul.u32 $0x2700, s8  }
0xe: {  	p0 =	seq.s32 s8, $0xF;
	p4 =	sne.s32 s8, $0xF;
	s31 =	smul.u32 $0x9C, s8  }
0xf: {  	p1 =	slt.u32 s8, $0x4;
	s14 =	smin.u32 s8, $0x4;
	p2 =	seq.s32 s17, $0x0  }
0x10: {  	s16 =	smul.u32 $0x4E200, s17;
	s11 =	sshrl.u32 s10, $0x1;
	s15 =	simm.s32 @!p1 $0x9C  }
0x11: {  	p6 =	por !p2, !p4;
	p3 =	por !p2, !p0;
	p2 =	seq.s32 s17, $0x1  }
0x12: {  	s19 =	ssub.s32 s10, s11;
	s10 =	sadd.s32 $0x124800, s7;
	s11 =	sadd.s32 $0x24900, s4  }
0x13: {  	s12 =	sshrl.u32 s12, $0x2;
	s13 =	sadd.s32 s4, s18;
	s14 =	sadd.s32 s14, s31  }
.Ltmp0:
0x14: {  	p1 =	por !p6, !p6;
	s17 =	sadd.s32 s5, s18;
	(pc) =	sbr.rel .LBB2_1-.Ltmp0, $4  }
0x15: {  	p3 =	por !p3, !p3;
	p4 =	por !p4, !p2;
	s18 =	sadd.s32 s6, s18  }
0x16: {  	s4 =	sshll.u32 @!p0 s8, $0x6;
	s12 =	sadd.s32 s12, s7;
	s15 =	sadd.s32 s15, s14  }
0x17: {  	p4 =	por !p4, !p4;
	s19 =	smax.u32 s19, $0x1;
	s20 =	sshrl.u32 @p0 s10, $0x3  }
0x18: {  	s21 =	sor.u32 @!p0 $0x1C03, s4;
	s22 =	sshrl.u32 @!p0 s12, $0x3;
	p4 =	por !p4, p3  }
.LBB2_7:
0x19: {  	s9 =	sadd.s32 $0x1, s9  }
0x1a: {  	p5 =	sne.s32 s9, s19  }
.Ltmp1:
0x1b: {  	_ = 	snop;
	(pc) =	sbr.rel @!p5 .LBB2_8-.Ltmp1, $1  }
0x1c: {  	_ =	sdelay $0x3  }
.LBB2_1:
0x1d: {  	s4 =	simm.s32 @p0 $0x1FC3  }
0x1e: {  	[spmem:s20], [sflag:s4] =	dma.local @p0 [hbm:s11], $0x2800  }
0x1f: {  	s4 =	simm.s32 @p0 $0x3  }
0x20: {  	_ =	swait.ge @p0 [sflag:s4], $0x2800  }
0x21: {  	[sflag:s4] =	ssyncset.done @p0 $0x0  }
0x22: {  	[sflag:s4] =	ssyncadd.s32 @p0 $0xFFFFD800;
	s4 =	simm.s32 @!p0 $0x3  }
0x23: {  	[spmem:s22], [sflag:s21] =	dma.local @!p0 [hbm:s13], $0x2700  }
0x24: {  	_ =	swait.ge @!p0 [sflag:s4], $0x2700  }
0x25: {  	[sflag:s4] =	ssyncset.done @!p0 $0x0  }
0x26: {  	[sflag:s4] =	ssyncadd.s32 @!p0 $0xFFFFD900  }
0x27: {  	s31 =	smov.u32 s14;
	[bflag:$0x0] =	sbarrier.arrive $0xFFFF  }
.LBB2_2:
0x28: {  	s4 =	sshll.u32 s31, $0x7  }
0x29: {  	s4 =	sadd.s32 s16, s4  }
0x2a: {  	s4 =	sshrl.u32 s4, $0x3  }
0x2b: {  	s5 =	simm.s32 $0x0;
	s30 =	sadd.s32 s1, s4  }
0x2c: {  	[tilespmem:s5], [sflag:$0x2] =	stream.linear.gather [hbm4b:s30+s5], $0x80, $0x38;
	[tilespmem:$0x17A00] =	vst v63  }
0x2d: {  	s4 =	sadd.s32 s2, s4  }
0x2e: {  	[tilespmem:s23], [sflag:$0x2] =	stream.linear.gather [hbm4b:s4+s5], $0x80, $0x38;
	[tilespmem:$0x17A00] =	vst v63  }
0x2f: {  	s4 =	sshll.u32 s31, $0x4  }
0x30: {  	s4 =	sadd.s32 s3, s4  }
0x31: {  	[tilespmem:s24], [sflag:$0x2] =	stream.linear.gather [hbm4b:s4+s5], $0x80, $0x38;
	[tilespmem:$0x17A00] =	vst v63  }
0x32: {  	_ =	swait.ge [sflag:s25], $0x80  }
0x33: {  	[sflag:s25] =	ssyncset.done $0x0  }
0x34: {  	[sflag:s25] =	ssyncadd.s32 $0xFFFFFF80  }
0x35: {  	_ =	swait.ge [sflag:s25], $0x80  }
0x36: {  	[sflag:s25] =	ssyncset.done $0x0  }
0x37: {  	[sflag:s25] =	ssyncadd.s32 $0xFFFFFF80  }
0x38: {  	_ =	swait.ge [sflag:s25], $0x80  }
0x39: {  	[sflag:s25] =	ssyncset.done $0x0  }
0x3a: {  	[sflag:s25] =	ssyncadd.s32 $0xFFFFFF80  }
0x3b: {  	[tilespmem:s26], [sflag:$0x1] =	stream.indirect.gather [hbm4b:s0+s23], $0x80, s5, s23, $0xb8;
	[tilespmem:$0x17A00] =	vst v63  }
0x3c: {  	_ =	swait.ge [sflag:s28], $0x4000  }
0x3d: {  	s5 =	simm.s32 $0x0;
	[sflag:s28] =	ssyncset.done $0x0  }
0x3e: {  	s4 =	sand.u32 $0x3FFFFFF0, s5;
	s5 =	simm.s32 $0x0;
	[sflag:s28] =	ssyncadd.s32 $0xFFFFC000  }
0x3f: {  	v0 =	vld [tilespmem:s4+$0x100];
	s4 =	sand.u32 $0x3FFFF800, s5  }
0x40: {  	v6 =	vld [tilespmem:s4+$0x240]  }
0x41: {  	v2 =	vld [tilespmem:s4+$0x1A0]  }
0x42: {  	v3 =	vld [tilespmem:s4+$0x1B0]  }
0x43: {  	v9 =	vld [tilespmem:s4+$0x1E0]  }
0x44: {  	v10 =	vld [tilespmem:s4+$0x1F0];
	v1 =	vbroadcast v0, $0x0  }
0x45: {  	v11 =	vld [tilespmem:s4+$0x200]  }
0x46: {  	v12 =	vld [tilespmem:s4+$0x210];
	v2 =	vmul.f32 v2, v1  }
0x47: {  	v13 =	vld [tilespmem:s4+$0x220];
	v3 =	vmul.f32 v3, v1  }
0x48: {  	v8 =	vld [tilespmem:s4+$0x230];
	v28 =	vbroadcast v0, $0x1;
	v27 =	vmul.f32 v9, v1;
	[tilespmem:s4+$0x1A0] =	vst v2  }
0x49: {  	v7 =	vld [tilespmem:s4+$0x250];
	v10 =	vmul.f32 v10, v1;
	[tilespmem:s4+$0x1B0] =	vst v3  }
0x4a: {  	v5 =	vld [tilespmem:s4+$0x6F0];
	v11 =	vmul.f32 v11, v28;
	[tilespmem:s4+$0x1E0] =	vst v27  }
0x4b: {  	v30 =	vld [tilespmem:s4+$0x270];
	v12 =	vmul.f32 v12, v28;
	[tilespmem:s4+$0x1F0] =	vst v10  }
0x4c: {  	v31 =	vld [tilespmem:s4+$0x280];
	v13 =	vmul.f32 v13, v28;
	[tilespmem:s4+$0x200] =	vst v11  }
0x4d: {  	v32 =	vld [tilespmem:s4+$0x290];
	v8 =	vmul.f32 v8, v28;
	[tilespmem:s4+$0x210] =	vst v12  }
0x4e: {  	v29 =	vld [tilespmem:s4+$0x260];
	v6 =	vmul.f32 v6, v28;
	[tilespmem:s4+$0x220] =	vst v13  }
0x4f: {  	v33 =	vld [tilespmem:s4+$0x2A0];
	v14 =	vbroadcast v0, $0x2;
	v7 =	vmul.f32 v7, v28;
	[tilespmem:s4+$0x230] =	vst v8  }
0x50: {  	v34 =	vld [tilespmem:s4+$0x2B0];
	v9 =	vmul.f32 v30, v28;
	[tilespmem:s4+$0x240] =	vst v6  }
0x51: {  	v35 =	vld [tilespmem:s4+$0x2C0];
	v4 =	vbroadcast v0, $0xA;
	v37 =	vmul.f32 v31, v14;
	[tilespmem:s4+$0x250] =	vst v7  }
0x52: {  	v36 =	vld [tilespmem:s4+$0x2D0];
	v39 =	vmul.f32 v32, v14;
	[tilespmem:s4+$0x270] =	vst v9  }
0x53: {  	v38 =	vld [tilespmem:s4+$0x2E0];
	v2 =	vmul.f32 v5, v4;
	[tilespmem:s4+$0x280] =	vst v37  }
0x54: {  	v40 =	vld [tilespmem:s4+$0x2F0];
	v10 =	vmul.f32 v29, v28;
	[tilespmem:s4+$0x290] =	vst v39  }
0x55: {  	v41 =	vld [tilespmem:s4+$0x300];
	v8 =	vmul.f32 v33, v14;
	[tilespmem:s4+$0x6F0] =	vst v2  }
0x56: {  	v42 =	vld [tilespmem:s4+$0x310];
	v6 =	vmul.f32 v34, v14;
	[tilespmem:s4+$0x260] =	vst v10  }
0x57: {  	v43 =	vld [tilespmem:s4+$0x320];
	v7 =	vmul.f32 v35, v14;
	[tilespmem:s4+$0x2A0] =	vst v8  }
0x58: {  	v44 =	vld [tilespmem:s4+$0x330];
	v46 =	vbroadcast v0, $0x3;
	v9 =	vmul.f32 v38, v14;
	[tilespmem:s4+$0x2B0] =	vst v6  }
0x59: {  	v45 =	vld [tilespmem:s4+$0x340];
	v11 =	vmul.f32 v40, v14;
	[tilespmem:s4+$0x2C0] =	vst v7  }
0x5a: {  	v47 =	vld [tilespmem:s4+$0x350];
	v12 =	vmul.f32 v41, v46;
	[tilespmem:s4+$0x2E0] =	vst v9  }
0x5b: {  	v48 =	vld [tilespmem:s4+$0x360];
	v10 =	vmul.f32 v36, v14;
	[tilespmem:s4+$0x2F0] =	vst v11  }
0x5c: {  	v49 =	vld [tilespmem:s4+$0x370];
	v8 =	vmul.f32 v42, v46;
	[tilespmem:s4+$0x300] =	vst v12  }
0x5d: {  	v50 =	vld [tilespmem:s4+$0x380];
	v6 =	vmul.f32 v43, v46;
	[tilespmem:s4+$0x2D0] =	vst v10  }
0x5e: {  	v51 =	vld [tilespmem:s4+$0x390];
	v7 =	vmul.f32 v44, v46;
	[tilespmem:s4+$0x310] =	vst v8  }
0x5f: {  	v52 =	vld [tilespmem:s4+$0x3A0];
	v9 =	vmul.f32 v47, v46;
	[tilespmem:s4+$0x320] =	vst v6  }
0x60: {  	v53 =	vld [tilespmem:s4+$0x3B0];
	v11 =	vmul.f32 v48, v46;
	[tilespmem:s4+$0x330] =	vst v7  }
0x61: {  	v54 =	vld [tilespmem:s4+$0x3C0];
	v55 =	vbroadcast v0, $0x4;
	v12 =	vmul.f32 v49, v46;
	[tilespmem:s4+$0x350] =	vst v9  }
0x62: {  	v56 =	vld [tilespmem:s4+$0x3D0];
	v10 =	vmul.f32 v45, v46;
	[tilespmem:s4+$0x360] =	vst v11  }
0x63: {  	v57 =	vld [tilespmem:s4+$0x3E0];
	v8 =	vmul.f32 v50, v55;
	[tilespmem:s4+$0x370] =	vst v12  }
0x64: {  	v58 =	vld [tilespmem:s4+$0x3F0];
	v6 =	vmul.f32 v51, v55;
	[tilespmem:s4+$0x340] =	vst v10  }
0x65: {  	v59 =	vld [tilespmem:s4+$0x400];
	v7 =	vmul.f32 v52, v55;
	[tilespmem:s4+$0x380] =	vst v8  }
0x66: {  	v60 =	vld [tilespmem:s4+$0x410];
	v9 =	vmul.f32 v54, v55;
	[tilespmem:s4+$0x390] =	vst v6  }
0x67: {  	v61 =	vld [tilespmem:s4+$0x420];
	v11 =	vmul.f32 v56, v55;
	[tilespmem:s4+$0x3A0] =	vst v7  }
0x68: {  	v62 =	vld [tilespmem:s4+$0x430];
	v12 =	vmul.f32 v57, v55;
	[tilespmem:s4+$0x3C0] =	vst v9  }
0x69: {  	v63 =	vld [tilespmem:s4+$0x440];
	v16 =	vbroadcast v0, $0x5;
	v10 =	vmul.f32 v53, v55;
	[tilespmem:s4+$0x3D0] =	vst v11  }
0x6a: {  	v17 =	vld [tilespmem:s4+$0x450];
	v8 =	vmul.f32 v58, v55;
	[tilespmem:s4+$0x3E0] =	vst v12  }
0x6b: {  	v18 =	vld [tilespmem:s4+$0x460];
	v6 =	vmul.f32 v59, v16;
	[tilespmem:s4+$0x3B0] =	vst v10  }
0x6c: {  	v19 =	vld [tilespmem:s4+$0x470];
	v7 =	vmul.f32 v60, v16;
	[tilespmem:s4+$0x3F0] =	vst v8  }
0x6d: {  	v20 =	vld [tilespmem:s4+$0x480];
	v9 =	vmul.f32 v62, v16;
	[tilespmem:s4+$0x400] =	vst v6  }
0x6e: {  	v21 =	vld [tilespmem:s4+$0x490];
	v11 =	vmul.f32 v63, v16;
	[tilespmem:s4+$0x410] =	vst v7  }
0x6f: {  	v22 =	vld [tilespmem:s4+$0x4A0];
	v12 =	vmul.f32 v17, v16;
	[tilespmem:s4+$0x430] =	vst v9  }
0x70: {  	v23 =	vld [tilespmem:s4+$0x4B0];
	v10 =	vmul.f32 v61, v16;
	[tilespmem:s4+$0x440] =	vst v11  }
0x71: {  	v24 =	vld [tilespmem:s4+$0x4C0];
	v25 =	vbroadcast v0, $0x6;
	v8 =	vmul.f32 v18, v16;
	[tilespmem:s4+$0x450] =	vst v12  }
0x72: {  	v56 =	vld [tilespmem:s4+$0x680];
	v6 =	vmul.f32 v19, v16;
	[tilespmem:s4+$0x420] =	vst v10  }
0x73: {  	v26 =	vld [tilespmem:s4+$0x4D0];
	v7 =	vmul.f32 v20, v25;
	[tilespmem:s4+$0x460] =	vst v8  }
0x74: {  	v30 =	vld [tilespmem:s4+$0x510];
	v9 =	vmul.f32 v22, v25;
	[tilespmem:s4+$0x470] =	vst v6  }
0x75: {  	v27 =	vld [tilespmem:s4+$0x4E0];
	v11 =	vmul.f32 v23, v25;
	[tilespmem:s4+$0x480] =	vst v7  }
0x76: {  	v28 =	vld [tilespmem:s4+$0x4F0];
	v12 =	vmul.f32 v24, v25;
	[tilespmem:s4+$0x4A0] =	vst v9  }
0x77: {  	v31 =	vld [tilespmem:s4+$0x520];
	v62 =	vmul.f32 v56, v4;
	[tilespmem:s4+$0x4B0] =	vst v11  }
0x78: {  	v32 =	vld [tilespmem:s4+$0x530];
	v10 =	vmul.f32 v21, v25;
	[tilespmem:s4+$0x4C0] =	vst v12  }
0x79: {  	v3 =	vld [tilespmem:s4+$0x700];
	v8 =	vmul.f32 v26, v25;
	[tilespmem:s4+$0x680] =	vst v62  }
0x7a: {  	v5 =	vld [tilespmem:s4+$0x710];
	v34 =	vbroadcast v0, $0x7;
	v6 =	vmul.f32 v27, v25;
	[tilespmem:s4+$0x490] =	vst v10  }
0x7b: {  	v29 =	vld [tilespmem:s4+$0x500];
	v7 =	vmul.f32 v28, v25;
	[tilespmem:s4+$0x4D0] =	vst v8  }
0x7c: {  	v60 =	vld [tilespmem:s4+$0x6C0];
	v9 =	vmul.f32 v30, v34;
	[tilespmem:s4+$0x4E0] =	vst v6  }
0x7d: {  	v33 =	vld [tilespmem:s4+$0x540];
	v24 =	vbroadcast v0, $0xB;
	v11 =	vmul.f32 v31, v34;
	[tilespmem:s4+$0x4F0] =	vst v7  }
0x7e: {  	v35 =	vld [tilespmem:s4+$0x550];
	v12 =	vmul.f32 v32, v34;
	[tilespmem:s4+$0x510] =	vst v9  }
0x7f: {  	v38 =	vld [tilespmem:s4+$0x580];
	v3 =	vmul.f32 v3, v24;
	[tilespmem:s4+$0x520] =	vst v11  }
0x80: {  	v36 =	vld [tilespmem:s4+$0x560];
	v5 =	vmul.f32 v5, v24;
	[tilespmem:s4+$0x530] =	vst v12  }
0x81: {  	v2 =	vld [tilespmem:s4+$0x950];
	v19 =	vmul.f32 v60, v4;
	[tilespmem:s4+$0x700] =	vst v3  }
0x82: {  	v39 =	vld [tilespmem:s4+$0x590];
	v10 =	vmul.f32 v29, v34;
	[tilespmem:s4+$0x710] =	vst v5  }
0x83: {  	v40 =	vld [tilespmem:s4+$0x5A0];
	v8 =	vmul.f32 v33, v34;
	[tilespmem:s4+$0x6C0] =	vst v19  }
0x84: {  	v43 =	vbroadcast v0, $0x8;
	v61 =	vld [tilespmem:s4+$0x6D0];
	v6 =	vmul.f32 v35, v34;
	[tilespmem:s4+$0x500] =	vst v10  }
0x85: {  	v16 =	vld [tilespmem:s4+$0x180];
	v7 =	vmul.f32 v36, v34;
	[tilespmem:s4+$0x540] =	vst v8  }
0x86: {  	v37 =	vld [tilespmem:s4+$0x570];
	v9 =	vmul.f32 v38, v43;
	[tilespmem:s4+$0x550] =	vst v6  }
0x87: {  	v41 =	vld [tilespmem:s4+$0x5B0];
	v11 =	vmul.f32 v39, v43;
	[tilespmem:s4+$0x560] =	vst v7  }
0x88: {  	v42 =	vld [tilespmem:s4+$0x5C0];
	v12 =	vmul.f32 v40, v43;
	[tilespmem:s4+$0x580] =	vst v9  }
0x89: {  	v44 =	vld [tilespmem:s4+$0x5D0];
	v21 =	vmul.f32 v61, v4;
	[tilespmem:s4+$0x590] =	vst v11  }
0x8a: {  	v46 =	vld [tilespmem:s4+$0x5F0];
	v25 =	vmul.f32 v1, v16;
	[tilespmem:s4+$0x5A0] =	vst v12  }
0x8b: {  	v47 =	vld [tilespmem:s4+$0x600];
	v10 =	vmul.f32 v37, v34;
	[tilespmem:s4+$0x6D0] =	vst v21  }
0x8c: {  	v48 =	vld [tilespmem:s4+$0x610];
	v8 =	vmul.f32 v41, v43;
	[tilespmem:s4+$0x180] =	vst v25  }
0x8d: {  	v6 =	vmul.f32 v42, v43;
	[tilespmem:s4+$0x570] =	vst v10  }
0x8e: {  	v52 =	vbroadcast v0, $0x9;
	v27 =	vld [tilespmem:s4+$0x750];
	v7 =	vmul.f32 v44, v43;
	[tilespmem:s4+$0x5B0] =	vst v8  }
0x8f: {  	v30 =	vld [tilespmem:s4+$0x780];
	v9 =	vmul.f32 v46, v43;
	[tilespmem:s4+$0x5C0] =	vst v6  }
0x90: {  	v28 =	vld [tilespmem:s4+$0x760];
	v3 =	vbroadcast v0, $0xF;
	v11 =	vmul.f32 v47, v52;
	[tilespmem:s4+$0x5D0] =	vst v7  }
0x91: {  	v45 =	vld [tilespmem:s4+$0x5E0];
	v12 =	vmul.f32 v48, v52;
	[tilespmem:s4+$0x5F0] =	vst v9  }
0x92: {  	v49 =	vld [tilespmem:s4+$0x620];
	v35 =	vbroadcast v0, $0xC;
	v2 =	vmul.f32 v2, v3;
	[tilespmem:s4+$0x600] =	vst v11  }
0x93: {  	v50 =	vld [tilespmem:s4+$0x630];
	v32 =	vmul.f32 v27, v24;
	[tilespmem:s4+$0x610] =	vst v12  }
0x94: {  	v51 =	vld [tilespmem:s4+$0x640];
	v14 =	vmul.f32 v30, v35;
	[tilespmem:s4+$0x950] =	vst v2  }
0x95: {  	v54 =	vld [tilespmem:s4+$0x660];
	v40 =	vmul.f32 v28, v24;
	[tilespmem:s4+$0x750] =	vst v32  }
0x96: {  	v55 =	vld [tilespmem:s4+$0x670];
	v10 =	vmul.f32 v45, v43;
	[tilespmem:s4+$0x780] =	vst v14  }
0x97: {  	v18 =	vld [tilespmem:s4+$0x1C0];
	v8 =	vmul.f32 v49, v52;
	[tilespmem:s4+$0x760] =	vst v40  }
0x98: {  	v38 =	vld [tilespmem:s4+$0x7F0];
	v6 =	vmul.f32 v50, v52;
	[tilespmem:s4+$0x5E0] =	vst v10  }
0x99: {  	v29 =	vld [tilespmem:s4+$0x770];
	v7 =	vmul.f32 v51, v52;
	[tilespmem:s4+$0x620] =	vst v8  }
0x9a: {  	v33 =	vld [tilespmem:s4+$0x7B0];
	v9 =	vmul.f32 v54, v52;
	[tilespmem:s4+$0x630] =	vst v6  }
0x9b: {  	v53 =	vld [tilespmem:s4+$0x650];
	v11 =	vmul.f32 v55, v52;
	[tilespmem:s4+$0x640] =	vst v7  }
0x9c: {  	v57 =	vld [tilespmem:s4+$0x690];
	v2 =	vmul.f32 v18, v1;
	[tilespmem:s4+$0x660] =	vst v9  }
0x9d: {  	v58 =	vld [tilespmem:s4+$0x6A0];
	v14 =	vmul.f32 v38, v35;
	[tilespmem:s4+$0x670] =	vst v11  }
0x9e: {  	v59 =	vld [tilespmem:s4+$0x6B0];
	v5 =	vmul.f32 v29, v24;
	[tilespmem:s4+$0x1C0] =	vst v2  }
0x9f: {  	v63 =	vld [tilespmem:s4+$0x6E0];
	v62 =	vmul.f32 v33, v35;
	[tilespmem:s4+$0x7F0] =	vst v14  }
0xa0: {  	v17 =	vld [tilespmem:s4+$0x190];
	v10 =	vmul.f32 v53, v52;
	[tilespmem:s4+$0x770] =	vst v5  }
0xa1: {  	v20 =	vld [tilespmem:s4+$0x1D0];
	v8 =	vmul.f32 v57, v4;
	[tilespmem:s4+$0x7B0] =	vst v62  }
0xa2: {  	v61 =	vld [tilespmem:s4+$0x970];
	v6 =	vmul.f32 v58, v4;
	[tilespmem:s4+$0x650] =	vst v10  }
0xa3: {  	v46 =	vld [tilespmem:s4+$0x860];
	v7 =	vmul.f32 v59, v4;
	[tilespmem:s4+$0x690] =	vst v8  }
0xa4: {  	v22 =	vld [tilespmem:s4+$0x720];
	v4 =	vmul.f32 v63, v4;
	[tilespmem:s4+$0x6A0] =	vst v6  }
0xa5: {  	v23 =	vld [tilespmem:s4+$0x730];
	v11 =	vmul.f32 v17, v1;
	[tilespmem:s4+$0x6B0] =	vst v7  }
0xa6: {  	v26 =	vld [tilespmem:s4+$0x740];
	v44 =	vbroadcast v0, $0xD;
	v1 =	vmul.f32 v20, v1;
	[tilespmem:s4+$0x6E0] =	vst v4  }
0xa7: {  	v31 =	vld [tilespmem:s4+$0x790];
	v63 =	vmul.f32 v61, v3;
	[tilespmem:s4+$0x190] =	vst v11  }
0xa8: {  	v34 =	vld [tilespmem:s4+$0x7C0];
	v51 =	vmul.f32 v46, v44;
	[tilespmem:s4+$0x1D0] =	vst v1  }
0xa9: {  	v41 =	vld [tilespmem:s4+$0x820];
	v6 =	vmul.f32 v22, v24;
	[tilespmem:s4+$0x970] =	vst v63  }
0xaa: {  	v7 =	vmul.f32 v23, v24;
	v1 =	vld [tilespmem:s4+$0x810];
	[tilespmem:s4+$0x860] =	vst v51  }
0xab: {  	v49 =	vld [tilespmem:s4+$0x8A0];
	v4 =	vmul.f32 v26, v24;
	[tilespmem:s4+$0x720] =	vst v6  }
0xac: {  	v50 =	vld [tilespmem:s4+$0x8B0];
	v8 =	vmul.f32 v31, v35;
	[tilespmem:s4+$0x730] =	vst v7  }
0xad: {  	v36 =	vld [tilespmem:s4+$0x7D0];
	v11 =	vmul.f32 v34, v35;
	[tilespmem:s4+$0x740] =	vst v4  }
0xae: {  	v37 =	vld [tilespmem:s4+$0x7E0];
	v0 =	vbroadcast v0, $0xE;
	v10 =	vmul.f32 v41, v44;
	[tilespmem:s4+$0x790] =	vst v8  }
0xaf: {  	v39 =	vld [tilespmem:s4+$0x800];
	[tilespmem:s4+$0x7C0] =	vst v11;
	v1 =	vmul.f32 v1, v44  }
0xb0: {  	v42 =	vld [tilespmem:s4+$0x830];
	v9 =	vmul.f32 v49, v0;
	[tilespmem:s4+$0x820] =	vst v10  }
0xb1: {  	v5 =	vmul.f32 v50, v0;
	[tilespmem:s4+$0x810] =	vst v1;
	v1 =	vld [tilespmem:s4+$0x880]  }
0xb2: {  	v48 =	vld [tilespmem:s4+$0x890];
	v7 =	vmul.f32 v36, v35;
	[tilespmem:s4+$0x8A0] =	vst v9  }
0xb3: {  	v57 =	vld [tilespmem:s4+$0x920];
	v4 =	vmul.f32 v37, v35;
	[tilespmem:s4+$0x8B0] =	vst v5  }
0xb4: {  	v45 =	vld [tilespmem:s4+$0x850];
	v8 =	vmul.f32 v39, v44;
	[tilespmem:s4+$0x7D0] =	vst v7  }
0xb5: {  	v47 =	vld [tilespmem:s4+$0x870];
	v11 =	vmul.f32 v42, v44;
	[tilespmem:s4+$0x7E0] =	vst v4  }
0xb6: {  	v43 =	vld [tilespmem:s4+$0x840];
	[tilespmem:s4+$0x800] =	vst v8;
	v1 =	vmul.f32 v1, v0  }
0xb7: {  	v55 =	vld [tilespmem:s4+$0x900];
	v10 =	vmul.f32 v48, v0;
	[tilespmem:s4+$0x830] =	vst v11  }
0xb8: {  	v5 =	vmul.f32 v57, v3;
	[tilespmem:s4+$0x880] =	vst v1;
	v1 =	vld [tilespmem:s4+$0x8F0]  }
0xb9: {  	v52 =	vld [tilespmem:s4+$0x8C0];
	v4 =	vmul.f32 v45, v44;
	[tilespmem:s4+$0x890] =	vst v10  }
0xba: {  	v56 =	vld [tilespmem:s4+$0x910];
	v8 =	vmul.f32 v47, v44;
	[tilespmem:s4+$0x920] =	vst v5  }
0xbb: {  	v54 =	vld [tilespmem:s4+$0x8E0];
	v7 =	vmul.f32 v43, v44;
	[tilespmem:s4+$0x850] =	vst v4  }
0xbc: {  	v58 =	vld [tilespmem:s4+$0x930];
	v10 =	vmul.f32 v55, v3;
	[tilespmem:s4+$0x870] =	vst v8  }
0xbd: {  	v53 =	vld [tilespmem:s4+$0x8D0];
	[tilespmem:s4+$0x840] =	vst v7;
	v1 =	vmul.f32 v1, v0  }
0xbe: {  	v59 =	vld [tilespmem:s4+$0x940];
	v4 =	vmul.f32 v52, v0;
	[tilespmem:s4+$0x900] =	vst v10  }
0xbf: {  	v60 =	vld [tilespmem:s4+$0x960];
	[tilespmem:s4+$0x8F0] =	vst v1;
	v1 =	vmul.f32 v56, v3  }
0xc0: {  	v8 =	vmul.f32 v54, v0;
	[tilespmem:s4+$0x8C0] =	vst v4  }
0xc1: {  	v2 =	vld [tilespmem:s4+$0x7A0];
	[tilespmem:s4+$0x910] =	vst v1;
	v1 =	vmul.f32 v58, v3  }
0xc2: {  	[tilespmem:s4+$0x8E0] =	vst v8;
	v0 =	vmul.f32 v53, v0  }
0xc3: {  	[tilespmem:s4+$0x930] =	vst v1;
	v1 =	vmul.f32 v59, v3  }
0xc4: {  	[tilespmem:s4+$0x8D0] =	vst v0;
	v3 =	vmul.f32 v60, v3  }
0xc5: {  	[tilespmem:s4+$0x940] =	vst v1  }
0xc6: {  	s30 =	simm.s32 $0x1;
	v1 =	vmul.f32 v2, v35;
	[tilespmem:s4+$0x960] =	vst v3  }
.LBB2_3:
0xc7: {  	s5 =	sshll.u32 s30, $0x4  }
0xc8: {  	p5 =	sne.s32 s30, $0x7;
	[tilespmem:s4+$0x7A0] =	vst v1;
	s4 =	smov.u32 s30;
	s30 =	sadd.s32 $0x1, s30  }
0xc9: {  	s5 =	sand.u32 $0x3FFFFFF0, s5  }
0xca: {  	s4 =	sshll.u32 s4, $0xB;
	v0 =	vld [tilespmem:s5+$0x100]  }
0xcb: {  	s4 =	sand.u32 $0x3FFFF800, s4  }
0xcc: {  	v7 =	vld [tilespmem:s4+$0x240]  }
0xcd: {  	v8 =	vld [tilespmem:s4+$0x250]  }
0xce: {  	v9 =	vld [tilespmem:s4+$0x230]  }
0xcf: {  	v1 =	vbroadcast v0, $0x0;
	v2 =	vld [tilespmem:s4+$0x1A0];
	v6 =	vbroadcast v0, $0x4  }
0xd0: {  	v4 =	vld [tilespmem:s4+$0x1B0]  }
0xd1: {  	v5 =	vld [tilespmem:s4+$0x6F0]  }
0xd2: {  	v10 =	vld [tilespmem:s4+$0x1E0]  }
0xd3: {  	v11 =	vld [tilespmem:s4+$0x1F0]  }
0xd4: {  	v3 =	vbroadcast v0, $0xA;
	v2 =	vmul.f32 v2, v1;
	v12 =	vld [tilespmem:s4+$0x200]  }
0xd5: {  	v4 =	vmul.f32 v4, v1;
	v13 =	vld [tilespmem:s4+$0x210]  }
0xd6: {  	[tilespmem:s4+$0x1A0] =	vst v2;
	v14 =	vld [tilespmem:s4+$0x220];
	v2 =	vmul.f32 v5, v3  }
0xd7: {  	[tilespmem:s4+$0x1B0] =	vst v4;
	v5 =	vmul.f32 v10, v1;
	v10 =	vbroadcast v0, $0x1;
	v4 =	vld [tilespmem:s4+$0x700]  }
0xd8: {  	v11 =	vmul.f32 v11, v1;
	[tilespmem:s4+$0x6F0] =	vst v2;
	v2 =	vld [tilespmem:s4+$0x950]  }
0xd9: {  	[tilespmem:s4+$0x1E0] =	vst v5;
	v12 =	vmul.f32 v12, v10;
	v5 =	vld [tilespmem:s4+$0x710]  }
0xda: {  	[tilespmem:s4+$0x1F0] =	vst v11;
	v11 =	vmul.f32 v13, v10;
	v13 =	vld [tilespmem:s4+$0x260]  }
0xdb: {  	[tilespmem:s4+$0x200] =	vst v12;
	v12 =	vmul.f32 v14, v10;
	v14 =	vld [tilespmem:s4+$0x270]  }
0xdc: {  	v9 =	vmul.f32 v9, v10;
	[tilespmem:s4+$0x210] =	vst v11;
	v11 =	vld [tilespmem:s4+$0x280]  }
0xdd: {  	v7 =	vmul.f32 v7, v10;
	[tilespmem:s4+$0x220] =	vst v12;
	v12 =	vld [tilespmem:s4+$0x290]  }
0xde: {  	v8 =	vmul.f32 v8, v10;
	[tilespmem:s4+$0x230] =	vst v9;
	v9 =	vld [tilespmem:s4+$0x2A0]  }
0xdf: {  	[tilespmem:s4+$0x240] =	vst v7;
	v7 =	vmul.f32 v13, v10;
	v13 =	vbroadcast v0, $0x2;
	v15 =	vld [tilespmem:s4+$0x2B0]  }
0xe0: {  	[tilespmem:s4+$0x250] =	vst v8;
	v8 =	vmul.f32 v14, v10;
	v10 =	vld [tilespmem:s4+$0x2C0]  }
0xe1: {  	[tilespmem:s4+$0x260] =	vst v7;
	v7 =	vmul.f32 v11, v13;
	v11 =	vld [tilespmem:s4+$0x2D0]  }
0xe2: {  	[tilespmem:s4+$0x270] =	vst v8;
	v8 =	vmul.f32 v12, v13;
	v12 =	vld [tilespmem:s4+$0x2E0]  }
0xe3: {  	[tilespmem:s4+$0x280] =	vst v7;
	v7 =	vmul.f32 v9, v13;
	v9 =	vld [tilespmem:s4+$0x2F0]  }
0xe4: {  	[tilespmem:s4+$0x290] =	vst v8;
	v8 =	vmul.f32 v15, v13;
	v14 =	vld [tilespmem:s4+$0x300]  }
0xe5: {  	[tilespmem:s4+$0x2A0] =	vst v7;
	v7 =	vmul.f32 v10, v13;
	v10 =	vld [tilespmem:s4+$0x310]  }
0xe6: {  	[tilespmem:s4+$0x2B0] =	vst v8;
	v8 =	vmul.f32 v11, v13;
	v11 =	vld [tilespmem:s4+$0x320]  }
0xe7: {  	[tilespmem:s4+$0x2C0] =	vst v7;
	v7 =	vmul.f32 v12, v13;
	v12 =	vbroadcast v0, $0x3;
	v15 =	vld [tilespmem:s4+$0x330]  }
0xe8: {  	[tilespmem:s4+$0x2D0] =	vst v8;
	v8 =	vmul.f32 v9, v13;
	v9 =	vld [tilespmem:s4+$0x340]  }
0xe9: {  	[tilespmem:s4+$0x2E0] =	vst v7;
	v7 =	vmul.f32 v14, v12;
	v13 =	vld [tilespmem:s4+$0x350]  }
0xea: {  	[tilespmem:s4+$0x2F0] =	vst v8;
	v8 =	vmul.f32 v10, v12;
	v10 =	vld [tilespmem:s4+$0x360]  }
0xeb: {  	[tilespmem:s4+$0x300] =	vst v7;
	v7 =	vmul.f32 v11, v12;
	v11 =	vld [tilespmem:s4+$0x370]  }
0xec: {  	[tilespmem:s4+$0x310] =	vst v8;
	v8 =	vmul.f32 v15, v12;
	v14 =	vld [tilespmem:s4+$0x380]  }
0xed: {  	[tilespmem:s4+$0x320] =	vst v7;
	v7 =	vmul.f32 v9, v12;
	v9 =	vld [tilespmem:s4+$0x390]  }
0xee: {  	[tilespmem:s4+$0x330] =	vst v8;
	v8 =	vmul.f32 v13, v12;
	v13 =	vld [tilespmem:s4+$0x3A0]  }
0xef: {  	[tilespmem:s4+$0x340] =	vst v7;
	v7 =	vmul.f32 v10, v12;
	v10 =	vld [tilespmem:s4+$0x3B0]  }
0xf0: {  	[tilespmem:s4+$0x350] =	vst v8;
	v8 =	vmul.f32 v11, v12;
	v11 =	vld [tilespmem:s4+$0x3C0]  }
0xf1: {  	[tilespmem:s4+$0x360] =	vst v7;
	v7 =	vmul.f32 v14, v6;
	v12 =	vld [tilespmem:s4+$0x3D0]  }
0xf2: {  	[tilespmem:s4+$0x370] =	vst v8;
	v8 =	vmul.f32 v9, v6;
	v9 =	vld [tilespmem:s4+$0x3E0]  }
0xf3: {  	[tilespmem:s4+$0x380] =	vst v7;
	v7 =	vmul.f32 v13, v6;
	v13 =	vld [tilespmem:s4+$0x3F0]  }
0xf4: {  	[tilespmem:s4+$0x390] =	vst v8;
	v8 =	vmul.f32 v10, v6;
	v10 =	vld [tilespmem:s4+$0x400]  }
0xf5: {  	[tilespmem:s4+$0x3A0] =	vst v7;
	v7 =	vmul.f32 v11, v6;
	v11 =	vld [tilespmem:s4+$0x410]  }
0xf6: {  	[tilespmem:s4+$0x3B0] =	vst v8;
	v8 =	vmul.f32 v12, v6;
	v12 =	vld [tilespmem:s4+$0x420]  }
0xf7: {  	[tilespmem:s4+$0x3C0] =	vst v7;
	v7 =	vmul.f32 v9, v6;
	v9 =	vbroadcast v0, $0x5;
	v14 =	vld [tilespmem:s4+$0x430]  }
0xf8: {  	[tilespmem:s4+$0x3D0] =	vst v8;
	v6 =	vmul.f32 v13, v6;
	v8 =	vld [tilespmem:s4+$0x440]  }
0xf9: {  	[tilespmem:s4+$0x3E0] =	vst v7;
	v7 =	vmul.f32 v10, v9;
	v10 =	vld [tilespmem:s4+$0x450]  }
0xfa: {  	[tilespmem:s4+$0x3F0] =	vst v6;
	v6 =	vmul.f32 v11, v9;
	v11 =	vld [tilespmem:s4+$0x460]  }
0xfb: {  	[tilespmem:s4+$0x400] =	vst v7;
	v7 =	vmul.f32 v12, v9;
	v12 =	vld [tilespmem:s4+$0x470]  }
0xfc: {  	[tilespmem:s4+$0x410] =	vst v6;
	v6 =	vmul.f32 v14, v9;
	v13 =	vld [tilespmem:s4+$0x480]  }
0xfd: {  	[tilespmem:s4+$0x420] =	vst v7;
	v7 =	vmul.f32 v8, v9;
	v8 =	vld [tilespmem:s4+$0x490]  }
0xfe: {  	[tilespmem:s4+$0x430] =	vst v6;
	v6 =	vmul.f32 v10, v9;
	v10 =	vld [tilespmem:s4+$0x4A0]  }
0xff: {  	[tilespmem:s4+$0x440] =	vst v7;
	v7 =	vmul.f32 v11, v9;
	v11 =	vbroadcast v0, $0x6;
	v14 =	vld [tilespmem:s4+$0x4B0]  }
0x100: {  	[tilespmem:s4+$0x450] =	vst v6;
	v6 =	vmul.f32 v12, v9;
	v9 =	vld [tilespmem:s4+$0x4C0]  }
0x101: {  	[tilespmem:s4+$0x460] =	vst v7;
	v7 =	vmul.f32 v13, v11;
	v12 =	vld [tilespmem:s4+$0x4D0]  }
0x102: {  	[tilespmem:s4+$0x470] =	vst v6;
	v6 =	vmul.f32 v8, v11;
	v8 =	vld [tilespmem:s4+$0x4E0]  }
0x103: {  	[tilespmem:s4+$0x480] =	vst v7;
	v7 =	vmul.f32 v10, v11;
	v10 =	vld [tilespmem:s4+$0x4F0]  }
0x104: {  	[tilespmem:s4+$0x490] =	vst v6;
	v6 =	vmul.f32 v14, v11;
	v13 =	vld [tilespmem:s4+$0x500]  }
0x105: {  	[tilespmem:s4+$0x4A0] =	vst v7;
	v7 =	vmul.f32 v9, v11;
	v9 =	vld [tilespmem:s4+$0x510]  }
0x106: {  	[tilespmem:s4+$0x4B0] =	vst v6;
	v6 =	vmul.f32 v12, v11;
	v12 =	vld [tilespmem:s4+$0x520]  }
0x107: {  	[tilespmem:s4+$0x4C0] =	vst v7;
	v7 =	vmul.f32 v8, v11;
	v8 =	vbroadcast v0, $0x7;
	v14 =	vld [tilespmem:s4+$0x530]  }
0x108: {  	[tilespmem:s4+$0x4D0] =	vst v6;
	v6 =	vmul.f32 v10, v11;
	v10 =	vld [tilespmem:s4+$0x540]  }
0x109: {  	[tilespmem:s4+$0x4E0] =	vst v7;
	v7 =	vmul.f32 v13, v8;
	v11 =	vld [tilespmem:s4+$0x550]  }
0x10a: {  	[tilespmem:s4+$0x4F0] =	vst v6;
	v6 =	vmul.f32 v9, v8;
	v9 =	vld [tilespmem:s4+$0x560]  }
0x10b: {  	[tilespmem:s4+$0x500] =	vst v7;
	v7 =	vmul.f32 v12, v8;
	v12 =	vld [tilespmem:s4+$0x570]  }
0x10c: {  	[tilespmem:s4+$0x510] =	vst v6;
	v6 =	vmul.f32 v14, v8;
	v13 =	vld [tilespmem:s4+$0x580]  }
0x10d: {  	[tilespmem:s4+$0x520] =	vst v7;
	v7 =	vmul.f32 v10, v8;
	v10 =	vld [tilespmem:s4+$0x590]  }
0x10e: {  	[tilespmem:s4+$0x530] =	vst v6;
	v6 =	vmul.f32 v11, v8;
	v11 =	vld [tilespmem:s4+$0x5A0]  }
0x10f: {  	[tilespmem:s4+$0x540] =	vst v7;
	v7 =	vmul.f32 v9, v8;
	v9 =	vbroadcast v0, $0x8;
	v14 =	vld [tilespmem:s4+$0x5B0]  }
0x110: {  	[tilespmem:s4+$0x550] =	vst v6;
	v6 =	vmul.f32 v12, v8;
	v8 =	vld [tilespmem:s4+$0x5C0]  }
0x111: {  	[tilespmem:s4+$0x560] =	vst v7;
	v7 =	vmul.f32 v13, v9;
	v12 =	vld [tilespmem:s4+$0x5D0]  }
0x112: {  	[tilespmem:s4+$0x570] =	vst v6;
	v6 =	vmul.f32 v10, v9;
	v10 =	vld [tilespmem:s4+$0x5E0]  }
0x113: {  	[tilespmem:s4+$0x580] =	vst v7;
	v7 =	vmul.f32 v11, v9;
	v11 =	vld [tilespmem:s4+$0x5F0]  }
0x114: {  	[tilespmem:s4+$0x590] =	vst v6;
	v6 =	vmul.f32 v14, v9;
	v13 =	vld [tilespmem:s4+$0x600]  }
0x115: {  	[tilespmem:s4+$0x5A0] =	vst v7;
	v7 =	vmul.f32 v8, v9;
	v8 =	vld [tilespmem:s4+$0x610]  }
0x116: {  	[tilespmem:s4+$0x5B0] =	vst v6;
	v6 =	vmul.f32 v12, v9;
	v12 =	vld [tilespmem:s4+$0x620]  }
0x117: {  	[tilespmem:s4+$0x5C0] =	vst v7;
	v7 =	vmul.f32 v10, v9;
	v10 =	vbroadcast v0, $0x9;
	v14 =	vld [tilespmem:s4+$0x630]  }
0x118: {  	[tilespmem:s4+$0x5D0] =	vst v6;
	v6 =	vmul.f32 v11, v9;
	v9 =	vld [tilespmem:s4+$0x640]  }
0x119: {  	[tilespmem:s4+$0x5E0] =	vst v7;
	v7 =	vmul.f32 v13, v10;
	v11 =	vld [tilespmem:s4+$0x650]  }
0x11a: {  	[tilespmem:s4+$0x5F0] =	vst v6;
	v6 =	vmul.f32 v8, v10;
	v8 =	vld [tilespmem:s4+$0x660]  }
0x11b: {  	[tilespmem:s4+$0x600] =	vst v7;
	v7 =	vmul.f32 v12, v10;
	v12 =	vld [tilespmem:s4+$0x670]  }
0x11c: {  	[tilespmem:s4+$0x610] =	vst v6;
	v6 =	vmul.f32 v14, v10;
	v13 =	vld [tilespmem:s4+$0x680]  }
0x11d: {  	[tilespmem:s4+$0x620] =	vst v7;
	v7 =	vmul.f32 v9, v10;
	v9 =	vld [tilespmem:s4+$0x690]  }
0x11e: {  	[tilespmem:s4+$0x630] =	vst v6;
	v6 =	vmul.f32 v11, v10;
	v11 =	vld [tilespmem:s4+$0x6A0]  }
0x11f: {  	[tilespmem:s4+$0x640] =	vst v7;
	v7 =	vmul.f32 v8, v10;
	v8 =	vld [tilespmem:s4+$0x6B0]  }
0x120: {  	[tilespmem:s4+$0x650] =	vst v6;
	v6 =	vmul.f32 v12, v10;
	v10 =	vld [tilespmem:s4+$0x6C0]  }
0x121: {  	[tilespmem:s4+$0x660] =	vst v7;
	v7 =	vmul.f32 v13, v3;
	v12 =	vld [tilespmem:s4+$0x6D0]  }
0x122: {  	[tilespmem:s4+$0x670] =	vst v6;
	v6 =	vmul.f32 v9, v3;
	v9 =	vld [tilespmem:s4+$0x6E0]  }
0x123: {  	v13 =	vld [tilespmem:s4+$0x180];
	[tilespmem:s4+$0x680] =	vst v7;
	v7 =	vmul.f32 v11, v3  }
0x124: {  	v11 =	vld [tilespmem:s4+$0x190];
	[tilespmem:s4+$0x690] =	vst v6;
	v6 =	vmul.f32 v8, v3  }
0x125: {  	v8 =	vld [tilespmem:s4+$0x1C0];
	[tilespmem:s4+$0x6A0] =	vst v7;
	v7 =	vmul.f32 v10, v3  }
0x126: {  	v10 =	vld [tilespmem:s4+$0x1D0];
	[tilespmem:s4+$0x6B0] =	vst v6;
	v6 =	vmul.f32 v12, v3  }
0x127: {  	[tilespmem:s4+$0x6C0] =	vst v7;
	v7 =	vmul.f32 v9, v3;
	v9 =	vbroadcast v0, $0xB;
	v12 =	vld [tilespmem:s4+$0x720]  }
0x128: {  	v3 =	vbroadcast v0, $0xF;
	v13 =	vmul.f32 v1, v13;
	[tilespmem:s4+$0x6D0] =	vst v6;
	v6 =	vld [tilespmem:s4+$0x730]  }
0x129: {  	v11 =	vmul.f32 v11, v1;
	[tilespmem:s4+$0x6E0] =	vst v7;
	v4 =	vmul.f32 v4, v9;
	v7 =	vld [tilespmem:s4+$0x740]  }
0x12a: {  	v5 =	vmul.f32 v5, v9;
	[tilespmem:s4+$0x180] =	vst v13;
	v8 =	vmul.f32 v8, v1;
	v13 =	vld [tilespmem:s4+$0x750]  }
0x12b: {  	v2 =	vmul.f32 v2, v3;
	v10 =	vmul.f32 v10, v1;
	[tilespmem:s4+$0x700] =	vst v4;
	v1 =	vld [tilespmem:s4+$0x760]  }
0x12c: {  	[tilespmem:s4+$0x710] =	vst v5;
	v4 =	vmul.f32 v12, v9;
	v5 =	vld [tilespmem:s4+$0x770]  }
0x12d: {  	v6 =	vmul.f32 v6, v9;
	v12 =	vld [tilespmem:s4+$0x780];
	[tilespmem:s4+$0x950] =	vst v2  }
0x12e: {  	[tilespmem:s4+$0x190] =	vst v11;
	v2 =	vmul.f32 v7, v9;
	v7 =	vld [tilespmem:s4+$0x790]  }
0x12f: {  	[tilespmem:s4+$0x1C0] =	vst v8;
	v8 =	vmul.f32 v13, v9;
	v11 =	vld [tilespmem:s4+$0x7A0]  }
0x130: {  	v13 =	vbroadcast v0, $0xC;
	[tilespmem:s4+$0x720] =	vst v4;
	v4 =	vmul.f32 v1, v9;
	v14 =	vld [tilespmem:s4+$0x7B0]  }
0x131: {  	[tilespmem:s4+$0x750] =	vst v8;
	v5 =	vmul.f32 v5, v9;
	v8 =	vld [tilespmem:s4+$0x7C0]  }
0x132: {  	[tilespmem:s4+$0x730] =	vst v6;
	v1 =	vmul.f32 v12, v13;
	v6 =	vld [tilespmem:s4+$0x7D0]  }
0x133: {  	[tilespmem:s4+$0x740] =	vst v2;
	v2 =	vmul.f32 v7, v13;
	v7 =	vld [tilespmem:s4+$0x7E0]  }
0x134: {  	[tilespmem:s4+$0x780] =	vst v1;
	v1 =	vmul.f32 v11, v13;
	v9 =	vld [tilespmem:s4+$0x7F0]  }
0x135: {  	[tilespmem:s4+$0x790] =	vst v2;
	v2 =	vld [tilespmem:s4+$0x800]  }
0x136: {  	[tilespmem:s4+$0x1D0] =	vst v10;
	v8 =	vmul.f32 v8, v13;
	v10 =	vld [tilespmem:s4+$0x810]  }
0x137: {  	[tilespmem:s4+$0x760] =	vst v4;
	v4 =	vmul.f32 v6, v13;
	v6 =	vld [tilespmem:s4+$0x820]  }
0x138: {  	[tilespmem:s4+$0x7C0] =	vst v8;
	v7 =	vmul.f32 v7, v13;
	v8 =	vbroadcast v0, $0xD;
	v11 =	vld [tilespmem:s4+$0x830]  }
0x139: {  	[tilespmem:s4+$0x7D0] =	vst v4;
	v4 =	vmul.f32 v9, v13;
	v9 =	vld [tilespmem:s4+$0x840]  }
0x13a: {  	[tilespmem:s4+$0x7E0] =	vst v7;
	v2 =	vmul.f32 v2, v8;
	v7 =	vld [tilespmem:s4+$0x850]  }
0x13b: {  	[tilespmem:s4+$0x7F0] =	vst v4;
	v4 =	vmul.f32 v10, v8;
	v10 =	vld [tilespmem:s4+$0x860]  }
0x13c: {  	[tilespmem:s4+$0x800] =	vst v2;
	v2 =	vmul.f32 v6, v8;
	v6 =	vld [tilespmem:s4+$0x870]  }
0x13d: {  	[tilespmem:s4+$0x810] =	vst v4;
	v4 =	vmul.f32 v11, v8;
	v11 =	vld [tilespmem:s4+$0x880]  }
0x13e: {  	[tilespmem:s4+$0x820] =	vst v2;
	v2 =	vmul.f32 v9, v8;
	v9 =	vld [tilespmem:s4+$0x890]  }
0x13f: {  	[tilespmem:s4+$0x830] =	vst v4;
	v4 =	vmul.f32 v7, v8;
	v7 =	vld [tilespmem:s4+$0x8A0]  }
0x140: {  	v0 =	vbroadcast v0, $0xE;
	[tilespmem:s4+$0x770] =	vst v5;
	v5 =	vmul.f32 v10, v8;
	v10 =	vld [tilespmem:s4+$0x8B0]  }
0x141: {  	[tilespmem:s4+$0x850] =	vst v4;
	v4 =	vmul.f32 v6, v8;
	v6 =	vld [tilespmem:s4+$0x8C0]  }
0x142: {  	[tilespmem:s4+$0x860] =	vst v5;
	v5 =	vmul.f32 v11, v0;
	v8 =	vld [tilespmem:s4+$0x8D0]  }
0x143: {  	[tilespmem:s4+$0x870] =	vst v4;
	v4 =	vmul.f32 v9, v0;
	v9 =	vld [tilespmem:s4+$0x8E0]  }
0x144: {  	[tilespmem:s4+$0x880] =	vst v5;
	v5 =	vmul.f32 v7, v0;
	v7 =	vld [tilespmem:s4+$0x8F0]  }
0x145: {  	[tilespmem:s4+$0x890] =	vst v4;
	v4 =	vmul.f32 v10, v0;
	v10 =	vld [tilespmem:s4+$0x900]  }
0x146: {  	[tilespmem:s4+$0x8A0] =	vst v5;
	v5 =	vmul.f32 v6, v0;
	v6 =	vld [tilespmem:s4+$0x910]  }
0x147: {  	[tilespmem:s4+$0x8B0] =	vst v4;
	v4 =	vmul.f32 v8, v0;
	v8 =	vld [tilespmem:s4+$0x920]  }
0x148: {  	[tilespmem:s4+$0x8C0] =	vst v5;
	v5 =	vmul.f32 v9, v0;
	v9 =	vld [tilespmem:s4+$0x930]  }
0x149: {  	[tilespmem:s4+$0x840] =	vst v2;
	v0 =	vmul.f32 v7, v0;
	v2 =	vld [tilespmem:s4+$0x940]  }
0x14a: {  	[tilespmem:s4+$0x8E0] =	vst v5;
	v5 =	vmul.f32 v10, v3;
	v7 =	vld [tilespmem:s4+$0x960]  }
0x14b: {  	[tilespmem:s4+$0x8F0] =	vst v0;
	v0 =	vmul.f32 v6, v3;
	v6 =	vld [tilespmem:s4+$0x970]  }
0x14c: {  	[tilespmem:s4+$0x900] =	vst v5;
	v5 =	vmul.f32 v8, v3  }
0x14d: {  	[tilespmem:s4+$0x910] =	vst v0;
	v0 =	vmul.f32 v9, v3  }
0x14e: {  	v8 =	vmul.f32 v14, v13;
	[tilespmem:s4+$0x920] =	vst v5  }
0x14f: {  	[tilespmem:s4+$0x930] =	vst v0;
	v0 =	vmul.f32 v2, v3  }
.Ltmp2:
0x150: {  	[tilespmem:s4+$0x7B0] =	vst v8;
	v2 =	vmul.f32 v6, v3;
	(pc) =	sbr.rel @p5 .LBB2_3-.Ltmp2, $4  }
0x151: {  	[tilespmem:s4+$0x940] =	vst v0  }
0x152: {  	v0 =	vmul.f32 v7, v3;
	[tilespmem:s4+$0x970] =	vst v2  }
0x153: {  	[tilespmem:s4+$0x8D0] =	vst v4  }
0x154: {  	[tilespmem:s4+$0x960] =	vst v0  }
0x155: {  	s31 =	sadd.s32 $0x1, s31  }
0x156: {  	p5 =	slt.u32 s31, s15  }
.Ltmp3:
0x157: {  	[tilespmem:s4+$0x7A0] =	vst v1;
	(pc) =	sbr.rel @p5 .LBB2_2-.Ltmp3, $4  }
0x158: {  	[spmem:s7] =	stream.indirect.scatter.add.f32 [tilespmem:s26], [sflag:$0x3], $0x80, s23, s23, $0xb8;
	[tilespmem:$0x17A00] =	vst v63  }
0x159: {  	_ =	swait.ge [sflag:s29], $0x4000  }
0x15a: {  	[sflag:s29] =	ssyncset.done $0x0  }
0x15b: {  	[sflag:s29] =	ssyncadd.s32 $0xFFFFC000  }
0x15c: {  	s4 =	sshll.u32 @p1 s8, $0x6  }
0x15d: {  	[bflag:$0x0] =	sbarrier.arrive $0xFFFF;
	p5 =	por @!p4 $0x1, $0x1;
	p6 =	por p2, p2  }
0x15e: {  	s5 =	sshrl.u32 @p1 s12, $0x3;
	s4 =	sor.u32 @p1 $0x1C03, s4;
	p6 =	por @!p4 p5, p5  }
0x15f: {  	[hbm:s17], [sflag:s4] =	dma.local @p1 [spmem:s5], $0x2700  }
0x160: {  	s4 =	simm.s32 @p1 $0x3;
	p5 =	por @!p3 !p6, !p0  }
0x161: {  	_ =	swait.ge @p1 [sflag:s4], $0x2700;
	p5 =	por @!p3 !p5, !p5  }
0x162: {  	s5 =	sshll.u32 @!p4 s8, $0x6;
	[sflag:s4] =	ssyncset.done @p1 $0x0;
	p5 =	por p3, p5  }
0x163: {  	[sflag:s4] =	ssyncadd.s32 @p1 $0xFFFFD900;
	s4 =	sor.u32 @!p4 $0x1C03, s5;
	s5 =	sshrl.u32 @!p4 s12, $0x3  }
0x164: {  	[hbm:s18], [sflag:s4] =	dma.local @!p4 [spmem:s5], $0x2700  }
.Ltmp4:
0x165: {  	_ = 	snop;
	(pc) =	sbr.rel @!p5 .LBB2_7-.Ltmp4, $4  }
0x166: {  	s4 =	simm.s32 @!p4 $0x3  }
0x167: {  	_ =	swait.ge @!p4 [sflag:s4], $0x2700  }
0x168: {  	[sflag:s4] =	ssyncset.done @!p4 $0x0  }
0x169: {  	[sflag:s4] =	ssyncadd.s32 @!p4 $0xFFFFD900  }
0x16a: {  	s4 =	smov.u32 s6;
	s5 =	rddreg [dreg:$0x5]  }
0x16b: {  	s31 =	sshrl.u32 s10, $0x3;
	s4 =	smov.u32 @p3 s5  }
.Ltmp5:
0x16c: {  	s30 =	simm.s32 $0x1FC3;
	s4 =	sadd.s32 $0x24900, s4;
	(pc) =	sbr.rel .LBB2_7-.Ltmp5, $4  }
0x16d: {  	[hbm:s4], [sflag:s30] =	dma.local [spmem:s31], $0x2800  }
0x16e: {  	_ =	swait.ge [sflag:s29], $0x2800  }
0x16f: {  	[sflag:s29] =	ssyncset.done $0x0  }
0x170: {  	[sflag:s29] =	ssyncadd.s32 $0xFFFFD800  }
.LBB2_8:
0x171: {  	_ =	sfence.sel $0x180000  }
0x172: {  	[bflag:$0x0] =	sbarrier.arrive $0xFFFF  }
0x173: {  	_ =	strace $0x90000047  }
0x174: {  	[bflag:$0x2] =	sbarrier.arrive $0xFFFF  }
0x175: {  	p0 =	sne.s32 s8, $0x0;
	s0 =	rddreg [dreg:$0x8]  }
0x176: {  	s0 =	sadd.s32 @!p0 $0x100000, s0  }
0x177: {  	[sflag:s0] =	ssyncadd.tile.s32 @!p0 $0x1;
	_ =	shalt  }
.Lfunc_end2:
_tile_overlayer_lowered:
.L_overlay_start_2:
0x178: {  	(tag) =	ssettag $0x2  }
0x179: {  	s0 =	rddreg [dreg:$0x0];
	s2 =	stileid.u32  }
0x17a: {  	s1 =	rddreg [dreg:$0x1];
	p0 =	sne.s32 s2, $0x0  }
0x17b: {  	s3 =	rddreg [dreg:$0x2];
	[bflag:$0x3] =	sbarrier.arrive $0xFFFF;
	s2 =	simm.s32 @!p0 $0x1C03  }
0x17c: {  	[timem:s3], [sflag:s2] =	dma.local @!p0 [hbm:s0], s1  }
0x17d: {  	s0 =	simm.s32 @!p0 $0x3  }
0x17e: {  	_ =	swait.ge @!p0 [sflag:s0], s1  }
0x17f: {  	s1 =	ssub.s32 @!p0 $0x0, s1;
	[sflag:s0] =	ssyncset.done @!p0 $0x0  }
0x180: {  	[sflag:s0] =	ssyncadd.s32 @!p0 s1  }
0x181: {  	[bflag:$0x3] =	sbarrier.arrive $0xFFFF  }
0x182: {  	_ =	shalt  }

</sc_bundles>
